<compile_context>
chip_gen: v7x
topology: tpu7x:2x2x1
jax: 0.10.2.dev20260603
libtpu: 0.0.44.dev20260713+nightly
codegen_flags: <defaults>
</compile_context>

<pallas_src>
import functools

import jax
import jax.numpy as jnp
import numpy as np
from jax import lax
from jax.experimental import pallas as pl
from jax.experimental.pallas import tpu as pltpu
from jax.experimental.pallas import tpu_sc as plsc

N = 10000
E = 320000
V = 100000
L = 20
D = 128
H = 128
C = 10

NC = 2
NS = 16
NPAD = 10240
NPC = NPAD // NC
NPT = NPC // NS
EK = 80
EPC = E // NC
EPT = EPC // NS
APT = NPAD // NS

_mesh = plsc.VectorSubcoreMesh(core_axis_name="c", subcore_axis_name="s")


@functools.partial(
    pl.kernel,
    out_type=jax.ShapeDtypeStruct((NPAD, D), jnp.float32),
    mesh=_mesh,
    scratch_types=[
        pltpu.VMEM((EK,), jnp.int32),
        pltpu.VMEM((EK,), jnp.int32),
        pltpu.VMEM((EK, D), jnp.float32),
        pltpu.VMEM((EK,), jnp.int32),
        pltpu.VMEM((EK,), jnp.int32),
        pltpu.VMEM((EK, D), jnp.float32),
        pltpu.VMEM_SHARED((NPC, D), jnp.float32),
        pltpu.SemaphoreType.DMA,
        pltpu.SemaphoreType.DMA,
    ],
)
def _sc_emb(ins_hbm, sid_hbm, emb_hbm, z128_hbm, hsum_hbm,
            gidxa, sidva, rowsa, gidxb, sidvb, rowsb, acc_h, sema, semb):
    c = lax.axis_index("c")
    s = lax.axis_index("s")
    gnb = c * NPC + s * NPT

    pltpu.sync_copy(z128_hbm.at[pl.ds(0, EK)], rowsa)

    def zero_h(b, _):
        pltpu.sync_copy(rowsa, acc_h.at[pl.ds(s * NPT + b * EK, EK)])
        return _
    lax.fori_loop(0, NPT // EK, zero_h, None)
    plsc.subcore_barrier()

    NCHK = (NPT * L) // EK

    def start(k, gidx, sidv, rows, sem):
        base = gnb * L + k * EK
        pltpu.sync_copy(ins_hbm.at[pl.ds(base, EK)], gidx)
        pltpu.sync_copy(sid_hbm.at[pl.ds(base, EK)], sidv)
        return pltpu.async_copy(emb_hbm.at[gidx], rows, sem)

    def drain(sidv, rows, sem):
        pltpu.make_async_copy(emb_hbm.at[pl.ds(0, EK)], rows, sem).wait()
        pltpu.sync_copy(rows, acc_h.at[sidv], add=True)

    start(0, gidxa, sidva, rowsa, sema)

    def pair(g, _):
        start(2 * g + 1, gidxb, sidvb, rowsb, semb)
        drain(sidva, rowsa, sema)
        start(2 * g + 2, gidxa, sidva, rowsa, sema)
        drain(sidvb, rowsb, semb)
        return _
    lax.fori_loop(0, (NCHK - 1) // 2, pair, None)
    if NCHK % 2 == 1:
        drain(sidva, rowsa, sema)
    else:
        start(NCHK - 1, gidxb, sidvb, rowsb, semb)
        drain(sidva, rowsa, sema)
        drain(sidvb, rowsb, semb)
    plsc.subcore_barrier()

    def out_h(b, _):
        pltpu.sync_copy(acc_h.at[pl.ds(s * NPT + b * EK, EK)], rowsa)
        pltpu.sync_copy(rowsa, hsum_hbm.at[pl.ds(gnb + b * EK, EK)])
        return _
    lax.fori_loop(0, NPT // EK, out_h, None)


PN = NPC // 2
EPT_D = E // NS
ECH = 2000
RPT_D = PN // NS


@functools.partial(
    pl.kernel,
    out_type=jax.ShapeDtypeStruct((2 * NPAD * 16,), jnp.float32),
    mesh=_mesh,
    scratch_types=[
        pltpu.VMEM((ECH,), jnp.int32),
        pltpu.VMEM(((PN + 1) * 16,), jnp.float32),
        pltpu.VMEM((RPT_D * 16,), jnp.float32),
        pltpu.VMEM_SHARED((NS, PN * 16), jnp.float32),
    ],
    compiler_params=pltpu.CompilerParams(needs_layout_passes=False),
)
def _sc_deg(src_hbm, dst_hbm, deg_hbm, eidx, hist, out16, shp):
    c = lax.axis_index("c")
    s = lax.axis_index("s")
    lane = lax.iota(jnp.int32, 16)
    ones = jnp.full((16,), 1.0, jnp.float32)
    zeros = jnp.zeros((16,), jnp.float32)

    for p in range(NPAD // PN):
        def zero_row(r, _):
            hist[pl.ds(r * 16, 16)] = zeros
            return _
        lax.fori_loop(0, PN + 1, zero_row, None)

        def scatter(ref):
            def outer(i, _):
                pltpu.sync_copy(ref.at[pl.ds(s * EPT_D + i * ECH, ECH)], eidx)

                def inner(j, __):
                    ids = eidx[pl.ds(j * 16, 16)]
                    rel = ids - p * PN
                    ok = (rel >= 0) & (rel < PN)
                    addr = jnp.where(ok, rel, PN) * 16 + lane
                    v = plsc.load_gather(hist, [addr])
                    plsc.store_scatter(hist, [addr], v + ones)
                    return __
                lax.fori_loop(0, ECH // 16, inner, None)
                return _
            lax.fori_loop(0, EPT_D // ECH, outer, None)

        @pl.when(c == 0)
        def _():
            scatter(src_hbm)

        @pl.when(c == 1)
        def _():
            scatter(dst_hbm)

        pltpu.sync_copy(hist.at[pl.ds(0, PN * 16)], shp.at[s])
        plsc.subcore_barrier()

        def fetch(t, _):
            pltpu.sync_copy(shp.at[t, pl.ds(s * RPT_D * 16, RPT_D * 16)],
                            hist.at[pl.ds(t * RPT_D * 16, RPT_D * 16)])
            return _
        lax.fori_loop(0, NS, fetch, None)

        def reduce_row(r, _):
            v = hist[pl.ds(r * 16, 16)]
            for t in range(1, NS):
                v = v + hist[pl.ds((t * RPT_D + r) * 16, 16)]
            out16[pl.ds(r * 16, 16)] = v
            return _
        lax.fori_loop(0, RPT_D, reduce_row, None)

        pltpu.sync_copy(
            out16,
            deg_hbm.at[pl.ds((c * NPAD + p * PN + s * RPT_D) * 16,
                             RPT_D * 16)])
        plsc.subcore_barrier()


def _make_edge_agg():
    @functools.partial(
        pl.kernel,
        out_type=jax.ShapeDtypeStruct((2 * NPAD, D), jnp.float32),
        mesh=_mesh,
        scratch_types=[
            pltpu.VMEM((EK,), jnp.int32),
            pltpu.VMEM((EK,), jnp.int32),
            pltpu.VMEM((EK, D), jnp.float32),
            pltpu.VMEM((EK,), jnp.int32),
            pltpu.VMEM((EK,), jnp.int32),
            pltpu.VMEM((EK, D), jnp.float32),
            pltpu.VMEM((128, D), jnp.float32),
            pltpu.VMEM_SHARED((NPAD, D), jnp.float32),
            pltpu.SemaphoreType.DMA,
            pltpu.SemaphoreType.DMA,
        ],
    )
    def agg(xs_hbm, src_hbm, dst_hbm, z128_hbm, out_hbm,
            sidxa, didxa, rowsa, sidxb, didxb, rowsb, obuf, acc,
            sema, semb):
        c = lax.axis_index("c")
        s = lax.axis_index("s")

        pltpu.sync_copy(z128_hbm, obuf)

        def zero_b(i, _):
            pltpu.sync_copy(obuf, acc.at[pl.ds(s * APT + i * 128, 128)])
            return _
        lax.fori_loop(0, APT // 128, zero_b, None)
        plsc.subcore_barrier()

        ebase = c * EPC + s * EPT
        NCHK = EPT // EK

        def start(k, sidx, didx, rows, sem):
            base = ebase + k * EK
            pltpu.sync_copy(src_hbm.at[pl.ds(base, EK)], sidx)
            pltpu.sync_copy(dst_hbm.at[pl.ds(base, EK)], didx)
            return pltpu.async_copy(xs_hbm.at[sidx], rows, sem)

        def drain(didx, rows, sem):
            pltpu.make_async_copy(xs_hbm.at[pl.ds(0, EK)], rows, sem).wait()
            pltpu.sync_copy(rows, acc.at[didx], add=True)

        start(0, sidxa, didxa, rowsa, sema)

        def pair(g, _):
            start(2 * g + 1, sidxb, didxb, rowsb, semb)
            drain(didxa, rowsa, sema)
            start(2 * g + 2, sidxa, didxa, rowsa, sema)
            drain(didxb, rowsb, semb)
            return _
        lax.fori_loop(0, (NCHK - 1) // 2, pair, None)
        drain(didxa, rowsa, sema)
        plsc.subcore_barrier()

        def out_b(i, _):
            rb = s * APT + i * 128
            pltpu.sync_copy(acc.at[pl.ds(rb, 128)], obuf)
            pltpu.sync_copy(obuf, out_hbm.at[pl.ds(c * NPAD + rb, 128)])
            return _
        lax.fori_loop(0, APT // 128, out_b, None)

    return agg


def _norm_from_deg(deg):
    return jnp.where(deg > 0.0, lax.rsqrt(jnp.maximum(deg, 1.0)), 0.0)


def _tc1_body(hsum_ref, degs_ref, w_ref, out_ref):
    nsrc = _norm_from_deg(jnp.sum(degs_ref[...], axis=1, keepdims=True))
    out_ref[...] = jnp.dot(hsum_ref[...], w_ref[...],
                           preferred_element_type=jnp.float32) * nsrc


def _tc2_body(a0_ref, a1_ref, degd_ref, degs_ref, b_ref, w_ref, out_ref):
    ndst = _norm_from_deg(jnp.sum(degd_ref[...], axis=1, keepdims=True))
    nsrc = _norm_from_deg(jnp.sum(degs_ref[...], axis=1, keepdims=True))
    h = jax.nn.relu((a0_ref[...] + a1_ref[...]) * ndst + b_ref[...])
    out_ref[...] = jnp.dot(h, w_ref[...],
                           preferred_element_type=jnp.float32) * nsrc


def _tc3_body(a0_ref, a1_ref, degd_ref, b_ref, wc_ref, bc_ref, out_ref,
              acc_ref):
    k = pl.program_id(0)

    @pl.when(k == 0)
    def _():
        acc_ref[...] = jnp.zeros_like(acc_ref)

    ndst = _norm_from_deg(jnp.sum(degd_ref[...], axis=1, keepdims=True))
    h = jax.nn.relu((a0_ref[...] + a1_ref[...]) * ndst + b_ref[...])
    acc_ref[...] += jnp.sum(h, axis=0, keepdims=True)

    @pl.when(k == pl.num_programs(0) - 1)
    def _():
        out_ref[...] = jnp.dot(acc_ref[...] * (1.0 / N), wc_ref[...],
                               preferred_element_type=jnp.float32) + bc_ref[...]


_SID_FLAT = np.repeat(np.arange(NPAD, dtype=np.int32) % NPC, L)
_Z128 = np.zeros((128, D), np.float32)


def kernel(ins, edge_index, emb, W1, b1, W2, b2, Wc, bc):
    src = edge_index[0].astype(jnp.int32)
    dst = edge_index[1].astype(jnp.int32)
    ins_flat = jnp.concatenate(
        [ins.reshape(-1).astype(jnp.int32),
         jnp.zeros(((NPAD - N) * L,), jnp.int32)])

    h_sum = _sc_emb(ins_flat, _SID_FLAT, emb, _Z128)
    deg = _sc_deg(src, dst).reshape(2 * NPAD, 16)
    deg_src = deg[:NPAD]
    deg_dst = deg[NPAD:]

    xs1 = pl.pallas_call(
        _tc1_body,
        grid=(NPAD // 512,),
        in_specs=[
            pl.BlockSpec((512, D), lambda i: (i, 0)),
            pl.BlockSpec((512, 16), lambda i: (i, 0)),
            pl.BlockSpec((D, H), lambda i: (0, 0)),
        ],
        out_specs=pl.BlockSpec((512, H), lambda i: (i, 0)),
        out_shape=jax.ShapeDtypeStruct((NPAD, H), jnp.float32),
    )(h_sum, deg_src, W1 * (1.0 / L))

    agg1 = _make_edge_agg()(xs1, src, dst, _Z128)

    xs2 = pl.pallas_call(
        _tc2_body,
        grid=(N // 400,),
        in_specs=[
            pl.BlockSpec((400, D), lambda i: (i, 0)),
            pl.BlockSpec((400, D), lambda i: (i, 0)),
            pl.BlockSpec((400, 16), lambda i: (i, 0)),
            pl.BlockSpec((400, 16), lambda i: (i, 0)),
            pl.BlockSpec((1, H), lambda i: (0, 0)),
            pl.BlockSpec((H, H), lambda i: (0, 0)),
        ],
        out_specs=pl.BlockSpec((400, H), lambda i: (i, 0)),
        out_shape=jax.ShapeDtypeStruct((N, H), jnp.float32),
    )(agg1[:N], agg1[NPAD:NPAD + N], deg_dst, deg_src, b1.reshape(1, H), W2)

    agg2 = _make_edge_agg()(xs2, src, dst, _Z128)

    out = pl.pallas_call(
        _tc3_body,
        grid=(N // 400,),
        in_specs=[
            pl.BlockSpec((400, H), lambda i: (i, 0)),
            pl.BlockSpec((400, H), lambda i: (i, 0)),
            pl.BlockSpec((400, 16), lambda i: (i, 0)),
            pl.BlockSpec((1, H), lambda i: (0, 0)),
            pl.BlockSpec((H, C), lambda i: (0, 0)),
            pl.BlockSpec((1, C), lambda i: (0, 0)),
        ],
        out_specs=pl.BlockSpec((1, C), lambda i: (0, 0)),
        out_shape=jax.ShapeDtypeStruct((1, C), jnp.float32),
        scratch_shapes=[pltpu.VMEM((1, H), jnp.float32)],
    )(agg2[:N], agg2[NPAD:NPAD + N], deg_dst, b2.reshape(1, H), Wc,
      bc.reshape(1, C))

    return out

# --- scband reference (transcript-rebuilt; emitter-appended) ---
"""Pipeline reference for scband-naive-gcnclassifier-68204080660733 (READ-ONLY COPY).

The authoritative reference and input builder live on the scoring server;
editing this copy changes nothing except your own understanding.
"""

import jax, jax.numpy as jnp
import numpy as np

N = 10000    # nodes
E = 320000   # edges
V = 100000   # instruction vocab (embedding_matrix rows)
L = 20       # instructions per node
D = 128      # in_dim
H = 128      # hidden_dim
C = 10       # n_classes


def setup_inputs(seed: int = 0) -> dict:
    key = jax.random.key(seed)
    ks = jax.random.split(key, 10)
    ins = jax.random.randint(ks[0], (N, L), 0, V)
    edge_index = jax.random.randint(ks[1], (2, E), 0, N)
    emb = jax.random.normal(ks[2], (V, D), dtype=jnp.float32) * 0.1
    W1 = jax.random.normal(ks[3], (D, H), dtype=jnp.float32) * 0.05
    b1 = jnp.zeros((H,), dtype=jnp.float32)
    W2 = jax.random.normal(ks[4], (H, H), dtype=jnp.float32) * 0.05
    b2 = jnp.zeros((H,), dtype=jnp.float32)
    Wc = jax.random.normal(ks[5], (H, C), dtype=jnp.float32) * 0.05
    bc = jnp.zeros((C,), dtype=jnp.float32)
    return {"ins": ins, "edge_index": edge_index, "emb": emb,
            "W1": W1, "b1": b1, "W2": W2, "b2": b2, "Wc": Wc, "bc": bc}


def reference(ins, edge_index, emb, W1, b1, W2, b2, Wc, bc):
    src = edge_index[0]
    dst = edge_index[1]
    # generate_node_vecs with node_vec_stg='mean': gather instruction embeddings, mean over list
    h = jnp.take(emb, ins, axis=0).mean(axis=1)  # [N, D]
    # GraphConv symmetric normalization (DGL norm='both', no self loops)
    ones = jnp.ones((E,), dtype=jnp.float32)
    deg_out = jax.ops.segment_sum(ones, src, num_segments=N)
    deg_in = jax.ops.segment_sum(ones, dst, num_segments=N)
    norm_src = jnp.where(deg_out > 0, jnp.clip(deg_out, 1.0, None) ** -0.5, 0.0)
    norm_dst = jnp.where(deg_in > 0, jnp.clip(deg_in, 1.0, None) ** -0.5, 0.0)

    def gconv(h, W, b):
        hW = h @ W
        m = (hW * norm_src[:, None])[src]          # gather messages at edges
        agg = jax.ops.segment_sum(m, dst, num_segments=N)  # scatter-add to dst
        return agg * norm_dst[:, None] + b

    h = jax.nn.relu(gconv(h, W1, b1))
    h = jax.nn.relu(gconv(h, W2, b2))
    # dgl.mean_nodes over a single graph -> [1, H]
    hg = h.mean(axis=0, keepdims=True)
    return hg @ Wc + bc  # [1, C]

if __name__ == "__main__":
    import jax
    _d = setup_inputs()
    print(jax.jit(kernel)(*tuple(_d.values())))

</pallas_src>

<mosaic_0001>
#map = affine_map<(d0, d1) -> (0, 0)>
#map1 = affine_map<(d0, d1) -> (0)>
module attributes {stable_mosaic.version = 14 : i64} {
  func.func @agg(%arg0: i32, %arg1: i32, %arg2: memref<10000x128xf32, #tpu.memory_space<hbm>>, %arg3: memref<320000xi32, #tpu.memory_space<hbm>>, %arg4: memref<320000xi32, #tpu.memory_space<hbm>>, %arg5: memref<128x128xf32, #tpu.memory_space<hbm>>, %arg6: memref<20480x128xf32, #tpu.memory_space<hbm>>, %arg7: memref<80xi32, #tpu.memory_space<vmem>>, %arg8: memref<80xi32, #tpu.memory_space<vmem>>, %arg9: memref<80x128xf32, #tpu.memory_space<vmem>>, %arg10: memref<80xi32, #tpu.memory_space<vmem>>, %arg11: memref<80xi32, #tpu.memory_space<vmem>>, %arg12: memref<80x128xf32, #tpu.memory_space<vmem>>, %arg13: memref<128x128xf32, #tpu.memory_space<vmem>>, %arg14: memref<10240x128xf32, #tpu.memory_space<vmem_shared>>, %arg15: memref<!tpu.dma_semaphore, #tpu.memory_space<semaphore_mem>>, %arg16: memref<!tpu.dma_semaphore, #tpu.memory_space<semaphore_mem>>) attributes {dimension_semantics = [#tpu.dimension_semantics<core_parallel>, #tpu.dimension_semantics<subcore_parallel>], iteration_bounds = array<i64: 2, 16>, scalar_prefetch = 0 : i64, scratch_operands = 10 : i64, tpu.core_type = #tpu.core_type<sc_vector_subcore>, window_params = [{transform_indices = #map}, {transform_indices = #map1}, {transform_indices = #map1}, {transform_indices = #map}, {transform_indices = #map}]} {
    "tpu.region"() ({
      %run_scoped3A = tpu.sem_alloc : memref<!tpu.dma_semaphore, #tpu.memory_space<semaphore_mem>>
      tpu.enqueue_dma source(%arg5 : memref<128x128xf32, #tpu.memory_space<hbm>>) target(%arg13 : memref<128x128xf32, #tpu.memory_space<vmem>>) target_semaphore(%run_scoped3A : memref<!tpu.dma_semaphore, #tpu.memory_space<semaphore_mem>>)
      tpu.wait_dma2 semaphore(%run_scoped3A : memref<!tpu.dma_semaphore, #tpu.memory_space<semaphore_mem>>) src(%arg5 : memref<128x128xf32, #tpu.memory_space<hbm>>) dst(%arg13 : memref<128x128xf32, #tpu.memory_space<vmem>>)
      tpu.yield
    }) : () -> ()
    %scan3A = arith.constant 0 : i32
    %scan3A_0 = arith.constant 5 : i32
    %scan3A_1 = arith.addi %scan3A, %scan3A_0 : i32
    %scan3A_2 = arith.constant 1 : i32
    scf.for %scan3A_27 = %scan3A to %scan3A_1 step %scan3A_2  : i32 {
      %mul3A_28 = arith.constant 640 : i32
      %mul3A_29 = arith.muli %arg1, %mul3A_28 : i32
      %mul3A_30 = arith.constant 128 : i32
      %mul3A_31 = arith.muli %scan3A_27, %mul3A_30 : i32
      %add3A_32 = arith.addi %mul3A_29, %mul3A_31 : i32
      "tpu.region"() ({
        %run_scoped3A = tpu.sem_alloc : memref<!tpu.dma_semaphore, #tpu.memory_space<semaphore_mem>>
        %dma_start3A_33 = arith.constant 0 : i32
        %dma_start3A_34 = tpu.memref_slice %arg14[%add3A_32, %dma_start3A_33] : memref<10240x128xf32, #tpu.memory_space<vmem_shared>> -> memref<128x128xf32, #tpu.memory_space<vmem_shared>>
        %dma_start3A_35 = arith.constant 0 : i32
        %dma_start3A_36 = tpu.memref_slice %arg14[%add3A_32, %dma_start3A_35] : memref<10240x128xf32, #tpu.memory_space<vmem_shared>> -> memref<128x128xf32, #tpu.memory_space<vmem_shared>>
        tpu.enqueue_dma source(%arg13 : memref<128x128xf32, #tpu.memory_space<vmem>>) target(%dma_start3A_36 : memref<128x128xf32, #tpu.memory_space<vmem_shared>>) target_semaphore(%run_scoped3A : memref<!tpu.dma_semaphore, #tpu.memory_space<semaphore_mem>>)
        %dma_wait3A_37 = arith.constant 0 : i32
        %dma_wait3A_38 = tpu.memref_slice %arg14[%add3A_32, %dma_wait3A_37] : memref<10240x128xf32, #tpu.memory_space<vmem_shared>> -> memref<128x128xf32, #tpu.memory_space<vmem_shared>>
        %dma_wait3A_39 = arith.constant 0 : i32
        %dma_wait3A_40 = tpu.memref_slice %arg14[%add3A_32, %dma_wait3A_39] : memref<10240x128xf32, #tpu.memory_space<vmem_shared>> -> memref<128x128xf32, #tpu.memory_space<vmem_shared>>
        tpu.wait_dma2 semaphore(%run_scoped3A : memref<!tpu.dma_semaphore, #tpu.memory_space<semaphore_mem>>) src(%arg13 : memref<128x128xf32, #tpu.memory_space<vmem>>) dst(%dma_wait3A_40 : memref<128x128xf32, #tpu.memory_space<vmem_shared>>)
        tpu.yield
      }) : () -> ()
    }
    %scan3A_3 = arith.constant 5 : i32
    %barrier3A = arith.constant 0 : index
    tpu.barrier barrier_id(%barrier3A)
    %mul3A = arith.constant 160000 : i32
    %mul3A_4 = arith.muli %arg0, %mul3A : i32
    %mul3A_5 = arith.constant 10000 : i32
    %mul3A_6 = arith.muli %arg1, %mul3A_5 : i32
    %add3A = arith.addi %mul3A_4, %mul3A_6 : i32
    %add3A_7 = arith.constant 0 : i32
    %add3A_8 = arith.addi %add3A, %add3A_7 : i32
    "tpu.region"() ({
      %run_scoped3A = tpu.sem_alloc : memref<!tpu.dma_semaphore, #tpu.memory_space<semaphore_mem>>
      %dma_start3A_27 = tpu.memref_slice %arg3[%add3A_8] : memref<320000xi32, #tpu.memory_space<hbm>> -> memref<80xi32, #tpu.memory_space<hbm>>
      %dma_start3A_28 = tpu.memref_slice %arg3[%add3A_8] : memref<320000xi32, #tpu.memory_space<hbm>> -> memref<80xi32, #tpu.memory_space<hbm>>
      tpu.enqueue_dma source(%dma_start3A_28 : memref<80xi32, #tpu.memory_space<hbm>>) target(%arg7 : memref<80xi32, #tpu.memory_space<vmem>>) target_semaphore(%run_scoped3A : memref<!tpu.dma_semaphore, #tpu.memory_space<semaphore_mem>>)
      %dma_wait3A_29 = tpu.memref_slice %arg3[%add3A_8] : memref<320000xi32, #tpu.memory_space<hbm>> -> memref<80xi32, #tpu.memory_space<hbm>>
      %dma_wait3A_30 = tpu.memref_slice %arg3[%add3A_8] : memref<320000xi32, #tpu.memory_space<hbm>> -> memref<80xi32, #tpu.memory_space<hbm>>
      tpu.wait_dma2 semaphore(%run_scoped3A : memref<!tpu.dma_semaphore, #tpu.memory_space<semaphore_mem>>) src(%dma_wait3A_30 : memref<80xi32, #tpu.memory_space<hbm>>) dst(%arg7 : memref<80xi32, #tpu.memory_space<vmem>>)
      tpu.yield
    }) : () -> ()
    "tpu.region"() ({
      %run_scoped3A = tpu.sem_alloc : memref<!tpu.dma_semaphore, #tpu.memory_space<semaphore_mem>>
      %dma_start3A_27 = tpu.memref_slice %arg4[%add3A_8] : memref<320000xi32, #tpu.memory_space<hbm>> -> memref<80xi32, #tpu.memory_space<hbm>>
      %dma_start3A_28 = tpu.memref_slice %arg4[%add3A_8] : memref<320000xi32, #tpu.memory_space<hbm>> -> memref<80xi32, #tpu.memory_space<hbm>>
      tpu.enqueue_dma source(%dma_start3A_28 : memref<80xi32, #tpu.memory_space<hbm>>) target(%arg8 : memref<80xi32, #tpu.memory_space<vmem>>) target_semaphore(%run_scoped3A : memref<!tpu.dma_semaphore, #tpu.memory_space<semaphore_mem>>)
      %dma_wait3A_29 = tpu.memref_slice %arg4[%add3A_8] : memref<320000xi32, #tpu.memory_space<hbm>> -> memref<80xi32, #tpu.memory_space<hbm>>
      %dma_wait3A_30 = tpu.memref_slice %arg4[%add3A_8] : memref<320000xi32, #tpu.memory_space<hbm>> -> memref<80xi32, #tpu.memory_space<hbm>>
      tpu.wait_dma2 semaphore(%run_scoped3A : memref<!tpu.dma_semaphore, #tpu.memory_space<semaphore_mem>>) src(%dma_wait3A_30 : memref<80xi32, #tpu.memory_space<hbm>>) dst(%arg8 : memref<80xi32, #tpu.memory_space<vmem>>)
      tpu.yield
    }) : () -> ()
    %dma_start3A = arith.constant 0 : i32
    %dma_start3A_9 = arith.constant 0 : i32
    %dma_start3A_10 = tpu.memref_slice %arg2[%dma_start3A, %dma_start3A_9] : memref<10000x128xf32, #tpu.memory_space<hbm>> -> memref<10000x128xf32, #tpu.memory_space<hbm>>
    tpu.enqueue_indirect_dma source(%dma_start3A_10 : memref<10000x128xf32, #tpu.memory_space<hbm>>) target(%arg9 : memref<80x128xf32, #tpu.memory_space<vmem>>) offsets(%arg7 : memref<80xi32, #tpu.memory_space<vmem>>) semaphore(%arg15 : memref<!tpu.dma_semaphore, #tpu.memory_space<semaphore_mem>>)
    %scan3A_11 = arith.constant 0 : i32
    %scan3A_12 = arith.constant 62 : i32
    %scan3A_13 = arith.addi %scan3A_11, %scan3A_12 : i32
    %scan3A_14 = arith.constant 1 : i32
    scf.for %scan3A_27 = %scan3A_11 to %scan3A_13 step %scan3A_14  : i32 {
      %mul3A_28 = arith.constant 2 : i32
      %mul3A_29 = arith.muli %mul3A_28, %scan3A_27 : i32
      %add3A_30 = arith.constant 1 : i32
      %add3A_31 = arith.addi %mul3A_29, %add3A_30 : i32
      %mul3A_32 = arith.constant 80 : i32
      %mul3A_33 = arith.muli %add3A_31, %mul3A_32 : i32
      %add3A_34 = arith.addi %add3A, %mul3A_33 : i32
      "tpu.region"() ({
        %run_scoped3A = tpu.sem_alloc : memref<!tpu.dma_semaphore, #tpu.memory_space<semaphore_mem>>
        %dma_start3A_60 = tpu.memref_slice %arg3[%add3A_34] : memref<320000xi32, #tpu.memory_space<hbm>> -> memref<80xi32, #tpu.memory_space<hbm>>
        %dma_start3A_61 = tpu.memref_slice %arg3[%add3A_34] : memref<320000xi32, #tpu.memory_space<hbm>> -> memref<80xi32, #tpu.memory_space<hbm>>
        tpu.enqueue_dma source(%dma_start3A_61 : memref<80xi32, #tpu.memory_space<hbm>>) target(%arg10 : memref<80xi32, #tpu.memory_space<vmem>>) target_semaphore(%run_scoped3A : memref<!tpu.dma_semaphore, #tpu.memory_space<semaphore_mem>>)
        %dma_wait3A_62 = tpu.memref_slice %arg3[%add3A_34] : memref<320000xi32, #tpu.memory_space<hbm>> -> memref<80xi32, #tpu.memory_space<hbm>>
        %dma_wait3A_63 = tpu.memref_slice %arg3[%add3A_34] : memref<320000xi32, #tpu.memory_space<hbm>> -> memref<80xi32, #tpu.memory_space<hbm>>
        tpu.wait_dma2 semaphore(%run_scoped3A : memref<!tpu.dma_semaphore, #tpu.memory_space<semaphore_mem>>) src(%dma_wait3A_63 : memref<80xi32, #tpu.memory_space<hbm>>) dst(%arg10 : memref<80xi32, #tpu.memory_space<vmem>>)
        tpu.yield
      }) : () -> ()
      "tpu.region"() ({
        %run_scoped3A = tpu.sem_alloc : memref<!tpu.dma_semaphore, #tpu.memory_space<semaphore_mem>>
        %dma_start3A_60 = tpu.memref_slice %arg4[%add3A_34] : memref<320000xi32, #tpu.memory_space<hbm>> -> memref<80xi32, #tpu.memory_space<hbm>>
        %dma_start3A_61 = tpu.memref_slice %arg4[%add3A_34] : memref<320000xi32, #tpu.memory_space<hbm>> -> memref<80xi32, #tpu.memory_space<hbm>>
        tpu.enqueue_dma source(%dma_start3A_61 : memref<80xi32, #tpu.memory_space<hbm>>) target(%arg11 : memref<80xi32, #tpu.memory_space<vmem>>) target_semaphore(%run_scoped3A : memref<!tpu.dma_semaphore, #tpu.memory_space<semaphore_mem>>)
        %dma_wait3A_62 = tpu.memref_slice %arg4[%add3A_34] : memref<320000xi32, #tpu.memory_space<hbm>> -> memref<80xi32, #tpu.memory_space<hbm>>
        %dma_wait3A_63 = tpu.memref_slice %arg4[%add3A_34] : memref<320000xi32, #tpu.memory_space<hbm>> -> memref<80xi32, #tpu.memory_space<hbm>>
        tpu.wait_dma2 semaphore(%run_scoped3A : memref<!tpu.dma_semaphore, #tpu.memory_space<semaphore_mem>>) src(%dma_wait3A_63 : memref<80xi32, #tpu.memory_space<hbm>>) dst(%arg11 : memref<80xi32, #tpu.memory_space<vmem>>)
        tpu.yield
      }) : () -> ()
      %dma_start3A_35 = arith.constant 0 : i32
      %dma_start3A_36 = arith.constant 0 : i32
      %dma_start3A_37 = tpu.memref_slice %arg2[%dma_start3A_35, %dma_start3A_36] : memref<10000x128xf32, #tpu.memory_space<hbm>> -> memref<10000x128xf32, #tpu.memory_space<hbm>>
      tpu.enqueue_indirect_dma source(%dma_start3A_37 : memref<10000x128xf32, #tpu.memory_space<hbm>>) target(%arg12 : memref<80x128xf32, #tpu.memory_space<vmem>>) offsets(%arg10 : memref<80xi32, #tpu.memory_space<vmem>>) semaphore(%arg16 : memref<!tpu.dma_semaphore, #tpu.memory_space<semaphore_mem>>)
      %dma_wait3A_38 = arith.constant 0 : i32
      %dma_wait3A_39 = arith.constant 0 : i32
      %dma_wait3A_40 = tpu.memref_slice %arg2[%dma_wait3A_38, %dma_wait3A_39] : memref<10000x128xf32, #tpu.memory_space<hbm>> -> memref<80x128xf32, #tpu.memory_space<hbm>>
      %dma_wait3A_41 = arith.constant 0 : i32
      %dma_wait3A_42 = arith.constant 0 : i32
      %dma_wait3A_43 = tpu.memref_slice %arg2[%dma_wait3A_41, %dma_wait3A_42] : memref<10000x128xf32, #tpu.memory_space<hbm>> -> memref<80x128xf32, #tpu.memory_space<hbm>>
      tpu.wait_dma2 semaphore(%arg15 : memref<!tpu.dma_semaphore, #tpu.memory_space<semaphore_mem>>) src(%dma_wait3A_43 : memref<80x128xf32, #tpu.memory_space<hbm>>) dst(%arg9 : memref<80x128xf32, #tpu.memory_space<vmem>>)
      "tpu.region"() ({
        %run_scoped3A = tpu.sem_alloc : memref<!tpu.dma_semaphore, #tpu.memory_space<semaphore_mem>>
        %dma_start3A_60 = arith.constant 0 : i32
        %dma_start3A_61 = arith.constant 0 : i32
        %dma_start3A_62 = tpu.memref_slice %arg14[%dma_start3A_60, %dma_start3A_61] : memref<10240x128xf32, #tpu.memory_space<vmem_shared>> -> memref<10240x128xf32, #tpu.memory_space<vmem_shared>>
        tpu.enqueue_indirect_dma source(%arg9 : memref<80x128xf32, #tpu.memory_space<vmem>>) target(%dma_start3A_62 : memref<10240x128xf32, #tpu.memory_space<vmem_shared>>) offsets(%arg8 : memref<80xi32, #tpu.memory_space<vmem>>) semaphore(%run_scoped3A : memref<!tpu.dma_semaphore, #tpu.memory_space<semaphore_mem>>) {add = true}
        %dma_wait3A_63 = arith.constant 0 : i32
        %dma_wait3A_64 = arith.constant 0 : i32
        %dma_wait3A_65 = tpu.memref_slice %arg14[%dma_wait3A_63, %dma_wait3A_64] : memref<10240x128xf32, #tpu.memory_space<vmem_shared>> -> memref<10240x128xf32, #tpu.memory_space<vmem_shared>>
        tpu.wait_indirect_dma semaphore(%run_scoped3A : memref<!tpu.dma_semaphore, #tpu.memory_space<semaphore_mem>>) src(%arg9 : memref<80x128xf32, #tpu.memory_space<vmem>>) dst(%dma_wait3A_65 : memref<10240x128xf32, #tpu.memory_space<vmem_shared>>)
        tpu.yield
      }) : () -> ()
      %mul3A_44 = arith.constant 2 : i32
      %mul3A_45 = arith.muli %mul3A_44, %scan3A_27 : i32
      %add3A_46 = arith.constant 2 : i32
      %add3A_47 = arith.addi %mul3A_45, %add3A_46 : i32
      %mul3A_48 = arith.constant 80 : i32
      %mul3A_49 = arith.muli %add3A_47, %mul3A_48 : i32
      %add3A_50 = arith.addi %add3A, %mul3A_49 : i32
      "tpu.region"() ({
        %run_scoped3A = tpu.sem_alloc : memref<!tpu.dma_semaphore, #tpu.memory_space<semaphore_mem>>
        %dma_start3A_60 = tpu.memref_slice %arg3[%add3A_50] : memref<320000xi32, #tpu.memory_space<hbm>> -> memref<80xi32, #tpu.memory_space<hbm>>
        %dma_start3A_61 = tpu.memref_slice %arg3[%add3A_50] : memref<320000xi32, #tpu.memory_space<hbm>> -> memref<80xi32, #tpu.memory_space<hbm>>
        tpu.enqueue_dma source(%dma_start3A_61 : memref<80xi32, #tpu.memory_space<hbm>>) target(%arg7 : memref<80xi32, #tpu.memory_space<vmem>>) target_semaphore(%run_scoped3A : memref<!tpu.dma_semaphore, #tpu.memory_space<semaphore_mem>>)
        %dma_wait3A_62 = tpu.memref_slice %arg3[%add3A_50] : memref<320000xi32, #tpu.memory_space<hbm>> -> memref<80xi32, #tpu.memory_space<hbm>>
        %dma_wait3A_63 = tpu.memref_slice %arg3[%add3A_50] : memref<320000xi32, #tpu.memory_space<hbm>> -> memref<80xi32, #tpu.memory_space<hbm>>
        tpu.wait_dma2 semaphore(%run_scoped3A : memref<!tpu.dma_semaphore, #tpu.memory_space<semaphore_mem>>) src(%dma_wait3A_63 : memref<80xi32, #tpu.memory_space<hbm>>) dst(%arg7 : memref<80xi32, #tpu.memory_space<vmem>>)
        tpu.yield
      }) : () -> ()
      "tpu.region"() ({
        %run_scoped3A = tpu.sem_alloc : memref<!tpu.dma_semaphore, #tpu.memory_space<semaphore_mem>>
        %dma_start3A_60 = tpu.memref_slice %arg4[%add3A_50] : memref<320000xi32, #tpu.memory_space<hbm>> -> memref<80xi32, #tpu.memory_space<hbm>>
        %dma_start3A_61 = tpu.memref_slice %arg4[%add3A_50] : memref<320000xi32, #tpu.memory_space<hbm>> -> memref<80xi32, #tpu.memory_space<hbm>>
        tpu.enqueue_dma source(%dma_start3A_61 : memref<80xi32, #tpu.memory_space<hbm>>) target(%arg8 : memref<80xi32, #tpu.memory_space<vmem>>) target_semaphore(%run_scoped3A : memref<!tpu.dma_semaphore, #tpu.memory_space<semaphore_mem>>)
        %dma_wait3A_62 = tpu.memref_slice %arg4[%add3A_50] : memref<320000xi32, #tpu.memory_space<hbm>> -> memref<80xi32, #tpu.memory_space<hbm>>
        %dma_wait3A_63 = tpu.memref_slice %arg4[%add3A_50] : memref<320000xi32, #tpu.memory_space<hbm>> -> memref<80xi32, #tpu.memory_space<hbm>>
        tpu.wait_dma2 semaphore(%run_scoped3A : memref<!tpu.dma_semaphore, #tpu.memory_space<semaphore_mem>>) src(%dma_wait3A_63 : memref<80xi32, #tpu.memory_space<hbm>>) dst(%arg8 : memref<80xi32, #tpu.memory_space<vmem>>)
        tpu.yield
      }) : () -> ()
      %dma_start3A_51 = arith.constant 0 : i32
      %dma_start3A_52 = arith.constant 0 : i32
      %dma_start3A_53 = tpu.memref_slice %arg2[%dma_start3A_51, %dma_start3A_52] : memref<10000x128xf32, #tpu.memory_space<hbm>> -> memref<10000x128xf32, #tpu.memory_space<hbm>>
      tpu.enqueue_indirect_dma source(%dma_start3A_53 : memref<10000x128xf32, #tpu.memory_space<hbm>>) target(%arg9 : memref<80x128xf32, #tpu.memory_space<vmem>>) offsets(%arg7 : memref<80xi32, #tpu.memory_space<vmem>>) semaphore(%arg15 : memref<!tpu.dma_semaphore, #tpu.memory_space<semaphore_mem>>)
      %dma_wait3A_54 = arith.constant 0 : i32
      %dma_wait3A_55 = arith.constant 0 : i32
      %dma_wait3A_56 = tpu.memref_slice %arg2[%dma_wait3A_54, %dma_wait3A_55] : memref<10000x128xf32, #tpu.memory_space<hbm>> -> memref<80x128xf32, #tpu.memory_space<hbm>>
      %dma_wait3A_57 = arith.constant 0 : i32
      %dma_wait3A_58 = arith.constant 0 : i32
      %dma_wait3A_59 = tpu.memref_slice %arg2[%dma_wait3A_57, %dma_wait3A_58] : memref<10000x128xf32, #tpu.memory_space<hbm>> -> memref<80x128xf32, #tpu.memory_space<hbm>>
      tpu.wait_dma2 semaphore(%arg16 : memref<!tpu.dma_semaphore, #tpu.memory_space<semaphore_mem>>) src(%dma_wait3A_59 : memref<80x128xf32, #tpu.memory_space<hbm>>) dst(%arg12 : memref<80x128xf32, #tpu.memory_space<vmem>>)
      "tpu.region"() ({
        %run_scoped3A = tpu.sem_alloc : memref<!tpu.dma_semaphore, #tpu.memory_space<semaphore_mem>>
        %dma_start3A_60 = arith.constant 0 : i32
        %dma_start3A_61 = arith.constant 0 : i32
        %dma_start3A_62 = tpu.memref_slice %arg14[%dma_start3A_60, %dma_start3A_61] : memref<10240x128xf32, #tpu.memory_space<vmem_shared>> -> memref<10240x128xf32, #tpu.memory_space<vmem_shared>>
        tpu.enqueue_indirect_dma source(%arg12 : memref<80x128xf32, #tpu.memory_space<vmem>>) target(%dma_start3A_62 : memref<10240x128xf32, #tpu.memory_space<vmem_shared>>) offsets(%arg11 : memref<80xi32, #tpu.memory_space<vmem>>) semaphore(%run_scoped3A : memref<!tpu.dma_semaphore, #tpu.memory_space<semaphore_mem>>) {add = true}
        %dma_wait3A_63 = arith.constant 0 : i32
        %dma_wait3A_64 = arith.constant 0 : i32
        %dma_wait3A_65 = tpu.memref_slice %arg14[%dma_wait3A_63, %dma_wait3A_64] : memref<10240x128xf32, #tpu.memory_space<vmem_shared>> -> memref<10240x128xf32, #tpu.memory_space<vmem_shared>>
        tpu.wait_indirect_dma semaphore(%run_scoped3A : memref<!tpu.dma_semaphore, #tpu.memory_space<semaphore_mem>>) src(%arg12 : memref<80x128xf32, #tpu.memory_space<vmem>>) dst(%dma_wait3A_65 : memref<10240x128xf32, #tpu.memory_space<vmem_shared>>)
        tpu.yield
      }) : () -> ()
    }
    %scan3A_15 = arith.constant 62 : i32
    %dma_wait3A = arith.constant 0 : i32
    %dma_wait3A_16 = arith.constant 0 : i32
    %dma_wait3A_17 = tpu.memref_slice %arg2[%dma_wait3A, %dma_wait3A_16] : memref<10000x128xf32, #tpu.memory_space<hbm>> -> memref<80x128xf32, #tpu.memory_space<hbm>>
    %dma_wait3A_18 = arith.constant 0 : i32
    %dma_wait3A_19 = arith.constant 0 : i32
    %dma_wait3A_20 = tpu.memref_slice %arg2[%dma_wait3A_18, %dma_wait3A_19] : memref<10000x128xf32, #tpu.memory_space<hbm>> -> memref<80x128xf32, #tpu.memory_space<hbm>>
    tpu.wait_dma2 semaphore(%arg15 : memref<!tpu.dma_semaphore, #tpu.memory_space<semaphore_mem>>) src(%dma_wait3A_20 : memref<80x128xf32, #tpu.memory_space<hbm>>) dst(%arg9 : memref<80x128xf32, #tpu.memory_space<vmem>>)
    "tpu.region"() ({
      %run_scoped3A = tpu.sem_alloc : memref<!tpu.dma_semaphore, #tpu.memory_space<semaphore_mem>>
      %dma_start3A_27 = arith.constant 0 : i32
      %dma_start3A_28 = arith.constant 0 : i32
      %dma_start3A_29 = tpu.memref_slice %arg14[%dma_start3A_27, %dma_start3A_28] : memref<10240x128xf32, #tpu.memory_space<vmem_shared>> -> memref<10240x128xf32, #tpu.memory_space<vmem_shared>>
      tpu.enqueue_indirect_dma source(%arg9 : memref<80x128xf32, #tpu.memory_space<vmem>>) target(%dma_start3A_29 : memref<10240x128xf32, #tpu.memory_space<vmem_shared>>) offsets(%arg8 : memref<80xi32, #tpu.memory_space<vmem>>) semaphore(%run_scoped3A : memref<!tpu.dma_semaphore, #tpu.memory_space<semaphore_mem>>) {add = true}
      %dma_wait3A_30 = arith.constant 0 : i32
      %dma_wait3A_31 = arith.constant 0 : i32
      %dma_wait3A_32 = tpu.memref_slice %arg14[%dma_wait3A_30, %dma_wait3A_31] : memref<10240x128xf32, #tpu.memory_space<vmem_shared>> -> memref<10240x128xf32, #tpu.memory_space<vmem_shared>>
      tpu.wait_indirect_dma semaphore(%run_scoped3A : memref<!tpu.dma_semaphore, #tpu.memory_space<semaphore_mem>>) src(%arg9 : memref<80x128xf32, #tpu.memory_space<vmem>>) dst(%dma_wait3A_32 : memref<10240x128xf32, #tpu.memory_space<vmem_shared>>)
      tpu.yield
    }) : () -> ()
    %barrier3A_21 = arith.constant 0 : index
    tpu.barrier barrier_id(%barrier3A_21)
    %scan3A_22 = arith.constant 0 : i32
    %scan3A_23 = arith.constant 5 : i32
    %scan3A_24 = arith.addi %scan3A_22, %scan3A_23 : i32
    %scan3A_25 = arith.constant 1 : i32
    scf.for %scan3A_27 = %scan3A_22 to %scan3A_24 step %scan3A_25  : i32 {
      %mul3A_28 = arith.constant 640 : i32
      %mul3A_29 = arith.muli %arg1, %mul3A_28 : i32
      %mul3A_30 = arith.constant 128 : i32
      %mul3A_31 = arith.muli %scan3A_27, %mul3A_30 : i32
      %add3A_32 = arith.addi %mul3A_29, %mul3A_31 : i32
      "tpu.region"() ({
        %run_scoped3A = tpu.sem_alloc : memref<!tpu.dma_semaphore, #tpu.memory_space<semaphore_mem>>
        %dma_start3A_36 = arith.constant 0 : i32
        %dma_start3A_37 = tpu.memref_slice %arg14[%add3A_32, %dma_start3A_36] : memref<10240x128xf32, #tpu.memory_space<vmem_shared>> -> memref<128x128xf32, #tpu.memory_space<vmem_shared>>
        %dma_start3A_38 = arith.constant 0 : i32
        %dma_start3A_39 = tpu.memref_slice %arg14[%add3A_32, %dma_start3A_38] : memref<10240x128xf32, #tpu.memory_space<vmem_shared>> -> memref<128x128xf32, #tpu.memory_space<vmem_shared>>
        tpu.enqueue_dma source(%dma_start3A_39 : memref<128x128xf32, #tpu.memory_space<vmem_shared>>) target(%arg13 : memref<128x128xf32, #tpu.memory_space<vmem>>) target_semaphore(%run_scoped3A : memref<!tpu.dma_semaphore, #tpu.memory_space<semaphore_mem>>)
        %dma_wait3A_40 = arith.constant 0 : i32
        %dma_wait3A_41 = tpu.memref_slice %arg14[%add3A_32, %dma_wait3A_40] : memref<10240x128xf32, #tpu.memory_space<vmem_shared>> -> memref<128x128xf32, #tpu.memory_space<vmem_shared>>
        %dma_wait3A_42 = arith.constant 0 : i32
        %dma_wait3A_43 = tpu.memref_slice %arg14[%add3A_32, %dma_wait3A_42] : memref<10240x128xf32, #tpu.memory_space<vmem_shared>> -> memref<128x128xf32, #tpu.memory_space<vmem_shared>>
        tpu.wait_dma2 semaphore(%run_scoped3A : memref<!tpu.dma_semaphore, #tpu.memory_space<semaphore_mem>>) src(%dma_wait3A_43 : memref<128x128xf32, #tpu.memory_space<vmem_shared>>) dst(%arg13 : memref<128x128xf32, #tpu.memory_space<vmem>>)
        tpu.yield
      }) : () -> ()
      %mul3A_33 = arith.constant 10240 : i32
      %mul3A_34 = arith.muli %arg0, %mul3A_33 : i32
      %add3A_35 = arith.addi %mul3A_34, %add3A_32 : i32
      "tpu.region"() ({
        %run_scoped3A = tpu.sem_alloc : memref<!tpu.dma_semaphore, #tpu.memory_space<semaphore_mem>>
        %dma_start3A_36 = arith.constant 0 : i32
        %dma_start3A_37 = tpu.memref_slice %arg6[%add3A_35, %dma_start3A_36] : memref<20480x128xf32, #tpu.memory_space<hbm>> -> memref<128x128xf32, #tpu.memory_space<hbm>>
        %dma_start3A_38 = arith.constant 0 : i32
        %dma_start3A_39 = tpu.memref_slice %arg6[%add3A_35, %dma_start3A_38] : memref<20480x128xf32, #tpu.memory_space<hbm>> -> memref<128x128xf32, #tpu.memory_space<hbm>>
        tpu.enqueue_dma source(%arg13 : memref<128x128xf32, #tpu.memory_space<vmem>>) target(%dma_start3A_39 : memref<128x128xf32, #tpu.memory_space<hbm>>) target_semaphore(%run_scoped3A : memref<!tpu.dma_semaphore, #tpu.memory_space<semaphore_mem>>)
        %dma_wait3A_40 = arith.constant 0 : i32
        %dma_wait3A_41 = tpu.memref_slice %arg6[%add3A_35, %dma_wait3A_40] : memref<20480x128xf32, #tpu.memory_space<hbm>> -> memref<128x128xf32, #tpu.memory_space<hbm>>
        %dma_wait3A_42 = arith.constant 0 : i32
        %dma_wait3A_43 = tpu.memref_slice %arg6[%add3A_35, %dma_wait3A_42] : memref<20480x128xf32, #tpu.memory_space<hbm>> -> memref<128x128xf32, #tpu.memory_space<hbm>>
        tpu.wait_dma2 semaphore(%run_scoped3A : memref<!tpu.dma_semaphore, #tpu.memory_space<semaphore_mem>>) src(%arg13 : memref<128x128xf32, #tpu.memory_space<vmem>>) dst(%dma_wait3A_43 : memref<128x128xf32, #tpu.memory_space<hbm>>)
        tpu.yield
      }) : () -> ()
    }
    %scan3A_26 = arith.constant 5 : i32
    return
  }
}

#map = affine_map<(d0, d1) -> (0, 0)>
#map1 = affine_map<(d0, d1) -> (0)>
module attributes {stable_mosaic.version = 14 : i64} {
  func.func @agg(%arg0: i32, %arg1: i32, %arg2: memref<10240x128xf32, #tpu.memory_space<hbm>>, %arg3: memref<320000xi32, #tpu.memory_space<hbm>>, %arg4: memref<320000xi32, #tpu.memory_space<hbm>>, %arg5: memref<128x128xf32, #tpu.memory_space<hbm>>, %arg6: memref<20480x128xf32, #tpu.memory_space<hbm>>, %arg7: memref<80xi32, #tpu.memory_space<vmem>>, %arg8: memref<80xi32, #tpu.memory_space<vmem>>, %arg9: memref<80x128xf32, #tpu.memory_space<vmem>>, %arg10: memref<80xi32, #tpu.memory_space<vmem>>, %arg11: memref<80xi32, #tpu.memory_space<vmem>>, %arg12: memref<80x128xf32, #tpu.memory_space<vmem>>, %arg13: memref<128x128xf32, #tpu.memory_space<vmem>>, %arg14: memref<10240x128xf32, #tpu.memory_space<vmem_shared>>, %arg15: memref<!tpu.dma_semaphore, #tpu.memory_space<semaphore_mem>>, %arg16: memref<!tpu.dma_semaphore, #tpu.memory_space<semaphore_mem>>) attributes {dimension_semantics = [#tpu.dimension_semantics<core_parallel>, #tpu.dimension_semantics<subcore_parallel>], iteration_bounds = array<i64: 2, 16>, scalar_prefetch = 0 : i64, scratch_operands = 10 : i64, tpu.core_type = #tpu.core_type<sc_vector_subcore>, window_params = [{transform_indices = #map}, {transform_indices = #map1}, {transform_indices = #map1}, {transform_indices = #map}, {transform_indices = #map}]} {
    "tpu.region"() ({
      %run_scoped3A = tpu.sem_alloc : memref<!tpu.dma_semaphore, #tpu.memory_space<semaphore_mem>>
      tpu.enqueue_dma source(%arg5 : memref<128x128xf32, #tpu.memory_space<hbm>>) target(%arg13 : memref<128x128xf32, #tpu.memory_space<vmem>>) target_semaphore(%run_scoped3A : memref<!tpu.dma_semaphore, #tpu.memory_space<semaphore_mem>>)
      tpu.wait_dma2 semaphore(%run_scoped3A : memref<!tpu.dma_semaphore, #tpu.memory_space<semaphore_mem>>) src(%arg5 : memref<128x128xf32, #tpu.memory_space<hbm>>) dst(%arg13 : memref<128x128xf32, #tpu.memory_space<vmem>>)
      tpu.yield
    }) : () -> ()
    %scan3A = arith.constant 0 : i32
    %scan3A_0 = arith.constant 5 : i32
    %scan3A_1 = arith.addi %scan3A, %scan3A_0 : i32
    %scan3A_2 = arith.constant 1 : i32
    scf.for %scan3A_27 = %scan3A to %scan3A_1 step %scan3A_2  : i32 {
      %mul3A_28 = arith.constant 640 : i32
      %mul3A_29 = arith.muli %arg1, %mul3A_28 : i32
      %mul3A_30 = arith.constant 128 : i32
      %mul3A_31 = arith.muli %scan3A_27, %mul3A_30 : i32
      %add3A_32 = arith.addi %mul3A_29, %mul3A_31 : i32
      "tpu.region"() ({
        %run_scoped3A = tpu.sem_alloc : memref<!tpu.dma_semaphore, #tpu.memory_space<semaphore_mem>>
        %dma_start3A_33 = arith.constant 0 : i32
        %dma_start3A_34 = tpu.memref_slice %arg14[%add3A_32, %dma_start3A_33] : memref<10240x128xf32, #tpu.memory_space<vmem_shared>> -> memref<128x128xf32, #tpu.memory_space<vmem_shared>>
        %dma_start3A_35 = arith.constant 0 : i32
        %dma_start3A_36 = tpu.memref_slice %arg14[%add3A_32, %dma_start3A_35] : memref<10240x128xf32, #tpu.memory_space<vmem_shared>> -> memref<128x128xf32, #tpu.memory_space<vmem_shared>>
        tpu.enqueue_dma source(%arg13 : memref<128x128xf32, #tpu.memory_space<vmem>>) target(%dma_start3A_36 : memref<128x128xf32, #tpu.memory_space<vmem_shared>>) target_semaphore(%run_scoped3A : memref<!tpu.dma_semaphore, #tpu.memory_space<semaphore_mem>>)
        %dma_wait3A_37 = arith.constant 0 : i32
        %dma_wait3A_38 = tpu.memref_slice %arg14[%add3A_32, %dma_wait3A_37] : memref<10240x128xf32, #tpu.memory_space<vmem_shared>> -> memref<128x128xf32, #tpu.memory_space<vmem_shared>>
        %dma_wait3A_39 = arith.constant 0 : i32
        %dma_wait3A_40 = tpu.memref_slice %arg14[%add3A_32, %dma_wait3A_39] : memref<10240x128xf32, #tpu.memory_space<vmem_shared>> -> memref<128x128xf32, #tpu.memory_space<vmem_shared>>
        tpu.wait_dma2 semaphore(%run_scoped3A : memref<!tpu.dma_semaphore, #tpu.memory_space<semaphore_mem>>) src(%arg13 : memref<128x128xf32, #tpu.memory_space<vmem>>) dst(%dma_wait3A_40 : memref<128x128xf32, #tpu.memory_space<vmem_shared>>)
        tpu.yield
      }) : () -> ()
    }
    %scan3A_3 = arith.constant 5 : i32
    %barrier3A = arith.constant 0 : index
    tpu.barrier barrier_id(%barrier3A)
    %mul3A = arith.constant 160000 : i32
    %mul3A_4 = arith.muli %arg0, %mul3A : i32
    %mul3A_5 = arith.constant 10000 : i32
    %mul3A_6 = arith.muli %arg1, %mul3A_5 : i32
    %add3A = arith.addi %mul3A_4, %mul3A_6 : i32
    %add3A_7 = arith.constant 0 : i32
    %add3A_8 = arith.addi %add3A, %add3A_7 : i32
    "tpu.region"() ({
      %run_scoped3A = tpu.sem_alloc : memref<!tpu.dma_semaphore, #tpu.memory_space<semaphore_mem>>
      %dma_start3A_27 = tpu.memref_slice %arg3[%add3A_8] : memref<320000xi32, #tpu.memory_space<hbm>> -> memref<80xi32, #tpu.memory_space<hbm>>
      %dma_start3A_28 = tpu.memref_slice %arg3[%add3A_8] : memref<320000xi32, #tpu.memory_space<hbm>> -> memref<80xi32, #tpu.memory_space<hbm>>
      tpu.enqueue_dma source(%dma_start3A_28 : memref<80xi32, #tpu.memory_space<hbm>>) target(%arg7 : memref<80xi32, #tpu.memory_space<vmem>>) target_semaphore(%run_scoped3A : memref<!tpu.dma_semaphore, #tpu.memory_space<semaphore_mem>>)
      %dma_wait3A_29 = tpu.memref_slice %arg3[%add3A_8] : memref<320000xi32, #tpu.memory_space<hbm>> -> memref<80xi32, #tpu.memory_space<hbm>>
      %dma_wait3A_30 = tpu.memref_slice %arg3[%add3A_8] : memref<320000xi32, #tpu.memory_space<hbm>> -> memref<80xi32, #tpu.memory_space<hbm>>
      tpu.wait_dma2 semaphore(%run_scoped3A : memref<!tpu.dma_semaphore, #tpu.memory_space<semaphore_mem>>) src(%dma_wait3A_30 : memref<80xi32, #tpu.memory_space<hbm>>) dst(%arg7 : memref<80xi32, #tpu.memory_space<vmem>>)
      tpu.yield
    }) : () -> ()
    "tpu.region"() ({
      %run_scoped3A = tpu.sem_alloc : memref<!tpu.dma_semaphore, #tpu.memory_space<semaphore_mem>>
      %dma_start3A_27 = tpu.memref_slice %arg4[%add3A_8] : memref<320000xi32, #tpu.memory_space<hbm>> -> memref<80xi32, #tpu.memory_space<hbm>>
      %dma_start3A_28 = tpu.memref_slice %arg4[%add3A_8] : memref<320000xi32, #tpu.memory_space<hbm>> -> memref<80xi32, #tpu.memory_space<hbm>>
      tpu.enqueue_dma source(%dma_start3A_28 : memref<80xi32, #tpu.memory_space<hbm>>) target(%arg8 : memref<80xi32, #tpu.memory_space<vmem>>) target_semaphore(%run_scoped3A : memref<!tpu.dma_semaphore, #tpu.memory_space<semaphore_mem>>)
      %dma_wait3A_29 = tpu.memref_slice %arg4[%add3A_8] : memref<320000xi32, #tpu.memory_space<hbm>> -> memref<80xi32, #tpu.memory_space<hbm>>
      %dma_wait3A_30 = tpu.memref_slice %arg4[%add3A_8] : memref<320000xi32, #tpu.memory_space<hbm>> -> memref<80xi32, #tpu.memory_space<hbm>>
      tpu.wait_dma2 semaphore(%run_scoped3A : memref<!tpu.dma_semaphore, #tpu.memory_space<semaphore_mem>>) src(%dma_wait3A_30 : memref<80xi32, #tpu.memory_space<hbm>>) dst(%arg8 : memref<80xi32, #tpu.memory_space<vmem>>)
      tpu.yield
    }) : () -> ()
    %dma_start3A = arith.constant 0 : i32
    %dma_start3A_9 = arith.constant 0 : i32
    %dma_start3A_10 = tpu.memref_slice %arg2[%dma_start3A, %dma_start3A_9] : memref<10240x128xf32, #tpu.memory_space<hbm>> -> memref<10240x128xf32, #tpu.memory_space<hbm>>
    tpu.enqueue_indirect_dma source(%dma_start3A_10 : memref<10240x128xf32, #tpu.memory_space<hbm>>) target(%arg9 : memref<80x128xf32, #tpu.memory_space<vmem>>) offsets(%arg7 : memref<80xi32, #tpu.memory_space<vmem>>) semaphore(%arg15 : memref<!tpu.dma_semaphore, #tpu.memory_space<semaphore_mem>>)
    %scan3A_11 = arith.constant 0 : i32
    %scan3A_12 = arith.constant 62 : i32
    %scan3A_13 = arith.addi %scan3A_11, %scan3A_12 : i32
    %scan3A_14 = arith.constant 1 : i32
    scf.for %scan3A_27 = %scan3A_11 to %scan3A_13 step %scan3A_14  : i32 {
      %mul3A_28 = arith.constant 2 : i32
      %mul3A_29 = arith.muli %mul3A_28, %scan3A_27 : i32
      %add3A_30 = arith.constant 1 : i32
      %add3A_31 = arith.addi %mul3A_29, %add3A_30 : i32
      %mul3A_32 = arith.constant 80 : i32
      %mul3A_33 = arith.muli %add3A_31, %mul3A_32 : i32
      %add3A_34 = arith.addi %add3A, %mul3A_33 : i32
      "tpu.region"() ({
        %run_scoped3A = tpu.sem_alloc : memref<!tpu.dma_semaphore, #tpu.memory_space<semaphore_mem>>
        %dma_start3A_60 = tpu.memref_slice %arg3[%add3A_34] : memref<320000xi32, #tpu.memory_space<hbm>> -> memref<80xi32, #tpu.memory_space<hbm>>
        %dma_start3A_61 = tpu.memref_slice %arg3[%add3A_34] : memref<320000xi32, #tpu.memory_space<hbm>> -> memref<80xi32, #tpu.memory_space<hbm>>
        tpu.enqueue_dma source(%dma_start3A_61 : memref<80xi32, #tpu.memory_space<hbm>>) target(%arg10 : memref<80xi32, #tpu.memory_space<vmem>>) target_semaphore(%run_scoped3A : memref<!tpu.dma_semaphore, #tpu.memory_space<semaphore_mem>>)
        %dma_wait3A_62 = tpu.memref_slice %arg3[%add3A_34] : memref<320000xi32, #tpu.memory_space<hbm>> -> memref<80xi32, #tpu.memory_space<hbm>>
        %dma_wait3A_63 = tpu.memref_slice %arg3[%add3A_34] : memref<320000xi32, #tpu.memory_space<hbm>> -> memref<80xi32, #tpu.memory_space<hbm>>
        tpu.wait_dma2 semaphore(%run_scoped3A : memref<!tpu.dma_semaphore, #tpu.memory_space<semaphore_mem>>) src(%dma_wait3A_63 : memref<80xi32, #tpu.memory_space<hbm>>) dst(%arg10 : memref<80xi32, #tpu.memory_space<vmem>>)
        tpu.yield
      }) : () -> ()
      "tpu.region"() ({
        %run_scoped3A = tpu.sem_alloc : memref<!tpu.dma_semaphore, #tpu.memory_space<semaphore_mem>>
        %dma_start3A_60 = tpu.memref_slice %arg4[%add3A_34] : memref<320000xi32, #tpu.memory_space<hbm>> -> memref<80xi32, #tpu.memory_space<hbm>>
        %dma_start3A_61 = tpu.memref_slice %arg4[%add3A_34] : memref<320000xi32, #tpu.memory_space<hbm>> -> memref<80xi32, #tpu.memory_space<hbm>>
        tpu.enqueue_dma source(%dma_start3A_61 : memref<80xi32, #tpu.memory_space<hbm>>) target(%arg11 : memref<80xi32, #tpu.memory_space<vmem>>) target_semaphore(%run_scoped3A : memref<!tpu.dma_semaphore, #tpu.memory_space<semaphore_mem>>)
        %dma_wait3A_62 = tpu.memref_slice %arg4[%add3A_34] : memref<320000xi32, #tpu.memory_space<hbm>> -> memref<80xi32, #tpu.memory_space<hbm>>
        %dma_wait3A_63 = tpu.memref_slice %arg4[%add3A_34] : memref<320000xi32, #tpu.memory_space<hbm>> -> memref<80xi32, #tpu.memory_space<hbm>>
        tpu.wait_dma2 semaphore(%run_scoped3A : memref<!tpu.dma_semaphore, #tpu.memory_space<semaphore_mem>>) src(%dma_wait3A_63 : memref<80xi32, #tpu.memory_space<hbm>>) dst(%arg11 : memref<80xi32, #tpu.memory_space<vmem>>)
        tpu.yield
      }) : () -> ()
      %dma_start3A_35 = arith.constant 0 : i32
      %dma_start3A_36 = arith.constant 0 : i32
      %dma_start3A_37 = tpu.memref_slice %arg2[%dma_start3A_35, %dma_start3A_36] : memref<10240x128xf32, #tpu.memory_space<hbm>> -> memref<10240x128xf32, #tpu.memory_space<hbm>>
      tpu.enqueue_indirect_dma source(%dma_start3A_37 : memref<10240x128xf32, #tpu.memory_space<hbm>>) target(%arg12 : memref<80x128xf32, #tpu.memory_space<vmem>>) offsets(%arg10 : memref<80xi32, #tpu.memory_space<vmem>>) semaphore(%arg16 : memref<!tpu.dma_semaphore, #tpu.memory_space<semaphore_mem>>)
      %dma_wait3A_38 = arith.constant 0 : i32
      %dma_wait3A_39 = arith.constant 0 : i32
      %dma_wait3A_40 = tpu.memref_slice %arg2[%dma_wait3A_38, %dma_wait3A_39] : memref<10240x128xf32, #tpu.memory_space<hbm>> -> memref<80x128xf32, #tpu.memory_space<hbm>>
      %dma_wait3A_41 = arith.constant 0 : i32
      %dma_wait3A_42 = arith.constant 0 : i32
      %dma_wait3A_43 = tpu.memref_slice %arg2[%dma_wait3A_41, %dma_wait3A_42] : memref<10240x128xf32, #tpu.memory_space<hbm>> -> memref<80x128xf32, #tpu.memory_space<hbm>>
      tpu.wait_dma2 semaphore(%arg15 : memref<!tpu.dma_semaphore, #tpu.memory_space<semaphore_mem>>) src(%dma_wait3A_43 : memref<80x128xf32, #tpu.memory_space<hbm>>) dst(%arg9 : memref<80x128xf32, #tpu.memory_space<vmem>>)
      "tpu.region"() ({
        %run_scoped3A = tpu.sem_alloc : memref<!tpu.dma_semaphore, #tpu.memory_space<semaphore_mem>>
        %dma_start3A_60 = arith.constant 0 : i32
        %dma_start3A_61 = arith.constant 0 : i32
        %dma_start3A_62 = tpu.memref_slice %arg14[%dma_start3A_60, %dma_start3A_61] : memref<10240x128xf32, #tpu.memory_space<vmem_shared>> -> memref<10240x128xf32, #tpu.memory_space<vmem_shared>>
        tpu.enqueue_indirect_dma source(%arg9 : memref<80x128xf32, #tpu.memory_space<vmem>>) target(%dma_start3A_62 : memref<10240x128xf32, #tpu.memory_space<vmem_shared>>) offsets(%arg8 : memref<80xi32, #tpu.memory_space<vmem>>) semaphore(%run_scoped3A : memref<!tpu.dma_semaphore, #tpu.memory_space<semaphore_mem>>) {add = true}
        %dma_wait3A_63 = arith.constant 0 : i32
        %dma_wait3A_64 = arith.constant 0 : i32
        %dma_wait3A_65 = tpu.memref_slice %arg14[%dma_wait3A_63, %dma_wait3A_64] : memref<10240x128xf32, #tpu.memory_space<vmem_shared>> -> memref<10240x128xf32, #tpu.memory_space<vmem_shared>>
        tpu.wait_indirect_dma semaphore(%run_scoped3A : memref<!tpu.dma_semaphore, #tpu.memory_space<semaphore_mem>>) src(%arg9 : memref<80x128xf32, #tpu.memory_space<vmem>>) dst(%dma_wait3A_65 : memref<10240x128xf32, #tpu.memory_space<vmem_shared>>)
        tpu.yield
      }) : () -> ()
      %mul3A_44 = arith.constant 2 : i32
      %mul3A_45 = arith.muli %mul3A_44, %scan3A_27 : i32
      %add3A_46 = arith.constant 2 : i32
      %add3A_47 = arith.addi %mul3A_45, %add3A_46 : i32
      %mul3A_48 = arith.constant 80 : i32
      %mul3A_49 = arith.muli %add3A_47, %mul3A_48 : i32
      %add3A_50 = arith.addi %add3A, %mul3A_49 : i32
      "tpu.region"() ({
        %run_scoped3A = tpu.sem_alloc : memref<!tpu.dma_semaphore, #tpu.memory_space<semaphore_mem>>
        %dma_start3A_60 = tpu.memref_slice %arg3[%add3A_50] : memref<320000xi32, #tpu.memory_space<hbm>> -> memref<80xi32, #tpu.memory_space<hbm>>
        %dma_start3A_61 = tpu.memref_slice %arg3[%add3A_50] : memref<320000xi32, #tpu.memory_space<hbm>> -> memref<80xi32, #tpu.memory_space<hbm>>
        tpu.enqueue_dma source(%dma_start3A_61 : memref<80xi32, #tpu.memory_space<hbm>>) target(%arg7 : memref<80xi32, #tpu.memory_space<vmem>>) target_semaphore(%run_scoped3A : memref<!tpu.dma_semaphore, #tpu.memory_space<semaphore_mem>>)
        %dma_wait3A_62 = tpu.memref_slice %arg3[%add3A_50] : memref<320000xi32, #tpu.memory_space<hbm>> -> memref<80xi32, #tpu.memory_space<hbm>>
        %dma_wait3A_63 = tpu.memref_slice %arg3[%add3A_50] : memref<320000xi32, #tpu.memory_space<hbm>> -> memref<80xi32, #tpu.memory_space<hbm>>
        tpu.wait_dma2 semaphore(%run_scoped3A : memref<!tpu.dma_semaphore, #tpu.memory_space<semaphore_mem>>) src(%dma_wait3A_63 : memref<80xi32, #tpu.memory_space<hbm>>) dst(%arg7 : memref<80xi32, #tpu.memory_space<vmem>>)
        tpu.yield
      }) : () -> ()
      "tpu.region"() ({
        %run_scoped3A = tpu.sem_alloc : memref<!tpu.dma_semaphore, #tpu.memory_space<semaphore_mem>>
        %dma_start3A_60 = tpu.memref_slice %arg4[%add3A_50] : memref<320000xi32, #tpu.memory_space<hbm>> -> memref<80xi32, #tpu.memory_space<hbm>>
        %dma_start3A_61 = tpu.memref_slice %arg4[%add3A_50] : memref<320000xi32, #tpu.memory_space<hbm>> -> memref<80xi32, #tpu.memory_space<hbm>>
        tpu.enqueue_dma source(%dma_start3A_61 : memref<80xi32, #tpu.memory_space<hbm>>) target(%arg8 : memref<80xi32, #tpu.memory_space<vmem>>) target_semaphore(%run_scoped3A : memref<!tpu.dma_semaphore, #tpu.memory_space<semaphore_mem>>)
        %dma_wait3A_62 = tpu.memref_slice %arg4[%add3A_50] : memref<320000xi32, #tpu.memory_space<hbm>> -> memref<80xi32, #tpu.memory_space<hbm>>
        %dma_wait3A_63 = tpu.memref_slice %arg4[%add3A_50] : memref<320000xi32, #tpu.memory_space<hbm>> -> memref<80xi32, #tpu.memory_space<hbm>>
        tpu.wait_dma2 semaphore(%run_scoped3A : memref<!tpu.dma_semaphore, #tpu.memory_space<semaphore_mem>>) src(%dma_wait3A_63 : memref<80xi32, #tpu.memory_space<hbm>>) dst(%arg8 : memref<80xi32, #tpu.memory_space<vmem>>)
        tpu.yield
      }) : () -> ()
      %dma_start3A_51 = arith.constant 0 : i32
      %dma_start3A_52 = arith.constant 0 : i32
      %dma_start3A_53 = tpu.memref_slice %arg2[%dma_start3A_51, %dma_start3A_52] : memref<10240x128xf32, #tpu.memory_space<hbm>> -> memref<10240x128xf32, #tpu.memory_space<hbm>>
      tpu.enqueue_indirect_dma source(%dma_start3A_53 : memref<10240x128xf32, #tpu.memory_space<hbm>>) target(%arg9 : memref<80x128xf32, #tpu.memory_space<vmem>>) offsets(%arg7 : memref<80xi32, #tpu.memory_space<vmem>>) semaphore(%arg15 : memref<!tpu.dma_semaphore, #tpu.memory_space<semaphore_mem>>)
      %dma_wait3A_54 = arith.constant 0 : i32
      %dma_wait3A_55 = arith.constant 0 : i32
      %dma_wait3A_56 = tpu.memref_slice %arg2[%dma_wait3A_54, %dma_wait3A_55] : memref<10240x128xf32, #tpu.memory_space<hbm>> -> memref<80x128xf32, #tpu.memory_space<hbm>>
      %dma_wait3A_57 = arith.constant 0 : i32
      %dma_wait3A_58 = arith.constant 0 : i32
      %dma_wait3A_59 = tpu.memref_slice %arg2[%dma_wait3A_57, %dma_wait3A_58] : memref<10240x128xf32, #tpu.memory_space<hbm>> -> memref<80x128xf32, #tpu.memory_space<hbm>>
      tpu.wait_dma2 semaphore(%arg16 : memref<!tpu.dma_semaphore, #tpu.memory_space<semaphore_mem>>) src(%dma_wait3A_59 : memref<80x128xf32, #tpu.memory_space<hbm>>) dst(%arg12 : memref<80x128xf32, #tpu.memory_space<vmem>>)
      "tpu.region"() ({
        %run_scoped3A = tpu.sem_alloc : memref<!tpu.dma_semaphore, #tpu.memory_space<semaphore_mem>>
        %dma_start3A_60 = arith.constant 0 : i32
        %dma_start3A_61 = arith.constant 0 : i32
        %dma_start3A_62 = tpu.memref_slice %arg14[%dma_start3A_60, %dma_start3A_61] : memref<10240x128xf32, #tpu.memory_space<vmem_shared>> -> memref<10240x128xf32, #tpu.memory_space<vmem_shared>>
        tpu.enqueue_indirect_dma source(%arg12 : memref<80x128xf32, #tpu.memory_space<vmem>>) target(%dma_start3A_62 : memref<10240x128xf32, #tpu.memory_space<vmem_shared>>) offsets(%arg11 : memref<80xi32, #tpu.memory_space<vmem>>) semaphore(%run_scoped3A : memref<!tpu.dma_semaphore, #tpu.memory_space<semaphore_mem>>) {add = true}
        %dma_wait3A_63 = arith.constant 0 : i32
        %dma_wait3A_64 = arith.constant 0 : i32
        %dma_wait3A_65 = tpu.memref_slice %arg14[%dma_wait3A_63, %dma_wait3A_64] : memref<10240x128xf32, #tpu.memory_space<vmem_shared>> -> memref<10240x128xf32, #tpu.memory_space<vmem_shared>>
        tpu.wait_indirect_dma semaphore(%run_scoped3A : memref<!tpu.dma_semaphore, #tpu.memory_space<semaphore_mem>>) src(%arg12 : memref<80x128xf32, #tpu.memory_space<vmem>>) dst(%dma_wait3A_65 : memref<10240x128xf32, #tpu.memory_space<vmem_shared>>)
        tpu.yield
      }) : () -> ()
    }
    %scan3A_15 = arith.constant 62 : i32
    %dma_wait3A = arith.constant 0 : i32
    %dma_wait3A_16 = arith.constant 0 : i32
    %dma_wait3A_17 = tpu.memref_slice %arg2[%dma_wait3A, %dma_wait3A_16] : memref<10240x128xf32, #tpu.memory_space<hbm>> -> memref<80x128xf32, #tpu.memory_space<hbm>>
    %dma_wait3A_18 = arith.constant 0 : i32
    %dma_wait3A_19 = arith.constant 0 : i32
    %dma_wait3A_20 = tpu.memref_slice %arg2[%dma_wait3A_18, %dma_wait3A_19] : memref<10240x128xf32, #tpu.memory_space<hbm>> -> memref<80x128xf32, #tpu.memory_space<hbm>>
    tpu.wait_dma2 semaphore(%arg15 : memref<!tpu.dma_semaphore, #tpu.memory_space<semaphore_mem>>) src(%dma_wait3A_20 : memref<80x128xf32, #tpu.memory_space<hbm>>) dst(%arg9 : memref<80x128xf32, #tpu.memory_space<vmem>>)
    "tpu.region"() ({
      %run_scoped3A = tpu.sem_alloc : memref<!tpu.dma_semaphore, #tpu.memory_space<semaphore_mem>>
      %dma_start3A_27 = arith.constant 0 : i32
      %dma_start3A_28 = arith.constant 0 : i32
      %dma_start3A_29 = tpu.memref_slice %arg14[%dma_start3A_27, %dma_start3A_28] : memref<10240x128xf32, #tpu.memory_space<vmem_shared>> -> memref<10240x128xf32, #tpu.memory_space<vmem_shared>>
      tpu.enqueue_indirect_dma source(%arg9 : memref<80x128xf32, #tpu.memory_space<vmem>>) target(%dma_start3A_29 : memref<10240x128xf32, #tpu.memory_space<vmem_shared>>) offsets(%arg8 : memref<80xi32, #tpu.memory_space<vmem>>) semaphore(%run_scoped3A : memref<!tpu.dma_semaphore, #tpu.memory_space<semaphore_mem>>) {add = true}
      %dma_wait3A_30 = arith.constant 0 : i32
      %dma_wait3A_31 = arith.constant 0 : i32
      %dma_wait3A_32 = tpu.memref_slice %arg14[%dma_wait3A_30, %dma_wait3A_31] : memref<10240x128xf32, #tpu.memory_space<vmem_shared>> -> memref<10240x128xf32, #tpu.memory_space<vmem_shared>>
      tpu.wait_indirect_dma semaphore(%run_scoped3A : memref<!tpu.dma_semaphore, #tpu.memory_space<semaphore_mem>>) src(%arg9 : memref<80x128xf32, #tpu.memory_space<vmem>>) dst(%dma_wait3A_32 : memref<10240x128xf32, #tpu.memory_space<vmem_shared>>)
      tpu.yield
    }) : () -> ()
    %barrier3A_21 = arith.constant 0 : index
    tpu.barrier barrier_id(%barrier3A_21)
    %scan3A_22 = arith.constant 0 : i32
    %scan3A_23 = arith.constant 5 : i32
    %scan3A_24 = arith.addi %scan3A_22, %scan3A_23 : i32
    %scan3A_25 = arith.constant 1 : i32
    scf.for %scan3A_27 = %scan3A_22 to %scan3A_24 step %scan3A_25  : i32 {
      %mul3A_28 = arith.constant 640 : i32
      %mul3A_29 = arith.muli %arg1, %mul3A_28 : i32
      %mul3A_30 = arith.constant 128 : i32
      %mul3A_31 = arith.muli %scan3A_27, %mul3A_30 : i32
      %add3A_32 = arith.addi %mul3A_29, %mul3A_31 : i32
      "tpu.region"() ({
        %run_scoped3A = tpu.sem_alloc : memref<!tpu.dma_semaphore, #tpu.memory_space<semaphore_mem>>
        %dma_start3A_36 = arith.constant 0 : i32
        %dma_start3A_37 = tpu.memref_slice %arg14[%add3A_32, %dma_start3A_36] : memref<10240x128xf32, #tpu.memory_space<vmem_shared>> -> memref<128x128xf32, #tpu.memory_space<vmem_shared>>
        %dma_start3A_38 = arith.constant 0 : i32
        %dma_start3A_39 = tpu.memref_slice %arg14[%add3A_32, %dma_start3A_38] : memref<10240x128xf32, #tpu.memory_space<vmem_shared>> -> memref<128x128xf32, #tpu.memory_space<vmem_shared>>
        tpu.enqueue_dma source(%dma_start3A_39 : memref<128x128xf32, #tpu.memory_space<vmem_shared>>) target(%arg13 : memref<128x128xf32, #tpu.memory_space<vmem>>) target_semaphore(%run_scoped3A : memref<!tpu.dma_semaphore, #tpu.memory_space<semaphore_mem>>)
        %dma_wait3A_40 = arith.constant 0 : i32
        %dma_wait3A_41 = tpu.memref_slice %arg14[%add3A_32, %dma_wait3A_40] : memref<10240x128xf32, #tpu.memory_space<vmem_shared>> -> memref<128x128xf32, #tpu.memory_space<vmem_shared>>
        %dma_wait3A_42 = arith.constant 0 : i32
        %dma_wait3A_43 = tpu.memref_slice %arg14[%add3A_32, %dma_wait3A_42] : memref<10240x128xf32, #tpu.memory_space<vmem_shared>> -> memref<128x128xf32, #tpu.memory_space<vmem_shared>>
        tpu.wait_dma2 semaphore(%run_scoped3A : memref<!tpu.dma_semaphore, #tpu.memory_space<semaphore_mem>>) src(%dma_wait3A_43 : memref<128x128xf32, #tpu.memory_space<vmem_shared>>) dst(%arg13 : memref<128x128xf32, #tpu.memory_space<vmem>>)
        tpu.yield
      }) : () -> ()
      %mul3A_33 = arith.constant 10240 : i32
      %mul3A_34 = arith.muli %arg0, %mul3A_33 : i32
      %add3A_35 = arith.addi %mul3A_34, %add3A_32 : i32
      "tpu.region"() ({
        %run_scoped3A = tpu.sem_alloc : memref<!tpu.dma_semaphore, #tpu.memory_space<semaphore_mem>>
        %dma_start3A_36 = arith.constant 0 : i32
        %dma_start3A_37 = tpu.memref_slice %arg6[%add3A_35, %dma_start3A_36] : memref<20480x128xf32, #tpu.memory_space<hbm>> -> memref<128x128xf32, #tpu.memory_space<hbm>>
        %dma_start3A_38 = arith.constant 0 : i32
        %dma_start3A_39 = tpu.memref_slice %arg6[%add3A_35, %dma_start3A_38] : memref<20480x128xf32, #tpu.memory_space<hbm>> -> memref<128x128xf32, #tpu.memory_space<hbm>>
        tpu.enqueue_dma source(%arg13 : memref<128x128xf32, #tpu.memory_space<vmem>>) target(%dma_start3A_39 : memref<128x128xf32, #tpu.memory_space<hbm>>) target_semaphore(%run_scoped3A : memref<!tpu.dma_semaphore, #tpu.memory_space<semaphore_mem>>)
        %dma_wait3A_40 = arith.constant 0 : i32
        %dma_wait3A_41 = tpu.memref_slice %arg6[%add3A_35, %dma_wait3A_40] : memref<20480x128xf32, #tpu.memory_space<hbm>> -> memref<128x128xf32, #tpu.memory_space<hbm>>
        %dma_wait3A_42 = arith.constant 0 : i32
        %dma_wait3A_43 = tpu.memref_slice %arg6[%add3A_35, %dma_wait3A_42] : memref<20480x128xf32, #tpu.memory_space<hbm>> -> memref<128x128xf32, #tpu.memory_space<hbm>>
        tpu.wait_dma2 semaphore(%run_scoped3A : memref<!tpu.dma_semaphore, #tpu.memory_space<semaphore_mem>>) src(%arg13 : memref<128x128xf32, #tpu.memory_space<vmem>>) dst(%dma_wait3A_43 : memref<128x128xf32, #tpu.memory_space<hbm>>)
        tpu.yield
      }) : () -> ()
    }
    %scan3A_26 = arith.constant 5 : i32
    return
  }
}

#map = affine_map<(d0, d1) -> (0)>
module attributes {stable_mosaic.version = 14 : i64} {
  func.func @_sc_deg(%arg0: i32, %arg1: i32, %arg2: memref<320000xi32, #tpu.memory_space<hbm>>, %arg3: memref<320000xi32, #tpu.memory_space<hbm>>, %arg4: memref<327680xf32, #tpu.memory_space<hbm>>, %arg5: memref<2000xi32, #tpu.memory_space<vmem>>, %arg6: memref<40976xf32, #tpu.memory_space<vmem>>, %arg7: memref<2560xf32, #tpu.memory_space<vmem>>, %arg8: memref<16x40960xf32, #tpu.memory_space<vmem_shared>>) attributes {dimension_semantics = [#tpu.dimension_semantics<core_parallel>, #tpu.dimension_semantics<subcore_parallel>], iteration_bounds = array<i64: 2, 16>, scalar_prefetch = 0 : i64, scratch_operands = 4 : i64, tpu.core_type = #tpu.core_type<sc_vector_subcore>, window_params = [{transform_indices = #map}, {transform_indices = #map}, {transform_indices = #map}]} {
    %iota3A = tpu.iota {dimensions = array<i32: 0>} : vector<16xi32>
    %broadcast_in_dim3A = arith.constant 1.000000e+00 : f32
    %broadcast_in_dim3A_0 = vector.broadcast %broadcast_in_dim3A : f32 to vector<16xf32>
    %broadcast_in_dim3A_1 = arith.constant 0.000000e+00 : f32
    %broadcast_in_dim3A_2 = vector.broadcast %broadcast_in_dim3A_1 : f32 to vector<16xf32>
    %scan3A = arith.constant 0 : i32
    %scan3A_3 = arith.constant 2561 : i32
    %scan3A_4 = arith.addi %scan3A, %scan3A_3 : i32
    %scan3A_5 = arith.constant 1 : i32
    scf.for %scan3A_140 = %scan3A to %scan3A_4 step %scan3A_5  : i32 {
      %mul3A_141 = arith.constant 16 : i32
      %mul3A_142 = arith.muli %scan3A_140, %mul3A_141 : i32
      %swap3A = arith.index_cast %mul3A_142 : i32 to index
      %swap3A_143 = tpu.vector_load %arg6[%swap3A] {strides = array<i32>} : memref<40976xf32, #tpu.memory_space<vmem>>, vector<16xf32>,
      tpu.vector_store %arg6[%swap3A], %broadcast_in_dim3A_2 {strides = array<i32>} : memref<40976xf32, #tpu.memory_space<vmem>>, vector<16xf32>,
    }
    %scan3A_6 = arith.constant 2561 : i32
    %eq3A = arith.constant 0 : i32
    %eq3A_7 = arith.cmpi eq, %arg0, %eq3A : i32
    %convert_element_type3A = arith.extui %eq3A_7 : i1 to i32
    %cond3A = arith.constant 0 : i32
    %cond3A_8 = arith.cmpi ne, %convert_element_type3A, %cond3A : i32
    scf.if %cond3A_8 {
      %scan3A_140 = arith.constant 0 : i32
      %scan3A_141 = arith.constant 10 : i32
      %scan3A_142 = arith.addi %scan3A_140, %scan3A_141 : i32
      %scan3A_143 = arith.constant 1 : i32
      scf.for %scan3A_145 = %scan3A_140 to %scan3A_142 step %scan3A_143  : i32 {
        %mul3A_146 = arith.constant 20000 : i32
        %mul3A_147 = arith.muli %arg1, %mul3A_146 : i32
        %mul3A_148 = arith.constant 2000 : i32
        %mul3A_149 = arith.muli %scan3A_145, %mul3A_148 : i32
        %add3A_150 = arith.addi %mul3A_147, %mul3A_149 : i32
        "tpu.region"() ({
          %run_scoped3A = tpu.sem_alloc : memref<!tpu.dma_semaphore, #tpu.memory_space<semaphore_mem>>
          %dma_start3A = tpu.memref_slice %arg2[%add3A_150] : memref<320000xi32, #tpu.memory_space<hbm>> -> memref<2000xi32, #tpu.memory_space<hbm>>
          %dma_start3A_156 = tpu.memref_slice %arg2[%add3A_150] : memref<320000xi32, #tpu.memory_space<hbm>> -> memref<2000xi32, #tpu.memory_space<hbm>>
          tpu.enqueue_dma source(%dma_start3A_156 : memref<2000xi32, #tpu.memory_space<hbm>>) target(%arg5 : memref<2000xi32, #tpu.memory_space<vmem>>) target_semaphore(%run_scoped3A : memref<!tpu.dma_semaphore, #tpu.memory_space<semaphore_mem>>)
          %dma_wait3A = tpu.memref_slice %arg2[%add3A_150] : memref<320000xi32, #tpu.memory_space<hbm>> -> memref<2000xi32, #tpu.memory_space<hbm>>
          %dma_wait3A_157 = tpu.memref_slice %arg2[%add3A_150] : memref<320000xi32, #tpu.memory_space<hbm>> -> memref<2000xi32, #tpu.memory_space<hbm>>
          tpu.wait_dma2 semaphore(%run_scoped3A : memref<!tpu.dma_semaphore, #tpu.memory_space<semaphore_mem>>) src(%dma_wait3A_157 : memref<2000xi32, #tpu.memory_space<hbm>>) dst(%arg5 : memref<2000xi32, #tpu.memory_space<vmem>>)
          tpu.yield
        }) : () -> ()
        %scan3A_151 = arith.constant 0 : i32
        %scan3A_152 = arith.constant 125 : i32
        %scan3A_153 = arith.addi %scan3A_151, %scan3A_152 : i32
        %scan3A_154 = arith.constant 1 : i32
        scf.for %scan3A_156 = %scan3A_151 to %scan3A_153 step %scan3A_154  : i32 {
          %mul3A_157 = arith.constant 16 : i32
          %mul3A_158 = arith.muli %scan3A_156, %mul3A_157 : i32
          %get3A = arith.index_cast %mul3A_158 : i32 to index
          %get3A_159 = tpu.vector_load %arg5[%get3A] {strides = array<i32>} : memref<2000xi32, #tpu.memory_space<vmem>>, vector<16xi32>,
          %sub3A = arith.constant 0 : i32
          %sub3A_160 = vector.broadcast %sub3A : i32 to vector<16xi32>
          %sub3A_161 = arith.subi %get3A_159, %sub3A_160 : vector<16xi32>
          %ge3A = arith.constant 0 : i32
          %ge3A_162 = vector.broadcast %ge3A : i32 to vector<16xi32>
          %ge3A_163 = arith.cmpi sge, %sub3A_161, %ge3A_162 : vector<16xi32>
          %lt3A = arith.constant 2560 : i32
          %lt3A_164 = vector.broadcast %lt3A : i32 to vector<16xi32>
          %lt3A_165 = arith.cmpi slt, %sub3A_161, %lt3A_164 : vector<16xi32>
          %and3A = arith.andi %ge3A_163, %lt3A_165 : vector<16xi1>
          %jit3A = arith.constant 2560 : i32
          %broadcast_in_dim3A_166 = vector.broadcast %jit3A : i32 to vector<16xi32>
          %select_n3A = arith.select %and3A, %sub3A_161, %broadcast_in_dim3A_166 : vector<16xi1>, vector<16xi32>
          %mul3A_167 = arith.constant 16 : i32
          %mul3A_168 = vector.broadcast %mul3A_167 : i32 to vector<16xi32>
          %mul3A_169 = arith.muli %select_n3A, %mul3A_168 : vector<16xi32>
          %add3A_170 = arith.addi %mul3A_169, %iota3A : vector<16xi32>
          %gather3A = tpu.vector_load_idx %arg6[%add3A_170] : memref<40976xf32, #tpu.memory_space<vmem>>[vector<16xi32>], vector<16xf32>,
          %add3A_171 = arith.addf %gather3A, %broadcast_in_dim3A_0 : vector<16xf32>
          tpu.vector_store_idx %arg6[%add3A_170], %add3A_171 : memref<40976xf32, #tpu.memory_space<vmem>>[vector<16xi32>], vector<16xf32>,
        }
        %scan3A_155 = arith.constant 125 : i32
      }
      %scan3A_144 = arith.constant 10 : i32
    } else {
    }
    %eq3A_9 = arith.constant 1 : i32
    %eq3A_10 = arith.cmpi eq, %arg0, %eq3A_9 : i32
    %convert_element_type3A_11 = arith.extui %eq3A_10 : i1 to i32
    %cond3A_12 = arith.constant 0 : i32
    %cond3A_13 = arith.cmpi ne, %convert_element_type3A_11, %cond3A_12 : i32
    scf.if %cond3A_13 {
      %scan3A_140 = arith.constant 0 : i32
      %scan3A_141 = arith.constant 10 : i32
      %scan3A_142 = arith.addi %scan3A_140, %scan3A_141 : i32
      %scan3A_143 = arith.constant 1 : i32
      scf.for %scan3A_145 = %scan3A_140 to %scan3A_142 step %scan3A_143  : i32 {
        %mul3A_146 = arith.constant 20000 : i32
        %mul3A_147 = arith.muli %arg1, %mul3A_146 : i32
        %mul3A_148 = arith.constant 2000 : i32
        %mul3A_149 = arith.muli %scan3A_145, %mul3A_148 : i32
        %add3A_150 = arith.addi %mul3A_147, %mul3A_149 : i32
        "tpu.region"() ({
          %run_scoped3A = tpu.sem_alloc : memref<!tpu.dma_semaphore, #tpu.memory_space<semaphore_mem>>
          %dma_start3A = tpu.memref_slice %arg3[%add3A_150] : memref<320000xi32, #tpu.memory_space<hbm>> -> memref<2000xi32, #tpu.memory_space<hbm>>
          %dma_start3A_156 = tpu.memref_slice %arg3[%add3A_150] : memref<320000xi32, #tpu.memory_space<hbm>> -> memref<2000xi32, #tpu.memory_space<hbm>>
          tpu.enqueue_dma source(%dma_start3A_156 : memref<2000xi32, #tpu.memory_space<hbm>>) target(%arg5 : memref<2000xi32, #tpu.memory_space<vmem>>) target_semaphore(%run_scoped3A : memref<!tpu.dma_semaphore, #tpu.memory_space<semaphore_mem>>)
          %dma_wait3A = tpu.memref_slice %arg3[%add3A_150] : memref<320000xi32, #tpu.memory_space<hbm>> -> memref<2000xi32, #tpu.memory_space<hbm>>
          %dma_wait3A_157 = tpu.memref_slice %arg3[%add3A_150] : memref<320000xi32, #tpu.memory_space<hbm>> -> memref<2000xi32, #tpu.memory_space<hbm>>
          tpu.wait_dma2 semaphore(%run_scoped3A : memref<!tpu.dma_semaphore, #tpu.memory_space<semaphore_mem>>) src(%dma_wait3A_157 : memref<2000xi32, #tpu.memory_space<hbm>>) dst(%arg5 : memref<2000xi32, #tpu.memory_space<vmem>>)
          tpu.yield
        }) : () -> ()
        %scan3A_151 = arith.constant 0 : i32
        %scan3A_152 = arith.constant 125 : i32
        %scan3A_153 = arith.addi %scan3A_151, %scan3A_152 : i32
        %scan3A_154 = arith.constant 1 : i32
        scf.for %scan3A_156 = %scan3A_151 to %scan3A_153 step %scan3A_154  : i32 {
          %mul3A_157 = arith.constant 16 : i32
          %mul3A_158 = arith.muli %scan3A_156, %mul3A_157 : i32
          %get3A = arith.index_cast %mul3A_158 : i32 to index
          %get3A_159 = tpu.vector_load %arg5[%get3A] {strides = array<i32>} : memref<2000xi32, #tpu.memory_space<vmem>>, vector<16xi32>,
          %sub3A = arith.constant 0 : i32
          %sub3A_160 = vector.broadcast %sub3A : i32 to vector<16xi32>
          %sub3A_161 = arith.subi %get3A_159, %sub3A_160 : vector<16xi32>
          %ge3A = arith.constant 0 : i32
          %ge3A_162 = vector.broadcast %ge3A : i32 to vector<16xi32>
          %ge3A_163 = arith.cmpi sge, %sub3A_161, %ge3A_162 : vector<16xi32>
          %lt3A = arith.constant 2560 : i32
          %lt3A_164 = vector.broadcast %lt3A : i32 to vector<16xi32>
          %lt3A_165 = arith.cmpi slt, %sub3A_161, %lt3A_164 : vector<16xi32>
          %and3A = arith.andi %ge3A_163, %lt3A_165 : vector<16xi1>
          %jit3A = arith.constant 2560 : i32
          %broadcast_in_dim3A_166 = vector.broadcast %jit3A : i32 to vector<16xi32>
          %select_n3A = arith.select %and3A, %sub3A_161, %broadcast_in_dim3A_166 : vector<16xi1>, vector<16xi32>
          %mul3A_167 = arith.constant 16 : i32
          %mul3A_168 = vector.broadcast %mul3A_167 : i32 to vector<16xi32>
          %mul3A_169 = arith.muli %select_n3A, %mul3A_168 : vector<16xi32>
          %add3A_170 = arith.addi %mul3A_169, %iota3A : vector<16xi32>
          %gather3A = tpu.vector_load_idx %arg6[%add3A_170] : memref<40976xf32, #tpu.memory_space<vmem>>[vector<16xi32>], vector<16xf32>,
          %add3A_171 = arith.addf %gather3A, %broadcast_in_dim3A_0 : vector<16xf32>
          tpu.vector_store_idx %arg6[%add3A_170], %add3A_171 : memref<40976xf32, #tpu.memory_space<vmem>>[vector<16xi32>], vector<16xf32>,
        }
        %scan3A_155 = arith.constant 125 : i32
      }
      %scan3A_144 = arith.constant 10 : i32
    } else {
    }
    "tpu.region"() ({
      %run_scoped3A = tpu.sem_alloc : memref<!tpu.dma_semaphore, #tpu.memory_space<semaphore_mem>>
      %dma_start3A = arith.constant 0 : i32
      %dma_start3A_140 = tpu.memref_slice %arg6[%dma_start3A] : memref<40976xf32, #tpu.memory_space<vmem>> -> memref<40960xf32, #tpu.memory_space<vmem>>
      %dma_start3A_141 = arith.constant 0 : i32
      %dma_start3A_142 = tpu.memref_slice %arg8[%arg1, %dma_start3A_141] : memref<16x40960xf32, #tpu.memory_space<vmem_shared>> -> memref<1x40960xf32, #tpu.memory_space<vmem_shared>>
      %dma_start3A_143 = tpu.memref_squeeze %dma_start3A_142 : memref<1x40960xf32, #tpu.memory_space<vmem_shared>> -> memref<40960xf32, #tpu.memory_space<vmem_shared>>
      %dma_start3A_144 = arith.constant 0 : i32
      %dma_start3A_145 = tpu.memref_slice %arg8[%arg1, %dma_start3A_144] : memref<16x40960xf32, #tpu.memory_space<vmem_shared>> -> memref<1x40960xf32, #tpu.memory_space<vmem_shared>>
      %dma_start3A_146 = tpu.memref_squeeze %dma_start3A_145 : memref<1x40960xf32, #tpu.memory_space<vmem_shared>> -> memref<40960xf32, #tpu.memory_space<vmem_shared>>
      %dma_start3A_147 = arith.constant 0 : i32
      %dma_start3A_148 = tpu.memref_slice %arg6[%dma_start3A_147] : memref<40976xf32, #tpu.memory_space<vmem>> -> memref<40960xf32, #tpu.memory_space<vmem>>
      tpu.enqueue_dma source(%dma_start3A_148 : memref<40960xf32, #tpu.memory_space<vmem>>) target(%dma_start3A_146 : memref<40960xf32, #tpu.memory_space<vmem_shared>>) target_semaphore(%run_scoped3A : memref<!tpu.dma_semaphore, #tpu.memory_space<semaphore_mem>>)
      %dma_wait3A = arith.constant 0 : i32
      %dma_wait3A_149 = tpu.memref_slice %arg6[%dma_wait3A] : memref<40976xf32, #tpu.memory_space<vmem>> -> memref<40960xf32, #tpu.memory_space<vmem>>
      %dma_wait3A_150 = arith.constant 0 : i32
      %dma_wait3A_151 = tpu.memref_slice %arg8[%arg1, %dma_wait3A_150] : memref<16x40960xf32, #tpu.memory_space<vmem_shared>> -> memref<1x40960xf32, #tpu.memory_space<vmem_shared>>
      %dma_wait3A_152 = tpu.memref_squeeze %dma_wait3A_151 : memref<1x40960xf32, #tpu.memory_space<vmem_shared>> -> memref<40960xf32, #tpu.memory_space<vmem_shared>>
      %dma_wait3A_153 = arith.constant 0 : i32
      %dma_wait3A_154 = tpu.memref_slice %arg8[%arg1, %dma_wait3A_153] : memref<16x40960xf32, #tpu.memory_space<vmem_shared>> -> memref<1x40960xf32, #tpu.memory_space<vmem_shared>>
      %dma_wait3A_155 = tpu.memref_squeeze %dma_wait3A_154 : memref<1x40960xf32, #tpu.memory_space<vmem_shared>> -> memref<40960xf32, #tpu.memory_space<vmem_shared>>
      %dma_wait3A_156 = arith.constant 0 : i32
      %dma_wait3A_157 = tpu.memref_slice %arg6[%dma_wait3A_156] : memref<40976xf32, #tpu.memory_space<vmem>> -> memref<40960xf32, #tpu.memory_space<vmem>>
      tpu.wait_dma2 semaphore(%run_scoped3A : memref<!tpu.dma_semaphore, #tpu.memory_space<semaphore_mem>>) src(%dma_wait3A_157 : memref<40960xf32, #tpu.memory_space<vmem>>) dst(%dma_wait3A_155 : memref<40960xf32, #tpu.memory_space<vmem_shared>>)
      tpu.yield
    }) : () -> ()
    %barrier3A = arith.constant 0 : index
    tpu.barrier barrier_id(%barrier3A)
    %scan3A_14 = arith.constant 0 : i32
    %scan3A_15 = arith.constant 16 : i32
    %scan3A_16 = arith.addi %scan3A_14, %scan3A_15 : i32
    %scan3A_17 = arith.constant 1 : i32
    scf.for %scan3A_140 = %scan3A_14 to %scan3A_16 step %scan3A_17  : i32 {
      %mul3A_141 = arith.constant 160 : i32
      %mul3A_142 = arith.muli %arg1, %mul3A_141 : i32
      %mul3A_143 = arith.constant 16 : i32
      %mul3A_144 = arith.muli %mul3A_142, %mul3A_143 : i32
      %mul3A_145 = arith.constant 160 : i32
      %mul3A_146 = arith.muli %scan3A_140, %mul3A_145 : i32
      %mul3A_147 = arith.constant 16 : i32
      %mul3A_148 = arith.muli %mul3A_146, %mul3A_147 : i32
      "tpu.region"() ({
        %run_scoped3A = tpu.sem_alloc : memref<!tpu.dma_semaphore, #tpu.memory_space<semaphore_mem>>
        %dma_start3A = tpu.memref_slice %arg6[%mul3A_148] : memref<40976xf32, #tpu.memory_space<vmem>> -> memref<2560xf32, #tpu.memory_space<vmem>>
        %dma_start3A_149 = tpu.memref_slice %arg8[%scan3A_140, %mul3A_144] : memref<16x40960xf32, #tpu.memory_space<vmem_shared>> -> memref<1x2560xf32, #tpu.memory_space<vmem_shared>>
        %dma_start3A_150 = tpu.memref_squeeze %dma_start3A_149 : memref<1x2560xf32, #tpu.memory_space<vmem_shared>> -> memref<2560xf32, #tpu.memory_space<vmem_shared>>
        %dma_start3A_151 = tpu.memref_slice %arg6[%mul3A_148] : memref<40976xf32, #tpu.memory_space<vmem>> -> memref<2560xf32, #tpu.memory_space<vmem>>
        %dma_start3A_152 = tpu.memref_slice %arg8[%scan3A_140, %mul3A_144] : memref<16x40960xf32, #tpu.memory_space<vmem_shared>> -> memref<1x2560xf32, #tpu.memory_space<vmem_shared>>
        %dma_start3A_153 = tpu.memref_squeeze %dma_start3A_152 : memref<1x2560xf32, #tpu.memory_space<vmem_shared>> -> memref<2560xf32, #tpu.memory_space<vmem_shared>>
        tpu.enqueue_dma source(%dma_start3A_153 : memref<2560xf32, #tpu.memory_space<vmem_shared>>) target(%dma_start3A_151 : memref<2560xf32, #tpu.memory_space<vmem>>) target_semaphore(%run_scoped3A : memref<!tpu.dma_semaphore, #tpu.memory_space<semaphore_mem>>)
        %dma_wait3A = tpu.memref_slice %arg6[%mul3A_148] : memref<40976xf32, #tpu.memory_space<vmem>> -> memref<2560xf32, #tpu.memory_space<vmem>>
        %dma_wait3A_154 = tpu.memref_slice %arg8[%scan3A_140, %mul3A_144] : memref<16x40960xf32, #tpu.memory_space<vmem_shared>> -> memref<1x2560xf32, #tpu.memory_space<vmem_shared>>
        %dma_wait3A_155 = tpu.memref_squeeze %dma_wait3A_154 : memref<1x2560xf32, #tpu.memory_space<vmem_shared>> -> memref<2560xf32, #tpu.memory_space<vmem_shared>>
        %dma_wait3A_156 = tpu.memref_slice %arg6[%mul3A_148] : memref<40976xf32, #tpu.memory_space<vmem>> -> memref<2560xf32, #tpu.memory_space<vmem>>
        %dma_wait3A_157 = tpu.memref_slice %arg8[%scan3A_140, %mul3A_144] : memref<16x40960xf32, #tpu.memory_space<vmem_shared>> -> memref<1x2560xf32, #tpu.memory_space<vmem_shared>>
        %dma_wait3A_158 = tpu.memref_squeeze %dma_wait3A_157 : memref<1x2560xf32, #tpu.memory_space<vmem_shared>> -> memref<2560xf32, #tpu.memory_space<vmem_shared>>
        tpu.wait_dma2 semaphore(%run_scoped3A : memref<!tpu.dma_semaphore, #tpu.memory_space<semaphore_mem>>) src(%dma_wait3A_158 : memref<2560xf32, #tpu.memory_space<vmem_shared>>) dst(%dma_wait3A_156 : memref<2560xf32, #tpu.memory_space<vmem>>)
        tpu.yield
      }) : () -> ()
    }
    %scan3A_18 = arith.constant 16 : i32
    %scan3A_19 = arith.constant 0 : i32
    %scan3A_20 = arith.constant 160 : i32
    %scan3A_21 = arith.addi %scan3A_19, %scan3A_20 : i32
    %scan3A_22 = arith.constant 1 : i32
    scf.for %scan3A_140 = %scan3A_19 to %scan3A_21 step %scan3A_22  : i32 {
      %mul3A_141 = arith.constant 16 : i32
      %mul3A_142 = arith.muli %scan3A_140, %mul3A_141 : i32
      %get3A = arith.index_cast %mul3A_142 : i32 to index
      %get3A_143 = tpu.vector_load %arg6[%get3A] {strides = array<i32>} : memref<40976xf32, #tpu.memory_space<vmem>>, vector<16xf32>,
      %add3A_144 = arith.constant 160 : i32
      %add3A_145 = arith.addi %add3A_144, %scan3A_140 : i32
      %mul3A_146 = arith.constant 16 : i32
      %mul3A_147 = arith.muli %add3A_145, %mul3A_146 : i32
      %get3A_148 = arith.index_cast %mul3A_147 : i32 to index
      %get3A_149 = tpu.vector_load %arg6[%get3A_148] {strides = array<i32>} : memref<40976xf32, #tpu.memory_space<vmem>>, vector<16xf32>,
      %add3A_150 = arith.addf %get3A_143, %get3A_149 : vector<16xf32>
      %add3A_151 = arith.constant 320 : i32
      %add3A_152 = arith.addi %add3A_151, %scan3A_140 : i32
      %mul3A_153 = arith.constant 16 : i32
      %mul3A_154 = arith.muli %add3A_152, %mul3A_153 : i32
      %get3A_155 = arith.index_cast %mul3A_154 : i32 to index
      %get3A_156 = tpu.vector_load %arg6[%get3A_155] {strides = array<i32>} : memref<40976xf32, #tpu.memory_space<vmem>>, vector<16xf32>,
      %add3A_157 = arith.addf %add3A_150, %get3A_156 : vector<16xf32>
      %add3A_158 = arith.constant 480 : i32
      %add3A_159 = arith.addi %add3A_158, %scan3A_140 : i32
      %mul3A_160 = arith.constant 16 : i32
      %mul3A_161 = arith.muli %add3A_159, %mul3A_160 : i32
      %get3A_162 = arith.index_cast %mul3A_161 : i32 to index
      %get3A_163 = tpu.vector_load %arg6[%get3A_162] {strides = array<i32>} : memref<40976xf32, #tpu.memory_space<vmem>>, vector<16xf32>,
      %add3A_164 = arith.addf %add3A_157, %get3A_163 : vector<16xf32>
      %add3A_165 = arith.constant 640 : i32
      %add3A_166 = arith.addi %add3A_165, %scan3A_140 : i32
      %mul3A_167 = arith.constant 16 : i32
      %mul3A_168 = arith.muli %add3A_166, %mul3A_167 : i32
      %get3A_169 = arith.index_cast %mul3A_168 : i32 to index
      %get3A_170 = tpu.vector_load %arg6[%get3A_169] {strides = array<i32>} : memref<40976xf32, #tpu.memory_space<vmem>>, vector<16xf32>,
      %add3A_171 = arith.addf %add3A_164, %get3A_170 : vector<16xf32>
      %add3A_172 = arith.constant 800 : i32
      %add3A_173 = arith.addi %add3A_172, %scan3A_140 : i32
      %mul3A_174 = arith.constant 16 : i32
      %mul3A_175 = arith.muli %add3A_173, %mul3A_174 : i32
      %get3A_176 = arith.index_cast %mul3A_175 : i32 to index
      %get3A_177 = tpu.vector_load %arg6[%get3A_176] {strides = array<i32>} : memref<40976xf32, #tpu.memory_space<vmem>>, vector<16xf32>,
      %add3A_178 = arith.addf %add3A_171, %get3A_177 : vector<16xf32>
      %add3A_179 = arith.constant 960 : i32
      %add3A_180 = arith.addi %add3A_179, %scan3A_140 : i32
      %mul3A_181 = arith.constant 16 : i32
      %mul3A_182 = arith.muli %add3A_180, %mul3A_181 : i32
      %get3A_183 = arith.index_cast %mul3A_182 : i32 to index
      %get3A_184 = tpu.vector_load %arg6[%get3A_183] {strides = array<i32>} : memref<40976xf32, #tpu.memory_space<vmem>>, vector<16xf32>,
      %add3A_185 = arith.addf %add3A_178, %get3A_184 : vector<16xf32>
      %add3A_186 = arith.constant 1120 : i32
      %add3A_187 = arith.addi %add3A_186, %scan3A_140 : i32
      %mul3A_188 = arith.constant 16 : i32
      %mul3A_189 = arith.muli %add3A_187, %mul3A_188 : i32
      %get3A_190 = arith.index_cast %mul3A_189 : i32 to index
      %get3A_191 = tpu.vector_load %arg6[%get3A_190] {strides = array<i32>} : memref<40976xf32, #tpu.memory_space<vmem>>, vector<16xf32>,
      %add3A_192 = arith.addf %add3A_185, %get3A_191 : vector<16xf32>
      %add3A_193 = arith.constant 1280 : i32
      %add3A_194 = arith.addi %add3A_193, %scan3A_140 : i32
      %mul3A_195 = arith.constant 16 : i32
      %mul3A_196 = arith.muli %add3A_194, %mul3A_195 : i32
      %get3A_197 = arith.index_cast %mul3A_196 : i32 to index
      %get3A_198 = tpu.vector_load %arg6[%get3A_197] {strides = array<i32>} : memref<40976xf32, #tpu.memory_space<vmem>>, vector<16xf32>,
      %add3A_199 = arith.addf %add3A_192, %get3A_198 : vector<16xf32>
      %add3A_200 = arith.constant 1440 : i32
      %add3A_201 = arith.addi %add3A_200, %scan3A_140 : i32
      %mul3A_202 = arith.constant 16 : i32
      %mul3A_203 = arith.muli %add3A_201, %mul3A_202 : i32
      %get3A_204 = arith.index_cast %mul3A_203 : i32 to index
      %get3A_205 = tpu.vector_load %arg6[%get3A_204] {strides = array<i32>} : memref<40976xf32, #tpu.memory_space<vmem>>, vector<16xf32>,
      %add3A_206 = arith.addf %add3A_199, %get3A_205 : vector<16xf32>
      %add3A_207 = arith.constant 1600 : i32
      %add3A_208 = arith.addi %add3A_207, %scan3A_140 : i32
      %mul3A_209 = arith.constant 16 : i32
      %mul3A_210 = arith.muli %add3A_208, %mul3A_209 : i32
      %get3A_211 = arith.index_cast %mul3A_210 : i32 to index
      %get3A_212 = tpu.vector_load %arg6[%get3A_211] {strides = array<i32>} : memref<40976xf32, #tpu.memory_space<vmem>>, vector<16xf32>,
      %add3A_213 = arith.addf %add3A_206, %get3A_212 : vector<16xf32>
      %add3A_214 = arith.constant 1760 : i32
      %add3A_215 = arith.addi %add3A_214, %scan3A_140 : i32
      %mul3A_216 = arith.constant 16 : i32
      %mul3A_217 = arith.muli %add3A_215, %mul3A_216 : i32
      %get3A_218 = arith.index_cast %mul3A_217 : i32 to index
      %get3A_219 = tpu.vector_load %arg6[%get3A_218] {strides = array<i32>} : memref<40976xf32, #tpu.memory_space<vmem>>, vector<16xf32>,
      %add3A_220 = arith.addf %add3A_213, %get3A_219 : vector<16xf32>
      %add3A_221 = arith.constant 1920 : i32
      %add3A_222 = arith.addi %add3A_221, %scan3A_140 : i32
      %mul3A_223 = arith.constant 16 : i32
      %mul3A_224 = arith.muli %add3A_222, %mul3A_223 : i32
      %get3A_225 = arith.index_cast %mul3A_224 : i32 to index
      %get3A_226 = tpu.vector_load %arg6[%get3A_225] {strides = array<i32>} : memref<40976xf32, #tpu.memory_space<vmem>>, vector<16xf32>,
      %add3A_227 = arith.addf %add3A_220, %get3A_226 : vector<16xf32>
      %add3A_228 = arith.constant 2080 : i32
      %add3A_229 = arith.addi %add3A_228, %scan3A_140 : i32
      %mul3A_230 = arith.constant 16 : i32
      %mul3A_231 = arith.muli %add3A_229, %mul3A_230 : i32
      %get3A_232 = arith.index_cast %mul3A_231 : i32 to index
      %get3A_233 = tpu.vector_load %arg6[%get3A_232] {strides = array<i32>} : memref<40976xf32, #tpu.memory_space<vmem>>, vector<16xf32>,
      %add3A_234 = arith.addf %add3A_227, %get3A_233 : vector<16xf32>
      %add3A_235 = arith.constant 2240 : i32
      %add3A_236 = arith.addi %add3A_235, %scan3A_140 : i32
      %mul3A_237 = arith.constant 16 : i32
      %mul3A_238 = arith.muli %add3A_236, %mul3A_237 : i32
      %get3A_239 = arith.index_cast %mul3A_238 : i32 to index
      %get3A_240 = tpu.vector_load %arg6[%get3A_239] {strides = array<i32>} : memref<40976xf32, #tpu.memory_space<vmem>>, vector<16xf32>,
      %add3A_241 = arith.addf %add3A_234, %get3A_240 : vector<16xf32>
      %add3A_242 = arith.constant 2400 : i32
      %add3A_243 = arith.addi %add3A_242, %scan3A_140 : i32
      %mul3A_244 = arith.constant 16 : i32
      %mul3A_245 = arith.muli %add3A_243, %mul3A_244 : i32
      %get3A_246 = arith.index_cast %mul3A_245 : i32 to index
      %get3A_247 = tpu.vector_load %arg6[%get3A_246] {strides = array<i32>} : memref<40976xf32, #tpu.memory_space<vmem>>, vector<16xf32>,
      %add3A_248 = arith.addf %add3A_241, %get3A_247 : vector<16xf32>
      %mul3A_249 = arith.constant 16 : i32
      %mul3A_250 = arith.muli %scan3A_140, %mul3A_249 : i32
      %swap3A = arith.index_cast %mul3A_250 : i32 to index
      %swap3A_251 = tpu.vector_load %arg7[%swap3A] {strides = array<i32>} : memref<2560xf32, #tpu.memory_space<vmem>>, vector<16xf32>,
      tpu.vector_store %arg7[%swap3A], %add3A_248 {strides = array<i32>} : memref<2560xf32, #tpu.memory_space<vmem>>, vector<16xf32>,
    }
    %scan3A_23 = arith.constant 160 : i32
    %mul3A = arith.constant 10240 : i32
    %mul3A_24 = arith.muli %arg0, %mul3A : i32
    %add3A = arith.constant 0 : i32
    %add3A_25 = arith.addi %mul3A_24, %add3A : i32
    %mul3A_26 = arith.constant 160 : i32
    %mul3A_27 = arith.muli %arg1, %mul3A_26 : i32
    %add3A_28 = arith.addi %add3A_25, %mul3A_27 : i32
    %mul3A_29 = arith.constant 16 : i32
    %mul3A_30 = arith.muli %add3A_28, %mul3A_29 : i32
    "tpu.region"() ({
      %run_scoped3A = tpu.sem_alloc : memref<!tpu.dma_semaphore, #tpu.memory_space<semaphore_mem>>
      %dma_start3A = tpu.memref_slice %arg4[%mul3A_30] : memref<327680xf32, #tpu.memory_space<hbm>> -> memref<2560xf32, #tpu.memory_space<hbm>>
      %dma_start3A_140 = tpu.memref_slice %arg4[%mul3A_30] : memref<327680xf32, #tpu.memory_space<hbm>> -> memref<2560xf32, #tpu.memory_space<hbm>>
      tpu.enqueue_dma source(%arg7 : memref<2560xf32, #tpu.memory_space<vmem>>) target(%dma_start3A_140 : memref<2560xf32, #tpu.memory_space<hbm>>) target_semaphore(%run_scoped3A : memref<!tpu.dma_semaphore, #tpu.memory_space<semaphore_mem>>)
      %dma_wait3A = tpu.memref_slice %arg4[%mul3A_30] : memref<327680xf32, #tpu.memory_space<hbm>> -> memref<2560xf32, #tpu.memory_space<hbm>>
      %dma_wait3A_141 = tpu.memref_slice %arg4[%mul3A_30] : memref<327680xf32, #tpu.memory_space<hbm>> -> memref<2560xf32, #tpu.memory_space<hbm>>
      tpu.wait_dma2 semaphore(%run_scoped3A : memref<!tpu.dma_semaphore, #tpu.memory_space<semaphore_mem>>) src(%arg7 : memref<2560xf32, #tpu.memory_space<vmem>>) dst(%dma_wait3A_141 : memref<2560xf32, #tpu.memory_space<hbm>>)
      tpu.yield
    }) : () -> ()
    %barrier3A_31 = arith.constant 0 : index
    tpu.barrier barrier_id(%barrier3A_31)
    %scan3A_32 = arith.constant 0 : i32
    %scan3A_33 = arith.constant 2561 : i32
    %scan3A_34 = arith.addi %scan3A_32, %scan3A_33 : i32
    %scan3A_35 = arith.constant 1 : i32
    scf.for %scan3A_140 = %scan3A_32 to %scan3A_34 step %scan3A_35  : i32 {
      %mul3A_141 = arith.constant 16 : i32
      %mul3A_142 = arith.muli %scan3A_140, %mul3A_141 : i32
      %swap3A = arith.index_cast %mul3A_142 : i32 to index
      %swap3A_143 = tpu.vector_load %arg6[%swap3A] {strides = array<i32>} : memref<40976xf32, #tpu.memory_space<vmem>>, vector<16xf32>,
      tpu.vector_store %arg6[%swap3A], %broadcast_in_dim3A_2 {strides = array<i32>} : memref<40976xf32, #tpu.memory_space<vmem>>, vector<16xf32>,
    }
    %scan3A_36 = arith.constant 2561 : i32
    %eq3A_37 = arith.constant 0 : i32
    %eq3A_38 = arith.cmpi eq, %arg0, %eq3A_37 : i32
    %convert_element_type3A_39 = arith.extui %eq3A_38 : i1 to i32
    %cond3A_40 = arith.constant 0 : i32
    %cond3A_41 = arith.cmpi ne, %convert_element_type3A_39, %cond3A_40 : i32
    scf.if %cond3A_41 {
      %scan3A_140 = arith.constant 0 : i32
      %scan3A_141 = arith.constant 10 : i32
      %scan3A_142 = arith.addi %scan3A_140, %scan3A_141 : i32
      %scan3A_143 = arith.constant 1 : i32
      scf.for %scan3A_145 = %scan3A_140 to %scan3A_142 step %scan3A_143  : i32 {
        %mul3A_146 = arith.constant 20000 : i32
        %mul3A_147 = arith.muli %arg1, %mul3A_146 : i32
        %mul3A_148 = arith.constant 2000 : i32
        %mul3A_149 = arith.muli %scan3A_145, %mul3A_148 : i32
        %add3A_150 = arith.addi %mul3A_147, %mul3A_149 : i32
        "tpu.region"() ({
          %run_scoped3A = tpu.sem_alloc : memref<!tpu.dma_semaphore, #tpu.memory_space<semaphore_mem>>
          %dma_start3A = tpu.memref_slice %arg2[%add3A_150] : memref<320000xi32, #tpu.memory_space<hbm>> -> memref<2000xi32, #tpu.memory_space<hbm>>
          %dma_start3A_156 = tpu.memref_slice %arg2[%add3A_150] : memref<320000xi32, #tpu.memory_space<hbm>> -> memref<2000xi32, #tpu.memory_space<hbm>>
          tpu.enqueue_dma source(%dma_start3A_156 : memref<2000xi32, #tpu.memory_space<hbm>>) target(%arg5 : memref<2000xi32, #tpu.memory_space<vmem>>) target_semaphore(%run_scoped3A : memref<!tpu.dma_semaphore, #tpu.memory_space<semaphore_mem>>)
          %dma_wait3A = tpu.memref_slice %arg2[%add3A_150] : memref<320000xi32, #tpu.memory_space<hbm>> -> memref<2000xi32, #tpu.memory_space<hbm>>
          %dma_wait3A_157 = tpu.memref_slice %arg2[%add3A_150] : memref<320000xi32, #tpu.memory_space<hbm>> -> memref<2000xi32, #tpu.memory_space<hbm>>
          tpu.wait_dma2 semaphore(%run_scoped3A : memref<!tpu.dma_semaphore, #tpu.memory_space<semaphore_mem>>) src(%dma_wait3A_157 : memref<2000xi32, #tpu.memory_space<hbm>>) dst(%arg5 : memref<2000xi32, #tpu.memory_space<vmem>>)
          tpu.yield
        }) : () -> ()
        %scan3A_151 = arith.constant 0 : i32
        %scan3A_152 = arith.constant 125 : i32
        %scan3A_153 = arith.addi %scan3A_151, %scan3A_152 : i32
        %scan3A_154 = arith.constant 1 : i32
        scf.for %scan3A_156 = %scan3A_151 to %scan3A_153 step %scan3A_154  : i32 {
          %mul3A_157 = arith.constant 16 : i32
          %mul3A_158 = arith.muli %scan3A_156, %mul3A_157 : i32
          %get3A = arith.index_cast %mul3A_158 : i32 to index
          %get3A_159 = tpu.vector_load %arg5[%get3A] {strides = array<i32>} : memref<2000xi32, #tpu.memory_space<vmem>>, vector<16xi32>,
          %sub3A = arith.constant 2560 : i32
          %sub3A_160 = vector.broadcast %sub3A : i32 to vector<16xi32>
          %sub3A_161 = arith.subi %get3A_159, %sub3A_160 : vector<16xi32>
          %ge3A = arith.constant 0 : i32
          %ge3A_162 = vector.broadcast %ge3A : i32 to vector<16xi32>
          %ge3A_163 = arith.cmpi sge, %sub3A_161, %ge3A_162 : vector<16xi32>
          %lt3A = arith.constant 2560 : i32
          %lt3A_164 = vector.broadcast %lt3A : i32 to vector<16xi32>
          %lt3A_165 = arith.cmpi slt, %sub3A_161, %lt3A_164 : vector<16xi32>
          %and3A = arith.andi %ge3A_163, %lt3A_165 : vector<16xi1>
          %jit3A = arith.constant 2560 : i32
          %broadcast_in_dim3A_166 = vector.broadcast %jit3A : i32 to vector<16xi32>
          %select_n3A = arith.select %and3A, %sub3A_161, %broadcast_in_dim3A_166 : vector<16xi1>, vector<16xi32>
          %mul3A_167 = arith.constant 16 : i32
          %mul3A_168 = vector.broadcast %mul3A_167 : i32 to vector<16xi32>
          %mul3A_169 = arith.muli %select_n3A, %mul3A_168 : vector<16xi32>
          %add3A_170 = arith.addi %mul3A_169, %iota3A : vector<16xi32>
          %gather3A = tpu.vector_load_idx %arg6[%add3A_170] : memref<40976xf32, #tpu.memory_space<vmem>>[vector<16xi32>], vector<16xf32>,
          %add3A_171 = arith.addf %gather3A, %broadcast_in_dim3A_0 : vector<16xf32>
          tpu.vector_store_idx %arg6[%add3A_170], %add3A_171 : memref<40976xf32, #tpu.memory_space<vmem>>[vector<16xi32>], vector<16xf32>,
        }
        %scan3A_155 = arith.constant 125 : i32
      }
      %scan3A_144 = arith.constant 10 : i32
    } else {
    }
    %eq3A_42 = arith.constant 1 : i32
    %eq3A_43 = arith.cmpi eq, %arg0, %eq3A_42 : i32
    %convert_element_type3A_44 = arith.extui %eq3A_43 : i1 to i32
    %cond3A_45 = arith.constant 0 : i32
    %cond3A_46 = arith.cmpi ne, %convert_element_type3A_44, %cond3A_45 : i32
    scf.if %cond3A_46 {
      %scan3A_140 = arith.constant 0 : i32
      %scan3A_141 = arith.constant 10 : i32
      %scan3A_142 = arith.addi %scan3A_140, %scan3A_141 : i32
      %scan3A_143 = arith.constant 1 : i32
      scf.for %scan3A_145 = %scan3A_140 to %scan3A_142 step %scan3A_143  : i32 {
        %mul3A_146 = arith.constant 20000 : i32
        %mul3A_147 = arith.muli %arg1, %mul3A_146 : i32
        %mul3A_148 = arith.constant 2000 : i32
        %mul3A_149 = arith.muli %scan3A_145, %mul3A_148 : i32
        %add3A_150 = arith.addi %mul3A_147, %mul3A_149 : i32
        "tpu.region"() ({
          %run_scoped3A = tpu.sem_alloc : memref<!tpu.dma_semaphore, #tpu.memory_space<semaphore_mem>>
          %dma_start3A = tpu.memref_slice %arg3[%add3A_150] : memref<320000xi32, #tpu.memory_space<hbm>> -> memref<2000xi32, #tpu.memory_space<hbm>>
          %dma_start3A_156 = tpu.memref_slice %arg3[%add3A_150] : memref<320000xi32, #tpu.memory_space<hbm>> -> memref<2000xi32, #tpu.memory_space<hbm>>
          tpu.enqueue_dma source(%dma_start3A_156 : memref<2000xi32, #tpu.memory_space<hbm>>) target(%arg5 : memref<2000xi32, #tpu.memory_space<vmem>>) target_semaphore(%run_scoped3A : memref<!tpu.dma_semaphore, #tpu.memory_space<semaphore_mem>>)
          %dma_wait3A = tpu.memref_slice %arg3[%add3A_150] : memref<320000xi32, #tpu.memory_space<hbm>> -> memref<2000xi32, #tpu.memory_space<hbm>>
          %dma_wait3A_157 = tpu.memref_slice %arg3[%add3A_150] : memref<320000xi32, #tpu.memory_space<hbm>> -> memref<2000xi32, #tpu.memory_space<hbm>>
          tpu.wait_dma2 semaphore(%run_scoped3A : memref<!tpu.dma_semaphore, #tpu.memory_space<semaphore_mem>>) src(%dma_wait3A_157 : memref<2000xi32, #tpu.memory_space<hbm>>) dst(%arg5 : memref<2000xi32, #tpu.memory_space<vmem>>)
          tpu.yield
        }) : () -> ()
        %scan3A_151 = arith.constant 0 : i32
        %scan3A_152 = arith.constant 125 : i32
        %scan3A_153 = arith.addi %scan3A_151, %scan3A_152 : i32
        %scan3A_154 = arith.constant 1 : i32
        scf.for %scan3A_156 = %scan3A_151 to %scan3A_153 step %scan3A_154  : i32 {
          %mul3A_157 = arith.constant 16 : i32
          %mul3A_158 = arith.muli %scan3A_156, %mul3A_157 : i32
          %get3A = arith.index_cast %mul3A_158 : i32 to index
          %get3A_159 = tpu.vector_load %arg5[%get3A] {strides = array<i32>} : memref<2000xi32, #tpu.memory_space<vmem>>, vector<16xi32>,
          %sub3A = arith.constant 2560 : i32
          %sub3A_160 = vector.broadcast %sub3A : i32 to vector<16xi32>
          %sub3A_161 = arith.subi %get3A_159, %sub3A_160 : vector<16xi32>
          %ge3A = arith.constant 0 : i32
          %ge3A_162 = vector.broadcast %ge3A : i32 to vector<16xi32>
          %ge3A_163 = arith.cmpi sge, %sub3A_161, %ge3A_162 : vector<16xi32>
          %lt3A = arith.constant 2560 : i32
          %lt3A_164 = vector.broadcast %lt3A : i32 to vector<16xi32>
          %lt3A_165 = arith.cmpi slt, %sub3A_161, %lt3A_164 : vector<16xi32>
          %and3A = arith.andi %ge3A_163, %lt3A_165 : vector<16xi1>
          %jit3A = arith.constant 2560 : i32
          %broadcast_in_dim3A_166 = vector.broadcast %jit3A : i32 to vector<16xi32>
          %select_n3A = arith.select %and3A, %sub3A_161, %broadcast_in_dim3A_166 : vector<16xi1>, vector<16xi32>
          %mul3A_167 = arith.constant 16 : i32
          %mul3A_168 = vector.broadcast %mul3A_167 : i32 to vector<16xi32>
          %mul3A_169 = arith.muli %select_n3A, %mul3A_168 : vector<16xi32>
          %add3A_170 = arith.addi %mul3A_169, %iota3A : vector<16xi32>
          %gather3A = tpu.vector_load_idx %arg6[%add3A_170] : memref<40976xf32, #tpu.memory_space<vmem>>[vector<16xi32>], vector<16xf32>,
          %add3A_171 = arith.addf %gather3A, %broadcast_in_dim3A_0 : vector<16xf32>
          tpu.vector_store_idx %arg6[%add3A_170], %add3A_171 : memref<40976xf32, #tpu.memory_space<vmem>>[vector<16xi32>], vector<16xf32>,
        }
        %scan3A_155 = arith.constant 125 : i32
      }
      %scan3A_144 = arith.constant 10 : i32
    } else {
    }
    "tpu.region"() ({
      %run_scoped3A = tpu.sem_alloc : memref<!tpu.dma_semaphore, #tpu.memory_space<semaphore_mem>>
      %dma_start3A = arith.constant 0 : i32
      %dma_start3A_140 = tpu.memref_slice %arg6[%dma_start3A] : memref<40976xf32, #tpu.memory_space<vmem>> -> memref<40960xf32, #tpu.memory_space<vmem>>
      %dma_start3A_141 = arith.constant 0 : i32
      %dma_start3A_142 = tpu.memref_slice %arg8[%arg1, %dma_start3A_141] : memref<16x40960xf32, #tpu.memory_space<vmem_shared>> -> memref<1x40960xf32, #tpu.memory_space<vmem_shared>>
      %dma_start3A_143 = tpu.memref_squeeze %dma_start3A_142 : memref<1x40960xf32, #tpu.memory_space<vmem_shared>> -> memref<40960xf32, #tpu.memory_space<vmem_shared>>
      %dma_start3A_144 = arith.constant 0 : i32
      %dma_start3A_145 = tpu.memref_slice %arg8[%arg1, %dma_start3A_144] : memref<16x40960xf32, #tpu.memory_space<vmem_shared>> -> memref<1x40960xf32, #tpu.memory_space<vmem_shared>>
      %dma_start3A_146 = tpu.memref_squeeze %dma_start3A_145 : memref<1x40960xf32, #tpu.memory_space<vmem_shared>> -> memref<40960xf32, #tpu.memory_space<vmem_shared>>
      %dma_start3A_147 = arith.constant 0 : i32
      %dma_start3A_148 = tpu.memref_slice %arg6[%dma_start3A_147] : memref<40976xf32, #tpu.memory_space<vmem>> -> memref<40960xf32, #tpu.memory_space<vmem>>
      tpu.enqueue_dma source(%dma_start3A_148 : memref<40960xf32, #tpu.memory_space<vmem>>) target(%dma_start3A_146 : memref<40960xf32, #tpu.memory_space<vmem_shared>>) target_semaphore(%run_scoped3A : memref<!tpu.dma_semaphore, #tpu.memory_space<semaphore_mem>>)
      %dma_wait3A = arith.constant 0 : i32
      %dma_wait3A_149 = tpu.memref_slice %arg6[%dma_wait3A] : memref<40976xf32, #tpu.memory_space<vmem>> -> memref<40960xf32, #tpu.memory_space<vmem>>
      %dma_wait3A_150 = arith.constant 0 : i32
      %dma_wait3A_151 = tpu.memref_slice %arg8[%arg1, %dma_wait3A_150] : memref<16x40960xf32, #tpu.memory_space<vmem_shared>> -> memref<1x40960xf32, #tpu.memory_space<vmem_shared>>
      %dma_wait3A_152 = tpu.memref_squeeze %dma_wait3A_151 : memref<1x40960xf32, #tpu.memory_space<vmem_shared>> -> memref<40960xf32, #tpu.memory_space<vmem_shared>>
      %dma_wait3A_153 = arith.constant 0 : i32
      %dma_wait3A_154 = tpu.memref_slice %arg8[%arg1, %dma_wait3A_153] : memref<16x40960xf32, #tpu.memory_space<vmem_shared>> -> memref<1x40960xf32, #tpu.memory_space<vmem_shared>>
      %dma_wait3A_155 = tpu.memref_squeeze %dma_wait3A_154 : memref<1x40960xf32, #tpu.memory_space<vmem_shared>> -> memref<40960xf32, #tpu.memory_space<vmem_shared>>
      %dma_wait3A_156 = arith.constant 0 : i32
      %dma_wait3A_157 = tpu.memref_slice %arg6[%dma_wait3A_156] : memref<40976xf32, #tpu.memory_space<vmem>> -> memref<40960xf32, #tpu.memory_space<vmem>>
      tpu.wait_dma2 semaphore(%run_scoped3A : memref<!tpu.dma_semaphore, #tpu.memory_space<semaphore_mem>>) src(%dma_wait3A_157 : memref<40960xf32, #tpu.memory_space<vmem>>) dst(%dma_wait3A_155 : memref<40960xf32, #tpu.memory_space<vmem_shared>>)
      tpu.yield
    }) : () -> ()
    %barrier3A_47 = arith.constant 0 : index
    tpu.barrier barrier_id(%barrier3A_47)
    %scan3A_48 = arith.constant 0 : i32
    %scan3A_49 = arith.constant 16 : i32
    %scan3A_50 = arith.addi %scan3A_48, %scan3A_49 : i32
    %scan3A_51 = arith.constant 1 : i32
    scf.for %scan3A_140 = %scan3A_48 to %scan3A_50 step %scan3A_51  : i32 {
      %mul3A_141 = arith.constant 160 : i32
      %mul3A_142 = arith.muli %arg1, %mul3A_141 : i32
      %mul3A_143 = arith.constant 16 : i32
      %mul3A_144 = arith.muli %mul3A_142, %mul3A_143 : i32
      %mul3A_145 = arith.constant 160 : i32
      %mul3A_146 = arith.muli %scan3A_140, %mul3A_145 : i32
      %mul3A_147 = arith.constant 16 : i32
      %mul3A_148 = arith.muli %mul3A_146, %mul3A_147 : i32
      "tpu.region"() ({
        %run_scoped3A = tpu.sem_alloc : memref<!tpu.dma_semaphore, #tpu.memory_space<semaphore_mem>>
        %dma_start3A = tpu.memref_slice %arg6[%mul3A_148] : memref<40976xf32, #tpu.memory_space<vmem>> -> memref<2560xf32, #tpu.memory_space<vmem>>
        %dma_start3A_149 = tpu.memref_slice %arg8[%scan3A_140, %mul3A_144] : memref<16x40960xf32, #tpu.memory_space<vmem_shared>> -> memref<1x2560xf32, #tpu.memory_space<vmem_shared>>
        %dma_start3A_150 = tpu.memref_squeeze %dma_start3A_149 : memref<1x2560xf32, #tpu.memory_space<vmem_shared>> -> memref<2560xf32, #tpu.memory_space<vmem_shared>>
        %dma_start3A_151 = tpu.memref_slice %arg6[%mul3A_148] : memref<40976xf32, #tpu.memory_space<vmem>> -> memref<2560xf32, #tpu.memory_space<vmem>>
        %dma_start3A_152 = tpu.memref_slice %arg8[%scan3A_140, %mul3A_144] : memref<16x40960xf32, #tpu.memory_space<vmem_shared>> -> memref<1x2560xf32, #tpu.memory_space<vmem_shared>>
        %dma_start3A_153 = tpu.memref_squeeze %dma_start3A_152 : memref<1x2560xf32, #tpu.memory_space<vmem_shared>> -> memref<2560xf32, #tpu.memory_space<vmem_shared>>
        tpu.enqueue_dma source(%dma_start3A_153 : memref<2560xf32, #tpu.memory_space<vmem_shared>>) target(%dma_start3A_151 : memref<2560xf32, #tpu.memory_space<vmem>>) target_semaphore(%run_scoped3A : memref<!tpu.dma_semaphore, #tpu.memory_space<semaphore_mem>>)
        %dma_wait3A = tpu.memref_slice %arg6[%mul3A_148] : memref<40976xf32, #tpu.memory_space<vmem>> -> memref<2560xf32, #tpu.memory_space<vmem>>
        %dma_wait3A_154 = tpu.memref_slice %arg8[%scan3A_140, %mul3A_144] : memref<16x40960xf32, #tpu.memory_space<vmem_shared>> -> memref<1x2560xf32, #tpu.memory_space<vmem_shared>>
        %dma_wait3A_155 = tpu.memref_squeeze %dma_wait3A_154 : memref<1x2560xf32, #tpu.memory_space<vmem_shared>> -> memref<2560xf32, #tpu.memory_space<vmem_shared>>
        %dma_wait3A_156 = tpu.memref_slice %arg6[%mul3A_148] : memref<40976xf32, #tpu.memory_space<vmem>> -> memref<2560xf32, #tpu.memory_space<vmem>>
        %dma_wait3A_157 = tpu.memref_slice %arg8[%scan3A_140, %mul3A_144] : memref<16x40960xf32, #tpu.memory_space<vmem_shared>> -> memref<1x2560xf32, #tpu.memory_space<vmem_shared>>
        %dma_wait3A_158 = tpu.memref_squeeze %dma_wait3A_157 : memref<1x2560xf32, #tpu.memory_space<vmem_shared>> -> memref<2560xf32, #tpu.memory_space<vmem_shared>>
        tpu.wait_dma2 semaphore(%run_scoped3A : memref<!tpu.dma_semaphore, #tpu.memory_space<semaphore_mem>>) src(%dma_wait3A_158 : memref<2560xf32, #tpu.memory_space<vmem_shared>>) dst(%dma_wait3A_156 : memref<2560xf32, #tpu.memory_space<vmem>>)
        tpu.yield
      }) : () -> ()
    }
    %scan3A_52 = arith.constant 16 : i32
    %scan3A_53 = arith.constant 0 : i32
    %scan3A_54 = arith.constant 160 : i32
    %scan3A_55 = arith.addi %scan3A_53, %scan3A_54 : i32
    %scan3A_56 = arith.constant 1 : i32
    scf.for %scan3A_140 = %scan3A_53 to %scan3A_55 step %scan3A_56  : i32 {
      %mul3A_141 = arith.constant 16 : i32
      %mul3A_142 = arith.muli %scan3A_140, %mul3A_141 : i32
      %get3A = arith.index_cast %mul3A_142 : i32 to index
      %get3A_143 = tpu.vector_load %arg6[%get3A] {strides = array<i32>} : memref<40976xf32, #tpu.memory_space<vmem>>, vector<16xf32>,
      %add3A_144 = arith.constant 160 : i32
      %add3A_145 = arith.addi %add3A_144, %scan3A_140 : i32
      %mul3A_146 = arith.constant 16 : i32
      %mul3A_147 = arith.muli %add3A_145, %mul3A_146 : i32
      %get3A_148 = arith.index_cast %mul3A_147 : i32 to index
      %get3A_149 = tpu.vector_load %arg6[%get3A_148] {strides = array<i32>} : memref<40976xf32, #tpu.memory_space<vmem>>, vector<16xf32>,
      %add3A_150 = arith.addf %get3A_143, %get3A_149 : vector<16xf32>
      %add3A_151 = arith.constant 320 : i32
      %add3A_152 = arith.addi %add3A_151, %scan3A_140 : i32
      %mul3A_153 = arith.constant 16 : i32
      %mul3A_154 = arith.muli %add3A_152, %mul3A_153 : i32
      %get3A_155 = arith.index_cast %mul3A_154 : i32 to index
      %get3A_156 = tpu.vector_load %arg6[%get3A_155] {strides = array<i32>} : memref<40976xf32, #tpu.memory_space<vmem>>, vector<16xf32>,
      %add3A_157 = arith.addf %add3A_150, %get3A_156 : vector<16xf32>
      %add3A_158 = arith.constant 480 : i32
      %add3A_159 = arith.addi %add3A_158, %scan3A_140 : i32
      %mul3A_160 = arith.constant 16 : i32
      %mul3A_161 = arith.muli %add3A_159, %mul3A_160 : i32
      %get3A_162 = arith.index_cast %mul3A_161 : i32 to index
      %get3A_163 = tpu.vector_load %arg6[%get3A_162] {strides = array<i32>} : memref<40976xf32, #tpu.memory_space<vmem>>, vector<16xf32>,
      %add3A_164 = arith.addf %add3A_157, %get3A_163 : vector<16xf32>
      %add3A_165 = arith.constant 640 : i32
      %add3A_166 = arith.addi %add3A_165, %scan3A_140 : i32
      %mul3A_167 = arith.constant 16 : i32
      %mul3A_168 = arith.muli %add3A_166, %mul3A_167 : i32
      %get3A_169 = arith.index_cast %mul3A_168 : i32 to index
      %get3A_170 = tpu.vector_load %arg6[%get3A_169] {strides = array<i32>} : memref<40976xf32, #tpu.memory_space<vmem>>, vector<16xf32>,
      %add3A_171 = arith.addf %add3A_164, %get3A_170 : vector<16xf32>
      %add3A_172 = arith.constant 800 : i32
      %add3A_173 = arith.addi %add3A_172, %scan3A_140 : i32
      %mul3A_174 = arith.constant 16 : i32
      %mul3A_175 = arith.muli %add3A_173, %mul3A_174 : i32
      %get3A_176 = arith.index_cast %mul3A_175 : i32 to index
      %get3A_177 = tpu.vector_load %arg6[%get3A_176] {strides = array<i32>} : memref<40976xf32, #tpu.memory_space<vmem>>, vector<16xf32>,
      %add3A_178 = arith.addf %add3A_171, %get3A_177 : vector<16xf32>
      %add3A_179 = arith.constant 960 : i32
      %add3A_180 = arith.addi %add3A_179, %scan3A_140 : i32
      %mul3A_181 = arith.constant 16 : i32
      %mul3A_182 = arith.muli %add3A_180, %mul3A_181 : i32
      %get3A_183 = arith.index_cast %mul3A_182 : i32 to index
      %get3A_184 = tpu.vector_load %arg6[%get3A_183] {strides = array<i32>} : memref<40976xf32, #tpu.memory_space<vmem>>, vector<16xf32>,
      %add3A_185 = arith.addf %add3A_178, %get3A_184 : vector<16xf32>
      %add3A_186 = arith.constant 1120 : i32
      %add3A_187 = arith.addi %add3A_186, %scan3A_140 : i32
      %mul3A_188 = arith.constant 16 : i32
      %mul3A_189 = arith.muli %add3A_187, %mul3A_188 : i32
      %get3A_190 = arith.index_cast %mul3A_189 : i32 to index
      %get3A_191 = tpu.vector_load %arg6[%get3A_190] {strides = array<i32>} : memref<40976xf32, #tpu.memory_space<vmem>>, vector<16xf32>,
      %add3A_192 = arith.addf %add3A_185, %get3A_191 : vector<16xf32>
      %add3A_193 = arith.constant 1280 : i32
      %add3A_194 = arith.addi %add3A_193, %scan3A_140 : i32
      %mul3A_195 = arith.constant 16 : i32
      %mul3A_196 = arith.muli %add3A_194, %mul3A_195 : i32
      %get3A_197 = arith.index_cast %mul3A_196 : i32 to index
      %get3A_198 = tpu.vector_load %arg6[%get3A_197] {strides = array<i32>} : memref<40976xf32, #tpu.memory_space<vmem>>, vector<16xf32>,
      %add3A_199 = arith.addf %add3A_192, %get3A_198 : vector<16xf32>
      %add3A_200 = arith.constant 1440 : i32
      %add3A_201 = arith.addi %add3A_200, %scan3A_140 : i32
      %mul3A_202 = arith.constant 16 : i32
      %mul3A_203 = arith.muli %add3A_201, %mul3A_202 : i32
      %get3A_204 = arith.index_cast %mul3A_203 : i32 to index
      %get3A_205 = tpu.vector_load %arg6[%get3A_204] {strides = array<i32>} : memref<40976xf32, #tpu.memory_space<vmem>>, vector<16xf32>,
      %add3A_206 = arith.addf %add3A_199, %get3A_205 : vector<16xf32>
      %add3A_207 = arith.constant 1600 : i32
      %add3A_208 = arith.addi %add3A_207, %scan3A_140 : i32
      %mul3A_209 = arith.constant 16 : i32
      %mul3A_210 = arith.muli %add3A_208, %mul3A_209 : i32
      %get3A_211 = arith.index_cast %mul3A_210 : i32 to index
      %get3A_212 = tpu.vector_load %arg6[%get3A_211] {strides = array<i32>} : memref<40976xf32, #tpu.memory_space<vmem>>, vector<16xf32>,
      %add3A_213 = arith.addf %add3A_206, %get3A_212 : vector<16xf32>
      %add3A_214 = arith.constant 1760 : i32
      %add3A_215 = arith.addi %add3A_214, %scan3A_140 : i32
      %mul3A_216 = arith.constant 16 : i32
      %mul3A_217 = arith.muli %add3A_215, %mul3A_216 : i32
      %get3A_218 = arith.index_cast %mul3A_217 : i32 to index
      %get3A_219 = tpu.vector_load %arg6[%get3A_218] {strides = array<i32>} : memref<40976xf32, #tpu.memory_space<vmem>>, vector<16xf32>,
      %add3A_220 = arith.addf %add3A_213, %get3A_219 : vector<16xf32>
      %add3A_221 = arith.constant 1920 : i32
      %add3A_222 = arith.addi %add3A_221, %scan3A_140 : i32
      %mul3A_223 = arith.constant 16 : i32
      %mul3A_224 = arith.muli %add3A_222, %mul3A_223 : i32
      %get3A_225 = arith.index_cast %mul3A_224 : i32 to index
      %get3A_226 = tpu.vector_load %arg6[%get3A_225] {strides = array<i32>} : memref<40976xf32, #tpu.memory_space<vmem>>, vector<16xf32>,
      %add3A_227 = arith.addf %add3A_220, %get3A_226 : vector<16xf32>
      %add3A_228 = arith.constant 2080 : i32
      %add3A_229 = arith.addi %add3A_228, %scan3A_140 : i32
      %mul3A_230 = arith.constant 16 : i32
      %mul3A_231 = arith.muli %add3A_229, %mul3A_230 : i32
      %get3A_232 = arith.index_cast %mul3A_231 : i32 to index
      %get3A_233 = tpu.vector_load %arg6[%get3A_232] {strides = array<i32>} : memref<40976xf32, #tpu.memory_space<vmem>>, vector<16xf32>,
      %add3A_234 = arith.addf %add3A_227, %get3A_233 : vector<16xf32>
      %add3A_235 = arith.constant 2240 : i32
      %add3A_236 = arith.addi %add3A_235, %scan3A_140 : i32
      %mul3A_237 = arith.constant 16 : i32
      %mul3A_238 = arith.muli %add3A_236, %mul3A_237 : i32
      %get3A_239 = arith.index_cast %mul3A_238 : i32 to index
      %get3A_240 = tpu.vector_load %arg6[%get3A_239] {strides = array<i32>} : memref<40976xf32, #tpu.memory_space<vmem>>, vector<16xf32>,
      %add3A_241 = arith.addf %add3A_234, %get3A_240 : vector<16xf32>
      %add3A_242 = arith.constant 2400 : i32
      %add3A_243 = arith.addi %add3A_242, %scan3A_140 : i32
      %mul3A_244 = arith.constant 16 : i32
      %mul3A_245 = arith.muli %add3A_243, %mul3A_244 : i32
      %get3A_246 = arith.index_cast %mul3A_245 : i32 to index
      %get3A_247 = tpu.vector_load %arg6[%get3A_246] {strides = array<i32>} : memref<40976xf32, #tpu.memory_space<vmem>>, vector<16xf32>,
      %add3A_248 = arith.addf %add3A_241, %get3A_247 : vector<16xf32>
      %mul3A_249 = arith.constant 16 : i32
      %mul3A_250 = arith.muli %scan3A_140, %mul3A_249 : i32
      %swap3A = arith.index_cast %mul3A_250 : i32 to index
      %swap3A_251 = tpu.vector_load %arg7[%swap3A] {strides = array<i32>} : memref<2560xf32, #tpu.memory_space<vmem>>, vector<16xf32>,
      tpu.vector_store %arg7[%swap3A], %add3A_248 {strides = array<i32>} : memref<2560xf32, #tpu.memory_space<vmem>>, vector<16xf32>,
    }
    %scan3A_57 = arith.constant 160 : i32
    %mul3A_58 = arith.constant 10240 : i32
    %mul3A_59 = arith.muli %arg0, %mul3A_58 : i32
    %add3A_60 = arith.constant 2560 : i32
    %add3A_61 = arith.addi %mul3A_59, %add3A_60 : i32
    %mul3A_62 = arith.constant 160 : i32
    %mul3A_63 = arith.muli %arg1, %mul3A_62 : i32
    %add3A_64 = arith.addi %add3A_61, %mul3A_63 : i32
    %mul3A_65 = arith.constant 16 : i32
    %mul3A_66 = arith.muli %add3A_64, %mul3A_65 : i32
    "tpu.region"() ({
      %run_scoped3A = tpu.sem_alloc : memref<!tpu.dma_semaphore, #tpu.memory_space<semaphore_mem>>
      %dma_start3A = tpu.memref_slice %arg4[%mul3A_66] : memref<327680xf32, #tpu.memory_space<hbm>> -> memref<2560xf32, #tpu.memory_space<hbm>>
      %dma_start3A_140 = tpu.memref_slice %arg4[%mul3A_66] : memref<327680xf32, #tpu.memory_space<hbm>> -> memref<2560xf32, #tpu.memory_space<hbm>>
      tpu.enqueue_dma source(%arg7 : memref<2560xf32, #tpu.memory_space<vmem>>) target(%dma_start3A_140 : memref<2560xf32, #tpu.memory_space<hbm>>) target_semaphore(%run_scoped3A : memref<!tpu.dma_semaphore, #tpu.memory_space<semaphore_mem>>)
      %dma_wait3A = tpu.memref_slice %arg4[%mul3A_66] : memref<327680xf32, #tpu.memory_space<hbm>> -> memref<2560xf32, #tpu.memory_space<hbm>>
      %dma_wait3A_141 = tpu.memref_slice %arg4[%mul3A_66] : memref<327680xf32, #tpu.memory_space<hbm>> -> memref<2560xf32, #tpu.memory_space<hbm>>
      tpu.wait_dma2 semaphore(%run_scoped3A : memref<!tpu.dma_semaphore, #tpu.memory_space<semaphore_mem>>) src(%arg7 : memref<2560xf32, #tpu.memory_space<vmem>>) dst(%dma_wait3A_141 : memref<2560xf32, #tpu.memory_space<hbm>>)
      tpu.yield
    }) : () -> ()
    %barrier3A_67 = arith.constant 0 : index
    tpu.barrier barrier_id(%barrier3A_67)
    %scan3A_68 = arith.constant 0 : i32
    %scan3A_69 = arith.constant 2561 : i32
    %scan3A_70 = arith.addi %scan3A_68, %scan3A_69 : i32
    %scan3A_71 = arith.constant 1 : i32
    scf.for %scan3A_140 = %scan3A_68 to %scan3A_70 step %scan3A_71  : i32 {
      %mul3A_141 = arith.constant 16 : i32
      %mul3A_142 = arith.muli %scan3A_140, %mul3A_141 : i32
      %swap3A = arith.index_cast %mul3A_142 : i32 to index
      %swap3A_143 = tpu.vector_load %arg6[%swap3A] {strides = array<i32>} : memref<40976xf32, #tpu.memory_space<vmem>>, vector<16xf32>,
      tpu.vector_store %arg6[%swap3A], %broadcast_in_dim3A_2 {strides = array<i32>} : memref<40976xf32, #tpu.memory_space<vmem>>, vector<16xf32>,
    }
    %scan3A_72 = arith.constant 2561 : i32
    %eq3A_73 = arith.constant 0 : i32
    %eq3A_74 = arith.cmpi eq, %arg0, %eq3A_73 : i32
    %convert_element_type3A_75 = arith.extui %eq3A_74 : i1 to i32
    %cond3A_76 = arith.constant 0 : i32
    %cond3A_77 = arith.cmpi ne, %convert_element_type3A_75, %cond3A_76 : i32
    scf.if %cond3A_77 {
      %scan3A_140 = arith.constant 0 : i32
      %scan3A_141 = arith.constant 10 : i32
      %scan3A_142 = arith.addi %scan3A_140, %scan3A_141 : i32
      %scan3A_143 = arith.constant 1 : i32
      scf.for %scan3A_145 = %scan3A_140 to %scan3A_142 step %scan3A_143  : i32 {
        %mul3A_146 = arith.constant 20000 : i32
        %mul3A_147 = arith.muli %arg1, %mul3A_146 : i32
        %mul3A_148 = arith.constant 2000 : i32
        %mul3A_149 = arith.muli %scan3A_145, %mul3A_148 : i32
        %add3A_150 = arith.addi %mul3A_147, %mul3A_149 : i32
        "tpu.region"() ({
          %run_scoped3A = tpu.sem_alloc : memref<!tpu.dma_semaphore, #tpu.memory_space<semaphore_mem>>
          %dma_start3A = tpu.memref_slice %arg2[%add3A_150] : memref<320000xi32, #tpu.memory_space<hbm>> -> memref<2000xi32, #tpu.memory_space<hbm>>
          %dma_start3A_156 = tpu.memref_slice %arg2[%add3A_150] : memref<320000xi32, #tpu.memory_space<hbm>> -> memref<2000xi32, #tpu.memory_space<hbm>>
          tpu.enqueue_dma source(%dma_start3A_156 : memref<2000xi32, #tpu.memory_space<hbm>>) target(%arg5 : memref<2000xi32, #tpu.memory_space<vmem>>) target_semaphore(%run_scoped3A : memref<!tpu.dma_semaphore, #tpu.memory_space<semaphore_mem>>)
          %dma_wait3A = tpu.memref_slice %arg2[%add3A_150] : memref<320000xi32, #tpu.memory_space<hbm>> -> memref<2000xi32, #tpu.memory_space<hbm>>
          %dma_wait3A_157 = tpu.memref_slice %arg2[%add3A_150] : memref<320000xi32, #tpu.memory_space<hbm>> -> memref<2000xi32, #tpu.memory_space<hbm>>
          tpu.wait_dma2 semaphore(%run_scoped3A : memref<!tpu.dma_semaphore, #tpu.memory_space<semaphore_mem>>) src(%dma_wait3A_157 : memref<2000xi32, #tpu.memory_space<hbm>>) dst(%arg5 : memref<2000xi32, #tpu.memory_space<vmem>>)
          tpu.yield
        }) : () -> ()
        %scan3A_151 = arith.constant 0 : i32
        %scan3A_152 = arith.constant 125 : i32
        %scan3A_153 = arith.addi %scan3A_151, %scan3A_152 : i32
        %scan3A_154 = arith.constant 1 : i32
        scf.for %scan3A_156 = %scan3A_151 to %scan3A_153 step %scan3A_154  : i32 {
          %mul3A_157 = arith.constant 16 : i32
          %mul3A_158 = arith.muli %scan3A_156, %mul3A_157 : i32
          %get3A = arith.index_cast %mul3A_158 : i32 to index
          %get3A_159 = tpu.vector_load %arg5[%get3A] {strides = array<i32>} : memref<2000xi32, #tpu.memory_space<vmem>>, vector<16xi32>,
          %sub3A = arith.constant 5120 : i32
          %sub3A_160 = vector.broadcast %sub3A : i32 to vector<16xi32>
          %sub3A_161 = arith.subi %get3A_159, %sub3A_160 : vector<16xi32>
          %ge3A = arith.constant 0 : i32
          %ge3A_162 = vector.broadcast %ge3A : i32 to vector<16xi32>
          %ge3A_163 = arith.cmpi sge, %sub3A_161, %ge3A_162 : vector<16xi32>
          %lt3A = arith.constant 2560 : i32
          %lt3A_164 = vector.broadcast %lt3A : i32 to vector<16xi32>
          %lt3A_165 = arith.cmpi slt, %sub3A_161, %lt3A_164 : vector<16xi32>
          %and3A = arith.andi %ge3A_163, %lt3A_165 : vector<16xi1>
          %jit3A = arith.constant 2560 : i32
          %broadcast_in_dim3A_166 = vector.broadcast %jit3A : i32 to vector<16xi32>
          %select_n3A = arith.select %and3A, %sub3A_161, %broadcast_in_dim3A_166 : vector<16xi1>, vector<16xi32>
          %mul3A_167 = arith.constant 16 : i32
          %mul3A_168 = vector.broadcast %mul3A_167 : i32 to vector<16xi32>
          %mul3A_169 = arith.muli %select_n3A, %mul3A_168 : vector<16xi32>
          %add3A_170 = arith.addi %mul3A_169, %iota3A : vector<16xi32>
          %gather3A = tpu.vector_load_idx %arg6[%add3A_170] : memref<40976xf32, #tpu.memory_space<vmem>>[vector<16xi32>], vector<16xf32>,
          %add3A_171 = arith.addf %gather3A, %broadcast_in_dim3A_0 : vector<16xf32>
          tpu.vector_store_idx %arg6[%add3A_170], %add3A_171 : memref<40976xf32, #tpu.memory_space<vmem>>[vector<16xi32>], vector<16xf32>,
        }
        %scan3A_155 = arith.constant 125 : i32
      }
      %scan3A_144 = arith.constant 10 : i32
    } else {
    }
    %eq3A_78 = arith.constant 1 : i32
    %eq3A_79 = arith.cmpi eq, %arg0, %eq3A_78 : i32
    %convert_element_type3A_80 = arith.extui %eq3A_79 : i1 to i32
    %cond3A_81 = arith.constant 0 : i32
    %cond3A_82 = arith.cmpi ne, %convert_element_type3A_80, %cond3A_81 : i32
    scf.if %cond3A_82 {
      %scan3A_140 = arith.constant 0 : i32
      %scan3A_141 = arith.constant 10 : i32
      %scan3A_142 = arith.addi %scan3A_140, %scan3A_141 : i32
      %scan3A_143 = arith.constant 1 : i32
      scf.for %scan3A_145 = %scan3A_140 to %scan3A_142 step %scan3A_143  : i32 {
        %mul3A_146 = arith.constant 20000 : i32
        %mul3A_147 = arith.muli %arg1, %mul3A_146 : i32
        %mul3A_148 = arith.constant 2000 : i32
        %mul3A_149 = arith.muli %scan3A_145, %mul3A_148 : i32
        %add3A_150 = arith.addi %mul3A_147, %mul3A_149 : i32
        "tpu.region"() ({
          %run_scoped3A = tpu.sem_alloc : memref<!tpu.dma_semaphore, #tpu.memory_space<semaphore_mem>>
          %dma_start3A = tpu.memref_slice %arg3[%add3A_150] : memref<320000xi32, #tpu.memory_space<hbm>> -> memref<2000xi32, #tpu.memory_space<hbm>>
          %dma_start3A_156 = tpu.memref_slice %arg3[%add3A_150] : memref<320000xi32, #tpu.memory_space<hbm>> -> memref<2000xi32, #tpu.memory_space<hbm>>
          tpu.enqueue_dma source(%dma_start3A_156 : memref<2000xi32, #tpu.memory_space<hbm>>) target(%arg5 : memref<2000xi32, #tpu.memory_space<vmem>>) target_semaphore(%run_scoped3A : memref<!tpu.dma_semaphore, #tpu.memory_space<semaphore_mem>>)
          %dma_wait3A = tpu.memref_slice %arg3[%add3A_150] : memref<320000xi32, #tpu.memory_space<hbm>> -> memref<2000xi32, #tpu.memory_space<hbm>>
          %dma_wait3A_157 = tpu.memref_slice %arg3[%add3A_150] : memref<320000xi32, #tpu.memory_space<hbm>> -> memref<2000xi32, #tpu.memory_space<hbm>>
          tpu.wait_dma2 semaphore(%run_scoped3A : memref<!tpu.dma_semaphore, #tpu.memory_space<semaphore_mem>>) src(%dma_wait3A_157 : memref<2000xi32, #tpu.memory_space<hbm>>) dst(%arg5 : memref<2000xi32, #tpu.memory_space<vmem>>)
          tpu.yield
        }) : () -> ()
        %scan3A_151 = arith.constant 0 : i32
        %scan3A_152 = arith.constant 125 : i32
        %scan3A_153 = arith.addi %scan3A_151, %scan3A_152 : i32
        %scan3A_154 = arith.constant 1 : i32
        scf.for %scan3A_156 = %scan3A_151 to %scan3A_153 step %scan3A_154  : i32 {
          %mul3A_157 = arith.constant 16 : i32
          %mul3A_158 = arith.muli %scan3A_156, %mul3A_157 : i32
          %get3A = arith.index_cast %mul3A_158 : i32 to index
          %get3A_159 = tpu.vector_load %arg5[%get3A] {strides = array<i32>} : memref<2000xi32, #tpu.memory_space<vmem>>, vector<16xi32>,
          %sub3A = arith.constant 5120 : i32
          %sub3A_160 = vector.broadcast %sub3A : i32 to vector<16xi32>
          %sub3A_161 = arith.subi %get3A_159, %sub3A_160 : vector<16xi32>
          %ge3A = arith.constant 0 : i32
          %ge3A_162 = vector.broadcast %ge3A : i32 to vector<16xi32>
          %ge3A_163 = arith.cmpi sge, %sub3A_161, %ge3A_162 : vector<16xi32>
          %lt3A = arith.constant 2560 : i32
          %lt3A_164 = vector.broadcast %lt3A : i32 to vector<16xi32>
          %lt3A_165 = arith.cmpi slt, %sub3A_161, %lt3A_164 : vector<16xi32>
          %and3A = arith.andi %ge3A_163, %lt3A_165 : vector<16xi1>
          %jit3A = arith.constant 2560 : i32
          %broadcast_in_dim3A_166 = vector.broadcast %jit3A : i32 to vector<16xi32>
          %select_n3A = arith.select %and3A, %sub3A_161, %broadcast_in_dim3A_166 : vector<16xi1>, vector<16xi32>
          %mul3A_167 = arith.constant 16 : i32
          %mul3A_168 = vector.broadcast %mul3A_167 : i32 to vector<16xi32>
          %mul3A_169 = arith.muli %select_n3A, %mul3A_168 : vector<16xi32>
          %add3A_170 = arith.addi %mul3A_169, %iota3A : vector<16xi32>
          %gather3A = tpu.vector_load_idx %arg6[%add3A_170] : memref<40976xf32, #tpu.memory_space<vmem>>[vector<16xi32>], vector<16xf32>,
          %add3A_171 = arith.addf %gather3A, %broadcast_in_dim3A_0 : vector<16xf32>
          tpu.vector_store_idx %arg6[%add3A_170], %add3A_171 : memref<40976xf32, #tpu.memory_space<vmem>>[vector<16xi32>], vector<16xf32>,
        }
        %scan3A_155 = arith.constant 125 : i32
      }
      %scan3A_144 = arith.constant 10 : i32
    } else {
    }
    "tpu.region"() ({
      %run_scoped3A = tpu.sem_alloc : memref<!tpu.dma_semaphore, #tpu.memory_space<semaphore_mem>>
      %dma_start3A = arith.constant 0 : i32
      %dma_start3A_140 = tpu.memref_slice %arg6[%dma_start3A] : memref<40976xf32, #tpu.memory_space<vmem>> -> memref<40960xf32, #tpu.memory_space<vmem>>
      %dma_start3A_141 = arith.constant 0 : i32
      %dma_start3A_142 = tpu.memref_slice %arg8[%arg1, %dma_start3A_141] : memref<16x40960xf32, #tpu.memory_space<vmem_shared>> -> memref<1x40960xf32, #tpu.memory_space<vmem_shared>>
      %dma_start3A_143 = tpu.memref_squeeze %dma_start3A_142 : memref<1x40960xf32, #tpu.memory_space<vmem_shared>> -> memref<40960xf32, #tpu.memory_space<vmem_shared>>
      %dma_start3A_144 = arith.constant 0 : i32
      %dma_start3A_145 = tpu.memref_slice %arg8[%arg1, %dma_start3A_144] : memref<16x40960xf32, #tpu.memory_space<vmem_shared>> -> memref<1x40960xf32, #tpu.memory_space<vmem_shared>>
      %dma_start3A_146 = tpu.memref_squeeze %dma_start3A_145 : memref<1x40960xf32, #tpu.memory_space<vmem_shared>> -> memref<40960xf32, #tpu.memory_space<vmem_shared>>
      %dma_start3A_147 = arith.constant 0 : i32
      %dma_start3A_148 = tpu.memref_slice %arg6[%dma_start3A_147] : memref<40976xf32, #tpu.memory_space<vmem>> -> memref<40960xf32, #tpu.memory_space<vmem>>
      tpu.enqueue_dma source(%dma_start3A_148 : memref<40960xf32, #tpu.memory_space<vmem>>) target(%dma_start3A_146 : memref<40960xf32, #tpu.memory_space<vmem_shared>>) target_semaphore(%run_scoped3A : memref<!tpu.dma_semaphore, #tpu.memory_space<semaphore_mem>>)
      %dma_wait3A = arith.constant 0 : i32
      %dma_wait3A_149 = tpu.memref_slice %arg6[%dma_wait3A] : memref<40976xf32, #tpu.memory_space<vmem>> -> memref<40960xf32, #tpu.memory_space<vmem>>
      %dma_wait3A_150 = arith.constant 0 : i32
      %dma_wait3A_151 = tpu.memref_slice %arg8[%arg1, %dma_wait3A_150] : memref<16x40960xf32, #tpu.memory_space<vmem_shared>> -> memref<1x40960xf32, #tpu.memory_space<vmem_shared>>
      %dma_wait3A_152 = tpu.memref_squeeze %dma_wait3A_151 : memref<1x40960xf32, #tpu.memory_space<vmem_shared>> -> memref<40960xf32, #tpu.memory_space<vmem_shared>>
      %dma_wait3A_153 = arith.constant 0 : i32
      %dma_wait3A_154 = tpu.memref_slice %arg8[%arg1, %dma_wait3A_153] : memref<16x40960xf32, #tpu.memory_space<vmem_shared>> -> memref<1x40960xf32, #tpu.memory_space<vmem_shared>>
      %dma_wait3A_155 = tpu.memref_squeeze %dma_wait3A_154 : memref<1x40960xf32, #tpu.memory_space<vmem_shared>> -> memref<40960xf32, #tpu.memory_space<vmem_shared>>
      %dma_wait3A_156 = arith.constant 0 : i32
      %dma_wait3A_157 = tpu.memref_slice %arg6[%dma_wait3A_156] : memref<40976xf32, #tpu.memory_space<vmem>> -> memref<40960xf32, #tpu.memory_space<vmem>>
      tpu.wait_dma2 semaphore(%run_scoped3A : memref<!tpu.dma_semaphore, #tpu.memory_space<semaphore_mem>>) src(%dma_wait3A_157 : memref<40960xf32, #tpu.memory_space<vmem>>) dst(%dma_wait3A_155 : memref<40960xf32, #tpu.memory_space<vmem_shared>>)
      tpu.yield
    }) : () -> ()
    %barrier3A_83 = arith.constant 0 : index
    tpu.barrier barrier_id(%barrier3A_83)
    %scan3A_84 = arith.constant 0 : i32
    %scan3A_85 = arith.constant 16 : i32
    %scan3A_86 = arith.addi %scan3A_84, %scan3A_85 : i32
    %scan3A_87 = arith.constant 1 : i32
    scf.for %scan3A_140 = %scan3A_84 to %scan3A_86 step %scan3A_87  : i32 {
      %mul3A_141 = arith.constant 160 : i32
      %mul3A_142 = arith.muli %arg1, %mul3A_141 : i32
      %mul3A_143 = arith.constant 16 : i32
      %mul3A_144 = arith.muli %mul3A_142, %mul3A_143 : i32
      %mul3A_145 = arith.constant 160 : i32
      %mul3A_146 = arith.muli %scan3A_140, %mul3A_145 : i32
      %mul3A_147 = arith.constant 16 : i32
      %mul3A_148 = arith.muli %mul3A_146, %mul3A_147 : i32
      "tpu.region"() ({
        %run_scoped3A = tpu.sem_alloc : memref<!tpu.dma_semaphore, #tpu.memory_space<semaphore_mem>>
        %dma_start3A = tpu.memref_slice %arg6[%mul3A_148] : memref<40976xf32, #tpu.memory_space<vmem>> -> memref<2560xf32, #tpu.memory_space<vmem>>
        %dma_start3A_149 = tpu.memref_slice %arg8[%scan3A_140, %mul3A_144] : memref<16x40960xf32, #tpu.memory_space<vmem_shared>> -> memref<1x2560xf32, #tpu.memory_space<vmem_shared>>
        %dma_start3A_150 = tpu.memref_squeeze %dma_start3A_149 : memref<1x2560xf32, #tpu.memory_space<vmem_shared>> -> memref<2560xf32, #tpu.memory_space<vmem_shared>>
        %dma_start3A_151 = tpu.memref_slice %arg6[%mul3A_148] : memref<40976xf32, #tpu.memory_space<vmem>> -> memref<2560xf32, #tpu.memory_space<vmem>>
        %dma_start3A_152 = tpu.memref_slice %arg8[%scan3A_140, %mul3A_144] : memref<16x40960xf32, #tpu.memory_space<vmem_shared>> -> memref<1x2560xf32, #tpu.memory_space<vmem_shared>>
        %dma_start3A_153 = tpu.memref_squeeze %dma_start3A_152 : memref<1x2560xf32, #tpu.memory_space<vmem_shared>> -> memref<2560xf32, #tpu.memory_space<vmem_shared>>
        tpu.enqueue_dma source(%dma_start3A_153 : memref<2560xf32, #tpu.memory_space<vmem_shared>>) target(%dma_start3A_151 : memref<2560xf32, #tpu.memory_space<vmem>>) target_semaphore(%run_scoped3A : memref<!tpu.dma_semaphore, #tpu.memory_space<semaphore_mem>>)
        %dma_wait3A = tpu.memref_slice %arg6[%mul3A_148] : memref<40976xf32, #tpu.memory_space<vmem>> -> memref<2560xf32, #tpu.memory_space<vmem>>
        %dma_wait3A_154 = tpu.memref_slice %arg8[%scan3A_140, %mul3A_144] : memref<16x40960xf32, #tpu.memory_space<vmem_shared>> -> memref<1x2560xf32, #tpu.memory_space<vmem_shared>>
        %dma_wait3A_155 = tpu.memref_squeeze %dma_wait3A_154 : memref<1x2560xf32, #tpu.memory_space<vmem_shared>> -> memref<2560xf32, #tpu.memory_space<vmem_shared>>
        %dma_wait3A_156 = tpu.memref_slice %arg6[%mul3A_148] : memref<40976xf32, #tpu.memory_space<vmem>> -> memref<2560xf32, #tpu.memory_space<vmem>>
        %dma_wait3A_157 = tpu.memref_slice %arg8[%scan3A_140, %mul3A_144] : memref<16x40960xf32, #tpu.memory_space<vmem_shared>> -> memref<1x2560xf32, #tpu.memory_space<vmem_shared>>
        %dma_wait3A_158 = tpu.memref_squeeze %dma_wait3A_157 : memref<1x2560xf32, #tpu.memory_space<vmem_shared>> -> memref<2560xf32, #tpu.memory_space<vmem_shared>>
        tpu.wait_dma2 semaphore(%run_scoped3A : memref<!tpu.dma_semaphore, #tpu.memory_space<semaphore_mem>>) src(%dma_wait3A_158 : memref<2560xf32, #tpu.memory_space<vmem_shared>>) dst(%dma_wait3A_156 : memref<2560xf32, #tpu.memory_space<vmem>>)
        tpu.yield
      }) : () -> ()
    }
    %scan3A_88 = arith.constant 16 : i32
    %scan3A_89 = arith.constant 0 : i32
    %scan3A_90 = arith.constant 160 : i32
    %scan3A_91 = arith.addi %scan3A_89, %scan3A_90 : i32
    %scan3A_92 = arith.constant 1 : i32
    scf.for %scan3A_140 = %scan3A_89 to %scan3A_91 step %scan3A_92  : i32 {
      %mul3A_141 = arith.constant 16 : i32
      %mul3A_142 = arith.muli %scan3A_140, %mul3A_141 : i32
      %get3A = arith.index_cast %mul3A_142 : i32 to index
      %get3A_143 = tpu.vector_load %arg6[%get3A] {strides = array<i32>} : memref<40976xf32, #tpu.memory_space<vmem>>, vector<16xf32>,
      %add3A_144 = arith.constant 160 : i32
      %add3A_145 = arith.addi %add3A_144, %scan3A_140 : i32
      %mul3A_146 = arith.constant 16 : i32
      %mul3A_147 = arith.muli %add3A_145, %mul3A_146 : i32
      %get3A_148 = arith.index_cast %mul3A_147 : i32 to index
      %get3A_149 = tpu.vector_load %arg6[%get3A_148] {strides = array<i32>} : memref<40976xf32, #tpu.memory_space<vmem>>, vector<16xf32>,
      %add3A_150 = arith.addf %get3A_143, %get3A_149 : vector<16xf32>
      %add3A_151 = arith.constant 320 : i32
      %add3A_152 = arith.addi %add3A_151, %scan3A_140 : i32
      %mul3A_153 = arith.constant 16 : i32
      %mul3A_154 = arith.muli %add3A_152, %mul3A_153 : i32
      %get3A_155 = arith.index_cast %mul3A_154 : i32 to index
      %get3A_156 = tpu.vector_load %arg6[%get3A_155] {strides = array<i32>} : memref<40976xf32, #tpu.memory_space<vmem>>, vector<16xf32>,
      %add3A_157 = arith.addf %add3A_150, %get3A_156 : vector<16xf32>
      %add3A_158 = arith.constant 480 : i32
      %add3A_159 = arith.addi %add3A_158, %scan3A_140 : i32
      %mul3A_160 = arith.constant 16 : i32
      %mul3A_161 = arith.muli %add3A_159, %mul3A_160 : i32
      %get3A_162 = arith.index_cast %mul3A_161 : i32 to index
      %get3A_163 = tpu.vector_load %arg6[%get3A_162] {strides = array<i32>} : memref<40976xf32, #tpu.memory_space<vmem>>, vector<16xf32>,
      %add3A_164 = arith.addf %add3A_157, %get3A_163 : vector<16xf32>
      %add3A_165 = arith.constant 640 : i32
      %add3A_166 = arith.addi %add3A_165, %scan3A_140 : i32
      %mul3A_167 = arith.constant 16 : i32
      %mul3A_168 = arith.muli %add3A_166, %mul3A_167 : i32
      %get3A_169 = arith.index_cast %mul3A_168 : i32 to index
      %get3A_170 = tpu.vector_load %arg6[%get3A_169] {strides = array<i32>} : memref<40976xf32, #tpu.memory_space<vmem>>, vector<16xf32>,
      %add3A_171 = arith.addf %add3A_164, %get3A_170 : vector<16xf32>
      %add3A_172 = arith.constant 800 : i32
      %add3A_173 = arith.addi %add3A_172, %scan3A_140 : i32
      %mul3A_174 = arith.constant 16 : i32
      %mul3A_175 = arith.muli %add3A_173, %mul3A_174 : i32
      %get3A_176 = arith.index_cast %mul3A_175 : i32 to index
      %get3A_177 = tpu.vector_load %arg6[%get3A_176] {strides = array<i32>} : memref<40976xf32, #tpu.memory_space<vmem>>, vector<16xf32>,
      %add3A_178 = arith.addf %add3A_171, %get3A_177 : vector<16xf32>
      %add3A_179 = arith.constant 960 : i32
      %add3A_180 = arith.addi %add3A_179, %scan3A_140 : i32
      %mul3A_181 = arith.constant 16 : i32
      %mul3A_182 = arith.muli %add3A_180, %mul3A_181 : i32
      %get3A_183 = arith.index_cast %mul3A_182 : i32 to index
      %get3A_184 = tpu.vector_load %arg6[%get3A_183] {strides = array<i32>} : memref<40976xf32, #tpu.memory_space<vmem>>, vector<16xf32>,
      %add3A_185 = arith.addf %add3A_178, %get3A_184 : vector<16xf32>
      %add3A_186 = arith.constant 1120 : i32
      %add3A_187 = arith.addi %add3A_186, %scan3A_140 : i32
      %mul3A_188 = arith.constant 16 : i32
      %mul3A_189 = arith.muli %add3A_187, %mul3A_188 : i32
      %get3A_190 = arith.index_cast %mul3A_189 : i32 to index
      %get3A_191 = tpu.vector_load %arg6[%get3A_190] {strides = array<i32>} : memref<40976xf32, #tpu.memory_space<vmem>>, vector<16xf32>,
      %add3A_192 = arith.addf %add3A_185, %get3A_191 : vector<16xf32>
      %add3A_193 = arith.constant 1280 : i32
      %add3A_194 = arith.addi %add3A_193, %scan3A_140 : i32
      %mul3A_195 = arith.constant 16 : i32
      %mul3A_196 = arith.muli %add3A_194, %mul3A_195 : i32
      %get3A_197 = arith.index_cast %mul3A_196 : i32 to index
      %get3A_198 = tpu.vector_load %arg6[%get3A_197] {strides = array<i32>} : memref<40976xf32, #tpu.memory_space<vmem>>, vector<16xf32>,
      %add3A_199 = arith.addf %add3A_192, %get3A_198 : vector<16xf32>
      %add3A_200 = arith.constant 1440 : i32
      %add3A_201 = arith.addi %add3A_200, %scan3A_140 : i32
      %mul3A_202 = arith.constant 16 : i32
      %mul3A_203 = arith.muli %add3A_201, %mul3A_202 : i32
      %get3A_204 = arith.index_cast %mul3A_203 : i32 to index
      %get3A_205 = tpu.vector_load %arg6[%get3A_204] {strides = array<i32>} : memref<40976xf32, #tpu.memory_space<vmem>>, vector<16xf32>,
      %add3A_206 = arith.addf %add3A_199, %get3A_205 : vector<16xf32>
      %add3A_207 = arith.constant 1600 : i32
      %add3A_208 = arith.addi %add3A_207, %scan3A_140 : i32
      %mul3A_209 = arith.constant 16 : i32
      %mul3A_210 = arith.muli %add3A_208, %mul3A_209 : i32
      %get3A_211 = arith.index_cast %mul3A_210 : i32 to index
      %get3A_212 = tpu.vector_load %arg6[%get3A_211] {strides = array<i32>} : memref<40976xf32, #tpu.memory_space<vmem>>, vector<16xf32>,
      %add3A_213 = arith.addf %add3A_206, %get3A_212 : vector<16xf32>
      %add3A_214 = arith.constant 1760 : i32
      %add3A_215 = arith.addi %add3A_214, %scan3A_140 : i32
      %mul3A_216 = arith.constant 16 : i32
      %mul3A_217 = arith.muli %add3A_215, %mul3A_216 : i32
      %get3A_218 = arith.index_cast %mul3A_217 : i32 to index
      %get3A_219 = tpu.vector_load %arg6[%get3A_218] {strides = array<i32>} : memref<40976xf32, #tpu.memory_space<vmem>>, vector<16xf32>,
      %add3A_220 = arith.addf %add3A_213, %get3A_219 : vector<16xf32>
      %add3A_221 = arith.constant 1920 : i32
      %add3A_222 = arith.addi %add3A_221, %scan3A_140 : i32
      %mul3A_223 = arith.constant 16 : i32
      %mul3A_224 = arith.muli %add3A_222, %mul3A_223 : i32
      %get3A_225 = arith.index_cast %mul3A_224 : i32 to index
      %get3A_226 = tpu.vector_load %arg6[%get3A_225] {strides = array<i32>} : memref<40976xf32, #tpu.memory_space<vmem>>, vector<16xf32>,
      %add3A_227 = arith.addf %add3A_220, %get3A_226 : vector<16xf32>
      %add3A_228 = arith.constant 2080 : i32
      %add3A_229 = arith.addi %add3A_228, %scan3A_140 : i32
      %mul3A_230 = arith.constant 16 : i32
      %mul3A_231 = arith.muli %add3A_229, %mul3A_230 : i32
      %get3A_232 = arith.index_cast %mul3A_231 : i32 to index
      %get3A_233 = tpu.vector_load %arg6[%get3A_232] {strides = array<i32>} : memref<40976xf32, #tpu.memory_space<vmem>>, vector<16xf32>,
      %add3A_234 = arith.addf %add3A_227, %get3A_233 : vector<16xf32>
      %add3A_235 = arith.constant 2240 : i32
      %add3A_236 = arith.addi %add3A_235, %scan3A_140 : i32
      %mul3A_237 = arith.constant 16 : i32
      %mul3A_238 = arith.muli %add3A_236, %mul3A_237 : i32
      %get3A_239 = arith.index_cast %mul3A_238 : i32 to index
      %get3A_240 = tpu.vector_load %arg6[%get3A_239] {strides = array<i32>} : memref<40976xf32, #tpu.memory_space<vmem>>, vector<16xf32>,
      %add3A_241 = arith.addf %add3A_234, %get3A_240 : vector<16xf32>
      %add3A_242 = arith.constant 2400 : i32
      %add3A_243 = arith.addi %add3A_242, %scan3A_140 : i32
      %mul3A_244 = arith.constant 16 : i32
      %mul3A_245 = arith.muli %add3A_243, %mul3A_244 : i32
      %get3A_246 = arith.index_cast %mul3A_245 : i32 to index
      %get3A_247 = tpu.vector_load %arg6[%get3A_246] {strides = array<i32>} : memref<40976xf32, #tpu.memory_space<vmem>>, vector<16xf32>,
      %add3A_248 = arith.addf %add3A_241, %get3A_247 : vector<16xf32>
      %mul3A_249 = arith.constant 16 : i32
      %mul3A_250 = arith.muli %scan3A_140, %mul3A_249 : i32
      %swap3A = arith.index_cast %mul3A_250 : i32 to index
      %swap3A_251 = tpu.vector_load %arg7[%swap3A] {strides = array<i32>} : memref<2560xf32, #tpu.memory_space<vmem>>, vector<16xf32>,
      tpu.vector_store %arg7[%swap3A], %add3A_248 {strides = array<i32>} : memref<2560xf32, #tpu.memory_space<vmem>>, vector<16xf32>,
    }
    %scan3A_93 = arith.constant 160 : i32
    %mul3A_94 = arith.constant 10240 : i32
    %mul3A_95 = arith.muli %arg0, %mul3A_94 : i32
    %add3A_96 = arith.constant 5120 : i32
    %add3A_97 = arith.addi %mul3A_95, %add3A_96 : i32
    %mul3A_98 = arith.constant 160 : i32
    %mul3A_99 = arith.muli %arg1, %mul3A_98 : i32
    %add3A_100 = arith.addi %add3A_97, %mul3A_99 : i32
    %mul3A_101 = arith.constant 16 : i32
    %mul3A_102 = arith.muli %add3A_100, %mul3A_101 : i32
    "tpu.region"() ({
      %run_scoped3A = tpu.sem_alloc : memref<!tpu.dma_semaphore, #tpu.memory_space<semaphore_mem>>
      %dma_start3A = tpu.memref_slice %arg4[%mul3A_102] : memref<327680xf32, #tpu.memory_space<hbm>> -> memref<2560xf32, #tpu.memory_space<hbm>>
      %dma_start3A_140 = tpu.memref_slice %arg4[%mul3A_102] : memref<327680xf32, #tpu.memory_space<hbm>> -> memref<2560xf32, #tpu.memory_space<hbm>>
      tpu.enqueue_dma source(%arg7 : memref<2560xf32, #tpu.memory_space<vmem>>) target(%dma_start3A_140 : memref<2560xf32, #tpu.memory_space<hbm>>) target_semaphore(%run_scoped3A : memref<!tpu.dma_semaphore, #tpu.memory_space<semaphore_mem>>)
      %dma_wait3A = tpu.memref_slice %arg4[%mul3A_102] : memref<327680xf32, #tpu.memory_space<hbm>> -> memref<2560xf32, #tpu.memory_space<hbm>>
      %dma_wait3A_141 = tpu.memref_slice %arg4[%mul3A_102] : memref<327680xf32, #tpu.memory_space<hbm>> -> memref<2560xf32, #tpu.memory_space<hbm>>
      tpu.wait_dma2 semaphore(%run_scoped3A : memref<!tpu.dma_semaphore, #tpu.memory_space<semaphore_mem>>) src(%arg7 : memref<2560xf32, #tpu.memory_space<vmem>>) dst(%dma_wait3A_141 : memref<2560xf32, #tpu.memory_space<hbm>>)
      tpu.yield
    }) : () -> ()
    %barrier3A_103 = arith.constant 0 : index
    tpu.barrier barrier_id(%barrier3A_103)
    %scan3A_104 = arith.constant 0 : i32
    %scan3A_105 = arith.constant 2561 : i32
    %scan3A_106 = arith.addi %scan3A_104, %scan3A_105 : i32
    %scan3A_107 = arith.constant 1 : i32
    scf.for %scan3A_140 = %scan3A_104 to %scan3A_106 step %scan3A_107  : i32 {
      %mul3A_141 = arith.constant 16 : i32
      %mul3A_142 = arith.muli %scan3A_140, %mul3A_141 : i32
      %swap3A = arith.index_cast %mul3A_142 : i32 to index
      %swap3A_143 = tpu.vector_load %arg6[%swap3A] {strides = array<i32>} : memref<40976xf32, #tpu.memory_space<vmem>>, vector<16xf32>,
      tpu.vector_store %arg6[%swap3A], %broadcast_in_dim3A_2 {strides = array<i32>} : memref<40976xf32, #tpu.memory_space<vmem>>, vector<16xf32>,
    }
    %scan3A_108 = arith.constant 2561 : i32
    %eq3A_109 = arith.constant 0 : i32
    %eq3A_110 = arith.cmpi eq, %arg0, %eq3A_109 : i32
    %convert_element_type3A_111 = arith.extui %eq3A_110 : i1 to i32
    %cond3A_112 = arith.constant 0 : i32
    %cond3A_113 = arith.cmpi ne, %convert_element_type3A_111, %cond3A_112 : i32
    scf.if %cond3A_113 {
      %scan3A_140 = arith.constant 0 : i32
      %scan3A_141 = arith.constant 10 : i32
      %scan3A_142 = arith.addi %scan3A_140, %scan3A_141 : i32
      %scan3A_143 = arith.constant 1 : i32
      scf.for %scan3A_145 = %scan3A_140 to %scan3A_142 step %scan3A_143  : i32 {
        %mul3A_146 = arith.constant 20000 : i32
        %mul3A_147 = arith.muli %arg1, %mul3A_146 : i32
        %mul3A_148 = arith.constant 2000 : i32
        %mul3A_149 = arith.muli %scan3A_145, %mul3A_148 : i32
        %add3A_150 = arith.addi %mul3A_147, %mul3A_149 : i32
        "tpu.region"() ({
          %run_scoped3A = tpu.sem_alloc : memref<!tpu.dma_semaphore, #tpu.memory_space<semaphore_mem>>
          %dma_start3A = tpu.memref_slice %arg2[%add3A_150] : memref<320000xi32, #tpu.memory_space<hbm>> -> memref<2000xi32, #tpu.memory_space<hbm>>
          %dma_start3A_156 = tpu.memref_slice %arg2[%add3A_150] : memref<320000xi32, #tpu.memory_space<hbm>> -> memref<2000xi32, #tpu.memory_space<hbm>>
          tpu.enqueue_dma source(%dma_start3A_156 : memref<2000xi32, #tpu.memory_space<hbm>>) target(%arg5 : memref<2000xi32, #tpu.memory_space<vmem>>) target_semaphore(%run_scoped3A : memref<!tpu.dma_semaphore, #tpu.memory_space<semaphore_mem>>)
          %dma_wait3A = tpu.memref_slice %arg2[%add3A_150] : memref<320000xi32, #tpu.memory_space<hbm>> -> memref<2000xi32, #tpu.memory_space<hbm>>
          %dma_wait3A_157 = tpu.memref_slice %arg2[%add3A_150] : memref<320000xi32, #tpu.memory_space<hbm>> -> memref<2000xi32, #tpu.memory_space<hbm>>
          tpu.wait_dma2 semaphore(%run_scoped3A : memref<!tpu.dma_semaphore, #tpu.memory_space<semaphore_mem>>) src(%dma_wait3A_157 : memref<2000xi32, #tpu.memory_space<hbm>>) dst(%arg5 : memref<2000xi32, #tpu.memory_space<vmem>>)
          tpu.yield
        }) : () -> ()
        %scan3A_151 = arith.constant 0 : i32
        %scan3A_152 = arith.constant 125 : i32
        %scan3A_153 = arith.addi %scan3A_151, %scan3A_152 : i32
        %scan3A_154 = arith.constant 1 : i32
        scf.for %scan3A_156 = %scan3A_151 to %scan3A_153 step %scan3A_154  : i32 {
          %mul3A_157 = arith.constant 16 : i32
          %mul3A_158 = arith.muli %scan3A_156, %mul3A_157 : i32
          %get3A = arith.index_cast %mul3A_158 : i32 to index
          %get3A_159 = tpu.vector_load %arg5[%get3A] {strides = array<i32>} : memref<2000xi32, #tpu.memory_space<vmem>>, vector<16xi32>,
          %sub3A = arith.constant 7680 : i32
          %sub3A_160 = vector.broadcast %sub3A : i32 to vector<16xi32>
          %sub3A_161 = arith.subi %get3A_159, %sub3A_160 : vector<16xi32>
          %ge3A = arith.constant 0 : i32
          %ge3A_162 = vector.broadcast %ge3A : i32 to vector<16xi32>
          %ge3A_163 = arith.cmpi sge, %sub3A_161, %ge3A_162 : vector<16xi32>
          %lt3A = arith.constant 2560 : i32
          %lt3A_164 = vector.broadcast %lt3A : i32 to vector<16xi32>
          %lt3A_165 = arith.cmpi slt, %sub3A_161, %lt3A_164 : vector<16xi32>
          %and3A = arith.andi %ge3A_163, %lt3A_165 : vector<16xi1>
          %jit3A = arith.constant 2560 : i32
          %broadcast_in_dim3A_166 = vector.broadcast %jit3A : i32 to vector<16xi32>
          %select_n3A = arith.select %and3A, %sub3A_161, %broadcast_in_dim3A_166 : vector<16xi1>, vector<16xi32>
          %mul3A_167 = arith.constant 16 : i32
          %mul3A_168 = vector.broadcast %mul3A_167 : i32 to vector<16xi32>
          %mul3A_169 = arith.muli %select_n3A, %mul3A_168 : vector<16xi32>
          %add3A_170 = arith.addi %mul3A_169, %iota3A : vector<16xi32>
          %gather3A = tpu.vector_load_idx %arg6[%add3A_170] : memref<40976xf32, #tpu.memory_space<vmem>>[vector<16xi32>], vector<16xf32>,
          %add3A_171 = arith.addf %gather3A, %broadcast_in_dim3A_0 : vector<16xf32>
          tpu.vector_store_idx %arg6[%add3A_170], %add3A_171 : memref<40976xf32, #tpu.memory_space<vmem>>[vector<16xi32>], vector<16xf32>,
        }
        %scan3A_155 = arith.constant 125 : i32
      }
      %scan3A_144 = arith.constant 10 : i32
    } else {
    }
    %eq3A_114 = arith.constant 1 : i32
    %eq3A_115 = arith.cmpi eq, %arg0, %eq3A_114 : i32
    %convert_element_type3A_116 = arith.extui %eq3A_115 : i1 to i32
    %cond3A_117 = arith.constant 0 : i32
    %cond3A_118 = arith.cmpi ne, %convert_element_type3A_116, %cond3A_117 : i32
    scf.if %cond3A_118 {
      %scan3A_140 = arith.constant 0 : i32
      %scan3A_141 = arith.constant 10 : i32
      %scan3A_142 = arith.addi %scan3A_140, %scan3A_141 : i32
      %scan3A_143 = arith.constant 1 : i32
      scf.for %scan3A_145 = %scan3A_140 to %scan3A_142 step %scan3A_143  : i32 {
        %mul3A_146 = arith.constant 20000 : i32
        %mul3A_147 = arith.muli %arg1, %mul3A_146 : i32
        %mul3A_148 = arith.constant 2000 : i32
        %mul3A_149 = arith.muli %scan3A_145, %mul3A_148 : i32
        %add3A_150 = arith.addi %mul3A_147, %mul3A_149 : i32
        "tpu.region"() ({
          %run_scoped3A = tpu.sem_alloc : memref<!tpu.dma_semaphore, #tpu.memory_space<semaphore_mem>>
          %dma_start3A = tpu.memref_slice %arg3[%add3A_150] : memref<320000xi32, #tpu.memory_space<hbm>> -> memref<2000xi32, #tpu.memory_space<hbm>>
          %dma_start3A_156 = tpu.memref_slice %arg3[%add3A_150] : memref<320000xi32, #tpu.memory_space<hbm>> -> memref<2000xi32, #tpu.memory_space<hbm>>
          tpu.enqueue_dma source(%dma_start3A_156 : memref<2000xi32, #tpu.memory_space<hbm>>) target(%arg5 : memref<2000xi32, #tpu.memory_space<vmem>>) target_semaphore(%run_scoped3A : memref<!tpu.dma_semaphore, #tpu.memory_space<semaphore_mem>>)
          %dma_wait3A = tpu.memref_slice %arg3[%add3A_150] : memref<320000xi32, #tpu.memory_space<hbm>> -> memref<2000xi32, #tpu.memory_space<hbm>>
          %dma_wait3A_157 = tpu.memref_slice %arg3[%add3A_150] : memref<320000xi32, #tpu.memory_space<hbm>> -> memref<2000xi32, #tpu.memory_space<hbm>>
          tpu.wait_dma2 semaphore(%run_scoped3A : memref<!tpu.dma_semaphore, #tpu.memory_space<semaphore_mem>>) src(%dma_wait3A_157 : memref<2000xi32, #tpu.memory_space<hbm>>) dst(%arg5 : memref<2000xi32, #tpu.memory_space<vmem>>)
          tpu.yield
        }) : () -> ()
        %scan3A_151 = arith.constant 0 : i32
        %scan3A_152 = arith.constant 125 : i32
        %scan3A_153 = arith.addi %scan3A_151, %scan3A_152 : i32
        %scan3A_154 = arith.constant 1 : i32
        scf.for %scan3A_156 = %scan3A_151 to %scan3A_153 step %scan3A_154  : i32 {
          %mul3A_157 = arith.constant 16 : i32
          %mul3A_158 = arith.muli %scan3A_156, %mul3A_157 : i32
          %get3A = arith.index_cast %mul3A_158 : i32 to index
          %get3A_159 = tpu.vector_load %arg5[%get3A] {strides = array<i32>} : memref<2000xi32, #tpu.memory_space<vmem>>, vector<16xi32>,
          %sub3A = arith.constant 7680 : i32
          %sub3A_160 = vector.broadcast %sub3A : i32 to vector<16xi32>
          %sub3A_161 = arith.subi %get3A_159, %sub3A_160 : vector<16xi32>
          %ge3A = arith.constant 0 : i32
          %ge3A_162 = vector.broadcast %ge3A : i32 to vector<16xi32>
          %ge3A_163 = arith.cmpi sge, %sub3A_161, %ge3A_162 : vector<16xi32>
          %lt3A = arith.constant 2560 : i32
          %lt3A_164 = vector.broadcast %lt3A : i32 to vector<16xi32>
          %lt3A_165 = arith.cmpi slt, %sub3A_161, %lt3A_164 : vector<16xi32>
          %and3A = arith.andi %ge3A_163, %lt3A_165 : vector<16xi1>
          %jit3A = arith.constant 2560 : i32
          %broadcast_in_dim3A_166 = vector.broadcast %jit3A : i32 to vector<16xi32>
          %select_n3A = arith.select %and3A, %sub3A_161, %broadcast_in_dim3A_166 : vector<16xi1>, vector<16xi32>
          %mul3A_167 = arith.constant 16 : i32
          %mul3A_168 = vector.broadcast %mul3A_167 : i32 to vector<16xi32>
          %mul3A_169 = arith.muli %select_n3A, %mul3A_168 : vector<16xi32>
          %add3A_170 = arith.addi %mul3A_169, %iota3A : vector<16xi32>
          %gather3A = tpu.vector_load_idx %arg6[%add3A_170] : memref<40976xf32, #tpu.memory_space<vmem>>[vector<16xi32>], vector<16xf32>,
          %add3A_171 = arith.addf %gather3A, %broadcast_in_dim3A_0 : vector<16xf32>
          tpu.vector_store_idx %arg6[%add3A_170], %add3A_171 : memref<40976xf32, #tpu.memory_space<vmem>>[vector<16xi32>], vector<16xf32>,
        }
        %scan3A_155 = arith.constant 125 : i32
      }
      %scan3A_144 = arith.constant 10 : i32
    } else {
    }
    "tpu.region"() ({
      %run_scoped3A = tpu.sem_alloc : memref<!tpu.dma_semaphore, #tpu.memory_space<semaphore_mem>>
      %dma_start3A = arith.constant 0 : i32
      %dma_start3A_140 = tpu.memref_slice %arg6[%dma_start3A] : memref<40976xf32, #tpu.memory_space<vmem>> -> memref<40960xf32, #tpu.memory_space<vmem>>
      %dma_start3A_141 = arith.constant 0 : i32
      %dma_start3A_142 = tpu.memref_slice %arg8[%arg1, %dma_start3A_141] : memref<16x40960xf32, #tpu.memory_space<vmem_shared>> -> memref<1x40960xf32, #tpu.memory_space<vmem_shared>>
      %dma_start3A_143 = tpu.memref_squeeze %dma_start3A_142 : memref<1x40960xf32, #tpu.memory_space<vmem_shared>> -> memref<40960xf32, #tpu.memory_space<vmem_shared>>
      %dma_start3A_144 = arith.constant 0 : i32
      %dma_start3A_145 = tpu.memref_slice %arg8[%arg1, %dma_start3A_144] : memref<16x40960xf32, #tpu.memory_space<vmem_shared>> -> memref<1x40960xf32, #tpu.memory_space<vmem_shared>>
      %dma_start3A_146 = tpu.memref_squeeze %dma_start3A_145 : memref<1x40960xf32, #tpu.memory_space<vmem_shared>> -> memref<40960xf32, #tpu.memory_space<vmem_shared>>
      %dma_start3A_147 = arith.constant 0 : i32
      %dma_start3A_148 = tpu.memref_slice %arg6[%dma_start3A_147] : memref<40976xf32, #tpu.memory_space<vmem>> -> memref<40960xf32, #tpu.memory_space<vmem>>
      tpu.enqueue_dma source(%dma_start3A_148 : memref<40960xf32, #tpu.memory_space<vmem>>) target(%dma_start3A_146 : memref<40960xf32, #tpu.memory_space<vmem_shared>>) target_semaphore(%run_scoped3A : memref<!tpu.dma_semaphore, #tpu.memory_space<semaphore_mem>>)
      %dma_wait3A = arith.constant 0 : i32
      %dma_wait3A_149 = tpu.memref_slice %arg6[%dma_wait3A] : memref<40976xf32, #tpu.memory_space<vmem>> -> memref<40960xf32, #tpu.memory_space<vmem>>
      %dma_wait3A_150 = arith.constant 0 : i32
      %dma_wait3A_151 = tpu.memref_slice %arg8[%arg1, %dma_wait3A_150] : memref<16x40960xf32, #tpu.memory_space<vmem_shared>> -> memref<1x40960xf32, #tpu.memory_space<vmem_shared>>
      %dma_wait3A_152 = tpu.memref_squeeze %dma_wait3A_151 : memref<1x40960xf32, #tpu.memory_space<vmem_shared>> -> memref<40960xf32, #tpu.memory_space<vmem_shared>>
      %dma_wait3A_153 = arith.constant 0 : i32
      %dma_wait3A_154 = tpu.memref_slice %arg8[%arg1, %dma_wait3A_153] : memref<16x40960xf32, #tpu.memory_space<vmem_shared>> -> memref<1x40960xf32, #tpu.memory_space<vmem_shared>>
      %dma_wait3A_155 = tpu.memref_squeeze %dma_wait3A_154 : memref<1x40960xf32, #tpu.memory_space<vmem_shared>> -> memref<40960xf32, #tpu.memory_space<vmem_shared>>
      %dma_wait3A_156 = arith.constant 0 : i32
      %dma_wait3A_157 = tpu.memref_slice %arg6[%dma_wait3A_156] : memref<40976xf32, #tpu.memory_space<vmem>> -> memref<40960xf32, #tpu.memory_space<vmem>>
      tpu.wait_dma2 semaphore(%run_scoped3A : memref<!tpu.dma_semaphore, #tpu.memory_space<semaphore_mem>>) src(%dma_wait3A_157 : memref<40960xf32, #tpu.memory_space<vmem>>) dst(%dma_wait3A_155 : memref<40960xf32, #tpu.memory_space<vmem_shared>>)
      tpu.yield
    }) : () -> ()
    %barrier3A_119 = arith.constant 0 : index
    tpu.barrier barrier_id(%barrier3A_119)
    %scan3A_120 = arith.constant 0 : i32
    %scan3A_121 = arith.constant 16 : i32
    %scan3A_122 = arith.addi %scan3A_120, %scan3A_121 : i32
    %scan3A_123 = arith.constant 1 : i32
    scf.for %scan3A_140 = %scan3A_120 to %scan3A_122 step %scan3A_123  : i32 {
      %mul3A_141 = arith.constant 160 : i32
      %mul3A_142 = arith.muli %arg1, %mul3A_141 : i32
      %mul3A_143 = arith.constant 16 : i32
      %mul3A_144 = arith.muli %mul3A_142, %mul3A_143 : i32
      %mul3A_145 = arith.constant 160 : i32
      %mul3A_146 = arith.muli %scan3A_140, %mul3A_145 : i32
      %mul3A_147 = arith.constant 16 : i32
      %mul3A_148 = arith.muli %mul3A_146, %mul3A_147 : i32
      "tpu.region"() ({
        %run_scoped3A = tpu.sem_alloc : memref<!tpu.dma_semaphore, #tpu.memory_space<semaphore_mem>>
        %dma_start3A = tpu.memref_slice %arg6[%mul3A_148] : memref<40976xf32, #tpu.memory_space<vmem>> -> memref<2560xf32, #tpu.memory_space<vmem>>
        %dma_start3A_149 = tpu.memref_slice %arg8[%scan3A_140, %mul3A_144] : memref<16x40960xf32, #tpu.memory_space<vmem_shared>> -> memref<1x2560xf32, #tpu.memory_space<vmem_shared>>
        %dma_start3A_150 = tpu.memref_squeeze %dma_start3A_149 : memref<1x2560xf32, #tpu.memory_space<vmem_shared>> -> memref<2560xf32, #tpu.memory_space<vmem_shared>>
        %dma_start3A_151 = tpu.memref_slice %arg6[%mul3A_148] : memref<40976xf32, #tpu.memory_space<vmem>> -> memref<2560xf32, #tpu.memory_space<vmem>>
        %dma_start3A_152 = tpu.memref_slice %arg8[%scan3A_140, %mul3A_144] : memref<16x40960xf32, #tpu.memory_space<vmem_shared>> -> memref<1x2560xf32, #tpu.memory_space<vmem_shared>>
        %dma_start3A_153 = tpu.memref_squeeze %dma_start3A_152 : memref<1x2560xf32, #tpu.memory_space<vmem_shared>> -> memref<2560xf32, #tpu.memory_space<vmem_shared>>
        tpu.enqueue_dma source(%dma_start3A_153 : memref<2560xf32, #tpu.memory_space<vmem_shared>>) target(%dma_start3A_151 : memref<2560xf32, #tpu.memory_space<vmem>>) target_semaphore(%run_scoped3A : memref<!tpu.dma_semaphore, #tpu.memory_space<semaphore_mem>>)
        %dma_wait3A = tpu.memref_slice %arg6[%mul3A_148] : memref<40976xf32, #tpu.memory_space<vmem>> -> memref<2560xf32, #tpu.memory_space<vmem>>
        %dma_wait3A_154 = tpu.memref_slice %arg8[%scan3A_140, %mul3A_144] : memref<16x40960xf32, #tpu.memory_space<vmem_shared>> -> memref<1x2560xf32, #tpu.memory_space<vmem_shared>>
        %dma_wait3A_155 = tpu.memref_squeeze %dma_wait3A_154 : memref<1x2560xf32, #tpu.memory_space<vmem_shared>> -> memref<2560xf32, #tpu.memory_space<vmem_shared>>
        %dma_wait3A_156 = tpu.memref_slice %arg6[%mul3A_148] : memref<40976xf32, #tpu.memory_space<vmem>> -> memref<2560xf32, #tpu.memory_space<vmem>>
        %dma_wait3A_157 = tpu.memref_slice %arg8[%scan3A_140, %mul3A_144] : memref<16x40960xf32, #tpu.memory_space<vmem_shared>> -> memref<1x2560xf32, #tpu.memory_space<vmem_shared>>
        %dma_wait3A_158 = tpu.memref_squeeze %dma_wait3A_157 : memref<1x2560xf32, #tpu.memory_space<vmem_shared>> -> memref<2560xf32, #tpu.memory_space<vmem_shared>>
        tpu.wait_dma2 semaphore(%run_scoped3A : memref<!tpu.dma_semaphore, #tpu.memory_space<semaphore_mem>>) src(%dma_wait3A_158 : memref<2560xf32, #tpu.memory_space<vmem_shared>>) dst(%dma_wait3A_156 : memref<2560xf32, #tpu.memory_space<vmem>>)
        tpu.yield
      }) : () -> ()
    }
    %scan3A_124 = arith.constant 16 : i32
    %scan3A_125 = arith.constant 0 : i32
    %scan3A_126 = arith.constant 160 : i32
    %scan3A_127 = arith.addi %scan3A_125, %scan3A_126 : i32
    %scan3A_128 = arith.constant 1 : i32
    scf.for %scan3A_140 = %scan3A_125 to %scan3A_127 step %scan3A_128  : i32 {
      %mul3A_141 = arith.constant 16 : i32
      %mul3A_142 = arith.muli %scan3A_140, %mul3A_141 : i32
      %get3A = arith.index_cast %mul3A_142 : i32 to index
      %get3A_143 = tpu.vector_load %arg6[%get3A] {strides = array<i32>} : memref<40976xf32, #tpu.memory_space<vmem>>, vector<16xf32>,
      %add3A_144 = arith.constant 160 : i32
      %add3A_145 = arith.addi %add3A_144, %scan3A_140 : i32
      %mul3A_146 = arith.constant 16 : i32
      %mul3A_147 = arith.muli %add3A_145, %mul3A_146 : i32
      %get3A_148 = arith.index_cast %mul3A_147 : i32 to index
      %get3A_149 = tpu.vector_load %arg6[%get3A_148] {strides = array<i32>} : memref<40976xf32, #tpu.memory_space<vmem>>, vector<16xf32>,
      %add3A_150 = arith.addf %get3A_143, %get3A_149 : vector<16xf32>
      %add3A_151 = arith.constant 320 : i32
      %add3A_152 = arith.addi %add3A_151, %scan3A_140 : i32
      %mul3A_153 = arith.constant 16 : i32
      %mul3A_154 = arith.muli %add3A_152, %mul3A_153 : i32
      %get3A_155 = arith.index_cast %mul3A_154 : i32 to index
      %get3A_156 = tpu.vector_load %arg6[%get3A_155] {strides = array<i32>} : memref<40976xf32, #tpu.memory_space<vmem>>, vector<16xf32>,
      %add3A_157 = arith.addf %add3A_150, %get3A_156 : vector<16xf32>
      %add3A_158 = arith.constant 480 : i32
      %add3A_159 = arith.addi %add3A_158, %scan3A_140 : i32
      %mul3A_160 = arith.constant 16 : i32
      %mul3A_161 = arith.muli %add3A_159, %mul3A_160 : i32
      %get3A_162 = arith.index_cast %mul3A_161 : i32 to index
      %get3A_163 = tpu.vector_load %arg6[%get3A_162] {strides = array<i32>} : memref<40976xf32, #tpu.memory_space<vmem>>, vector<16xf32>,
      %add3A_164 = arith.addf %add3A_157, %get3A_163 : vector<16xf32>
      %add3A_165 = arith.constant 640 : i32
      %add3A_166 = arith.addi %add3A_165, %scan3A_140 : i32
      %mul3A_167 = arith.constant 16 : i32
      %mul3A_168 = arith.muli %add3A_166, %mul3A_167 : i32
      %get3A_169 = arith.index_cast %mul3A_168 : i32 to index
      %get3A_170 = tpu.vector_load %arg6[%get3A_169] {strides = array<i32>} : memref<40976xf32, #tpu.memory_space<vmem>>, vector<16xf32>,
      %add3A_171 = arith.addf %add3A_164, %get3A_170 : vector<16xf32>
      %add3A_172 = arith.constant 800 : i32
      %add3A_173 = arith.addi %add3A_172, %scan3A_140 : i32
      %mul3A_174 = arith.constant 16 : i32
      %mul3A_175 = arith.muli %add3A_173, %mul3A_174 : i32
      %get3A_176 = arith.index_cast %mul3A_175 : i32 to index
      %get3A_177 = tpu.vector_load %arg6[%get3A_176] {strides = array<i32>} : memref<40976xf32, #tpu.memory_space<vmem>>, vector<16xf32>,
      %add3A_178 = arith.addf %add3A_171, %get3A_177 : vector<16xf32>
      %add3A_179 = arith.constant 960 : i32
      %add3A_180 = arith.addi %add3A_179, %scan3A_140 : i32
      %mul3A_181 = arith.constant 16 : i32
      %mul3A_182 = arith.muli %add3A_180, %mul3A_181 : i32
      %get3A_183 = arith.index_cast %mul3A_182 : i32 to index
      %get3A_184 = tpu.vector_load %arg6[%get3A_183] {strides = array<i32>} : memref<40976xf32, #tpu.memory_space<vmem>>, vector<16xf32>,
      %add3A_185 = arith.addf %add3A_178, %get3A_184 : vector<16xf32>
      %add3A_186 = arith.constant 1120 : i32
      %add3A_187 = arith.addi %add3A_186, %scan3A_140 : i32
      %mul3A_188 = arith.constant 16 : i32
      %mul3A_189 = arith.muli %add3A_187, %mul3A_188 : i32
      %get3A_190 = arith.index_cast %mul3A_189 : i32 to index
      %get3A_191 = tpu.vector_load %arg6[%get3A_190] {strides = array<i32>} : memref<40976xf32, #tpu.memory_space<vmem>>, vector<16xf32>,
      %add3A_192 = arith.addf %add3A_185, %get3A_191 : vector<16xf32>
      %add3A_193 = arith.constant 1280 : i32
      %add3A_194 = arith.addi %add3A_193, %scan3A_140 : i32
      %mul3A_195 = arith.constant 16 : i32
      %mul3A_196 = arith.muli %add3A_194, %mul3A_195 : i32
      %get3A_197 = arith.index_cast %mul3A_196 : i32 to index
      %get3A_198 = tpu.vector_load %arg6[%get3A_197] {strides = array<i32>} : memref<40976xf32, #tpu.memory_space<vmem>>, vector<16xf32>,
      %add3A_199 = arith.addf %add3A_192, %get3A_198 : vector<16xf32>
      %add3A_200 = arith.constant 1440 : i32
      %add3A_201 = arith.addi %add3A_200, %scan3A_140 : i32
      %mul3A_202 = arith.constant 16 : i32
      %mul3A_203 = arith.muli %add3A_201, %mul3A_202 : i32
      %get3A_204 = arith.index_cast %mul3A_203 : i32 to index
      %get3A_205 = tpu.vector_load %arg6[%get3A_204] {strides = array<i32>} : memref<40976xf32, #tpu.memory_space<vmem>>, vector<16xf32>,
      %add3A_206 = arith.addf %add3A_199, %get3A_205 : vector<16xf32>
      %add3A_207 = arith.constant 1600 : i32
      %add3A_208 = arith.addi %add3A_207, %scan3A_140 : i32
      %mul3A_209 = arith.constant 16 : i32
      %mul3A_210 = arith.muli %add3A_208, %mul3A_209 : i32
      %get3A_211 = arith.index_cast %mul3A_210 : i32 to index
      %get3A_212 = tpu.vector_load %arg6[%get3A_211] {strides = array<i32>} : memref<40976xf32, #tpu.memory_space<vmem>>, vector<16xf32>,
      %add3A_213 = arith.addf %add3A_206, %get3A_212 : vector<16xf32>
      %add3A_214 = arith.constant 1760 : i32
      %add3A_215 = arith.addi %add3A_214, %scan3A_140 : i32
      %mul3A_216 = arith.constant 16 : i32
      %mul3A_217 = arith.muli %add3A_215, %mul3A_216 : i32
      %get3A_218 = arith.index_cast %mul3A_217 : i32 to index
      %get3A_219 = tpu.vector_load %arg6[%get3A_218] {strides = array<i32>} : memref<40976xf32, #tpu.memory_space<vmem>>, vector<16xf32>,
      %add3A_220 = arith.addf %add3A_213, %get3A_219 : vector<16xf32>
      %add3A_221 = arith.constant 1920 : i32
      %add3A_222 = arith.addi %add3A_221, %scan3A_140 : i32
      %mul3A_223 = arith.constant 16 : i32
      %mul3A_224 = arith.muli %add3A_222, %mul3A_223 : i32
      %get3A_225 = arith.index_cast %mul3A_224 : i32 to index
      %get3A_226 = tpu.vector_load %arg6[%get3A_225] {strides = array<i32>} : memref<40976xf32, #tpu.memory_space<vmem>>, vector<16xf32>,
      %add3A_227 = arith.addf %add3A_220, %get3A_226 : vector<16xf32>
      %add3A_228 = arith.constant 2080 : i32
      %add3A_229 = arith.addi %add3A_228, %scan3A_140 : i32
      %mul3A_230 = arith.constant 16 : i32
      %mul3A_231 = arith.muli %add3A_229, %mul3A_230 : i32
      %get3A_232 = arith.index_cast %mul3A_231 : i32 to index
      %get3A_233 = tpu.vector_load %arg6[%get3A_232] {strides = array<i32>} : memref<40976xf32, #tpu.memory_space<vmem>>, vector<16xf32>,
      %add3A_234 = arith.addf %add3A_227, %get3A_233 : vector<16xf32>
      %add3A_235 = arith.constant 2240 : i32
      %add3A_236 = arith.addi %add3A_235, %scan3A_140 : i32
      %mul3A_237 = arith.constant 16 : i32
      %mul3A_238 = arith.muli %add3A_236, %mul3A_237 : i32
      %get3A_239 = arith.index_cast %mul3A_238 : i32 to index
      %get3A_240 = tpu.vector_load %arg6[%get3A_239] {strides = array<i32>} : memref<40976xf32, #tpu.memory_space<vmem>>, vector<16xf32>,
      %add3A_241 = arith.addf %add3A_234, %get3A_240 : vector<16xf32>
      %add3A_242 = arith.constant 2400 : i32
      %add3A_243 = arith.addi %add3A_242, %scan3A_140 : i32
      %mul3A_244 = arith.constant 16 : i32
      %mul3A_245 = arith.muli %add3A_243, %mul3A_244 : i32
      %get3A_246 = arith.index_cast %mul3A_245 : i32 to index
      %get3A_247 = tpu.vector_load %arg6[%get3A_246] {strides = array<i32>} : memref<40976xf32, #tpu.memory_space<vmem>>, vector<16xf32>,
      %add3A_248 = arith.addf %add3A_241, %get3A_247 : vector<16xf32>
      %mul3A_249 = arith.constant 16 : i32
      %mul3A_250 = arith.muli %scan3A_140, %mul3A_249 : i32
      %swap3A = arith.index_cast %mul3A_250 : i32 to index
      %swap3A_251 = tpu.vector_load %arg7[%swap3A] {strides = array<i32>} : memref<2560xf32, #tpu.memory_space<vmem>>, vector<16xf32>,
      tpu.vector_store %arg7[%swap3A], %add3A_248 {strides = array<i32>} : memref<2560xf32, #tpu.memory_space<vmem>>, vector<16xf32>,
    }
    %scan3A_129 = arith.constant 160 : i32
    %mul3A_130 = arith.constant 10240 : i32
    %mul3A_131 = arith.muli %arg0, %mul3A_130 : i32
    %add3A_132 = arith.constant 7680 : i32
    %add3A_133 = arith.addi %mul3A_131, %add3A_132 : i32
    %mul3A_134 = arith.constant 160 : i32
    %mul3A_135 = arith.muli %arg1, %mul3A_134 : i32
    %add3A_136 = arith.addi %add3A_133, %mul3A_135 : i32
    %mul3A_137 = arith.constant 16 : i32
    %mul3A_138 = arith.muli %add3A_136, %mul3A_137 : i32
    "tpu.region"() ({
      %run_scoped3A = tpu.sem_alloc : memref<!tpu.dma_semaphore, #tpu.memory_space<semaphore_mem>>
      %dma_start3A = tpu.memref_slice %arg4[%mul3A_138] : memref<327680xf32, #tpu.memory_space<hbm>> -> memref<2560xf32, #tpu.memory_space<hbm>>
      %dma_start3A_140 = tpu.memref_slice %arg4[%mul3A_138] : memref<327680xf32, #tpu.memory_space<hbm>> -> memref<2560xf32, #tpu.memory_space<hbm>>
      tpu.enqueue_dma source(%arg7 : memref<2560xf32, #tpu.memory_space<vmem>>) target(%dma_start3A_140 : memref<2560xf32, #tpu.memory_space<hbm>>) target_semaphore(%run_scoped3A : memref<!tpu.dma_semaphore, #tpu.memory_space<semaphore_mem>>)
      %dma_wait3A = tpu.memref_slice %arg4[%mul3A_138] : memref<327680xf32, #tpu.memory_space<hbm>> -> memref<2560xf32, #tpu.memory_space<hbm>>
      %dma_wait3A_141 = tpu.memref_slice %arg4[%mul3A_138] : memref<327680xf32, #tpu.memory_space<hbm>> -> memref<2560xf32, #tpu.memory_space<hbm>>
      tpu.wait_dma2 semaphore(%run_scoped3A : memref<!tpu.dma_semaphore, #tpu.memory_space<semaphore_mem>>) src(%arg7 : memref<2560xf32, #tpu.memory_space<vmem>>) dst(%dma_wait3A_141 : memref<2560xf32, #tpu.memory_space<hbm>>)
      tpu.yield
    }) : () -> ()
    %barrier3A_139 = arith.constant 0 : index
    tpu.barrier barrier_id(%barrier3A_139)
    return
  }
}

#map = affine_map<(d0, d1) -> (0)>
#map1 = affine_map<(d0, d1) -> (0, 0)>
module attributes {stable_mosaic.version = 14 : i64} {
  func.func @_sc_emb(%arg0: i32, %arg1: i32, %arg2: memref<204800xi32, #tpu.memory_space<hbm>>, %arg3: memref<204800xi32, #tpu.memory_space<hbm>>, %arg4: memref<100000x128xf32, #tpu.memory_space<hbm>>, %arg5: memref<128x128xf32, #tpu.memory_space<hbm>>, %arg6: memref<10240x128xf32, #tpu.memory_space<hbm>>, %arg7: memref<80xi32, #tpu.memory_space<vmem>>, %arg8: memref<80xi32, #tpu.memory_space<vmem>>, %arg9: memref<80x128xf32, #tpu.memory_space<vmem>>, %arg10: memref<80xi32, #tpu.memory_space<vmem>>, %arg11: memref<80xi32, #tpu.memory_space<vmem>>, %arg12: memref<80x128xf32, #tpu.memory_space<vmem>>, %arg13: memref<5120x128xf32, #tpu.memory_space<vmem_shared>>, %arg14: memref<!tpu.dma_semaphore, #tpu.memory_space<semaphore_mem>>, %arg15: memref<!tpu.dma_semaphore, #tpu.memory_space<semaphore_mem>>) attributes {dimension_semantics = [#tpu.dimension_semantics<core_parallel>, #tpu.dimension_semantics<subcore_parallel>], iteration_bounds = array<i64: 2, 16>, scalar_prefetch = 0 : i64, scratch_operands = 9 : i64, tpu.core_type = #tpu.core_type<sc_vector_subcore>, window_params = [{transform_indices = #map}, {transform_indices = #map}, {transform_indices = #map1}, {transform_indices = #map1}, {transform_indices = #map1}]} {
    %mul3A = arith.constant 5120 : i32
    %mul3A_0 = arith.muli %arg0, %mul3A : i32
    %mul3A_1 = arith.constant 320 : i32
    %mul3A_2 = arith.muli %arg1, %mul3A_1 : i32
    %add3A = arith.addi %mul3A_0, %mul3A_2 : i32
    "tpu.region"() ({
      %run_scoped3A = tpu.sem_alloc : memref<!tpu.dma_semaphore, #tpu.memory_space<semaphore_mem>>
      %dma_start3A_42 = arith.constant 0 : i32
      %dma_start3A_43 = arith.constant 0 : i32
      %dma_start3A_44 = tpu.memref_slice %arg5[%dma_start3A_42, %dma_start3A_43] : memref<128x128xf32, #tpu.memory_space<hbm>> -> memref<80x128xf32, #tpu.memory_space<hbm>>
      %dma_start3A_45 = arith.constant 0 : i32
      %dma_start3A_46 = arith.constant 0 : i32
      %dma_start3A_47 = tpu.memref_slice %arg5[%dma_start3A_45, %dma_start3A_46] : memref<128x128xf32, #tpu.memory_space<hbm>> -> memref<80x128xf32, #tpu.memory_space<hbm>>
      tpu.enqueue_dma source(%dma_start3A_47 : memref<80x128xf32, #tpu.memory_space<hbm>>) target(%arg9 : memref<80x128xf32, #tpu.memory_space<vmem>>) target_semaphore(%run_scoped3A : memref<!tpu.dma_semaphore, #tpu.memory_space<semaphore_mem>>)
      %dma_wait3A_48 = arith.constant 0 : i32
      %dma_wait3A_49 = arith.constant 0 : i32
      %dma_wait3A_50 = tpu.memref_slice %arg5[%dma_wait3A_48, %dma_wait3A_49] : memref<128x128xf32, #tpu.memory_space<hbm>> -> memref<80x128xf32, #tpu.memory_space<hbm>>
      %dma_wait3A_51 = arith.constant 0 : i32
      %dma_wait3A_52 = arith.constant 0 : i32
      %dma_wait3A_53 = tpu.memref_slice %arg5[%dma_wait3A_51, %dma_wait3A_52] : memref<128x128xf32, #tpu.memory_space<hbm>> -> memref<80x128xf32, #tpu.memory_space<hbm>>
      tpu.wait_dma2 semaphore(%run_scoped3A : memref<!tpu.dma_semaphore, #tpu.memory_space<semaphore_mem>>) src(%dma_wait3A_53 : memref<80x128xf32, #tpu.memory_space<hbm>>) dst(%arg9 : memref<80x128xf32, #tpu.memory_space<vmem>>)
      tpu.yield
    }) : () -> ()
    %scan3A = arith.constant 0 : i32
    %scan3A_3 = arith.constant 4 : i32
    %scan3A_4 = arith.addi %scan3A, %scan3A_3 : i32
    %scan3A_5 = arith.constant 1 : i32
    scf.for %scan3A_42 = %scan3A to %scan3A_4 step %scan3A_5  : i32 {
      %mul3A_43 = arith.constant 320 : i32
      %mul3A_44 = arith.muli %arg1, %mul3A_43 : i32
      %mul3A_45 = arith.constant 80 : i32
      %mul3A_46 = arith.muli %scan3A_42, %mul3A_45 : i32
      %add3A_47 = arith.addi %mul3A_44, %mul3A_46 : i32
      "tpu.region"() ({
        %run_scoped3A = tpu.sem_alloc : memref<!tpu.dma_semaphore, #tpu.memory_space<semaphore_mem>>
        %dma_start3A_48 = arith.constant 0 : i32
        %dma_start3A_49 = tpu.memref_slice %arg13[%add3A_47, %dma_start3A_48] : memref<5120x128xf32, #tpu.memory_space<vmem_shared>> -> memref<80x128xf32, #tpu.memory_space<vmem_shared>>
        %dma_start3A_50 = arith.constant 0 : i32
        %dma_start3A_51 = tpu.memref_slice %arg13[%add3A_47, %dma_start3A_50] : memref<5120x128xf32, #tpu.memory_space<vmem_shared>> -> memref<80x128xf32, #tpu.memory_space<vmem_shared>>
        tpu.enqueue_dma source(%arg9 : memref<80x128xf32, #tpu.memory_space<vmem>>) target(%dma_start3A_51 : memref<80x128xf32, #tpu.memory_space<vmem_shared>>) target_semaphore(%run_scoped3A : memref<!tpu.dma_semaphore, #tpu.memory_space<semaphore_mem>>)
        %dma_wait3A_52 = arith.constant 0 : i32
        %dma_wait3A_53 = tpu.memref_slice %arg13[%add3A_47, %dma_wait3A_52] : memref<5120x128xf32, #tpu.memory_space<vmem_shared>> -> memref<80x128xf32, #tpu.memory_space<vmem_shared>>
        %dma_wait3A_54 = arith.constant 0 : i32
        %dma_wait3A_55 = tpu.memref_slice %arg13[%add3A_47, %dma_wait3A_54] : memref<5120x128xf32, #tpu.memory_space<vmem_shared>> -> memref<80x128xf32, #tpu.memory_space<vmem_shared>>
        tpu.wait_dma2 semaphore(%run_scoped3A : memref<!tpu.dma_semaphore, #tpu.memory_space<semaphore_mem>>) src(%arg9 : memref<80x128xf32, #tpu.memory_space<vmem>>) dst(%dma_wait3A_55 : memref<80x128xf32, #tpu.memory_space<vmem_shared>>)
        tpu.yield
      }) : () -> ()
    }
    %scan3A_6 = arith.constant 4 : i32
    %barrier3A = arith.constant 0 : index
    tpu.barrier barrier_id(%barrier3A)
    %mul3A_7 = arith.constant 20 : i32
    %mul3A_8 = arith.muli %add3A, %mul3A_7 : i32
    %add3A_9 = arith.constant 0 : i32
    %add3A_10 = arith.addi %mul3A_8, %add3A_9 : i32
    "tpu.region"() ({
      %run_scoped3A = tpu.sem_alloc : memref<!tpu.dma_semaphore, #tpu.memory_space<semaphore_mem>>
      %dma_start3A_42 = tpu.memref_slice %arg2[%add3A_10] : memref<204800xi32, #tpu.memory_space<hbm>> -> memref<80xi32, #tpu.memory_space<hbm>>
      %dma_start3A_43 = tpu.memref_slice %arg2[%add3A_10] : memref<204800xi32, #tpu.memory_space<hbm>> -> memref<80xi32, #tpu.memory_space<hbm>>
      tpu.enqueue_dma source(%dma_start3A_43 : memref<80xi32, #tpu.memory_space<hbm>>) target(%arg7 : memref<80xi32, #tpu.memory_space<vmem>>) target_semaphore(%run_scoped3A : memref<!tpu.dma_semaphore, #tpu.memory_space<semaphore_mem>>)
      %dma_wait3A_44 = tpu.memref_slice %arg2[%add3A_10] : memref<204800xi32, #tpu.memory_space<hbm>> -> memref<80xi32, #tpu.memory_space<hbm>>
      %dma_wait3A_45 = tpu.memref_slice %arg2[%add3A_10] : memref<204800xi32, #tpu.memory_space<hbm>> -> memref<80xi32, #tpu.memory_space<hbm>>
      tpu.wait_dma2 semaphore(%run_scoped3A : memref<!tpu.dma_semaphore, #tpu.memory_space<semaphore_mem>>) src(%dma_wait3A_45 : memref<80xi32, #tpu.memory_space<hbm>>) dst(%arg7 : memref<80xi32, #tpu.memory_space<vmem>>)
      tpu.yield
    }) : () -> ()
    "tpu.region"() ({
      %run_scoped3A = tpu.sem_alloc : memref<!tpu.dma_semaphore, #tpu.memory_space<semaphore_mem>>
      %dma_start3A_42 = tpu.memref_slice %arg3[%add3A_10] : memref<204800xi32, #tpu.memory_space<hbm>> -> memref<80xi32, #tpu.memory_space<hbm>>
      %dma_start3A_43 = tpu.memref_slice %arg3[%add3A_10] : memref<204800xi32, #tpu.memory_space<hbm>> -> memref<80xi32, #tpu.memory_space<hbm>>
      tpu.enqueue_dma source(%dma_start3A_43 : memref<80xi32, #tpu.memory_space<hbm>>) target(%arg8 : memref<80xi32, #tpu.memory_space<vmem>>) target_semaphore(%run_scoped3A : memref<!tpu.dma_semaphore, #tpu.memory_space<semaphore_mem>>)
      %dma_wait3A_44 = tpu.memref_slice %arg3[%add3A_10] : memref<204800xi32, #tpu.memory_space<hbm>> -> memref<80xi32, #tpu.memory_space<hbm>>
      %dma_wait3A_45 = tpu.memref_slice %arg3[%add3A_10] : memref<204800xi32, #tpu.memory_space<hbm>> -> memref<80xi32, #tpu.memory_space<hbm>>
      tpu.wait_dma2 semaphore(%run_scoped3A : memref<!tpu.dma_semaphore, #tpu.memory_space<semaphore_mem>>) src(%dma_wait3A_45 : memref<80xi32, #tpu.memory_space<hbm>>) dst(%arg8 : memref<80xi32, #tpu.memory_space<vmem>>)
      tpu.yield
    }) : () -> ()
    %dma_start3A = arith.constant 0 : i32
    %dma_start3A_11 = arith.constant 0 : i32
    %dma_start3A_12 = tpu.memref_slice %arg4[%dma_start3A, %dma_start3A_11] : memref<100000x128xf32, #tpu.memory_space<hbm>> -> memref<100000x128xf32, #tpu.memory_space<hbm>>
    tpu.enqueue_indirect_dma source(%dma_start3A_12 : memref<100000x128xf32, #tpu.memory_space<hbm>>) target(%arg9 : memref<80x128xf32, #tpu.memory_space<vmem>>) offsets(%arg7 : memref<80xi32, #tpu.memory_space<vmem>>) semaphore(%arg14 : memref<!tpu.dma_semaphore, #tpu.memory_space<semaphore_mem>>)
    %scan3A_13 = arith.constant 0 : i32
    %scan3A_14 = arith.constant 39 : i32
    %scan3A_15 = arith.addi %scan3A_13, %scan3A_14 : i32
    %scan3A_16 = arith.constant 1 : i32
    scf.for %scan3A_42 = %scan3A_13 to %scan3A_15 step %scan3A_16  : i32 {
      %mul3A_43 = arith.constant 2 : i32
      %mul3A_44 = arith.muli %mul3A_43, %scan3A_42 : i32
      %add3A_45 = arith.constant 1 : i32
      %add3A_46 = arith.addi %mul3A_44, %add3A_45 : i32
      %mul3A_47 = arith.constant 20 : i32
      %mul3A_48 = arith.muli %add3A, %mul3A_47 : i32
      %mul3A_49 = arith.constant 80 : i32
      %mul3A_50 = arith.muli %add3A_46, %mul3A_49 : i32
      %add3A_51 = arith.addi %mul3A_48, %mul3A_50 : i32
      "tpu.region"() ({
        %run_scoped3A = tpu.sem_alloc : memref<!tpu.dma_semaphore, #tpu.memory_space<semaphore_mem>>
        %dma_start3A_79 = tpu.memref_slice %arg2[%add3A_51] : memref<204800xi32, #tpu.memory_space<hbm>> -> memref<80xi32, #tpu.memory_space<hbm>>
        %dma_start3A_80 = tpu.memref_slice %arg2[%add3A_51] : memref<204800xi32, #tpu.memory_space<hbm>> -> memref<80xi32, #tpu.memory_space<hbm>>
        tpu.enqueue_dma source(%dma_start3A_80 : memref<80xi32, #tpu.memory_space<hbm>>) target(%arg10 : memref<80xi32, #tpu.memory_space<vmem>>) target_semaphore(%run_scoped3A : memref<!tpu.dma_semaphore, #tpu.memory_space<semaphore_mem>>)
        %dma_wait3A_81 = tpu.memref_slice %arg2[%add3A_51] : memref<204800xi32, #tpu.memory_space<hbm>> -> memref<80xi32, #tpu.memory_space<hbm>>
        %dma_wait3A_82 = tpu.memref_slice %arg2[%add3A_51] : memref<204800xi32, #tpu.memory_space<hbm>> -> memref<80xi32, #tpu.memory_space<hbm>>
        tpu.wait_dma2 semaphore(%run_scoped3A : memref<!tpu.dma_semaphore, #tpu.memory_space<semaphore_mem>>) src(%dma_wait3A_82 : memref<80xi32, #tpu.memory_space<hbm>>) dst(%arg10 : memref<80xi32, #tpu.memory_space<vmem>>)
        tpu.yield
      }) : () -> ()
      "tpu.region"() ({
        %run_scoped3A = tpu.sem_alloc : memref<!tpu.dma_semaphore, #tpu.memory_space<semaphore_mem>>
        %dma_start3A_79 = tpu.memref_slice %arg3[%add3A_51] : memref<204800xi32, #tpu.memory_space<hbm>> -> memref<80xi32, #tpu.memory_space<hbm>>
        %dma_start3A_80 = tpu.memref_slice %arg3[%add3A_51] : memref<204800xi32, #tpu.memory_space<hbm>> -> memref<80xi32, #tpu.memory_space<hbm>>
        tpu.enqueue_dma source(%dma_start3A_80 : memref<80xi32, #tpu.memory_space<hbm>>) target(%arg11 : memref<80xi32, #tpu.memory_space<vmem>>) target_semaphore(%run_scoped3A : memref<!tpu.dma_semaphore, #tpu.memory_space<semaphore_mem>>)
        %dma_wait3A_81 = tpu.memref_slice %arg3[%add3A_51] : memref<204800xi32, #tpu.memory_space<hbm>> -> memref<80xi32, #tpu.memory_space<hbm>>
        %dma_wait3A_82 = tpu.memref_slice %arg3[%add3A_51] : memref<204800xi32, #tpu.memory_space<hbm>> -> memref<80xi32, #tpu.memory_space<hbm>>
        tpu.wait_dma2 semaphore(%run_scoped3A : memref<!tpu.dma_semaphore, #tpu.memory_space<semaphore_mem>>) src(%dma_wait3A_82 : memref<80xi32, #tpu.memory_space<hbm>>) dst(%arg11 : memref<80xi32, #tpu.memory_space<vmem>>)
        tpu.yield
      }) : () -> ()
      %dma_start3A_52 = arith.constant 0 : i32
      %dma_start3A_53 = arith.constant 0 : i32
      %dma_start3A_54 = tpu.memref_slice %arg4[%dma_start3A_52, %dma_start3A_53] : memref<100000x128xf32, #tpu.memory_space<hbm>> -> memref<100000x128xf32, #tpu.memory_space<hbm>>
      tpu.enqueue_indirect_dma source(%dma_start3A_54 : memref<100000x128xf32, #tpu.memory_space<hbm>>) target(%arg12 : memref<80x128xf32, #tpu.memory_space<vmem>>) offsets(%arg10 : memref<80xi32, #tpu.memory_space<vmem>>) semaphore(%arg15 : memref<!tpu.dma_semaphore, #tpu.memory_space<semaphore_mem>>)
      %dma_wait3A_55 = arith.constant 0 : i32
      %dma_wait3A_56 = arith.constant 0 : i32
      %dma_wait3A_57 = tpu.memref_slice %arg4[%dma_wait3A_55, %dma_wait3A_56] : memref<100000x128xf32, #tpu.memory_space<hbm>> -> memref<80x128xf32, #tpu.memory_space<hbm>>
      %dma_wait3A_58 = arith.constant 0 : i32
      %dma_wait3A_59 = arith.constant 0 : i32
      %dma_wait3A_60 = tpu.memref_slice %arg4[%dma_wait3A_58, %dma_wait3A_59] : memref<100000x128xf32, #tpu.memory_space<hbm>> -> memref<80x128xf32, #tpu.memory_space<hbm>>
      tpu.wait_dma2 semaphore(%arg14 : memref<!tpu.dma_semaphore, #tpu.memory_space<semaphore_mem>>) src(%dma_wait3A_60 : memref<80x128xf32, #tpu.memory_space<hbm>>) dst(%arg9 : memref<80x128xf32, #tpu.memory_space<vmem>>)
      "tpu.region"() ({
        %run_scoped3A = tpu.sem_alloc : memref<!tpu.dma_semaphore, #tpu.memory_space<semaphore_mem>>
        %dma_start3A_79 = arith.constant 0 : i32
        %dma_start3A_80 = arith.constant 0 : i32
        %dma_start3A_81 = tpu.memref_slice %arg13[%dma_start3A_79, %dma_start3A_80] : memref<5120x128xf32, #tpu.memory_space<vmem_shared>> -> memref<5120x128xf32, #tpu.memory_space<vmem_shared>>
        tpu.enqueue_indirect_dma source(%arg9 : memref<80x128xf32, #tpu.memory_space<vmem>>) target(%dma_start3A_81 : memref<5120x128xf32, #tpu.memory_space<vmem_shared>>) offsets(%arg8 : memref<80xi32, #tpu.memory_space<vmem>>) semaphore(%run_scoped3A : memref<!tpu.dma_semaphore, #tpu.memory_space<semaphore_mem>>) {add = true}
        %dma_wait3A_82 = arith.constant 0 : i32
        %dma_wait3A_83 = arith.constant 0 : i32
        %dma_wait3A_84 = tpu.memref_slice %arg13[%dma_wait3A_82, %dma_wait3A_83] : memref<5120x128xf32, #tpu.memory_space<vmem_shared>> -> memref<5120x128xf32, #tpu.memory_space<vmem_shared>>
        tpu.wait_indirect_dma semaphore(%run_scoped3A : memref<!tpu.dma_semaphore, #tpu.memory_space<semaphore_mem>>) src(%arg9 : memref<80x128xf32, #tpu.memory_space<vmem>>) dst(%dma_wait3A_84 : memref<5120x128xf32, #tpu.memory_space<vmem_shared>>)
        tpu.yield
      }) : () -> ()
      %mul3A_61 = arith.constant 2 : i32
      %mul3A_62 = arith.muli %mul3A_61, %scan3A_42 : i32
      %add3A_63 = arith.constant 2 : i32
      %add3A_64 = arith.addi %mul3A_62, %add3A_63 : i32
      %mul3A_65 = arith.constant 20 : i32
      %mul3A_66 = arith.muli %add3A, %mul3A_65 : i32
      %mul3A_67 = arith.constant 80 : i32
      %mul3A_68 = arith.muli %add3A_64, %mul3A_67 : i32
      %add3A_69 = arith.addi %mul3A_66, %mul3A_68 : i32
      "tpu.region"() ({
        %run_scoped3A = tpu.sem_alloc : memref<!tpu.dma_semaphore, #tpu.memory_space<semaphore_mem>>
        %dma_start3A_79 = tpu.memref_slice %arg2[%add3A_69] : memref<204800xi32, #tpu.memory_space<hbm>> -> memref<80xi32, #tpu.memory_space<hbm>>
        %dma_start3A_80 = tpu.memref_slice %arg2[%add3A_69] : memref<204800xi32, #tpu.memory_space<hbm>> -> memref<80xi32, #tpu.memory_space<hbm>>
        tpu.enqueue_dma source(%dma_start3A_80 : memref<80xi32, #tpu.memory_space<hbm>>) target(%arg7 : memref<80xi32, #tpu.memory_space<vmem>>) target_semaphore(%run_scoped3A : memref<!tpu.dma_semaphore, #tpu.memory_space<semaphore_mem>>)
        %dma_wait3A_81 = tpu.memref_slice %arg2[%add3A_69] : memref<204800xi32, #tpu.memory_space<hbm>> -> memref<80xi32, #tpu.memory_space<hbm>>
        %dma_wait3A_82 = tpu.memref_slice %arg2[%add3A_69] : memref<204800xi32, #tpu.memory_space<hbm>> -> memref<80xi32, #tpu.memory_space<hbm>>
        tpu.wait_dma2 semaphore(%run_scoped3A : memref<!tpu.dma_semaphore, #tpu.memory_space<semaphore_mem>>) src(%dma_wait3A_82 : memref<80xi32, #tpu.memory_space<hbm>>) dst(%arg7 : memref<80xi32, #tpu.memory_space<vmem>>)
        tpu.yield
      }) : () -> ()
      "tpu.region"() ({
        %run_scoped3A = tpu.sem_alloc : memref<!tpu.dma_semaphore, #tpu.memory_space<semaphore_mem>>
        %dma_start3A_79 = tpu.memref_slice %arg3[%add3A_69] : memref<204800xi32, #tpu.memory_space<hbm>> -> memref<80xi32, #tpu.memory_space<hbm>>
        %dma_start3A_80 = tpu.memref_slice %arg3[%add3A_69] : memref<204800xi32, #tpu.memory_space<hbm>> -> memref<80xi32, #tpu.memory_space<hbm>>
        tpu.enqueue_dma source(%dma_start3A_80 : memref<80xi32, #tpu.memory_space<hbm>>) target(%arg8 : memref<80xi32, #tpu.memory_space<vmem>>) target_semaphore(%run_scoped3A : memref<!tpu.dma_semaphore, #tpu.memory_space<semaphore_mem>>)
        %dma_wait3A_81 = tpu.memref_slice %arg3[%add3A_69] : memref<204800xi32, #tpu.memory_space<hbm>> -> memref<80xi32, #tpu.memory_space<hbm>>
        %dma_wait3A_82 = tpu.memref_slice %arg3[%add3A_69] : memref<204800xi32, #tpu.memory_space<hbm>> -> memref<80xi32, #tpu.memory_space<hbm>>
        tpu.wait_dma2 semaphore(%run_scoped3A : memref<!tpu.dma_semaphore, #tpu.memory_space<semaphore_mem>>) src(%dma_wait3A_82 : memref<80xi32, #tpu.memory_space<hbm>>) dst(%arg8 : memref<80xi32, #tpu.memory_space<vmem>>)
        tpu.yield
      }) : () -> ()
      %dma_start3A_70 = arith.constant 0 : i32
      %dma_start3A_71 = arith.constant 0 : i32
      %dma_start3A_72 = tpu.memref_slice %arg4[%dma_start3A_70, %dma_start3A_71] : memref<100000x128xf32, #tpu.memory_space<hbm>> -> memref<100000x128xf32, #tpu.memory_space<hbm>>
      tpu.enqueue_indirect_dma source(%dma_start3A_72 : memref<100000x128xf32, #tpu.memory_space<hbm>>) target(%arg9 : memref<80x128xf32, #tpu.memory_space<vmem>>) offsets(%arg7 : memref<80xi32, #tpu.memory_space<vmem>>) semaphore(%arg14 : memref<!tpu.dma_semaphore, #tpu.memory_space<semaphore_mem>>)
      %dma_wait3A_73 = arith.constant 0 : i32
      %dma_wait3A_74 = arith.constant 0 : i32
      %dma_wait3A_75 = tpu.memref_slice %arg4[%dma_wait3A_73, %dma_wait3A_74] : memref<100000x128xf32, #tpu.memory_space<hbm>> -> memref<80x128xf32, #tpu.memory_space<hbm>>
      %dma_wait3A_76 = arith.constant 0 : i32
      %dma_wait3A_77 = arith.constant 0 : i32
      %dma_wait3A_78 = tpu.memref_slice %arg4[%dma_wait3A_76, %dma_wait3A_77] : memref<100000x128xf32, #tpu.memory_space<hbm>> -> memref<80x128xf32, #tpu.memory_space<hbm>>
      tpu.wait_dma2 semaphore(%arg15 : memref<!tpu.dma_semaphore, #tpu.memory_space<semaphore_mem>>) src(%dma_wait3A_78 : memref<80x128xf32, #tpu.memory_space<hbm>>) dst(%arg12 : memref<80x128xf32, #tpu.memory_space<vmem>>)
      "tpu.region"() ({
        %run_scoped3A = tpu.sem_alloc : memref<!tpu.dma_semaphore, #tpu.memory_space<semaphore_mem>>
        %dma_start3A_79 = arith.constant 0 : i32
        %dma_start3A_80 = arith.constant 0 : i32
        %dma_start3A_81 = tpu.memref_slice %arg13[%dma_start3A_79, %dma_start3A_80] : memref<5120x128xf32, #tpu.memory_space<vmem_shared>> -> memref<5120x128xf32, #tpu.memory_space<vmem_shared>>
        tpu.enqueue_indirect_dma source(%arg12 : memref<80x128xf32, #tpu.memory_space<vmem>>) target(%dma_start3A_81 : memref<5120x128xf32, #tpu.memory_space<vmem_shared>>) offsets(%arg11 : memref<80xi32, #tpu.memory_space<vmem>>) semaphore(%run_scoped3A : memref<!tpu.dma_semaphore, #tpu.memory_space<semaphore_mem>>) {add = true}
        %dma_wait3A_82 = arith.constant 0 : i32
        %dma_wait3A_83 = arith.constant 0 : i32
        %dma_wait3A_84 = tpu.memref_slice %arg13[%dma_wait3A_82, %dma_wait3A_83] : memref<5120x128xf32, #tpu.memory_space<vmem_shared>> -> memref<5120x128xf32, #tpu.memory_space<vmem_shared>>
        tpu.wait_indirect_dma semaphore(%run_scoped3A : memref<!tpu.dma_semaphore, #tpu.memory_space<semaphore_mem>>) src(%arg12 : memref<80x128xf32, #tpu.memory_space<vmem>>) dst(%dma_wait3A_84 : memref<5120x128xf32, #tpu.memory_space<vmem_shared>>)
        tpu.yield
      }) : () -> ()
    }
    %scan3A_17 = arith.constant 39 : i32
    %mul3A_18 = arith.constant 20 : i32
    %mul3A_19 = arith.muli %add3A, %mul3A_18 : i32
    %add3A_20 = arith.constant 6320 : i32
    %add3A_21 = arith.addi %mul3A_19, %add3A_20 : i32
    "tpu.region"() ({
      %run_scoped3A = tpu.sem_alloc : memref<!tpu.dma_semaphore, #tpu.memory_space<semaphore_mem>>
      %dma_start3A_42 = tpu.memref_slice %arg2[%add3A_21] : memref<204800xi32, #tpu.memory_space<hbm>> -> memref<80xi32, #tpu.memory_space<hbm>>
      %dma_start3A_43 = tpu.memref_slice %arg2[%add3A_21] : memref<204800xi32, #tpu.memory_space<hbm>> -> memref<80xi32, #tpu.memory_space<hbm>>
      tpu.enqueue_dma source(%dma_start3A_43 : memref<80xi32, #tpu.memory_space<hbm>>) target(%arg10 : memref<80xi32, #tpu.memory_space<vmem>>) target_semaphore(%run_scoped3A : memref<!tpu.dma_semaphore, #tpu.memory_space<semaphore_mem>>)
      %dma_wait3A_44 = tpu.memref_slice %arg2[%add3A_21] : memref<204800xi32, #tpu.memory_space<hbm>> -> memref<80xi32, #tpu.memory_space<hbm>>
      %dma_wait3A_45 = tpu.memref_slice %arg2[%add3A_21] : memref<204800xi32, #tpu.memory_space<hbm>> -> memref<80xi32, #tpu.memory_space<hbm>>
      tpu.wait_dma2 semaphore(%run_scoped3A : memref<!tpu.dma_semaphore, #tpu.memory_space<semaphore_mem>>) src(%dma_wait3A_45 : memref<80xi32, #tpu.memory_space<hbm>>) dst(%arg10 : memref<80xi32, #tpu.memory_space<vmem>>)
      tpu.yield
    }) : () -> ()
    "tpu.region"() ({
      %run_scoped3A = tpu.sem_alloc : memref<!tpu.dma_semaphore, #tpu.memory_space<semaphore_mem>>
      %dma_start3A_42 = tpu.memref_slice %arg3[%add3A_21] : memref<204800xi32, #tpu.memory_space<hbm>> -> memref<80xi32, #tpu.memory_space<hbm>>
      %dma_start3A_43 = tpu.memref_slice %arg3[%add3A_21] : memref<204800xi32, #tpu.memory_space<hbm>> -> memref<80xi32, #tpu.memory_space<hbm>>
      tpu.enqueue_dma source(%dma_start3A_43 : memref<80xi32, #tpu.memory_space<hbm>>) target(%arg11 : memref<80xi32, #tpu.memory_space<vmem>>) target_semaphore(%run_scoped3A : memref<!tpu.dma_semaphore, #tpu.memory_space<semaphore_mem>>)
      %dma_wait3A_44 = tpu.memref_slice %arg3[%add3A_21] : memref<204800xi32, #tpu.memory_space<hbm>> -> memref<80xi32, #tpu.memory_space<hbm>>
      %dma_wait3A_45 = tpu.memref_slice %arg3[%add3A_21] : memref<204800xi32, #tpu.memory_space<hbm>> -> memref<80xi32, #tpu.memory_space<hbm>>
      tpu.wait_dma2 semaphore(%run_scoped3A : memref<!tpu.dma_semaphore, #tpu.memory_space<semaphore_mem>>) src(%dma_wait3A_45 : memref<80xi32, #tpu.memory_space<hbm>>) dst(%arg11 : memref<80xi32, #tpu.memory_space<vmem>>)
      tpu.yield
    }) : () -> ()
    %dma_start3A_22 = arith.constant 0 : i32
    %dma_start3A_23 = arith.constant 0 : i32
    %dma_start3A_24 = tpu.memref_slice %arg4[%dma_start3A_22, %dma_start3A_23] : memref<100000x128xf32, #tpu.memory_space<hbm>> -> memref<100000x128xf32, #tpu.memory_space<hbm>>
    tpu.enqueue_indirect_dma source(%dma_start3A_24 : memref<100000x128xf32, #tpu.memory_space<hbm>>) target(%arg12 : memref<80x128xf32, #tpu.memory_space<vmem>>) offsets(%arg10 : memref<80xi32, #tpu.memory_space<vmem>>) semaphore(%arg15 : memref<!tpu.dma_semaphore, #tpu.memory_space<semaphore_mem>>)
    %dma_wait3A = arith.constant 0 : i32
    %dma_wait3A_25 = arith.constant 0 : i32
    %dma_wait3A_26 = tpu.memref_slice %arg4[%dma_wait3A, %dma_wait3A_25] : memref<100000x128xf32, #tpu.memory_space<hbm>> -> memref<80x128xf32, #tpu.memory_space<hbm>>
    %dma_wait3A_27 = arith.constant 0 : i32
    %dma_wait3A_28 = arith.constant 0 : i32
    %dma_wait3A_29 = tpu.memref_slice %arg4[%dma_wait3A_27, %dma_wait3A_28] : memref<100000x128xf32, #tpu.memory_space<hbm>> -> memref<80x128xf32, #tpu.memory_space<hbm>>
    tpu.wait_dma2 semaphore(%arg14 : memref<!tpu.dma_semaphore, #tpu.memory_space<semaphore_mem>>) src(%dma_wait3A_29 : memref<80x128xf32, #tpu.memory_space<hbm>>) dst(%arg9 : memref<80x128xf32, #tpu.memory_space<vmem>>)
    "tpu.region"() ({
      %run_scoped3A = tpu.sem_alloc : memref<!tpu.dma_semaphore, #tpu.memory_space<semaphore_mem>>
      %dma_start3A_42 = arith.constant 0 : i32
      %dma_start3A_43 = arith.constant 0 : i32
      %dma_start3A_44 = tpu.memref_slice %arg13[%dma_start3A_42, %dma_start3A_43] : memref<5120x128xf32, #tpu.memory_space<vmem_shared>> -> memref<5120x128xf32, #tpu.memory_space<vmem_shared>>
      tpu.enqueue_indirect_dma source(%arg9 : memref<80x128xf32, #tpu.memory_space<vmem>>) target(%dma_start3A_44 : memref<5120x128xf32, #tpu.memory_space<vmem_shared>>) offsets(%arg8 : memref<80xi32, #tpu.memory_space<vmem>>) semaphore(%run_scoped3A : memref<!tpu.dma_semaphore, #tpu.memory_space<semaphore_mem>>) {add = true}
      %dma_wait3A_45 = arith.constant 0 : i32
      %dma_wait3A_46 = arith.constant 0 : i32
      %dma_wait3A_47 = tpu.memref_slice %arg13[%dma_wait3A_45, %dma_wait3A_46] : memref<5120x128xf32, #tpu.memory_space<vmem_shared>> -> memref<5120x128xf32, #tpu.memory_space<vmem_shared>>
      tpu.wait_indirect_dma semaphore(%run_scoped3A : memref<!tpu.dma_semaphore, #tpu.memory_space<semaphore_mem>>) src(%arg9 : memref<80x128xf32, #tpu.memory_space<vmem>>) dst(%dma_wait3A_47 : memref<5120x128xf32, #tpu.memory_space<vmem_shared>>)
      tpu.yield
    }) : () -> ()
    %dma_wait3A_30 = arith.constant 0 : i32
    %dma_wait3A_31 = arith.constant 0 : i32
    %dma_wait3A_32 = tpu.memref_slice %arg4[%dma_wait3A_30, %dma_wait3A_31] : memref<100000x128xf32, #tpu.memory_space<hbm>> -> memref<80x128xf32, #tpu.memory_space<hbm>>
    %dma_wait3A_33 = arith.constant 0 : i32
    %dma_wait3A_34 = arith.constant 0 : i32
    %dma_wait3A_35 = tpu.memref_slice %arg4[%dma_wait3A_33, %dma_wait3A_34] : memref<100000x128xf32, #tpu.memory_space<hbm>> -> memref<80x128xf32, #tpu.memory_space<hbm>>
    tpu.wait_dma2 semaphore(%arg15 : memref<!tpu.dma_semaphore, #tpu.memory_space<semaphore_mem>>) src(%dma_wait3A_35 : memref<80x128xf32, #tpu.memory_space<hbm>>) dst(%arg12 : memref<80x128xf32, #tpu.memory_space<vmem>>)
    "tpu.region"() ({
      %run_scoped3A = tpu.sem_alloc : memref<!tpu.dma_semaphore, #tpu.memory_space<semaphore_mem>>
      %dma_start3A_42 = arith.constant 0 : i32
      %dma_start3A_43 = arith.constant 0 : i32
      %dma_start3A_44 = tpu.memref_slice %arg13[%dma_start3A_42, %dma_start3A_43] : memref<5120x128xf32, #tpu.memory_space<vmem_shared>> -> memref<5120x128xf32, #tpu.memory_space<vmem_shared>>
      tpu.enqueue_indirect_dma source(%arg12 : memref<80x128xf32, #tpu.memory_space<vmem>>) target(%dma_start3A_44 : memref<5120x128xf32, #tpu.memory_space<vmem_shared>>) offsets(%arg11 : memref<80xi32, #tpu.memory_space<vmem>>) semaphore(%run_scoped3A : memref<!tpu.dma_semaphore, #tpu.memory_space<semaphore_mem>>) {add = true}
      %dma_wait3A_45 = arith.constant 0 : i32
      %dma_wait3A_46 = arith.constant 0 : i32
      %dma_wait3A_47 = tpu.memref_slice %arg13[%dma_wait3A_45, %dma_wait3A_46] : memref<5120x128xf32, #tpu.memory_space<vmem_shared>> -> memref<5120x128xf32, #tpu.memory_space<vmem_shared>>
      tpu.wait_indirect_dma semaphore(%run_scoped3A : memref<!tpu.dma_semaphore, #tpu.memory_space<semaphore_mem>>) src(%arg12 : memref<80x128xf32, #tpu.memory_space<vmem>>) dst(%dma_wait3A_47 : memref<5120x128xf32, #tpu.memory_space<vmem_shared>>)
      tpu.yield
    }) : () -> ()
    %barrier3A_36 = arith.constant 0 : index
    tpu.barrier barrier_id(%barrier3A_36)
    %scan3A_37 = arith.constant 0 : i32
    %scan3A_38 = arith.constant 4 : i32
    %scan3A_39 = arith.addi %scan3A_37, %scan3A_38 : i32
    %scan3A_40 = arith.constant 1 : i32
    scf.for %scan3A_42 = %scan3A_37 to %scan3A_39 step %scan3A_40  : i32 {
      %mul3A_43 = arith.constant 320 : i32
      %mul3A_44 = arith.muli %arg1, %mul3A_43 : i32
      %mul3A_45 = arith.constant 80 : i32
      %mul3A_46 = arith.muli %scan3A_42, %mul3A_45 : i32
      %add3A_47 = arith.addi %mul3A_44, %mul3A_46 : i32
      "tpu.region"() ({
        %run_scoped3A = tpu.sem_alloc : memref<!tpu.dma_semaphore, #tpu.memory_space<semaphore_mem>>
        %dma_start3A_51 = arith.constant 0 : i32
        %dma_start3A_52 = tpu.memref_slice %arg13[%add3A_47, %dma_start3A_51] : memref<5120x128xf32, #tpu.memory_space<vmem_shared>> -> memref<80x128xf32, #tpu.memory_space<vmem_shared>>
        %dma_start3A_53 = arith.constant 0 : i32
        %dma_start3A_54 = tpu.memref_slice %arg13[%add3A_47, %dma_start3A_53] : memref<5120x128xf32, #tpu.memory_space<vmem_shared>> -> memref<80x128xf32, #tpu.memory_space<vmem_shared>>
        tpu.enqueue_dma source(%dma_start3A_54 : memref<80x128xf32, #tpu.memory_space<vmem_shared>>) target(%arg9 : memref<80x128xf32, #tpu.memory_space<vmem>>) target_semaphore(%run_scoped3A : memref<!tpu.dma_semaphore, #tpu.memory_space<semaphore_mem>>)
        %dma_wait3A_55 = arith.constant 0 : i32
        %dma_wait3A_56 = tpu.memref_slice %arg13[%add3A_47, %dma_wait3A_55] : memref<5120x128xf32, #tpu.memory_space<vmem_shared>> -> memref<80x128xf32, #tpu.memory_space<vmem_shared>>
        %dma_wait3A_57 = arith.constant 0 : i32
        %dma_wait3A_58 = tpu.memref_slice %arg13[%add3A_47, %dma_wait3A_57] : memref<5120x128xf32, #tpu.memory_space<vmem_shared>> -> memref<80x128xf32, #tpu.memory_space<vmem_shared>>
        tpu.wait_dma2 semaphore(%run_scoped3A : memref<!tpu.dma_semaphore, #tpu.memory_space<semaphore_mem>>) src(%dma_wait3A_58 : memref<80x128xf32, #tpu.memory_space<vmem_shared>>) dst(%arg9 : memref<80x128xf32, #tpu.memory_space<vmem>>)
        tpu.yield
      }) : () -> ()
      %mul3A_48 = arith.constant 80 : i32
      %mul3A_49 = arith.muli %scan3A_42, %mul3A_48 : i32
      %add3A_50 = arith.addi %add3A, %mul3A_49 : i32
      "tpu.region"() ({
        %run_scoped3A = tpu.sem_alloc : memref<!tpu.dma_semaphore, #tpu.memory_space<semaphore_mem>>
        %dma_start3A_51 = arith.constant 0 : i32
        %dma_start3A_52 = tpu.memref_slice %arg6[%add3A_50, %dma_start3A_51] : memref<10240x128xf32, #tpu.memory_space<hbm>> -> memref<80x128xf32, #tpu.memory_space<hbm>>
        %dma_start3A_53 = arith.constant 0 : i32
        %dma_start3A_54 = tpu.memref_slice %arg6[%add3A_50, %dma_start3A_53] : memref<10240x128xf32, #tpu.memory_space<hbm>> -> memref<80x128xf32, #tpu.memory_space<hbm>>
        tpu.enqueue_dma source(%arg9 : memref<80x128xf32, #tpu.memory_space<vmem>>) target(%dma_start3A_54 : memref<80x128xf32, #tpu.memory_space<hbm>>) target_semaphore(%run_scoped3A : memref<!tpu.dma_semaphore, #tpu.memory_space<semaphore_mem>>)
        %dma_wait3A_55 = arith.constant 0 : i32
        %dma_wait3A_56 = tpu.memref_slice %arg6[%add3A_50, %dma_wait3A_55] : memref<10240x128xf32, #tpu.memory_space<hbm>> -> memref<80x128xf32, #tpu.memory_space<hbm>>
        %dma_wait3A_57 = arith.constant 0 : i32
        %dma_wait3A_58 = tpu.memref_slice %arg6[%add3A_50, %dma_wait3A_57] : memref<10240x128xf32, #tpu.memory_space<hbm>> -> memref<80x128xf32, #tpu.memory_space<hbm>>
        tpu.wait_dma2 semaphore(%run_scoped3A : memref<!tpu.dma_semaphore, #tpu.memory_space<semaphore_mem>>) src(%arg9 : memref<80x128xf32, #tpu.memory_space<vmem>>) dst(%dma_wait3A_58 : memref<80x128xf32, #tpu.memory_space<hbm>>)
        tpu.yield
      }) : () -> ()
    }
    %scan3A_41 = arith.constant 4 : i32
    return
  }
}

module attributes {stable_mosaic.version = 14 : i64} {
  func.func @_tc1_body(%arg0: i32, %arg1: memref<512x128xf32, #tpu.memory_space<vmem>>, %arg2: memref<512x16xf32, #tpu.memory_space<vmem>>, %arg3: memref<128x128xf32, #tpu.memory_space<vmem>>, %arg4: memref<512x128xf32, #tpu.memory_space<vmem>>) attributes {dimension_semantics = [#tpu.dimension_semantics<arbitrary>], iteration_bounds = array<i64: 20>, scalar_prefetch = 0 : i64, scratch_operands = 0 : i64, tpu.core_type = #tpu.core_type<tc>, window_params = [{transform_indices = @transform_0, window_bounds = array<i64: 512, 128>}, {transform_indices = @transform_1, window_bounds = array<i64: 512, 16>}, {pipeline_mode = #tpu.pipeline_mode<synchronous>, transform_indices = @transform_2, window_bounds = array<i64: 128, 128>}, {transform_indices = @transform_3, window_bounds = array<i64: 512, 128>}]} {
    %get3A = arith.constant 0 : index
    %get3A_0 = arith.constant 0 : index
    %get3A_1 = vector.load %arg2[%get3A, %get3A_0] : memref<512x16xf32, #tpu.memory_space<vmem>>, vector<512x16xf32>
    %reduce_sum3A = arith.constant dense<0.000000e+00> : vector<512xf32>
    %reduce_sum3A_2 = vector.multi_reduction <add>, %get3A_1, %reduce_sum3A [1] : vector<512x16xf32> to vector<512xf32>
    %broadcast_in_dim3A = vector.shape_cast %reduce_sum3A_2 : vector<512xf32> to vector<512x1xf32>
    %gt3A = arith.constant 0.000000e+00 : f32
    %gt3A_3 = vector.broadcast %gt3A : f32 to vector<512x1xf32>
    %gt3A_4 = arith.cmpf ogt, %broadcast_in_dim3A, %gt3A_3 : vector<512x1xf32>
    %max3A = arith.constant 1.000000e+00 : f32
    %max3A_5 = vector.broadcast %max3A : f32 to vector<512x1xf32>
    %max3A_6 = arith.maximumf %broadcast_in_dim3A, %max3A_5 : vector<512x1xf32>
    %rsqrt3A = math.rsqrt %max3A_6 : vector<512x1xf32>
    %jit3A = arith.constant 0.000000e+00 : f32
    %broadcast_in_dim3A_7 = vector.broadcast %jit3A : f32 to vector<512x1xf32>
    %select_n3A = arith.select %gt3A_4, %rsqrt3A, %broadcast_in_dim3A_7 : vector<512x1xi1>, vector<512x1xf32>
    %get3A_8 = arith.constant 0 : index
    %get3A_9 = arith.constant 0 : index
    %get3A_10 = vector.load %arg1[%get3A_8, %get3A_9] : memref<512x128xf32, #tpu.memory_space<vmem>>, vector<512x128xf32>
    %get3A_11 = arith.constant 0 : index
    %get3A_12 = arith.constant 0 : index
    %get3A_13 = vector.load %arg3[%get3A_11, %get3A_12] : memref<128x128xf32, #tpu.memory_space<vmem>>, vector<128x128xf32>
    %dot_general3A = arith.constant dense<0.000000e+00> : vector<512x128xf32>
    %dot_general3A_14 = tpu.matmul %get3A_10, %get3A_13, %dot_general3A {dimension_numbers = #tpu.dot_dimension_numbers<[1], [0], [0], [1], [0, 0, 1, 1], [], []>, transpose_lhs_hint = false} : vector<512x128xf32>, vector<128x128xf32>, vector<512x128xf32> -> vector<512x128xf32>
    %mul3A = vector.broadcast %select_n3A : vector<512x1xf32> to vector<512x128xf32>
    %mul3A_15 = arith.mulf %dot_general3A_14, %mul3A : vector<512x128xf32>
    %swap3A = arith.constant 0 : index
    %swap3A_16 = arith.constant 0 : index
    %swap3A_17 = vector.load %arg4[%swap3A, %swap3A_16] : memref<512x128xf32, #tpu.memory_space<vmem>>, vector<512x128xf32>
    tpu.vector_store %arg4[%swap3A, %swap3A_16], %mul3A_15 {strides = array<i32>} : memref<512x128xf32, #tpu.memory_space<vmem>>, vector<512x128xf32>,
    return
  }
  func.func @transform_0(%arg0: i32) -> (i32, i32) {
    %c0_i32 = arith.constant 0 : i32
    %c0_i32_0 = arith.constant 0 : i32
    return %arg0, %c0_i32 : i32, i32
  }
  func.func @transform_1(%arg0: i32) -> (i32, i32) {
    %c0_i32 = arith.constant 0 : i32
    %c0_i32_0 = arith.constant 0 : i32
    return %arg0, %c0_i32 : i32, i32
  }
  func.func @transform_2(%arg0: i32) -> (i32, i32) {
    %c0_i32 = arith.constant 0 : i32
    %c0_i32_0 = arith.constant 0 : i32
    %c0_i32_1 = arith.constant 0 : i32
    return %c0_i32, %c0_i32_0 : i32, i32
  }
  func.func @transform_3(%arg0: i32) -> (i32, i32) {
    %c0_i32 = arith.constant 0 : i32
    %c0_i32_0 = arith.constant 0 : i32
    return %arg0, %c0_i32 : i32, i32
  }
}

module attributes {stable_mosaic.version = 14 : i64} {
  func.func @_tc2_body(%arg0: i32, %arg1: memref<400x128xf32, #tpu.memory_space<vmem>>, %arg2: memref<400x128xf32, #tpu.memory_space<vmem>>, %arg3: memref<400x16xf32, #tpu.memory_space<vmem>>, %arg4: memref<400x16xf32, #tpu.memory_space<vmem>>, %arg5: memref<1x128xf32, #tpu.memory_space<vmem>>, %arg6: memref<128x128xf32, #tpu.memory_space<vmem>>, %arg7: memref<400x128xf32, #tpu.memory_space<vmem>>) attributes {dimension_semantics = [#tpu.dimension_semantics<arbitrary>], iteration_bounds = array<i64: 25>, scalar_prefetch = 0 : i64, scratch_operands = 0 : i64, tpu.core_type = #tpu.core_type<tc>, window_params = [{transform_indices = @transform_0, window_bounds = array<i64: 400, 128>}, {transform_indices = @transform_1, window_bounds = array<i64: 400, 128>}, {transform_indices = @transform_2, window_bounds = array<i64: 400, 16>}, {transform_indices = @transform_3, window_bounds = array<i64: 400, 16>}, {pipeline_mode = #tpu.pipeline_mode<synchronous>, transform_indices = @transform_4, window_bounds = array<i64: 1, 128>}, {pipeline_mode = #tpu.pipeline_mode<synchronous>, transform_indices = @transform_5, window_bounds = array<i64: 128, 128>}, {transform_indices = @transform_6, window_bounds = array<i64: 400, 128>}]} {
    %get3A = arith.constant 0 : index
    %get3A_0 = arith.constant 0 : index
    %get3A_1 = vector.load %arg3[%get3A, %get3A_0] : memref<400x16xf32, #tpu.memory_space<vmem>>, vector<400x16xf32>
    %reduce_sum3A = arith.constant dense<0.000000e+00> : vector<400xf32>
    %reduce_sum3A_2 = vector.multi_reduction <add>, %get3A_1, %reduce_sum3A [1] : vector<400x16xf32> to vector<400xf32>
    %broadcast_in_dim3A = vector.shape_cast %reduce_sum3A_2 : vector<400xf32> to vector<400x1xf32>
    %gt3A = arith.constant 0.000000e+00 : f32
    %gt3A_3 = vector.broadcast %gt3A : f32 to vector<400x1xf32>
    %gt3A_4 = arith.cmpf ogt, %broadcast_in_dim3A, %gt3A_3 : vector<400x1xf32>
    %max3A = arith.constant 1.000000e+00 : f32
    %max3A_5 = vector.broadcast %max3A : f32 to vector<400x1xf32>
    %max3A_6 = arith.maximumf %broadcast_in_dim3A, %max3A_5 : vector<400x1xf32>
    %rsqrt3A = math.rsqrt %max3A_6 : vector<400x1xf32>
    %jit3A = arith.constant 0.000000e+00 : f32
    %broadcast_in_dim3A_7 = vector.broadcast %jit3A : f32 to vector<400x1xf32>
    %select_n3A = arith.select %gt3A_4, %rsqrt3A, %broadcast_in_dim3A_7 : vector<400x1xi1>, vector<400x1xf32>
    %get3A_8 = arith.constant 0 : index
    %get3A_9 = arith.constant 0 : index
    %get3A_10 = vector.load %arg4[%get3A_8, %get3A_9] : memref<400x16xf32, #tpu.memory_space<vmem>>, vector<400x16xf32>
    %reduce_sum3A_11 = arith.constant dense<0.000000e+00> : vector<400xf32>
    %reduce_sum3A_12 = vector.multi_reduction <add>, %get3A_10, %reduce_sum3A_11 [1] : vector<400x16xf32> to vector<400xf32>
    %broadcast_in_dim3A_13 = vector.shape_cast %reduce_sum3A_12 : vector<400xf32> to vector<400x1xf32>
    %gt3A_14 = arith.constant 0.000000e+00 : f32
    %gt3A_15 = vector.broadcast %gt3A_14 : f32 to vector<400x1xf32>
    %gt3A_16 = arith.cmpf ogt, %broadcast_in_dim3A_13, %gt3A_15 : vector<400x1xf32>
    %max3A_17 = arith.constant 1.000000e+00 : f32
    %max3A_18 = vector.broadcast %max3A_17 : f32 to vector<400x1xf32>
    %max3A_19 = arith.maximumf %broadcast_in_dim3A_13, %max3A_18 : vector<400x1xf32>
    %rsqrt3A_20 = math.rsqrt %max3A_19 : vector<400x1xf32>
    %jit3A_21 = arith.constant 0.000000e+00 : f32
    %broadcast_in_dim3A_22 = vector.broadcast %jit3A_21 : f32 to vector<400x1xf32>
    %select_n3A_23 = arith.select %gt3A_16, %rsqrt3A_20, %broadcast_in_dim3A_22 : vector<400x1xi1>, vector<400x1xf32>
    %get3A_24 = arith.constant 0 : index
    %get3A_25 = arith.constant 0 : index
    %get3A_26 = vector.load %arg1[%get3A_24, %get3A_25] : memref<400x128xf32, #tpu.memory_space<vmem>>, vector<400x128xf32>
    %get3A_27 = arith.constant 0 : index
    %get3A_28 = arith.constant 0 : index
    %get3A_29 = vector.load %arg2[%get3A_27, %get3A_28] : memref<400x128xf32, #tpu.memory_space<vmem>>, vector<400x128xf32>
    %add3A = arith.addf %get3A_26, %get3A_29 : vector<400x128xf32>
    %mul3A = vector.broadcast %select_n3A : vector<400x1xf32> to vector<400x128xf32>
    %mul3A_30 = arith.mulf %add3A, %mul3A : vector<400x128xf32>
    %get3A_31 = arith.constant 0 : index
    %get3A_32 = arith.constant 0 : index
    %get3A_33 = vector.load %arg5[%get3A_31, %get3A_32] : memref<1x128xf32, #tpu.memory_space<vmem>>, vector<1x128xf32>
    %add3A_34 = vector.broadcast %get3A_33 : vector<1x128xf32> to vector<400x128xf32>
    %add3A_35 = arith.addf %mul3A_30, %add3A_34 : vector<400x128xf32>
    %max3A_36 = arith.constant 0.000000e+00 : f32
    %max3A_37 = vector.broadcast %max3A_36 : f32 to vector<400x128xf32>
    %max3A_38 = arith.maximumf %add3A_35, %max3A_37 : vector<400x128xf32>
    %get3A_39 = arith.constant 0 : index
    %get3A_40 = arith.constant 0 : index
    %get3A_41 = vector.load %arg6[%get3A_39, %get3A_40] : memref<128x128xf32, #tpu.memory_space<vmem>>, vector<128x128xf32>
    %dot_general3A = arith.constant dense<0.000000e+00> : vector<400x128xf32>
    %dot_general3A_42 = tpu.matmul %max3A_38, %get3A_41, %dot_general3A {dimension_numbers = #tpu.dot_dimension_numbers<[1], [0], [0], [1], [0, 0, 1, 1], [], []>, transpose_lhs_hint = false} : vector<400x128xf32>, vector<128x128xf32>, vector<400x128xf32> -> vector<400x128xf32>
    %mul3A_43 = vector.broadcast %select_n3A_23 : vector<400x1xf32> to vector<400x128xf32>
    %mul3A_44 = arith.mulf %dot_general3A_42, %mul3A_43 : vector<400x128xf32>
    %swap3A = arith.constant 0 : index
    %swap3A_45 = arith.constant 0 : index
    %swap3A_46 = vector.load %arg7[%swap3A, %swap3A_45] : memref<400x128xf32, #tpu.memory_space<vmem>>, vector<400x128xf32>
    tpu.vector_store %arg7[%swap3A, %swap3A_45], %mul3A_44 {strides = array<i32>} : memref<400x128xf32, #tpu.memory_space<vmem>>, vector<400x128xf32>,
    return
  }
  func.func @transform_0(%arg0: i32) -> (i32, i32) {
    %c0_i32 = arith.constant 0 : i32
    %c0_i32_0 = arith.constant 0 : i32
    return %arg0, %c0_i32 : i32, i32
  }
  func.func @transform_1(%arg0: i32) -> (i32, i32) {
    %c0_i32 = arith.constant 0 : i32
    %c0_i32_0 = arith.constant 0 : i32
    return %arg0, %c0_i32 : i32, i32
  }
  func.func @transform_2(%arg0: i32) -> (i32, i32) {
    %c0_i32 = arith.constant 0 : i32
    %c0_i32_0 = arith.constant 0 : i32
    return %arg0, %c0_i32 : i32, i32
  }
  func.func @transform_3(%arg0: i32) -> (i32, i32) {
    %c0_i32 = arith.constant 0 : i32
    %c0_i32_0 = arith.constant 0 : i32
    return %arg0, %c0_i32 : i32, i32
  }
  func.func @transform_4(%arg0: i32) -> (i32, i32) {
    %c0_i32 = arith.constant 0 : i32
    %c0_i32_0 = arith.constant 0 : i32
    %c0_i32_1 = arith.constant 0 : i32
    return %c0_i32, %c0_i32_0 : i32, i32
  }
  func.func @transform_5(%arg0: i32) -> (i32, i32) {
    %c0_i32 = arith.constant 0 : i32
    %c0_i32_0 = arith.constant 0 : i32
    %c0_i32_1 = arith.constant 0 : i32
    return %c0_i32, %c0_i32_0 : i32, i32
  }
  func.func @transform_6(%arg0: i32) -> (i32, i32) {
    %c0_i32 = arith.constant 0 : i32
    %c0_i32_0 = arith.constant 0 : i32
    return %arg0, %c0_i32 : i32, i32
  }
}

module attributes {stable_mosaic.version = 14 : i64} {
  func.func @_tc3_body(%arg0: i32, %arg1: memref<400x128xf32, #tpu.memory_space<vmem>>, %arg2: memref<400x128xf32, #tpu.memory_space<vmem>>, %arg3: memref<400x16xf32, #tpu.memory_space<vmem>>, %arg4: memref<1x128xf32, #tpu.memory_space<vmem>>, %arg5: memref<128x10xf32, #tpu.memory_space<vmem>>, %arg6: memref<1x10xf32, #tpu.memory_space<vmem>>, %arg7: memref<1x10xf32, #tpu.memory_space<vmem>>, %arg8: memref<1x128xf32, #tpu.memory_space<vmem>>) attributes {dimension_semantics = [#tpu.dimension_semantics<arbitrary>], iteration_bounds = array<i64: 25>, scalar_prefetch = 0 : i64, scratch_operands = 1 : i64, tpu.core_type = #tpu.core_type<tc>, window_params = [{transform_indices = @transform_0, window_bounds = array<i64: 400, 128>}, {transform_indices = @transform_1, window_bounds = array<i64: 400, 128>}, {transform_indices = @transform_2, window_bounds = array<i64: 400, 16>}, {pipeline_mode = #tpu.pipeline_mode<synchronous>, transform_indices = @transform_3, window_bounds = array<i64: 1, 128>}, {pipeline_mode = #tpu.pipeline_mode<synchronous>, transform_indices = @transform_4, window_bounds = array<i64: 128, 10>}, {pipeline_mode = #tpu.pipeline_mode<synchronous>, transform_indices = @transform_5, window_bounds = array<i64: 1, 10>}, {pipeline_mode = #tpu.pipeline_mode<synchronous>, transform_indices = @transform_6, window_bounds = array<i64: 1, 10>}]} {
    %eq3A = arith.constant 0 : i32
    %eq3A_0 = arith.cmpi eq, %arg0, %eq3A : i32
    %convert_element_type3A = arith.extui %eq3A_0 : i1 to i32
    %cond3A = arith.constant 0 : i32
    %cond3A_1 = arith.cmpi ne, %convert_element_type3A, %cond3A : i32
    scf.if %cond3A_1 {
      %broadcast_in_dim3A_39 = arith.constant 0.000000e+00 : f32
      %broadcast_in_dim3A_40 = vector.broadcast %broadcast_in_dim3A_39 : f32 to vector<1x128xf32>
      %swap3A_41 = arith.constant 0 : index
      %swap3A_42 = arith.constant 0 : index
      %swap3A_43 = vector.load %arg8[%swap3A_41, %swap3A_42] : memref<1x128xf32, #tpu.memory_space<vmem>>, vector<1x128xf32>
      tpu.vector_store %arg8[%swap3A_41, %swap3A_42], %broadcast_in_dim3A_40 {strides = array<i32>} : memref<1x128xf32, #tpu.memory_space<vmem>>, vector<1x128xf32>,
    } else {
    }
    %get3A = arith.constant 0 : index
    %get3A_2 = arith.constant 0 : index
    %get3A_3 = vector.load %arg3[%get3A, %get3A_2] : memref<400x16xf32, #tpu.memory_space<vmem>>, vector<400x16xf32>
    %reduce_sum3A = arith.constant dense<0.000000e+00> : vector<400xf32>
    %reduce_sum3A_4 = vector.multi_reduction <add>, %get3A_3, %reduce_sum3A [1] : vector<400x16xf32> to vector<400xf32>
    %broadcast_in_dim3A = vector.shape_cast %reduce_sum3A_4 : vector<400xf32> to vector<400x1xf32>
    %gt3A = arith.constant 0.000000e+00 : f32
    %gt3A_5 = vector.broadcast %gt3A : f32 to vector<400x1xf32>
    %gt3A_6 = arith.cmpf ogt, %broadcast_in_dim3A, %gt3A_5 : vector<400x1xf32>
    %max3A = arith.constant 1.000000e+00 : f32
    %max3A_7 = vector.broadcast %max3A : f32 to vector<400x1xf32>
    %max3A_8 = arith.maximumf %broadcast_in_dim3A, %max3A_7 : vector<400x1xf32>
    %rsqrt3A = math.rsqrt %max3A_8 : vector<400x1xf32>
    %jit3A = arith.constant 0.000000e+00 : f32
    %broadcast_in_dim3A_9 = vector.broadcast %jit3A : f32 to vector<400x1xf32>
    %select_n3A = arith.select %gt3A_6, %rsqrt3A, %broadcast_in_dim3A_9 : vector<400x1xi1>, vector<400x1xf32>
    %get3A_10 = arith.constant 0 : index
    %get3A_11 = arith.constant 0 : index
    %get3A_12 = vector.load %arg1[%get3A_10, %get3A_11] : memref<400x128xf32, #tpu.memory_space<vmem>>, vector<400x128xf32>
    %get3A_13 = arith.constant 0 : index
    %get3A_14 = arith.constant 0 : index
    %get3A_15 = vector.load %arg2[%get3A_13, %get3A_14] : memref<400x128xf32, #tpu.memory_space<vmem>>, vector<400x128xf32>
    %add3A = arith.addf %get3A_12, %get3A_15 : vector<400x128xf32>
    %mul3A = vector.broadcast %select_n3A : vector<400x1xf32> to vector<400x128xf32>
    %mul3A_16 = arith.mulf %add3A, %mul3A : vector<400x128xf32>
    %get3A_17 = arith.constant 0 : index
    %get3A_18 = arith.constant 0 : index
    %get3A_19 = vector.load %arg4[%get3A_17, %get3A_18] : memref<1x128xf32, #tpu.memory_space<vmem>>, vector<1x128xf32>
    %add3A_20 = vector.broadcast %get3A_19 : vector<1x128xf32> to vector<400x128xf32>
    %add3A_21 = arith.addf %mul3A_16, %add3A_20 : vector<400x128xf32>
    %max3A_22 = arith.constant 0.000000e+00 : f32
    %max3A_23 = vector.broadcast %max3A_22 : f32 to vector<400x128xf32>
    %max3A_24 = arith.maximumf %add3A_21, %max3A_23 : vector<400x128xf32>
    %get3A_25 = arith.constant 0 : index
    %get3A_26 = arith.constant 0 : index
    %get3A_27 = vector.load %arg8[%get3A_25, %get3A_26] : memref<1x128xf32, #tpu.memory_space<vmem>>, vector<1x128xf32>
    %reduce_sum3A_28 = arith.constant dense<0.000000e+00> : vector<128xf32>
    %reduce_sum3A_29 = vector.multi_reduction <add>, %max3A_24, %reduce_sum3A_28 [0] : vector<400x128xf32> to vector<128xf32>
    %broadcast_in_dim3A_30 = vector.shape_cast %reduce_sum3A_29 : vector<128xf32> to vector<1x128xf32>
    %add3A_31 = arith.addf %get3A_27, %broadcast_in_dim3A_30 : vector<1x128xf32>
    %swap3A = arith.constant 0 : index
    %swap3A_32 = arith.constant 0 : index
    %swap3A_33 = vector.load %arg8[%swap3A, %swap3A_32] : memref<1x128xf32, #tpu.memory_space<vmem>>, vector<1x128xf32>
    tpu.vector_store %arg8[%swap3A, %swap3A_32], %add3A_31 {strides = array<i32>} : memref<1x128xf32, #tpu.memory_space<vmem>>, vector<1x128xf32>,
    %eq3A_34 = arith.constant 24 : i32
    %eq3A_35 = arith.cmpi eq, %arg0, %eq3A_34 : i32
    %convert_element_type3A_36 = arith.extui %eq3A_35 : i1 to i32
    %cond3A_37 = arith.constant 0 : i32
    %cond3A_38 = arith.cmpi ne, %convert_element_type3A_36, %cond3A_37 : i32
    scf.if %cond3A_38 {
      %get3A_39 = arith.constant 0 : index
      %get3A_40 = arith.constant 0 : index
      %get3A_41 = vector.load %arg8[%get3A_39, %get3A_40] : memref<1x128xf32, #tpu.memory_space<vmem>>, vector<1x128xf32>
      %mul3A_42 = arith.constant 9.99999974E-5 : f32
      %mul3A_43 = vector.broadcast %mul3A_42 : f32 to vector<1x128xf32>
      %mul3A_44 = arith.mulf %get3A_41, %mul3A_43 : vector<1x128xf32>
      %get3A_45 = arith.constant 0 : index
      %get3A_46 = arith.constant 0 : index
      %get3A_47 = vector.load %arg5[%get3A_45, %get3A_46] : memref<128x10xf32, #tpu.memory_space<vmem>>, vector<128x10xf32>
      %dot_general3A = arith.constant dense<0.000000e+00> : vector<1x10xf32>
      %dot_general3A_48 = tpu.matmul %mul3A_44, %get3A_47, %dot_general3A {dimension_numbers = #tpu.dot_dimension_numbers<[1], [0], [0], [1], [0, 0, 1, 1], [], []>, transpose_lhs_hint = false} : vector<1x128xf32>, vector<128x10xf32>, vector<1x10xf32> -> vector<1x10xf32>
      %get3A_49 = arith.constant 0 : index
      %get3A_50 = arith.constant 0 : index
      %get3A_51 = vector.load %arg6[%get3A_49, %get3A_50] : memref<1x10xf32, #tpu.memory_space<vmem>>, vector<1x10xf32>
      %add3A_52 = arith.addf %dot_general3A_48, %get3A_51 : vector<1x10xf32>
      %swap3A_53 = arith.constant 0 : index
      %swap3A_54 = arith.constant 0 : index
      %swap3A_55 = vector.load %arg7[%swap3A_53, %swap3A_54] : memref<1x10xf32, #tpu.memory_space<vmem>>, vector<1x10xf32>
      tpu.vector_store %arg7[%swap3A_53, %swap3A_54], %add3A_52 {strides = array<i32>} : memref<1x10xf32, #tpu.memory_space<vmem>>, vector<1x10xf32>,
    } else {
    }
    return
  }
  func.func @transform_0(%arg0: i32) -> (i32, i32) {
    %c0_i32 = arith.constant 0 : i32
    %c0_i32_0 = arith.constant 0 : i32
    return %arg0, %c0_i32 : i32, i32
  }
  func.func @transform_1(%arg0: i32) -> (i32, i32) {
    %c0_i32 = arith.constant 0 : i32
    %c0_i32_0 = arith.constant 0 : i32
    return %arg0, %c0_i32 : i32, i32
  }
  func.func @transform_2(%arg0: i32) -> (i32, i32) {
    %c0_i32 = arith.constant 0 : i32
    %c0_i32_0 = arith.constant 0 : i32
    return %arg0, %c0_i32 : i32, i32
  }
  func.func @transform_3(%arg0: i32) -> (i32, i32) {
    %c0_i32 = arith.constant 0 : i32
    %c0_i32_0 = arith.constant 0 : i32
    %c0_i32_1 = arith.constant 0 : i32
    return %c0_i32, %c0_i32_0 : i32, i32
  }
  func.func @transform_4(%arg0: i32) -> (i32, i32) {
    %c0_i32 = arith.constant 0 : i32
    %c0_i32_0 = arith.constant 0 : i32
    %c0_i32_1 = arith.constant 0 : i32
    return %c0_i32, %c0_i32_0 : i32, i32
  }
  func.func @transform_5(%arg0: i32) -> (i32, i32) {
    %c0_i32 = arith.constant 0 : i32
    %c0_i32_0 = arith.constant 0 : i32
    %c0_i32_1 = arith.constant 0 : i32
    return %c0_i32, %c0_i32_0 : i32, i32
  }
  func.func @transform_6(%arg0: i32) -> (i32, i32) {
    %c0_i32 = arith.constant 0 : i32
    %c0_i32_0 = arith.constant 0 : i32
    %c0_i32_1 = arith.constant 0 : i32
    return %c0_i32, %c0_i32_0 : i32, i32
  }
}

</mosaic_0001>

<sc_bundles>
// kernel: kernel.12.cloned.1.call-start
scs
__scs_entry_jumppad:
0x0: {  	(pc) =	sbr.rel $0x88, $3  }
0x1: {  	(tag) =	ssettag $0x0;
	lr =	simm.s32 $0x1  }
0x2: {  	[smem:$0x3F98] =	sst lr;
	_ =	strace $0xD0000000  }
0x3: {  	_ = 	snop  }
0x4: {  	_ = 	snop  }
0x5: {  	_ = 	snop  }
0x6: {  	_ = 	snop  }
0x7: {  	_ = 	snop  }
__scs_overlays_trampoline_lowered:
0x8: {  	[smem:$0x3FA7] =	sst s0  }
0x9: {  	[smem:$0x3FA8] =	sst s1  }
0xa: {  	[smem:$0x3FA9] =	sst s2  }
0xb: {  	[smem:$0x3FAA] =	sst s3  }
0xc: {  	[smem:$0x3FAB] =	sst s4  }
0xd: {  	[smem:$0x3FAC] =	sst s5  }
0xe: {  	[smem:$0x3FAD] =	sst s6  }
0xf: {  	[smem:$0x3FAE] =	sst s7  }
0x10: {  	[smem:$0x3FAF] =	sst s8  }
0x11: {  	[smem:$0x3FB0] =	sst s9;
	s0 =	simm.s32 @!p0 $0x0  }
0x12: {  	s1 =	sld [smem:$0x3F96];
	s0 =	simm.s32 @p0 $0x1  }
0x13: {  	[smem:$0x3FB1] =	sst s0;
	s0 =	simm.s32 @!p1 $0x0  }
0x14: {  	s2 =	sld [smem:$0x3F95];
	s0 =	simm.s32 @p1 $0x1  }
0x15: {  	[smem:$0x3FB2] =	sst s0;
	s0 =	simm.s32 @!p2 $0x0  }
0x16: {  	s3 =	sld [smem:$0x3FDB];
	s0 =	simm.s32 @p2 $0x1  }
0x17: {  	s4 =	simm.s32 $0x1BF5;
	[smem:$0x3FB4] =	sst s0  }
0x18: {  	s0 =	sld [smem:$0x3F97];
	_ =	swait.ge [sflag:s4], $0x0  }
0x19: {  	s7 =	sld [smem:$0x3F98]  }
0x1a: {  	s8 =	sadd.s32 $0xFFFFE003, lr  }
0x1b: {  	s9 =	sadd.s32 $0xFFFFFEF7, lr;
	s5 =	simm.s32 $0xFFFFFFFF;
	p2 =	slt.u32 s8, $0xFFFFF086  }
0x1c: {  	p1 =	slt.u32 s9, $0xF7A;
	s5 =	simm.s32 @!p2 $0x0  }
0x1d: {  	s5 =	simm.s32 @p1 $0x1;
	p0 =	seq.s32 s7, s2  }
0x1e: {  	s7 =	smul.u32 @!p0 $0xF7A, s2;
	p2 =	seq.s32 @!p0 s5, $0x0  }
0x1f: {  	s9 =	smul.u32 $0xF7A, s1;
	s8 =	simm.s32 @!p0 $0x1BF5;
	p2 =	por !p2, p0  }
0x20: {  	[sflag:s8] =	ssyncset.s32 @!p0 $0xFFFFF086;
	s6 =	sadd.s32 @!p0 s3, s7;
	s7 =	simm.s32 @!p0 $0x108  }
0x21: {  	s3 =	sadd.s32 s3, s9;
	s6 =	sadd.s32 @!p0 $0x88, s6;
	s7 =	simm.s32 @p2 $0x1082  }
0x22: {  	[simem:s7], [sflag:s8] =	dma.local @!p0 [hbm:s6], $0xF7A  }
0x23: {  	s9 =	sor.u32 $0xD0000000, s2;
	s6 =	simm.s32 $0x108;
	_ =	swait.ge @!p0 [sflag:s8], $0x0  }
0x24: {  	s3 =	sadd.s32 $0x88, s3;
	s6 =	simm.s32 @!p1 $0x1082;
	[sflag:s4] =	ssyncset.s32 $0xFFFFF086  }
0x25: {  	[simem:s6], [sflag:s4] =	dma.local [hbm:s3], $0xF7A  }
0x26: {  	[smem:$0x3F98] =	sst s1;
	(tag) =	ssettag s2;
	_ =	strace s9  }
0x27: {  	s1 =	sld [smem:$0x3FA8]  }
0x28: {  	s2 =	sld [smem:$0x3FA9]  }
0x29: {  	s4 =	sld [smem:$0x3FAB]  }
0x2a: {  	p0 =	seq.s32 s5, $0x0;
	s5 =	sld [smem:$0x3FAC]  }
0x2b: {  	s6 =	sld [smem:$0x3FAD]  }
0x2c: {  	s7 =	sld [smem:$0x3FAE]  }
0x2d: {  	s3 =	simm.s32 $0x108;
	s8 =	sld [smem:$0x3FAF]  }
0x2e: {  	s3 =	simm.s32 @!p0 $0x1082;
	s9 =	sld [smem:$0x3FB0]  }
0x2f: {  	lr =	sadd.s32 s0, s3;
	s0 =	sld [smem:$0x3FA7]  }
0x30: {  	s3 =	sld [smem:$0x3FAA]  }
0x31: {  	[smem:$0x3FB3] =	sst s10  }
0x32: {  	s10 =	sld [smem:$0x3FB1];
	_ =	sdelay $0x3  }
0x33: {  	p0 =	seq.s32 s10, $0x1;
	s10 =	sld [smem:$0x3FB3];
	_ =	sdelay $0x3  }
0x34: {  	[smem:$0x3FB3] =	sst s10  }
0x35: {  	s10 =	sld [smem:$0x3FB2];
	_ =	sdelay $0x3  }
0x36: {  	p1 =	seq.s32 s10, $0x1;
	s10 =	sld [smem:$0x3FB3];
	_ =	sdelay $0x3  }
0x37: {  	[smem:$0x3FB3] =	sst s10  }
0x38: {  	s10 =	sld [smem:$0x3FB4]  }
0x39: {  	_ = 	snop;
	(pc) =	sbr.ind lr, $3  }
0x3a: {  	_ = 	snop  }
0x3b: {  	_ = 	snop  }
0x3c: {  	p2 =	seq.s32 s10, $0x1;
	s10 =	sld [smem:$0x3FB3]  }
0x3d: {  	_ =	shalt  }
0x3e: {  	_ =	shalt  }
0x3f: {  	_ =	shalt  }
0x40: {  	_ =	shalt  }
0x41: {  	_ =	shalt  }
0x42: {  	_ =	shalt  }
0x43: {  	_ =	shalt  }
0x44: {  	_ =	shalt  }
0x45: {  	_ =	shalt  }
0x46: {  	_ =	shalt  }
0x47: {  	_ =	shalt  }
0x48: {  	_ =	shalt  }
0x49: {  	_ =	shalt  }
0x4a: {  	_ =	shalt  }
0x4b: {  	_ =	shalt  }
0x4c: {  	_ =	shalt  }
0x4d: {  	_ =	shalt  }
0x4e: {  	_ =	shalt  }
0x4f: {  	_ =	shalt  }
0x50: {  	_ =	shalt  }
0x51: {  	_ =	shalt  }
0x52: {  	_ =	shalt  }
0x53: {  	_ =	shalt  }
0x54: {  	_ =	shalt  }
0x55: {  	_ =	shalt  }
0x56: {  	_ =	shalt  }
0x57: {  	_ =	shalt  }
0x58: {  	_ =	shalt  }
0x59: {  	_ =	shalt  }
0x5a: {  	_ =	shalt  }
0x5b: {  	_ =	shalt  }
0x5c: {  	_ =	shalt  }
0x5d: {  	_ =	shalt  }
0x5e: {  	_ =	shalt  }
0x5f: {  	_ =	shalt  }
0x60: {  	_ =	shalt  }
0x61: {  	_ =	shalt  }
0x62: {  	_ =	shalt  }
0x63: {  	_ =	shalt  }
0x64: {  	_ =	shalt  }
0x65: {  	_ =	shalt  }
0x66: {  	_ =	shalt  }
0x67: {  	_ =	shalt  }
0x68: {  	_ =	shalt  }
0x69: {  	_ =	shalt  }
0x6a: {  	_ =	shalt  }
0x6b: {  	_ =	shalt  }
0x6c: {  	_ =	shalt  }
0x6d: {  	_ =	shalt  }
0x6e: {  	_ =	shalt  }
0x6f: {  	_ =	shalt  }
0x70: {  	_ =	shalt  }
0x71: {  	_ =	shalt  }
0x72: {  	_ =	shalt  }
0x73: {  	_ =	shalt  }
0x74: {  	_ =	shalt  }
0x75: {  	_ =	shalt  }
0x76: {  	_ =	shalt  }
0x77: {  	_ =	shalt  }
0x78: {  	_ =	shalt  }
0x79: {  	_ =	shalt  }
0x7a: {  	_ =	shalt  }
0x7b: {  	_ =	shalt  }
0x7c: {  	_ =	shalt  }
0x7d: {  	_ =	shalt  }
0x7e: {  	_ =	shalt  }
0x7f: {  	_ =	shalt  }
0x80: {  	_ =	shalt  }
0x81: {  	_ =	shalt  }
0x82: {  	_ =	shalt  }
0x83: {  	_ =	shalt  }
0x84: {  	_ =	shalt  }
0x85: {  	_ =	shalt  }
0x86: {  	_ =	shalt  }
0x87: {  	_ =	shalt  }
.Lfunc_end0:
.L_simem_size_0:
called_computation.1_lowered:
.L_overlay_start_0:
0x88: {  	s2 =	sld [smem:$0x3FD9]  }
0x89: {  	s3 =	sld [smem:$0x3FFE];
	_ =	sdelay $0x1  }
0x8a: {  	s1 =	srdreg.scid  }
0x8b: {  	s0 =	sand.u32 $0x1, s1  }
0x8c: {  	s16 =	sshll.u32 s0, $0xA;
	s2 =	sadd.s32 s3, s2  }
0x8d: {  	s2 =	sadd.s32 s2, s16  }
0x8e: {  	[smem:$0x3FBF] =	sst s2  }
0x8f: {  	_ = 	snop  }
0x90: {  	(tm) =	ssettm $0x1  }
0x91: {  	s17 =	sld [smem:$0x3FFB];
	_ =	sdelay $0x3  }
0x92: {  	_ =	strace s17  }
0x93: {  	s2 =	sld [smem:$0x3FFC];
	_ =	sdelay $0x3  }
0x94: {  	_ =	strace s2  }
0x95: {  	s2 =	sld [smem:$0x3FFD];
	_ =	sdelay $0x3  }
0x96: {  	_ =	strace s2  }
0x97: {  	_ =	strace $0x8FFFFFFF  }
0x98: {  	s18 =	sld [smem:$0x3FDB];
	_ =	sdelay $0x1  }
0x99: {  	s19 =	simm.s32 $_scs_section_size  }
0x9a: {  	s4 =	simm.s32 $_size__tile_overlayer_lowered;
	s5 =	simm.s32 $_tile_overlayer_lowered  }
0x9b: {  	s22 =	simm.s32 $0x1BFF;
	s21 =	sshll.u32 s5, $0x1;
	s2 =	sadd.s32 s19, s18  }
0x9c: {  	s6 =	simm.s32 $0x0;
	s20 =	sshll.u32 s4, $0x1;
	s4 =	sadd.s32 s21, s2  }
0x9d: {  	[timem:s6], [sflag:s22] =	dma.local [hbm:s4], s20  }
0x9e: {  	_ =	swait.ge [sflag:s22], s20  }
0x9f: {  	s3 =	ssub.s32 $0x0, s20;
	[sflag:s22] =	ssyncset.done $0x0  }
0xa0: {  	[sflag:s22] =	ssyncadd.s32 s3;
	_ =	sdelay $0x1  }
0xa1: {  	s23 =	simm.s32 $0x1B8B  }
0xa2: {  	_ =	swait.ge [sflag:s23], $0x1  }
0xa3: {  	[sflag:s23] =	ssyncset.done $0x0  }
0xa4: {  	s25 =	simm.s32 $0x1B8E;
	s24 =	sld [smem:$0x3FFE];
	[sflag:s23] =	ssyncadd.s32 $0xFFFFFFFF  }
0xa5: {  	s26 =	simm.s32 $execute0_lowered;
	[smem:$0x3FD2] =	sst s25  }
0xa6: {  	s4 =	sshll.u32 s26, $0x1;
	_ =	strace $0x80000046;
	[dreg:$0x1] =	wrdreg $0xFFFFFFFF  }
0xa7: {  	s28 =	simm.s32 $_size_execute0_lowered;
	s2 =	sadd.s32 s2, s4;
	[dreg:$0x0] =	wrdreg $0x0  }
0xa8: {  	s4 =	sshll.u32 s28, $0x1;
	[dreg:$0x2] =	wrdreg s2  }
0xa9: {  	[dreg:$0x3] =	wrdreg s4  }
0xaa: {  	[dreg:$0x4] =	wrdreg $0xC0  }
0xab: {  	_ =	task [dreg:s6], $0x5FFFF  }
0xac: {  	[dreg:$0x1] =	wrdreg $0xFFFFFFFF  }
0xad: {  	[dreg:$0x0] =	wrdreg $0x60  }
0xae: {  	[dreg:$0x2] =	wrdreg s24  }
0xaf: {  	[dreg:$0x3] =	wrdreg $0xB2800  }
0xb0: {  	[dreg:$0x4] =	wrdreg $0xA  }
0xb1: {  	_ =	task.clear_ibuf [dreg:s6], $0x5FFFF;
	_ =	strace $0x90000046  }
0xb2: {  	s29 =	simm.s32 $0xA;
	_ =	strace $0x80000048  }
0xb3: {  	_ =	swait.ge [sflag:s29], $0x1  }
0xb4: {  	[sflag:s29] =	ssyncadd.s32 $0xFFFFFFFF  }
0xb5: {  	_ =	strace $0x90000048  }
0xb6: {  	_ =	sfence  }
0xb7: {  	s30 =	sld [smem:$0x0];
	_ =	sdelay $0x2  }
0xb8: {  	s31 =	sshll.u32 s1, $0xD;
	s1 =	sshrl.u32 s1, $0x2  }
0xb9: {  	s3 =	sand.u32 $0x4000, s31;
	s1 =	sadd.s32 s1, s30  }
0xba: {  	s0 =	sor.u32 s3, s0;
	s1 =	sshll.u32 s1, $0x11  }
0xbb: {  	s0 =	sor.u32 s1, s0  }
0xbc: {  	s0 =	sadd.s32 $0x8F2B, s0  }
0xbd: {  	[sflag:s0] =	ssyncadd.remote.s32 $0x1  }
0xbe: {  	_ =	sfence.sel $0xFFFF  }
0xbf: {  	[dreg:$0x0] =	wrdreg $0xFFFFFFFF;
	(pc) =	sbr.abs _section_cstart, $3  }
0xc0: {  	[dreg:$0x1] =	wrdreg $0xFFFFFFFF  }
0xc1: {  	_ =	task.clear_ibuf [dreg:s6], $0x2FFFF;
	_ =	strace $0x9FFFFFFF  }
0xc2: {  	(tm) =	ssettm $0x7FFFFFFF  }
0xc3: {  	_ =	shalt  }
tec
execute0_lowered:
.L_overlay_start_1:
0x0: {  	(tag) =	ssettag $0x1  }
0x1: {  	s5 =	rddreg [dreg:$0x0]  }
0x2: {  	s7 =	rddreg [dreg:$0x1];
	s1 =	srdreg.scid  }
0x3: {  	s0 =	rddreg [dreg:$0x2];
	s2 =	simm.s32 $0x0;
	s14 =	simm.s32 $0x800  }
0x4: {  	s15 =	simm.s32 $0x80;
	s16 =	simm.s32 $0x400;
	s17 =	simm.s32 $0xA880  }
0x5: {  	s18 =	simm.s32 $0x0;
	s13 =	sand.u32 $0x1, s1;
	s1 =	stileid.u32  }
0x6: {  	[smem:$0x7FF] =	sst s2;
	s3 =	sadd.s32 $0xC400, s5;
	s6 =	smul.u32 $0x2800, s13  }
0x7: {  	s4 =	sadd.s32 $0x2600, s5;
	s8 =	smul.u32 $0xA0, s1;
	_ =	strace $0x80000047  }
0x8: {  	s26 =	sshrl.u32 s1, $0x3;
	s9 =	ssub.s32 $0x2, s13;
	s29 =	smul.u32 $0x14000, s1  }
0x9: {  	s30 =	sshll.u32 s1, $0x7;
	p0 =	sne.s32 s13, $0x0;
	s13 =	simm.s32 $0x1  }
0xa: {  	s28 =	sshrl.u32 s9, $0x1;
	s6 =	sadd.s32 s8, s6;
	s8 =	smul.u32 $0x140000, s26  }
0xb: {  	s31 =	sand.u32 $0x380, s30;
	s12 =	ssub.s32 s9, s28;
	s10 =	sshrl.u32 s29, $0x2  }
0xc: {  	s6 =	sshll.u32 s6, $0x1;
	s12 =	smax.u32 s12, $0x1;
	s8 =	sshrl.u32 s8, $0x2  }
0xd: {  	v0 =	vlaneseq.u32;
	s11 =	sadd.s32 s6, s5;
	s5 =	smul.u32 $0x4E20, s1;
	s8 =	sadd.s32 s8, s7  }
0xe: {  	v1 =	vimm.f32 $0.0e+00;
	v2 =	vor.u32 $0xFFFF6000, v0;
	s7 =	sadd.s32 s10, s7;
	s9 =	sadd.s32 $0x17600, s11;
	s10 =	sadd.s32 $0x18A00, s11  }
0xf: {  	v3 =	vor.u32 $0xA000, v0;
	v4 =	vor.u32 $0xFFFEC000, v0;
	v5 =	vor.u32 $0xFFFE2000, v0;
	s6 =	sadd.s32 s31, s8;
	s8 =	sadd.s32 $0x16200, s11;
	s11 =	sadd.s32 $0x19E00, s11  }
.LBB2_1:
0x10: {  	s19 =	simm.s32 $0x40;
	s20 =	simm.s32 $0x0  }
.LBB2_2:
0x11: {  	p1 =	sne.s32 s19, $0x28000;
	[tilespmem:s20+$0x800] =	vst v1;
	s20 =	smov.u32 s19;
	s19 =	sadd.s32 $0x40, s19  }
.Ltmp0:
0x12: {  	(pc) =	sbr.rel @p1 .LBB2_2-.Ltmp0, $2  }
0x13: {  	_ =	sdelay $0x2  }
0x14: {  	s20 =	sshra.s32 s20, $0x2  }
.Ltmp1:
0x15: {  	(pc) =	sbr.rel @p0 .LBB2_7-.Ltmp1, $2  }
0x16: {  	_ =	sdelay $0x2  }
0x17: {  	[tilespmem:s20+$0x800] =	vst v1;
	s19 =	simm.s32 $0x0;
	s20 =	simm.s32 $0x0;
	s21 =	simm.s32 $0x0  }
.LBB2_4:
0x18: {  	s21 =	smul.u32 $0x7D0, s20;
	_ =	sdelay $0x1  }
0x19: {  	s21 =	sadd.s32 s5, s21  }
0x1a: {  	s21 =	sshrl.u32 s21, $0x3  }
0x1b: {  	s21 =	sadd.s32 s3, s21  }
0x1c: {  	[tilespmem:s19], [sflag:$0x1] =	stream.linear.gather [hbm4b:s21+s19], $0x7D0, $0x38;
	[tilespmem:$0x15280] =	vst v63  }
0x1d: {  	_ =	swait.ge [sflag:s13], $0x7D0  }
0x1e: {  	[sflag:s13] =	ssyncset.done $0x0  }
0x1f: {  	s22 =	simm.s32 $0x0;
	s21 =	simm.s32 $0x40;
	[sflag:s13] =	ssyncadd.s32 $0xFFFFF830  }
.LBB2_5:
0x20: {  	p1 =	sne.s32 s21, $0x1F00;
	v6 =	vld [tilespmem:s22+$0x0];
	_ =	sdelay $0x4  }
0x21: {  	v6 =	vmin.u32 v6, $0xA00  }
0x22: {  	v6 =	vshll.u32 v6, $0x4  }
0x23: {  	v6 =	vor.u32 v0, v6;
	_ =	sdelay $0x4  }
0x24: {  	v7 =	vld.idx.msk [tilespmem:v6+s14+$0x0], $0xffff;
	_ =	sdelay $0x3  }
.Ltmp2:
0x25: {  	(pc) =	sbr.rel @p1 .LBB2_5-.Ltmp2, $3  }
0x26: {  	_ = 	snop  }
0x27: {  	v7 =	vadd.f32 $1.000000000e+00, v7;
	_ =	sdelay $0x1  }
0x28: {  	s22 =	sshra.s32 s21, $0x2;
	s21 =	sadd.s32 $0x40, s21;
	[tilespmem:v6+s14+$0x0] =	vst.idx.msk $0xffff, v7  }
0x29: {  	v6 =	vld [tilespmem:s22+$0x0];
	_ =	sdelay $0x4  }
0x2a: {  	v6 =	vmin.u32 v6, $0xA00  }
0x2b: {  	v6 =	vshll.u32 v6, $0x4  }
0x2c: {  	v6 =	vor.u32 v0, v6;
	_ =	sdelay $0x4  }
0x2d: {  	v7 =	vld.idx.msk [tilespmem:v6+s14+$0x0], $0xffff  }
0x2e: {  	s20 =	sadd.s32 $0x1, s20  }
0x2f: {  	p1 =	seq.s32 s20, $0xA  }
.Ltmp3:
0x30: {  	_ = 	snop;
	(pc) =	sbr.rel @!p1 .LBB2_4-.Ltmp3, $4  }
.Ltmp4:
0x31: {  	_ = 	snop;
	(pc) =	sbr.rel @p1 .LBB2_10-.Ltmp4, $4  }
0x32: {  	v7 =	vadd.f32 $1.000000000e+00, v7  }
0x33: {  	_ = 	snop  }
0x34: {  	[tilespmem:v6+s14+$0x0] =	vst.idx.msk $0xffff, v7  }
0x35: {  	_ = 	snop  }
.LBB2_7:
0x36: {  	s20 =	smul.u32 $0x7D0, s21;
	_ =	sdelay $0x1  }
0x37: {  	s20 =	sadd.s32 s5, s20  }
0x38: {  	s20 =	sshrl.u32 s20, $0x3  }
0x39: {  	s20 =	sadd.s32 s4, s20  }
0x3a: {  	[tilespmem:s19], [sflag:$0x1] =	stream.linear.gather [hbm4b:s20+s19], $0x7D0, $0x38;
	[tilespmem:$0x15280] =	vst v63  }
0x3b: {  	_ =	swait.ge [sflag:s13], $0x7D0  }
0x3c: {  	[sflag:s13] =	ssyncset.done $0x0  }
0x3d: {  	s22 =	simm.s32 $0x0;
	s20 =	simm.s32 $0x40;
	[sflag:s13] =	ssyncadd.s32 $0xFFFFF830  }
.LBB2_8:
0x3e: {  	p1 =	sne.s32 s20, $0x1F00;
	v6 =	vld [tilespmem:s22+$0x0];
	_ =	sdelay $0x4  }
0x3f: {  	v6 =	vmin.u32 v6, $0xA00  }
0x40: {  	v6 =	vshll.u32 v6, $0x4  }
0x41: {  	v6 =	vor.u32 v0, v6;
	_ =	sdelay $0x4  }
0x42: {  	v7 =	vld.idx.msk [tilespmem:v6+s14+$0x0], $0xffff;
	_ =	sdelay $0x3  }
.Ltmp5:
0x43: {  	(pc) =	sbr.rel @p1 .LBB2_8-.Ltmp5, $3  }
0x44: {  	_ = 	snop  }
0x45: {  	v7 =	vadd.f32 $1.000000000e+00, v7;
	_ =	sdelay $0x1  }
0x46: {  	s22 =	sshra.s32 s20, $0x2;
	s20 =	sadd.s32 $0x40, s20;
	[tilespmem:v6+s14+$0x0] =	vst.idx.msk $0xffff, v7  }
0x47: {  	v6 =	vld [tilespmem:s22+$0x0];
	_ =	sdelay $0x4  }
0x48: {  	v6 =	vmin.u32 v6, $0xA00  }
0x49: {  	v6 =	vshll.u32 v6, $0x4  }
0x4a: {  	v6 =	vor.u32 v0, v6;
	_ =	sdelay $0x4  }
0x4b: {  	v7 =	vld.idx.msk [tilespmem:v6+s14+$0x0], $0xffff  }
0x4c: {  	s21 =	sadd.s32 $0x1, s21  }
0x4d: {  	p1 =	sne.s32 s21, $0xA  }
.Ltmp6:
0x4e: {  	_ = 	snop;
	(pc) =	sbr.rel @p1 .LBB2_7-.Ltmp6, $3  }
0x4f: {  	_ = 	snop  }
0x50: {  	v7 =	vadd.f32 $1.000000000e+00, v7;
	_ =	sdelay $0x1  }
0x51: {  	[tilespmem:v6+s14+$0x0] =	vst.idx.msk $0xffff, v7  }
.LBB2_10:
0x52: {  	s19 =	simm.s32 $0x800;
	s20 =	simm.s32 $0x0  }
0x53: {  	[spmem:s6] =	stream.strided.scatter [tilespmem:s19], [sflag:$0x1], $0xA000, s16, s15, $0x38;
	[tilespmem:$0x15280] =	vst v63  }
0x54: {  	s21 =	smul.u32 $0x140000, s20  }
0x55: {  	_ =	swait.ge [sflag:s13], $0xA000  }
0x56: {  	s20 =	simm.s32 $0x0;
	[sflag:s13] =	ssyncset.done $0x0;
	s21 =	sshra.s32 s21, $0x2  }
0x57: {  	s22 =	sand.u32 $0x380, s20;
	[sflag:s13] =	ssyncadd.s32 $0xFFFF6000;
	s21 =	sadd.s32 s21, s7  }
0x58: {  	s24 =	simm.s32 $0x0;
	[bflag:$0x0] =	sbarrier.arrive $0xFFFF;
	s21 =	sadd.s32 s22, s21  }
0x59: {  	[tilespmem:s19], [sflag:$0x1] =	stream.strided.gather [spmem:s21], $0xA00, s16, s15, $0x38;
	[tilespmem:$0x15280] =	vst v63  }
0x5a: {  	s23 =	simm.s32 $0x2;
	s24 =	smul.u32 $0x140000, s24;
	_ =	swait.ge [sflag:s13], $0xA00  }
0x5b: {  	s22 =	simm.s32 $0x80;
	s21 =	simm.s32 $0x1200;
	[sflag:s13] =	ssyncset.done $0x0  }
.LBB2_11:
0x5c: {  	s24 =	sshra.s32 s24, $0x2;
	[sflag:s13] =	ssyncadd.s32 $0xFFFFF600  }
0x5d: {  	s25 =	smov.u32 s23;
	s26 =	sadd.s32 $0x1, s23;
	p1 =	sne.s32 s23, $0xF  }
.Ltmp7:
0x5e: {  	s28 =	sand.u32 $0x380, s22;
	s24 =	sadd.s32 s24, s7;
	(pc) =	sbr.rel @p1 .LBB2_11-.Ltmp7, $4  }
0x5f: {  	s25 =	sshrl.u32 s25, $0x3;
	s23 =	sadd.s32 s28, s24  }
0x60: {  	[tilespmem:s21], [sflag:$0x1] =	stream.strided.gather [spmem:s23], $0xA00, s16, s15, $0x38;
	[tilespmem:$0x15280] =	vst v63  }
0x61: {  	s22 =	sadd.s32 $0x80, s22;
	s24 =	smul.u32 $0x140000, s25;
	_ =	swait.ge [sflag:s13], $0xA00  }
0x62: {  	s21 =	sadd.s32 $0xA00, s21;
	s23 =	smov.u32 s26;
	[sflag:s13] =	ssyncset.done $0x0  }
0x63: {  	s23 =	sshra.s32 s24, $0x2  }
0x64: {  	s22 =	sand.u32 $0x380, s22;
	s23 =	sadd.s32 s23, s7  }
0x65: {  	[sflag:s13] =	ssyncadd.s32 $0xFFFFF600;
	s22 =	sadd.s32 s22, s23  }
0x66: {  	[tilespmem:s21], [sflag:$0x1] =	stream.strided.gather [spmem:s22], $0xA00, s16, s15, $0x38;
	[tilespmem:$0x15280] =	vst v63  }
0x67: {  	_ =	swait.ge [sflag:s13], $0xA00  }
0x68: {  	[sflag:s13] =	ssyncset.done $0x0  }
0x69: {  	s20 =	sand.u32 $0xFF0, s20;
	[sflag:s13] =	ssyncadd.s32 $0xFFFFF600  }
0x6a: {  	v6 =	vld [tilespmem:s20+$0x1200]  }
0x6b: {  	v7 =	vld [tilespmem:s19+$0x0];
	_ =	sdelay $0x1  }
0x6c: {  	v8 =	vld [tilespmem:s20+$0x1C00];
	_ =	sdelay $0x1  }
0x6d: {  	v9 =	vld [tilespmem:s20+$0x2600]  }
0x6e: {  	v6 =	vadd.f32 v6, v7  }
0x6f: {  	v7 =	vld [tilespmem:s20+$0x3000]  }
0x70: {  	v6 =	vadd.f32 v8, v6  }
0x71: {  	v8 =	vld [tilespmem:s20+$0x3A00]  }
0x72: {  	v6 =	vadd.f32 v9, v6  }
0x73: {  	v60 =	vld [tilespmem:s20+$0x4400]  }
0x74: {  	v6 =	vadd.f32 v7, v6  }
0x75: {  	v7 =	vld [tilespmem:s20+$0x4E00]  }
0x76: {  	v6 =	vadd.f32 v8, v6  }
0x77: {  	v8 =	vld [tilespmem:s20+$0x5800]  }
0x78: {  	v6 =	vadd.f32 v60, v6  }
0x79: {  	v61 =	vld [tilespmem:s20+$0x6200]  }
0x7a: {  	v6 =	vadd.f32 v7, v6  }
0x7b: {  	v7 =	vld [tilespmem:s20+$0x6C00]  }
0x7c: {  	v6 =	vadd.f32 v8, v6  }
0x7d: {  	v8 =	vld [tilespmem:s20+$0x7600]  }
0x7e: {  	v6 =	vadd.f32 v61, v6  }
0x7f: {  	v62 =	vld [tilespmem:s20+$0x8000]  }
0x80: {  	v6 =	vadd.f32 v7, v6  }
0x81: {  	v7 =	vld [tilespmem:s20+$0x8A00]  }
0x82: {  	v6 =	vadd.f32 v8, v6  }
0x83: {  	v8 =	vld [tilespmem:s20+$0x9400]  }
0x84: {  	v6 =	vadd.f32 v62, v6  }
0x85: {  	v63 =	vld [tilespmem:s20+$0x9E00]  }
0x86: {  	v6 =	vadd.f32 v7, v6;
	_ =	sdelay $0x1  }
0x87: {  	v6 =	vadd.f32 v8, v6;
	_ =	sdelay $0x1  }
0x88: {  	v6 =	vadd.f32 v63, v6  }
0x89: {  	s31 =	simm.s32 $0x10;
	s19 =	simm.s32 $0xA880  }
0x8a: {  	s20 =	sand.u32 $0xFF0, s31;
	[tilespmem:s19+$0x0] =	vst v6  }
0x8b: {  	s22 =	simm.s32 $0x20;
	s21 =	simm.s32 $0x810;
	v6 =	vld [tilespmem:s20+$0x1200]  }
.LBB2_13:
0x8c: {  	p1 =	sne.s32 s22, $0x9F0;
	v7 =	vld [tilespmem:s21+$0x0];
	_ =	sdelay $0x1  }
0x8d: {  	v8 =	vld [tilespmem:s20+$0x1C00];
	_ =	sdelay $0x1  }
0x8e: {  	v9 =	vld [tilespmem:s20+$0x2600]  }
0x8f: {  	v6 =	vadd.f32 v6, v7  }
0x90: {  	v7 =	vld [tilespmem:s20+$0x3000]  }
0x91: {  	v6 =	vadd.f32 v8, v6  }
0x92: {  	v8 =	vld [tilespmem:s20+$0x3A00]  }
0x93: {  	v6 =	vadd.f32 v9, v6  }
0x94: {  	v9 =	vld [tilespmem:s20+$0x4400]  }
0x95: {  	v6 =	vadd.f32 v7, v6  }
0x96: {  	v7 =	vld [tilespmem:s20+$0x4E00]  }
0x97: {  	v6 =	vadd.f32 v8, v6  }
0x98: {  	v8 =	vld [tilespmem:s20+$0x5800]  }
0x99: {  	v6 =	vadd.f32 v9, v6  }
0x9a: {  	v9 =	vld [tilespmem:s20+$0x6200]  }
0x9b: {  	v6 =	vadd.f32 v7, v6  }
0x9c: {  	v7 =	vld [tilespmem:s20+$0x6C00]  }
0x9d: {  	v6 =	vadd.f32 v8, v6  }
0x9e: {  	v8 =	vld [tilespmem:s20+$0x7600]  }
0x9f: {  	v6 =	vadd.f32 v9, v6  }
0xa0: {  	v9 =	vld [tilespmem:s20+$0x8000]  }
0xa1: {  	v6 =	vadd.f32 v7, v6  }
0xa2: {  	v7 =	vld [tilespmem:s20+$0x8A00]  }
0xa3: {  	v6 =	vadd.f32 v8, v6  }
0xa4: {  	v8 =	vld [tilespmem:s20+$0x9400]  }
0xa5: {  	v6 =	vadd.f32 v9, v6  }
0xa6: {  	v9 =	vld [tilespmem:s20+$0x9E00]  }
0xa7: {  	v6 =	vadd.f32 v7, v6;
	_ =	sdelay $0x1  }
0xa8: {  	v6 =	vadd.f32 v8, v6  }
.Ltmp8:
0xa9: {  	(pc) =	sbr.rel @p1 .LBB2_13-.Ltmp8, $4  }
0xaa: {  	v6 =	vadd.f32 v9, v6  }
0xab: {  	s19 =	sadd.s32 $0x10, s19  }
0xac: {  	s20 =	sand.u32 $0xFF0, s22;
	[tilespmem:s19+$0x0] =	vst v6  }
0xad: {  	s21 =	sadd.s32 $0x10, s21;
	s22 =	sadd.s32 $0x10, s22;
	v6 =	vld [tilespmem:s20+$0x1200]  }
0xae: {  	v7 =	vld [tilespmem:s21+$0x0];
	_ =	sdelay $0x1  }
0xaf: {  	v8 =	vld [tilespmem:s20+$0x1C00];
	_ =	sdelay $0x1  }
0xb0: {  	v9 =	vld [tilespmem:s20+$0x2600]  }
0xb1: {  	v6 =	vadd.f32 v6, v7  }
0xb2: {  	v7 =	vld [tilespmem:s20+$0x3000]  }
0xb3: {  	v6 =	vadd.f32 v8, v6  }
0xb4: {  	v56 =	vld [tilespmem:s20+$0x3A00]  }
0xb5: {  	v6 =	vadd.f32 v9, v6  }
0xb6: {  	v57 =	vld [tilespmem:s20+$0x4400]  }
0xb7: {  	v6 =	vadd.f32 v7, v6  }
0xb8: {  	v7 =	vld [tilespmem:s20+$0x4E00]  }
0xb9: {  	v6 =	vadd.f32 v56, v6  }
0xba: {  	v58 =	vld [tilespmem:s20+$0x5800]  }
0xbb: {  	v6 =	vadd.f32 v57, v6  }
0xbc: {  	v59 =	vld [tilespmem:s20+$0x6200]  }
0xbd: {  	v6 =	vadd.f32 v7, v6  }
0xbe: {  	v7 =	vld [tilespmem:s20+$0x6C00]  }
0xbf: {  	v6 =	vadd.f32 v58, v6  }
0xc0: {  	v60 =	vld [tilespmem:s20+$0x7600]  }
0xc1: {  	v6 =	vadd.f32 v59, v6  }
0xc2: {  	v61 =	vld [tilespmem:s20+$0x8000]  }
0xc3: {  	v6 =	vadd.f32 v7, v6  }
0xc4: {  	v7 =	vld [tilespmem:s20+$0x8A00]  }
0xc5: {  	v6 =	vadd.f32 v60, v6  }
0xc6: {  	v62 =	vld [tilespmem:s20+$0x9400]  }
0xc7: {  	v6 =	vadd.f32 v61, v6  }
0xc8: {  	v63 =	vld [tilespmem:s20+$0x9E00]  }
0xc9: {  	v6 =	vadd.f32 v7, v6;
	_ =	sdelay $0x1  }
0xca: {  	v6 =	vadd.f32 v62, v6;
	_ =	sdelay $0x1  }
0xcb: {  	v6 =	vadd.f32 v63, v6  }
0xcc: {  	s19 =	sadd.s32 $0x10, s19  }
0xcd: {  	s31 =	simm.s32 $0x0;
	[tilespmem:s19+$0x0] =	vst v6  }
0xce: {  	[hbm4b:s8+s31] =	stream.linear.scatter [tilespmem:s17], [sflag:$0x1], $0xA00, $0x38;
	[tilespmem:$0x15280] =	vst v63  }
0xcf: {  	_ =	swait.ge [sflag:s13], $0xA00  }
0xd0: {  	[sflag:s13] =	ssyncset.done $0x0  }
0xd1: {  	[sflag:s13] =	ssyncadd.s32 $0xFFFFF600  }
0xd2: {  	s20 =	simm.s32 $0x0;
	s19 =	simm.s32 $0x40;
	[bflag:$0x0] =	sbarrier.arrive $0xFFFF  }
.LBB2_15:
0xd3: {  	p1 =	sne.s32 s19, $0x28000;
	[tilespmem:s20+$0x800] =	vst v1;
	s20 =	smov.u32 s19;
	s19 =	sadd.s32 $0x40, s19  }
.Ltmp9:
0xd4: {  	(pc) =	sbr.rel @p1 .LBB2_15-.Ltmp9, $2  }
0xd5: {  	_ =	sdelay $0x2  }
0xd6: {  	s20 =	sshra.s32 s20, $0x2  }
.Ltmp10:
0xd7: {  	(pc) =	sbr.rel @p0 .LBB2_20-.Ltmp10, $2  }
0xd8: {  	_ =	sdelay $0x2  }
0xd9: {  	[tilespmem:s20+$0x800] =	vst v1;
	s19 =	simm.s32 $0x0;
	s20 =	simm.s32 $0x0;
	s21 =	simm.s32 $0x0  }
.LBB2_17:
0xda: {  	s21 =	smul.u32 $0x7D0, s20;
	_ =	sdelay $0x1  }
0xdb: {  	s21 =	sadd.s32 s5, s21  }
0xdc: {  	s21 =	sshrl.u32 s21, $0x3  }
0xdd: {  	s21 =	sadd.s32 s3, s21  }
0xde: {  	[tilespmem:s19], [sflag:$0x1] =	stream.linear.gather [hbm4b:s21+s19], $0x7D0, $0x38;
	[tilespmem:$0x15280] =	vst v63  }
0xdf: {  	_ =	swait.ge [sflag:s13], $0x7D0  }
0xe0: {  	[sflag:s13] =	ssyncset.done $0x0  }
0xe1: {  	s22 =	simm.s32 $0x0;
	s21 =	simm.s32 $0x40;
	[sflag:s13] =	ssyncadd.s32 $0xFFFFF830  }
.LBB2_18:
0xe2: {  	p1 =	sne.s32 s21, $0x1F00;
	v6 =	vld [tilespmem:s22+$0x0];
	_ =	sdelay $0x4  }
0xe3: {  	v7 =	vadd.s32 $0xFFFFF600, v6;
	v6 =	vshll.u32 v6, $0x4  }
0xe4: {  	vm0 =	vlt.u32 v7, $0xA00;
	v6 =	vadd.s32 v2, v6  }
0xe5: {  	v6 =	vsel vm0, v6, v3;
	_ =	sdelay $0x4  }
0xe6: {  	v7 =	vld.idx.msk [tilespmem:v6+s14+$0x0], $0xffff;
	_ =	sdelay $0x3  }
.Ltmp11:
0xe7: {  	(pc) =	sbr.rel @p1 .LBB2_18-.Ltmp11, $3  }
0xe8: {  	_ = 	snop  }
0xe9: {  	v7 =	vadd.f32 $1.000000000e+00, v7;
	_ =	sdelay $0x1  }
0xea: {  	s22 =	sshra.s32 s21, $0x2;
	s21 =	sadd.s32 $0x40, s21;
	[tilespmem:v6+s14+$0x0] =	vst.idx.msk $0xffff, v7  }
0xeb: {  	v6 =	vld [tilespmem:s22+$0x0];
	_ =	sdelay $0x4  }
0xec: {  	v7 =	vadd.s32 $0xFFFFF600, v6;
	v6 =	vshll.u32 v6, $0x4  }
0xed: {  	vm0 =	vlt.u32 v7, $0xA00;
	v6 =	vadd.s32 v2, v6  }
0xee: {  	v6 =	vsel vm0, v6, v3;
	_ =	sdelay $0x4  }
0xef: {  	v7 =	vld.idx.msk [tilespmem:v6+s14+$0x0], $0xffff  }
0xf0: {  	s20 =	sadd.s32 $0x1, s20  }
0xf1: {  	p1 =	seq.s32 s20, $0xA  }
.Ltmp12:
0xf2: {  	_ = 	snop;
	(pc) =	sbr.rel @!p1 .LBB2_17-.Ltmp12, $4  }
.Ltmp13:
0xf3: {  	_ = 	snop;
	(pc) =	sbr.rel @p1 .LBB2_23-.Ltmp13, $4  }
0xf4: {  	v7 =	vadd.f32 $1.000000000e+00, v7  }
0xf5: {  	_ = 	snop  }
0xf6: {  	[tilespmem:v6+s14+$0x0] =	vst.idx.msk $0xffff, v7  }
0xf7: {  	_ = 	snop  }
.LBB2_20:
0xf8: {  	s20 =	smul.u32 $0x7D0, s21;
	_ =	sdelay $0x1  }
0xf9: {  	s20 =	sadd.s32 s5, s20  }
0xfa: {  	s20 =	sshrl.u32 s20, $0x3  }
0xfb: {  	s20 =	sadd.s32 s4, s20  }
0xfc: {  	[tilespmem:s19], [sflag:$0x1] =	stream.linear.gather [hbm4b:s20+s19], $0x7D0, $0x38;
	[tilespmem:$0x15280] =	vst v63  }
0xfd: {  	_ =	swait.ge [sflag:s13], $0x7D0  }
0xfe: {  	[sflag:s13] =	ssyncset.done $0x0  }
0xff: {  	s22 =	simm.s32 $0x0;
	s20 =	simm.s32 $0x40;
	[sflag:s13] =	ssyncadd.s32 $0xFFFFF830  }
.LBB2_21:
0x100: {  	p1 =	sne.s32 s20, $0x1F00;
	v6 =	vld [tilespmem:s22+$0x0];
	_ =	sdelay $0x4  }
0x101: {  	v7 =	vadd.s32 $0xFFFFF600, v6;
	v6 =	vshll.u32 v6, $0x4  }
0x102: {  	vm0 =	vlt.u32 v7, $0xA00;
	v6 =	vadd.s32 v2, v6  }
0x103: {  	v6 =	vsel vm0, v6, v3;
	_ =	sdelay $0x4  }
0x104: {  	v7 =	vld.idx.msk [tilespmem:v6+s14+$0x0], $0xffff;
	_ =	sdelay $0x3  }
.Ltmp14:
0x105: {  	(pc) =	sbr.rel @p1 .LBB2_21-.Ltmp14, $3  }
0x106: {  	_ = 	snop  }
0x107: {  	v7 =	vadd.f32 $1.000000000e+00, v7;
	_ =	sdelay $0x1  }
0x108: {  	s22 =	sshra.s32 s20, $0x2;
	s20 =	sadd.s32 $0x40, s20;
	[tilespmem:v6+s14+$0x0] =	vst.idx.msk $0xffff, v7  }
0x109: {  	v6 =	vld [tilespmem:s22+$0x0];
	_ =	sdelay $0x4  }
0x10a: {  	v7 =	vadd.s32 $0xFFFFF600, v6;
	v6 =	vshll.u32 v6, $0x4  }
0x10b: {  	vm0 =	vlt.u32 v7, $0xA00;
	v6 =	vadd.s32 v2, v6  }
0x10c: {  	v6 =	vsel vm0, v6, v3;
	_ =	sdelay $0x4  }
0x10d: {  	v7 =	vld.idx.msk [tilespmem:v6+s14+$0x0], $0xffff  }
0x10e: {  	s21 =	sadd.s32 $0x1, s21  }
0x10f: {  	p1 =	sne.s32 s21, $0xA  }
.Ltmp15:
0x110: {  	_ = 	snop;
	(pc) =	sbr.rel @p1 .LBB2_20-.Ltmp15, $3  }
0x111: {  	_ = 	snop  }
0x112: {  	v7 =	vadd.f32 $1.000000000e+00, v7;
	_ =	sdelay $0x1  }
0x113: {  	[tilespmem:v6+s14+$0x0] =	vst.idx.msk $0xffff, v7  }
.LBB2_23:
0x114: {  	s19 =	simm.s32 $0x800;
	s20 =	simm.s32 $0x0  }
0x115: {  	[spmem:s6] =	stream.strided.scatter [tilespmem:s19], [sflag:$0x1], $0xA000, s16, s15, $0x38;
	[tilespmem:$0x15280] =	vst v63  }
0x116: {  	s21 =	smul.u32 $0x140000, s20  }
0x117: {  	_ =	swait.ge [sflag:s13], $0xA000  }
0x118: {  	s20 =	simm.s32 $0x0;
	[sflag:s13] =	ssyncset.done $0x0;
	s21 =	sshra.s32 s21, $0x2  }
0x119: {  	s22 =	sand.u32 $0x380, s20;
	[sflag:s13] =	ssyncadd.s32 $0xFFFF6000;
	s21 =	sadd.s32 s21, s7  }
0x11a: {  	s24 =	simm.s32 $0x0;
	[bflag:$0x0] =	sbarrier.arrive $0xFFFF;
	s21 =	sadd.s32 s22, s21  }
0x11b: {  	[tilespmem:s19], [sflag:$0x1] =	stream.strided.gather [spmem:s21], $0xA00, s16, s15, $0x38;
	[tilespmem:$0x15280] =	vst v63  }
0x11c: {  	s23 =	simm.s32 $0x2;
	s24 =	smul.u32 $0x140000, s24;
	_ =	swait.ge [sflag:s13], $0xA00  }
0x11d: {  	s22 =	simm.s32 $0x80;
	s21 =	simm.s32 $0x1200;
	[sflag:s13] =	ssyncset.done $0x0  }
.LBB2_24:
0x11e: {  	s24 =	sshra.s32 s24, $0x2;
	[sflag:s13] =	ssyncadd.s32 $0xFFFFF600  }
0x11f: {  	s25 =	smov.u32 s23;
	s26 =	sadd.s32 $0x1, s23;
	p1 =	sne.s32 s23, $0xF  }
.Ltmp16:
0x120: {  	s28 =	sand.u32 $0x380, s22;
	s24 =	sadd.s32 s24, s7;
	(pc) =	sbr.rel @p1 .LBB2_24-.Ltmp16, $4  }
0x121: {  	s25 =	sshrl.u32 s25, $0x3;
	s23 =	sadd.s32 s28, s24  }
0x122: {  	[tilespmem:s21], [sflag:$0x1] =	stream.strided.gather [spmem:s23], $0xA00, s16, s15, $0x38;
	[tilespmem:$0x15280] =	vst v63  }
0x123: {  	s22 =	sadd.s32 $0x80, s22;
	s24 =	smul.u32 $0x140000, s25;
	_ =	swait.ge [sflag:s13], $0xA00  }
0x124: {  	s21 =	sadd.s32 $0xA00, s21;
	s23 =	smov.u32 s26;
	[sflag:s13] =	ssyncset.done $0x0  }
0x125: {  	s23 =	sshra.s32 s24, $0x2  }
0x126: {  	s22 =	sand.u32 $0x380, s22;
	s23 =	sadd.s32 s23, s7  }
0x127: {  	[sflag:s13] =	ssyncadd.s32 $0xFFFFF600;
	s22 =	sadd.s32 s22, s23  }
0x128: {  	[tilespmem:s21], [sflag:$0x1] =	stream.strided.gather [spmem:s22], $0xA00, s16, s15, $0x38;
	[tilespmem:$0x15280] =	vst v63  }
0x129: {  	_ =	swait.ge [sflag:s13], $0xA00  }
0x12a: {  	[sflag:s13] =	ssyncset.done $0x0  }
0x12b: {  	s20 =	sand.u32 $0xFF0, s20;
	[sflag:s13] =	ssyncadd.s32 $0xFFFFF600  }
0x12c: {  	v6 =	vld [tilespmem:s20+$0x1200]  }
0x12d: {  	v7 =	vld [tilespmem:s19+$0x0];
	_ =	sdelay $0x1  }
0x12e: {  	v8 =	vld [tilespmem:s20+$0x1C00];
	_ =	sdelay $0x1  }
0x12f: {  	v9 =	vld [tilespmem:s20+$0x2600]  }
0x130: {  	v6 =	vadd.f32 v6, v7  }
0x131: {  	v7 =	vld [tilespmem:s20+$0x3000]  }
0x132: {  	v6 =	vadd.f32 v8, v6  }
0x133: {  	v8 =	vld [tilespmem:s20+$0x3A00]  }
0x134: {  	v6 =	vadd.f32 v9, v6  }
0x135: {  	v60 =	vld [tilespmem:s20+$0x4400]  }
0x136: {  	v6 =	vadd.f32 v7, v6  }
0x137: {  	v7 =	vld [tilespmem:s20+$0x4E00]  }
0x138: {  	v6 =	vadd.f32 v8, v6  }
0x139: {  	v8 =	vld [tilespmem:s20+$0x5800]  }
0x13a: {  	v6 =	vadd.f32 v60, v6  }
0x13b: {  	v61 =	vld [tilespmem:s20+$0x6200]  }
0x13c: {  	v6 =	vadd.f32 v7, v6  }
0x13d: {  	v7 =	vld [tilespmem:s20+$0x6C00]  }
0x13e: {  	v6 =	vadd.f32 v8, v6  }
0x13f: {  	v8 =	vld [tilespmem:s20+$0x7600]  }
0x140: {  	v6 =	vadd.f32 v61, v6  }
0x141: {  	v62 =	vld [tilespmem:s20+$0x8000]  }
0x142: {  	v6 =	vadd.f32 v7, v6  }
0x143: {  	v7 =	vld [tilespmem:s20+$0x8A00]  }
0x144: {  	v6 =	vadd.f32 v8, v6  }
0x145: {  	v8 =	vld [tilespmem:s20+$0x9400]  }
0x146: {  	v6 =	vadd.f32 v62, v6  }
0x147: {  	v63 =	vld [tilespmem:s20+$0x9E00]  }
0x148: {  	v6 =	vadd.f32 v7, v6;
	_ =	sdelay $0x1  }
0x149: {  	v6 =	vadd.f32 v8, v6;
	_ =	sdelay $0x1  }
0x14a: {  	v6 =	vadd.f32 v63, v6  }
0x14b: {  	s31 =	simm.s32 $0x10;
	s19 =	simm.s32 $0xA880  }
0x14c: {  	s20 =	sand.u32 $0xFF0, s31;
	[tilespmem:s19+$0x0] =	vst v6  }
0x14d: {  	s22 =	simm.s32 $0x20;
	s21 =	simm.s32 $0x810;
	v6 =	vld [tilespmem:s20+$0x1200]  }
.LBB2_26:
0x14e: {  	p1 =	sne.s32 s22, $0x9F0;
	v7 =	vld [tilespmem:s21+$0x0];
	_ =	sdelay $0x1  }
0x14f: {  	v8 =	vld [tilespmem:s20+$0x1C00];
	_ =	sdelay $0x1  }
0x150: {  	v9 =	vld [tilespmem:s20+$0x2600]  }
0x151: {  	v6 =	vadd.f32 v6, v7  }
0x152: {  	v7 =	vld [tilespmem:s20+$0x3000]  }
0x153: {  	v6 =	vadd.f32 v8, v6  }
0x154: {  	v8 =	vld [tilespmem:s20+$0x3A00]  }
0x155: {  	v6 =	vadd.f32 v9, v6  }
0x156: {  	v9 =	vld [tilespmem:s20+$0x4400]  }
0x157: {  	v6 =	vadd.f32 v7, v6  }
0x158: {  	v7 =	vld [tilespmem:s20+$0x4E00]  }
0x159: {  	v6 =	vadd.f32 v8, v6  }
0x15a: {  	v8 =	vld [tilespmem:s20+$0x5800]  }
0x15b: {  	v6 =	vadd.f32 v9, v6  }
0x15c: {  	v9 =	vld [tilespmem:s20+$0x6200]  }
0x15d: {  	v6 =	vadd.f32 v7, v6  }
0x15e: {  	v7 =	vld [tilespmem:s20+$0x6C00]  }
0x15f: {  	v6 =	vadd.f32 v8, v6  }
0x160: {  	v8 =	vld [tilespmem:s20+$0x7600]  }
0x161: {  	v6 =	vadd.f32 v9, v6  }
0x162: {  	v9 =	vld [tilespmem:s20+$0x8000]  }
0x163: {  	v6 =	vadd.f32 v7, v6  }
0x164: {  	v7 =	vld [tilespmem:s20+$0x8A00]  }
0x165: {  	v6 =	vadd.f32 v8, v6  }
0x166: {  	v8 =	vld [tilespmem:s20+$0x9400]  }
0x167: {  	v6 =	vadd.f32 v9, v6  }
0x168: {  	v9 =	vld [tilespmem:s20+$0x9E00]  }
0x169: {  	v6 =	vadd.f32 v7, v6;
	_ =	sdelay $0x1  }
0x16a: {  	v6 =	vadd.f32 v8, v6  }
.Ltmp17:
0x16b: {  	(pc) =	sbr.rel @p1 .LBB2_26-.Ltmp17, $4  }
0x16c: {  	v6 =	vadd.f32 v9, v6  }
0x16d: {  	s19 =	sadd.s32 $0x10, s19  }
0x16e: {  	s20 =	sand.u32 $0xFF0, s22;
	[tilespmem:s19+$0x0] =	vst v6  }
0x16f: {  	s21 =	sadd.s32 $0x10, s21;
	s22 =	sadd.s32 $0x10, s22;
	v6 =	vld [tilespmem:s20+$0x1200]  }
0x170: {  	v7 =	vld [tilespmem:s21+$0x0];
	_ =	sdelay $0x1  }
0x171: {  	v8 =	vld [tilespmem:s20+$0x1C00];
	_ =	sdelay $0x1  }
0x172: {  	v9 =	vld [tilespmem:s20+$0x2600]  }
0x173: {  	v6 =	vadd.f32 v6, v7  }
0x174: {  	v7 =	vld [tilespmem:s20+$0x3000]  }
0x175: {  	v6 =	vadd.f32 v8, v6  }
0x176: {  	v56 =	vld [tilespmem:s20+$0x3A00]  }
0x177: {  	v6 =	vadd.f32 v9, v6  }
0x178: {  	v57 =	vld [tilespmem:s20+$0x4400]  }
0x179: {  	v6 =	vadd.f32 v7, v6  }
0x17a: {  	v7 =	vld [tilespmem:s20+$0x4E00]  }
0x17b: {  	v6 =	vadd.f32 v56, v6  }
0x17c: {  	v58 =	vld [tilespmem:s20+$0x5800]  }
0x17d: {  	v6 =	vadd.f32 v57, v6  }
0x17e: {  	v59 =	vld [tilespmem:s20+$0x6200]  }
0x17f: {  	v6 =	vadd.f32 v7, v6  }
0x180: {  	v7 =	vld [tilespmem:s20+$0x6C00]  }
0x181: {  	v6 =	vadd.f32 v58, v6  }
0x182: {  	v60 =	vld [tilespmem:s20+$0x7600]  }
0x183: {  	v6 =	vadd.f32 v59, v6  }
0x184: {  	v61 =	vld [tilespmem:s20+$0x8000]  }
0x185: {  	v6 =	vadd.f32 v7, v6  }
0x186: {  	v7 =	vld [tilespmem:s20+$0x8A00]  }
0x187: {  	v6 =	vadd.f32 v60, v6  }
0x188: {  	v62 =	vld [tilespmem:s20+$0x9400]  }
0x189: {  	v6 =	vadd.f32 v61, v6  }
0x18a: {  	v63 =	vld [tilespmem:s20+$0x9E00]  }
0x18b: {  	v6 =	vadd.f32 v7, v6;
	_ =	sdelay $0x1  }
0x18c: {  	v6 =	vadd.f32 v62, v6;
	_ =	sdelay $0x1  }
0x18d: {  	v6 =	vadd.f32 v63, v6  }
0x18e: {  	s19 =	sadd.s32 $0x10, s19  }
0x18f: {  	s31 =	simm.s32 $0x0;
	[tilespmem:s19+$0x0] =	vst v6  }
0x190: {  	[hbm4b:s9+s31] =	stream.linear.scatter [tilespmem:s17], [sflag:$0x1], $0xA00, $0x38;
	[tilespmem:$0x15280] =	vst v63  }
0x191: {  	_ =	swait.ge [sflag:s13], $0xA00  }
0x192: {  	[sflag:s13] =	ssyncset.done $0x0  }
0x193: {  	[sflag:s13] =	ssyncadd.s32 $0xFFFFF600  }
0x194: {  	s20 =	simm.s32 $0x0;
	s19 =	simm.s32 $0x40;
	[bflag:$0x0] =	sbarrier.arrive $0xFFFF  }
.LBB2_28:
0x195: {  	p1 =	sne.s32 s19, $0x28000;
	[tilespmem:s20+$0x800] =	vst v1;
	s20 =	smov.u32 s19;
	s19 =	sadd.s32 $0x40, s19  }
.Ltmp18:
0x196: {  	(pc) =	sbr.rel @p1 .LBB2_28-.Ltmp18, $2  }
0x197: {  	_ =	sdelay $0x2  }
0x198: {  	s20 =	sshra.s32 s20, $0x2  }
.Ltmp19:
0x199: {  	(pc) =	sbr.rel @p0 .LBB2_33-.Ltmp19, $2  }
0x19a: {  	_ =	sdelay $0x2  }
0x19b: {  	[tilespmem:s20+$0x800] =	vst v1;
	s19 =	simm.s32 $0x0;
	s20 =	simm.s32 $0x0;
	s21 =	simm.s32 $0x0  }
.LBB2_30:
0x19c: {  	s21 =	smul.u32 $0x7D0, s20;
	_ =	sdelay $0x1  }
0x19d: {  	s21 =	sadd.s32 s5, s21  }
0x19e: {  	s21 =	sshrl.u32 s21, $0x3  }
0x19f: {  	s21 =	sadd.s32 s3, s21  }
0x1a0: {  	[tilespmem:s19], [sflag:$0x1] =	stream.linear.gather [hbm4b:s21+s19], $0x7D0, $0x38;
	[tilespmem:$0x15280] =	vst v63  }
0x1a1: {  	_ =	swait.ge [sflag:s13], $0x7D0  }
0x1a2: {  	[sflag:s13] =	ssyncset.done $0x0  }
0x1a3: {  	s22 =	simm.s32 $0x0;
	s21 =	simm.s32 $0x40;
	[sflag:s13] =	ssyncadd.s32 $0xFFFFF830  }
.LBB2_31:
0x1a4: {  	p1 =	sne.s32 s21, $0x1F00;
	v6 =	vld [tilespmem:s22+$0x0];
	_ =	sdelay $0x4  }
0x1a5: {  	v7 =	vadd.s32 $0xFFFFEC00, v6;
	v6 =	vshll.u32 v6, $0x4  }
0x1a6: {  	vm0 =	vlt.u32 v7, $0xA00;
	v6 =	vadd.s32 v4, v6  }
0x1a7: {  	v6 =	vsel vm0, v6, v3;
	_ =	sdelay $0x4  }
0x1a8: {  	v7 =	vld.idx.msk [tilespmem:v6+s14+$0x0], $0xffff;
	_ =	sdelay $0x3  }
.Ltmp20:
0x1a9: {  	(pc) =	sbr.rel @p1 .LBB2_31-.Ltmp20, $3  }
0x1aa: {  	_ = 	snop  }
0x1ab: {  	v7 =	vadd.f32 $1.000000000e+00, v7;
	_ =	sdelay $0x1  }
0x1ac: {  	s22 =	sshra.s32 s21, $0x2;
	s21 =	sadd.s32 $0x40, s21;
	[tilespmem:v6+s14+$0x0] =	vst.idx.msk $0xffff, v7  }
0x1ad: {  	v6 =	vld [tilespmem:s22+$0x0];
	_ =	sdelay $0x4  }
0x1ae: {  	v7 =	vadd.s32 $0xFFFFEC00, v6;
	v6 =	vshll.u32 v6, $0x4  }
0x1af: {  	vm0 =	vlt.u32 v7, $0xA00;
	v6 =	vadd.s32 v4, v6  }
0x1b0: {  	v6 =	vsel vm0, v6, v3;
	_ =	sdelay $0x4  }
0x1b1: {  	v7 =	vld.idx.msk [tilespmem:v6+s14+$0x0], $0xffff  }
0x1b2: {  	s20 =	sadd.s32 $0x1, s20  }
0x1b3: {  	p1 =	seq.s32 s20, $0xA  }
.Ltmp21:
0x1b4: {  	_ = 	snop;
	(pc) =	sbr.rel @!p1 .LBB2_30-.Ltmp21, $4  }
.Ltmp22:
0x1b5: {  	_ = 	snop;
	(pc) =	sbr.rel @p1 .LBB2_36-.Ltmp22, $4  }
0x1b6: {  	v7 =	vadd.f32 $1.000000000e+00, v7  }
0x1b7: {  	_ = 	snop  }
0x1b8: {  	[tilespmem:v6+s14+$0x0] =	vst.idx.msk $0xffff, v7  }
0x1b9: {  	_ = 	snop  }
.LBB2_33:
0x1ba: {  	s20 =	smul.u32 $0x7D0, s21;
	_ =	sdelay $0x1  }
0x1bb: {  	s20 =	sadd.s32 s5, s20  }
0x1bc: {  	s20 =	sshrl.u32 s20, $0x3  }
0x1bd: {  	s20 =	sadd.s32 s4, s20  }
0x1be: {  	[tilespmem:s19], [sflag:$0x1] =	stream.linear.gather [hbm4b:s20+s19], $0x7D0, $0x38;
	[tilespmem:$0x15280] =	vst v63  }
0x1bf: {  	_ =	swait.ge [sflag:s13], $0x7D0  }
0x1c0: {  	[sflag:s13] =	ssyncset.done $0x0  }
0x1c1: {  	s22 =	simm.s32 $0x0;
	s20 =	simm.s32 $0x40;
	[sflag:s13] =	ssyncadd.s32 $0xFFFFF830  }
.LBB2_34:
0x1c2: {  	p1 =	sne.s32 s20, $0x1F00;
	v6 =	vld [tilespmem:s22+$0x0];
	_ =	sdelay $0x4  }
0x1c3: {  	v7 =	vadd.s32 $0xFFFFEC00, v6;
	v6 =	vshll.u32 v6, $0x4  }
0x1c4: {  	vm0 =	vlt.u32 v7, $0xA00;
	v6 =	vadd.s32 v4, v6  }
0x1c5: {  	v6 =	vsel vm0, v6, v3;
	_ =	sdelay $0x4  }
0x1c6: {  	v7 =	vld.idx.msk [tilespmem:v6+s14+$0x0], $0xffff;
	_ =	sdelay $0x3  }
.Ltmp23:
0x1c7: {  	(pc) =	sbr.rel @p1 .LBB2_34-.Ltmp23, $3  }
0x1c8: {  	_ = 	snop  }
0x1c9: {  	v7 =	vadd.f32 $1.000000000e+00, v7;
	_ =	sdelay $0x1  }
0x1ca: {  	s22 =	sshra.s32 s20, $0x2;
	s20 =	sadd.s32 $0x40, s20;
	[tilespmem:v6+s14+$0x0] =	vst.idx.msk $0xffff, v7  }
0x1cb: {  	v6 =	vld [tilespmem:s22+$0x0];
	_ =	sdelay $0x4  }
0x1cc: {  	v7 =	vadd.s32 $0xFFFFEC00, v6;
	v6 =	vshll.u32 v6, $0x4  }
0x1cd: {  	vm0 =	vlt.u32 v7, $0xA00;
	v6 =	vadd.s32 v4, v6  }
0x1ce: {  	v6 =	vsel vm0, v6, v3;
	_ =	sdelay $0x4  }
0x1cf: {  	v7 =	vld.idx.msk [tilespmem:v6+s14+$0x0], $0xffff  }
0x1d0: {  	s21 =	sadd.s32 $0x1, s21  }
0x1d1: {  	p1 =	sne.s32 s21, $0xA  }
.Ltmp24:
0x1d2: {  	_ = 	snop;
	(pc) =	sbr.rel @p1 .LBB2_33-.Ltmp24, $3  }
0x1d3: {  	_ = 	snop  }
0x1d4: {  	v7 =	vadd.f32 $1.000000000e+00, v7;
	_ =	sdelay $0x1  }
0x1d5: {  	[tilespmem:v6+s14+$0x0] =	vst.idx.msk $0xffff, v7  }
.LBB2_36:
0x1d6: {  	s19 =	simm.s32 $0x800;
	s20 =	simm.s32 $0x0  }
0x1d7: {  	[spmem:s6] =	stream.strided.scatter [tilespmem:s19], [sflag:$0x1], $0xA000, s16, s15, $0x38;
	[tilespmem:$0x15280] =	vst v63  }
0x1d8: {  	s21 =	smul.u32 $0x140000, s20  }
0x1d9: {  	_ =	swait.ge [sflag:s13], $0xA000  }
0x1da: {  	s20 =	simm.s32 $0x0;
	[sflag:s13] =	ssyncset.done $0x0;
	s21 =	sshra.s32 s21, $0x2  }
0x1db: {  	s22 =	sand.u32 $0x380, s20;
	[sflag:s13] =	ssyncadd.s32 $0xFFFF6000;
	s21 =	sadd.s32 s21, s7  }
0x1dc: {  	s24 =	simm.s32 $0x0;
	[bflag:$0x0] =	sbarrier.arrive $0xFFFF;
	s21 =	sadd.s32 s22, s21  }
0x1dd: {  	[tilespmem:s19], [sflag:$0x1] =	stream.strided.gather [spmem:s21], $0xA00, s16, s15, $0x38;
	[tilespmem:$0x15280] =	vst v63  }
0x1de: {  	s23 =	simm.s32 $0x2;
	s24 =	smul.u32 $0x140000, s24;
	_ =	swait.ge [sflag:s13], $0xA00  }
0x1df: {  	s22 =	simm.s32 $0x80;
	s21 =	simm.s32 $0x1200;
	[sflag:s13] =	ssyncset.done $0x0  }
.LBB2_37:
0x1e0: {  	s24 =	sshra.s32 s24, $0x2;
	[sflag:s13] =	ssyncadd.s32 $0xFFFFF600  }
0x1e1: {  	s25 =	smov.u32 s23;
	s26 =	sadd.s32 $0x1, s23;
	p1 =	sne.s32 s23, $0xF  }
.Ltmp25:
0x1e2: {  	s28 =	sand.u32 $0x380, s22;
	s24 =	sadd.s32 s24, s7;
	(pc) =	sbr.rel @p1 .LBB2_37-.Ltmp25, $4  }
0x1e3: {  	s25 =	sshrl.u32 s25, $0x3;
	s23 =	sadd.s32 s28, s24  }
0x1e4: {  	[tilespmem:s21], [sflag:$0x1] =	stream.strided.gather [spmem:s23], $0xA00, s16, s15, $0x38;
	[tilespmem:$0x15280] =	vst v63  }
0x1e5: {  	s22 =	sadd.s32 $0x80, s22;
	s24 =	smul.u32 $0x140000, s25;
	_ =	swait.ge [sflag:s13], $0xA00  }
0x1e6: {  	s21 =	sadd.s32 $0xA00, s21;
	s23 =	smov.u32 s26;
	[sflag:s13] =	ssyncset.done $0x0  }
0x1e7: {  	s23 =	sshra.s32 s24, $0x2  }
0x1e8: {  	s22 =	sand.u32 $0x380, s22;
	s23 =	sadd.s32 s23, s7  }
0x1e9: {  	[sflag:s13] =	ssyncadd.s32 $0xFFFFF600;
	s22 =	sadd.s32 s22, s23  }
0x1ea: {  	[tilespmem:s21], [sflag:$0x1] =	stream.strided.gather [spmem:s22], $0xA00, s16, s15, $0x38;
	[tilespmem:$0x15280] =	vst v63  }
0x1eb: {  	_ =	swait.ge [sflag:s13], $0xA00  }
0x1ec: {  	[sflag:s13] =	ssyncset.done $0x0  }
0x1ed: {  	s20 =	sand.u32 $0xFF0, s20;
	[sflag:s13] =	ssyncadd.s32 $0xFFFFF600  }
0x1ee: {  	v6 =	vld [tilespmem:s20+$0x1200]  }
0x1ef: {  	v7 =	vld [tilespmem:s19+$0x0];
	_ =	sdelay $0x1  }
0x1f0: {  	v8 =	vld [tilespmem:s20+$0x1C00];
	_ =	sdelay $0x1  }
0x1f1: {  	v9 =	vld [tilespmem:s20+$0x2600]  }
0x1f2: {  	v6 =	vadd.f32 v6, v7  }
0x1f3: {  	v7 =	vld [tilespmem:s20+$0x3000]  }
0x1f4: {  	v6 =	vadd.f32 v8, v6  }
0x1f5: {  	v8 =	vld [tilespmem:s20+$0x3A00]  }
0x1f6: {  	v6 =	vadd.f32 v9, v6  }
0x1f7: {  	v60 =	vld [tilespmem:s20+$0x4400]  }
0x1f8: {  	v6 =	vadd.f32 v7, v6  }
0x1f9: {  	v7 =	vld [tilespmem:s20+$0x4E00]  }
0x1fa: {  	v6 =	vadd.f32 v8, v6  }
0x1fb: {  	v8 =	vld [tilespmem:s20+$0x5800]  }
0x1fc: {  	v6 =	vadd.f32 v60, v6  }
0x1fd: {  	v61 =	vld [tilespmem:s20+$0x6200]  }
0x1fe: {  	v6 =	vadd.f32 v7, v6  }
0x1ff: {  	v7 =	vld [tilespmem:s20+$0x6C00]  }
0x200: {  	v6 =	vadd.f32 v8, v6  }
0x201: {  	v8 =	vld [tilespmem:s20+$0x7600]  }
0x202: {  	v6 =	vadd.f32 v61, v6  }
0x203: {  	v62 =	vld [tilespmem:s20+$0x8000]  }
0x204: {  	v6 =	vadd.f32 v7, v6  }
0x205: {  	v7 =	vld [tilespmem:s20+$0x8A00]  }
0x206: {  	v6 =	vadd.f32 v8, v6  }
0x207: {  	v8 =	vld [tilespmem:s20+$0x9400]  }
0x208: {  	v6 =	vadd.f32 v62, v6  }
0x209: {  	v63 =	vld [tilespmem:s20+$0x9E00]  }
0x20a: {  	v6 =	vadd.f32 v7, v6;
	_ =	sdelay $0x1  }
0x20b: {  	v6 =	vadd.f32 v8, v6;
	_ =	sdelay $0x1  }
0x20c: {  	v6 =	vadd.f32 v63, v6  }
0x20d: {  	s31 =	simm.s32 $0x10;
	s19 =	simm.s32 $0xA880  }
0x20e: {  	s20 =	sand.u32 $0xFF0, s31;
	[tilespmem:s19+$0x0] =	vst v6  }
0x20f: {  	s22 =	simm.s32 $0x20;
	s21 =	simm.s32 $0x810;
	v6 =	vld [tilespmem:s20+$0x1200]  }
.LBB2_39:
0x210: {  	p1 =	sne.s32 s22, $0x9F0;
	v7 =	vld [tilespmem:s21+$0x0];
	_ =	sdelay $0x1  }
0x211: {  	v8 =	vld [tilespmem:s20+$0x1C00];
	_ =	sdelay $0x1  }
0x212: {  	v9 =	vld [tilespmem:s20+$0x2600]  }
0x213: {  	v6 =	vadd.f32 v6, v7  }
0x214: {  	v7 =	vld [tilespmem:s20+$0x3000]  }
0x215: {  	v6 =	vadd.f32 v8, v6  }
0x216: {  	v8 =	vld [tilespmem:s20+$0x3A00]  }
0x217: {  	v6 =	vadd.f32 v9, v6  }
0x218: {  	v9 =	vld [tilespmem:s20+$0x4400]  }
0x219: {  	v6 =	vadd.f32 v7, v6  }
0x21a: {  	v7 =	vld [tilespmem:s20+$0x4E00]  }
0x21b: {  	v6 =	vadd.f32 v8, v6  }
0x21c: {  	v8 =	vld [tilespmem:s20+$0x5800]  }
0x21d: {  	v6 =	vadd.f32 v9, v6  }
0x21e: {  	v9 =	vld [tilespmem:s20+$0x6200]  }
0x21f: {  	v6 =	vadd.f32 v7, v6  }
0x220: {  	v7 =	vld [tilespmem:s20+$0x6C00]  }
0x221: {  	v6 =	vadd.f32 v8, v6  }
0x222: {  	v8 =	vld [tilespmem:s20+$0x7600]  }
0x223: {  	v6 =	vadd.f32 v9, v6  }
0x224: {  	v9 =	vld [tilespmem:s20+$0x8000]  }
0x225: {  	v6 =	vadd.f32 v7, v6  }
0x226: {  	v7 =	vld [tilespmem:s20+$0x8A00]  }
0x227: {  	v6 =	vadd.f32 v8, v6  }
0x228: {  	v8 =	vld [tilespmem:s20+$0x9400]  }
0x229: {  	v6 =	vadd.f32 v9, v6  }
0x22a: {  	v9 =	vld [tilespmem:s20+$0x9E00]  }
0x22b: {  	v6 =	vadd.f32 v7, v6;
	_ =	sdelay $0x1  }
0x22c: {  	v6 =	vadd.f32 v8, v6  }
.Ltmp26:
0x22d: {  	(pc) =	sbr.rel @p1 .LBB2_39-.Ltmp26, $4  }
0x22e: {  	v6 =	vadd.f32 v9, v6  }
0x22f: {  	s19 =	sadd.s32 $0x10, s19  }
0x230: {  	s20 =	sand.u32 $0xFF0, s22;
	[tilespmem:s19+$0x0] =	vst v6  }
0x231: {  	s21 =	sadd.s32 $0x10, s21;
	s22 =	sadd.s32 $0x10, s22;
	v6 =	vld [tilespmem:s20+$0x1200]  }
0x232: {  	v7 =	vld [tilespmem:s21+$0x0];
	_ =	sdelay $0x1  }
0x233: {  	v8 =	vld [tilespmem:s20+$0x1C00];
	_ =	sdelay $0x1  }
0x234: {  	v9 =	vld [tilespmem:s20+$0x2600]  }
0x235: {  	v6 =	vadd.f32 v6, v7  }
0x236: {  	v7 =	vld [tilespmem:s20+$0x3000]  }
0x237: {  	v6 =	vadd.f32 v8, v6  }
0x238: {  	v56 =	vld [tilespmem:s20+$0x3A00]  }
0x239: {  	v6 =	vadd.f32 v9, v6  }
0x23a: {  	v57 =	vld [tilespmem:s20+$0x4400]  }
0x23b: {  	v6 =	vadd.f32 v7, v6  }
0x23c: {  	v7 =	vld [tilespmem:s20+$0x4E00]  }
0x23d: {  	v6 =	vadd.f32 v56, v6  }
0x23e: {  	v58 =	vld [tilespmem:s20+$0x5800]  }
0x23f: {  	v6 =	vadd.f32 v57, v6  }
0x240: {  	v59 =	vld [tilespmem:s20+$0x6200]  }
0x241: {  	v6 =	vadd.f32 v7, v6  }
0x242: {  	v7 =	vld [tilespmem:s20+$0x6C00]  }
0x243: {  	v6 =	vadd.f32 v58, v6  }
0x244: {  	v60 =	vld [tilespmem:s20+$0x7600]  }
0x245: {  	v6 =	vadd.f32 v59, v6  }
0x246: {  	v61 =	vld [tilespmem:s20+$0x8000]  }
0x247: {  	v6 =	vadd.f32 v7, v6  }
0x248: {  	v7 =	vld [tilespmem:s20+$0x8A00]  }
0x249: {  	v6 =	vadd.f32 v60, v6  }
0x24a: {  	v62 =	vld [tilespmem:s20+$0x9400]  }
0x24b: {  	v6 =	vadd.f32 v61, v6  }
0x24c: {  	v63 =	vld [tilespmem:s20+$0x9E00]  }
0x24d: {  	v6 =	vadd.f32 v7, v6;
	_ =	sdelay $0x1  }
0x24e: {  	v6 =	vadd.f32 v62, v6;
	_ =	sdelay $0x1  }
0x24f: {  	v6 =	vadd.f32 v63, v6  }
0x250: {  	s19 =	sadd.s32 $0x10, s19  }
0x251: {  	s31 =	simm.s32 $0x0;
	[tilespmem:s19+$0x0] =	vst v6  }
0x252: {  	[hbm4b:s10+s31] =	stream.linear.scatter [tilespmem:s17], [sflag:$0x1], $0xA00, $0x38;
	[tilespmem:$0x15280] =	vst v63  }
0x253: {  	_ =	swait.ge [sflag:s13], $0xA00  }
0x254: {  	[sflag:s13] =	ssyncset.done $0x0  }
0x255: {  	[sflag:s13] =	ssyncadd.s32 $0xFFFFF600  }
0x256: {  	s20 =	simm.s32 $0x0;
	s19 =	simm.s32 $0x40;
	[bflag:$0x0] =	sbarrier.arrive $0xFFFF  }
.LBB2_41:
0x257: {  	p1 =	sne.s32 s19, $0x28000;
	[tilespmem:s20+$0x800] =	vst v1;
	s20 =	smov.u32 s19;
	s19 =	sadd.s32 $0x40, s19  }
.Ltmp27:
0x258: {  	(pc) =	sbr.rel @p1 .LBB2_41-.Ltmp27, $2  }
0x259: {  	_ =	sdelay $0x2  }
0x25a: {  	s20 =	sshra.s32 s20, $0x2  }
.Ltmp28:
0x25b: {  	(pc) =	sbr.rel @p0 .LBB2_46-.Ltmp28, $2  }
0x25c: {  	_ =	sdelay $0x2  }
0x25d: {  	[tilespmem:s20+$0x800] =	vst v1;
	s19 =	simm.s32 $0x0;
	s20 =	simm.s32 $0x0;
	s21 =	simm.s32 $0x0  }
.LBB2_43:
0x25e: {  	s21 =	smul.u32 $0x7D0, s20;
	_ =	sdelay $0x1  }
0x25f: {  	s21 =	sadd.s32 s5, s21  }
0x260: {  	s21 =	sshrl.u32 s21, $0x3  }
0x261: {  	s21 =	sadd.s32 s3, s21  }
0x262: {  	[tilespmem:s19], [sflag:$0x1] =	stream.linear.gather [hbm4b:s21+s19], $0x7D0, $0x38;
	[tilespmem:$0x15280] =	vst v63  }
0x263: {  	_ =	swait.ge [sflag:s13], $0x7D0  }
0x264: {  	[sflag:s13] =	ssyncset.done $0x0  }
0x265: {  	s22 =	simm.s32 $0x0;
	s21 =	simm.s32 $0x40;
	[sflag:s13] =	ssyncadd.s32 $0xFFFFF830  }
.LBB2_44:
0x266: {  	p1 =	sne.s32 s21, $0x1F00;
	v6 =	vld [tilespmem:s22+$0x0];
	_ =	sdelay $0x4  }
0x267: {  	v7 =	vadd.s32 $0xFFFFE200, v6;
	v6 =	vshll.u32 v6, $0x4  }
0x268: {  	vm0 =	vlt.u32 v7, $0xA00;
	v6 =	vadd.s32 v5, v6  }
0x269: {  	v6 =	vsel vm0, v6, v3;
	_ =	sdelay $0x4  }
0x26a: {  	v7 =	vld.idx.msk [tilespmem:v6+s14+$0x0], $0xffff;
	_ =	sdelay $0x3  }
.Ltmp29:
0x26b: {  	(pc) =	sbr.rel @p1 .LBB2_44-.Ltmp29, $3  }
0x26c: {  	_ = 	snop  }
0x26d: {  	v7 =	vadd.f32 $1.000000000e+00, v7;
	_ =	sdelay $0x1  }
0x26e: {  	s22 =	sshra.s32 s21, $0x2;
	s21 =	sadd.s32 $0x40, s21;
	[tilespmem:v6+s14+$0x0] =	vst.idx.msk $0xffff, v7  }
0x26f: {  	v6 =	vld [tilespmem:s22+$0x0];
	_ =	sdelay $0x4  }
0x270: {  	v7 =	vadd.s32 $0xFFFFE200, v6;
	v6 =	vshll.u32 v6, $0x4  }
0x271: {  	vm0 =	vlt.u32 v7, $0xA00;
	v6 =	vadd.s32 v5, v6  }
0x272: {  	v6 =	vsel vm0, v6, v3;
	_ =	sdelay $0x4  }
0x273: {  	v7 =	vld.idx.msk [tilespmem:v6+s14+$0x0], $0xffff  }
0x274: {  	s20 =	sadd.s32 $0x1, s20  }
0x275: {  	p1 =	seq.s32 s20, $0xA  }
.Ltmp30:
0x276: {  	_ = 	snop;
	(pc) =	sbr.rel @!p1 .LBB2_43-.Ltmp30, $4  }
.Ltmp31:
0x277: {  	_ = 	snop;
	(pc) =	sbr.rel @p1 .LBB2_49-.Ltmp31, $4  }
0x278: {  	v7 =	vadd.f32 $1.000000000e+00, v7  }
0x279: {  	_ = 	snop  }
0x27a: {  	[tilespmem:v6+s14+$0x0] =	vst.idx.msk $0xffff, v7  }
0x27b: {  	_ = 	snop  }
.LBB2_46:
0x27c: {  	s20 =	smul.u32 $0x7D0, s21;
	_ =	sdelay $0x1  }
0x27d: {  	s20 =	sadd.s32 s5, s20  }
0x27e: {  	s20 =	sshrl.u32 s20, $0x3  }
0x27f: {  	s20 =	sadd.s32 s4, s20  }
0x280: {  	[tilespmem:s19], [sflag:$0x1] =	stream.linear.gather [hbm4b:s20+s19], $0x7D0, $0x38;
	[tilespmem:$0x15280] =	vst v63  }
0x281: {  	_ =	swait.ge [sflag:s13], $0x7D0  }
0x282: {  	[sflag:s13] =	ssyncset.done $0x0  }
0x283: {  	s22 =	simm.s32 $0x0;
	s20 =	simm.s32 $0x40;
	[sflag:s13] =	ssyncadd.s32 $0xFFFFF830  }
.LBB2_47:
0x284: {  	p1 =	sne.s32 s20, $0x1F00;
	v6 =	vld [tilespmem:s22+$0x0];
	_ =	sdelay $0x4  }
0x285: {  	v7 =	vadd.s32 $0xFFFFE200, v6;
	v6 =	vshll.u32 v6, $0x4  }
0x286: {  	vm0 =	vlt.u32 v7, $0xA00;
	v6 =	vadd.s32 v5, v6  }
0x287: {  	v6 =	vsel vm0, v6, v3;
	_ =	sdelay $0x4  }
0x288: {  	v7 =	vld.idx.msk [tilespmem:v6+s14+$0x0], $0xffff;
	_ =	sdelay $0x3  }
.Ltmp32:
0x289: {  	(pc) =	sbr.rel @p1 .LBB2_47-.Ltmp32, $3  }
0x28a: {  	_ = 	snop  }
0x28b: {  	v7 =	vadd.f32 $1.000000000e+00, v7;
	_ =	sdelay $0x1  }
0x28c: {  	s22 =	sshra.s32 s20, $0x2;
	s20 =	sadd.s32 $0x40, s20;
	[tilespmem:v6+s14+$0x0] =	vst.idx.msk $0xffff, v7  }
0x28d: {  	v6 =	vld [tilespmem:s22+$0x0];
	_ =	sdelay $0x4  }
0x28e: {  	v7 =	vadd.s32 $0xFFFFE200, v6;
	v6 =	vshll.u32 v6, $0x4  }
0x28f: {  	vm0 =	vlt.u32 v7, $0xA00;
	v6 =	vadd.s32 v5, v6  }
0x290: {  	v6 =	vsel vm0, v6, v3;
	_ =	sdelay $0x4  }
0x291: {  	v7 =	vld.idx.msk [tilespmem:v6+s14+$0x0], $0xffff  }
0x292: {  	s21 =	sadd.s32 $0x1, s21  }
0x293: {  	p1 =	sne.s32 s21, $0xA  }
.Ltmp33:
0x294: {  	_ = 	snop;
	(pc) =	sbr.rel @p1 .LBB2_46-.Ltmp33, $3  }
0x295: {  	_ = 	snop  }
0x296: {  	v7 =	vadd.f32 $1.000000000e+00, v7;
	_ =	sdelay $0x1  }
0x297: {  	[tilespmem:v6+s14+$0x0] =	vst.idx.msk $0xffff, v7  }
.LBB2_49:
0x298: {  	s19 =	simm.s32 $0x800;
	s20 =	simm.s32 $0x0  }
0x299: {  	[spmem:s6] =	stream.strided.scatter [tilespmem:s19], [sflag:$0x1], $0xA000, s16, s15, $0x38;
	[tilespmem:$0x15280] =	vst v63  }
0x29a: {  	s21 =	smul.u32 $0x140000, s20  }
0x29b: {  	_ =	swait.ge [sflag:s13], $0xA000  }
0x29c: {  	s20 =	simm.s32 $0x0;
	[sflag:s13] =	ssyncset.done $0x0;
	s21 =	sshra.s32 s21, $0x2  }
0x29d: {  	s22 =	sand.u32 $0x380, s20;
	[sflag:s13] =	ssyncadd.s32 $0xFFFF6000;
	s21 =	sadd.s32 s21, s7  }
0x29e: {  	s24 =	simm.s32 $0x0;
	[bflag:$0x0] =	sbarrier.arrive $0xFFFF;
	s21 =	sadd.s32 s22, s21  }
0x29f: {  	[tilespmem:s19], [sflag:$0x1] =	stream.strided.gather [spmem:s21], $0xA00, s16, s15, $0x38;
	[tilespmem:$0x15280] =	vst v63  }
0x2a0: {  	s23 =	simm.s32 $0x2;
	s24 =	smul.u32 $0x140000, s24;
	_ =	swait.ge [sflag:s13], $0xA00  }
0x2a1: {  	s22 =	simm.s32 $0x80;
	s21 =	simm.s32 $0x1200;
	[sflag:s13] =	ssyncset.done $0x0  }
.LBB2_50:
0x2a2: {  	s24 =	sshra.s32 s24, $0x2;
	[sflag:s13] =	ssyncadd.s32 $0xFFFFF600  }
0x2a3: {  	s25 =	smov.u32 s23;
	s26 =	sadd.s32 $0x1, s23;
	p1 =	sne.s32 s23, $0xF  }
.Ltmp34:
0x2a4: {  	s28 =	sand.u32 $0x380, s22;
	s24 =	sadd.s32 s24, s7;
	(pc) =	sbr.rel @p1 .LBB2_50-.Ltmp34, $4  }
0x2a5: {  	s25 =	sshrl.u32 s25, $0x3;
	s23 =	sadd.s32 s28, s24  }
0x2a6: {  	[tilespmem:s21], [sflag:$0x1] =	stream.strided.gather [spmem:s23], $0xA00, s16, s15, $0x38;
	[tilespmem:$0x15280] =	vst v63  }
0x2a7: {  	s22 =	sadd.s32 $0x80, s22;
	s24 =	smul.u32 $0x140000, s25;
	_ =	swait.ge [sflag:s13], $0xA00  }
0x2a8: {  	s21 =	sadd.s32 $0xA00, s21;
	s23 =	smov.u32 s26;
	[sflag:s13] =	ssyncset.done $0x0  }
0x2a9: {  	s23 =	sshra.s32 s24, $0x2  }
0x2aa: {  	s22 =	sand.u32 $0x380, s22;
	s23 =	sadd.s32 s23, s7  }
0x2ab: {  	[sflag:s13] =	ssyncadd.s32 $0xFFFFF600;
	s22 =	sadd.s32 s22, s23  }
0x2ac: {  	[tilespmem:s21], [sflag:$0x1] =	stream.strided.gather [spmem:s22], $0xA00, s16, s15, $0x38;
	[tilespmem:$0x15280] =	vst v63  }
0x2ad: {  	_ =	swait.ge [sflag:s13], $0xA00  }
0x2ae: {  	[sflag:s13] =	ssyncset.done $0x0  }
0x2af: {  	s20 =	sand.u32 $0xFF0, s20;
	[sflag:s13] =	ssyncadd.s32 $0xFFFFF600  }
0x2b0: {  	v6 =	vld [tilespmem:s20+$0x1200]  }
0x2b1: {  	v7 =	vld [tilespmem:s19+$0x0];
	_ =	sdelay $0x1  }
0x2b2: {  	v8 =	vld [tilespmem:s20+$0x1C00];
	_ =	sdelay $0x1  }
0x2b3: {  	v9 =	vld [tilespmem:s20+$0x2600]  }
0x2b4: {  	v6 =	vadd.f32 v6, v7  }
0x2b5: {  	v7 =	vld [tilespmem:s20+$0x3000]  }
0x2b6: {  	v6 =	vadd.f32 v8, v6  }
0x2b7: {  	v8 =	vld [tilespmem:s20+$0x3A00]  }
0x2b8: {  	v6 =	vadd.f32 v9, v6  }
0x2b9: {  	v60 =	vld [tilespmem:s20+$0x4400]  }
0x2ba: {  	v6 =	vadd.f32 v7, v6  }
0x2bb: {  	v7 =	vld [tilespmem:s20+$0x4E00]  }
0x2bc: {  	v6 =	vadd.f32 v8, v6  }
0x2bd: {  	v8 =	vld [tilespmem:s20+$0x5800]  }
0x2be: {  	v6 =	vadd.f32 v60, v6  }
0x2bf: {  	v61 =	vld [tilespmem:s20+$0x6200]  }
0x2c0: {  	v6 =	vadd.f32 v7, v6  }
0x2c1: {  	v7 =	vld [tilespmem:s20+$0x6C00]  }
0x2c2: {  	v6 =	vadd.f32 v8, v6  }
0x2c3: {  	v8 =	vld [tilespmem:s20+$0x7600]  }
0x2c4: {  	v6 =	vadd.f32 v61, v6  }
0x2c5: {  	v62 =	vld [tilespmem:s20+$0x8000]  }
0x2c6: {  	v6 =	vadd.f32 v7, v6  }
0x2c7: {  	v7 =	vld [tilespmem:s20+$0x8A00]  }
0x2c8: {  	v6 =	vadd.f32 v8, v6  }
0x2c9: {  	v8 =	vld [tilespmem:s20+$0x9400]  }
0x2ca: {  	v6 =	vadd.f32 v62, v6  }
0x2cb: {  	v63 =	vld [tilespmem:s20+$0x9E00]  }
0x2cc: {  	v6 =	vadd.f32 v7, v6;
	_ =	sdelay $0x1  }
0x2cd: {  	v6 =	vadd.f32 v8, v6;
	_ =	sdelay $0x1  }
0x2ce: {  	v6 =	vadd.f32 v63, v6  }
0x2cf: {  	s31 =	simm.s32 $0x10;
	s19 =	simm.s32 $0xA880  }
0x2d0: {  	s20 =	sand.u32 $0xFF0, s31;
	[tilespmem:s19+$0x0] =	vst v6  }
0x2d1: {  	s22 =	simm.s32 $0x20;
	s21 =	simm.s32 $0x810;
	v6 =	vld [tilespmem:s20+$0x1200]  }
.LBB2_52:
0x2d2: {  	p1 =	sne.s32 s22, $0x9F0;
	v7 =	vld [tilespmem:s21+$0x0];
	_ =	sdelay $0x1  }
0x2d3: {  	v8 =	vld [tilespmem:s20+$0x1C00];
	_ =	sdelay $0x1  }
0x2d4: {  	v9 =	vld [tilespmem:s20+$0x2600]  }
0x2d5: {  	v6 =	vadd.f32 v6, v7  }
0x2d6: {  	v7 =	vld [tilespmem:s20+$0x3000]  }
0x2d7: {  	v6 =	vadd.f32 v8, v6  }
0x2d8: {  	v8 =	vld [tilespmem:s20+$0x3A00]  }
0x2d9: {  	v6 =	vadd.f32 v9, v6  }
0x2da: {  	v9 =	vld [tilespmem:s20+$0x4400]  }
0x2db: {  	v6 =	vadd.f32 v7, v6  }
0x2dc: {  	v7 =	vld [tilespmem:s20+$0x4E00]  }
0x2dd: {  	v6 =	vadd.f32 v8, v6  }
0x2de: {  	v8 =	vld [tilespmem:s20+$0x5800]  }
0x2df: {  	v6 =	vadd.f32 v9, v6  }
0x2e0: {  	v9 =	vld [tilespmem:s20+$0x6200]  }
0x2e1: {  	v6 =	vadd.f32 v7, v6  }
0x2e2: {  	v7 =	vld [tilespmem:s20+$0x6C00]  }
0x2e3: {  	v6 =	vadd.f32 v8, v6  }
0x2e4: {  	v8 =	vld [tilespmem:s20+$0x7600]  }
0x2e5: {  	v6 =	vadd.f32 v9, v6  }
0x2e6: {  	v9 =	vld [tilespmem:s20+$0x8000]  }
0x2e7: {  	v6 =	vadd.f32 v7, v6  }
0x2e8: {  	v7 =	vld [tilespmem:s20+$0x8A00]  }
0x2e9: {  	v6 =	vadd.f32 v8, v6  }
0x2ea: {  	v8 =	vld [tilespmem:s20+$0x9400]  }
0x2eb: {  	v6 =	vadd.f32 v9, v6  }
0x2ec: {  	v9 =	vld [tilespmem:s20+$0x9E00]  }
0x2ed: {  	v6 =	vadd.f32 v7, v6;
	_ =	sdelay $0x1  }
0x2ee: {  	v6 =	vadd.f32 v8, v6  }
.Ltmp35:
0x2ef: {  	(pc) =	sbr.rel @p1 .LBB2_52-.Ltmp35, $4  }
0x2f0: {  	v6 =	vadd.f32 v9, v6  }
0x2f1: {  	s19 =	sadd.s32 $0x10, s19  }
0x2f2: {  	s20 =	sand.u32 $0xFF0, s22;
	[tilespmem:s19+$0x0] =	vst v6  }
0x2f3: {  	s21 =	sadd.s32 $0x10, s21;
	s22 =	sadd.s32 $0x10, s22;
	v6 =	vld [tilespmem:s20+$0x1200]  }
0x2f4: {  	v7 =	vld [tilespmem:s21+$0x0];
	_ =	sdelay $0x1  }
0x2f5: {  	v8 =	vld [tilespmem:s20+$0x1C00];
	_ =	sdelay $0x1  }
0x2f6: {  	v9 =	vld [tilespmem:s20+$0x2600]  }
0x2f7: {  	v6 =	vadd.f32 v6, v7  }
0x2f8: {  	v7 =	vld [tilespmem:s20+$0x3000]  }
0x2f9: {  	v6 =	vadd.f32 v8, v6  }
0x2fa: {  	v56 =	vld [tilespmem:s20+$0x3A00]  }
0x2fb: {  	v6 =	vadd.f32 v9, v6  }
0x2fc: {  	v57 =	vld [tilespmem:s20+$0x4400]  }
0x2fd: {  	v6 =	vadd.f32 v7, v6  }
0x2fe: {  	v7 =	vld [tilespmem:s20+$0x4E00]  }
0x2ff: {  	v6 =	vadd.f32 v56, v6  }
0x300: {  	v58 =	vld [tilespmem:s20+$0x5800]  }
0x301: {  	v6 =	vadd.f32 v57, v6  }
0x302: {  	v59 =	vld [tilespmem:s20+$0x6200]  }
0x303: {  	v6 =	vadd.f32 v7, v6  }
0x304: {  	v7 =	vld [tilespmem:s20+$0x6C00]  }
0x305: {  	v6 =	vadd.f32 v58, v6  }
0x306: {  	v60 =	vld [tilespmem:s20+$0x7600]  }
0x307: {  	v6 =	vadd.f32 v59, v6  }
0x308: {  	v61 =	vld [tilespmem:s20+$0x8000]  }
0x309: {  	v6 =	vadd.f32 v7, v6  }
0x30a: {  	v7 =	vld [tilespmem:s20+$0x8A00]  }
0x30b: {  	v6 =	vadd.f32 v60, v6  }
0x30c: {  	v62 =	vld [tilespmem:s20+$0x9400]  }
0x30d: {  	v6 =	vadd.f32 v61, v6  }
0x30e: {  	v63 =	vld [tilespmem:s20+$0x9E00]  }
0x30f: {  	v6 =	vadd.f32 v7, v6;
	_ =	sdelay $0x1  }
0x310: {  	v6 =	vadd.f32 v62, v6;
	_ =	sdelay $0x1  }
0x311: {  	v6 =	vadd.f32 v63, v6  }
0x312: {  	s19 =	sadd.s32 $0x10, s19;
	s18 =	sadd.s32 $0x1, s18  }
0x313: {  	p1 =	sne.s32 s18, s12;
	[tilespmem:s19+$0x0] =	vst v6  }
0x314: {  	[hbm4b:s11+s2] =	stream.linear.scatter [tilespmem:s17], [sflag:$0x1], $0xA00, $0x38;
	[tilespmem:$0x15280] =	vst v63  }
.Ltmp36:
0x315: {  	_ =	swait.ge [sflag:s13], $0xA00;
	(pc) =	sbr.rel @p1 .LBB2_1-.Ltmp36, $3  }
0x316: {  	[sflag:s13] =	ssyncset.done $0x0  }
0x317: {  	[sflag:s13] =	ssyncadd.s32 $0xFFFFF600  }
0x318: {  	[bflag:$0x0] =	sbarrier.arrive $0xFFFF;
	_ =	sdelay $0x1  }
0x319: {  	_ =	sfence.sel $0x180000  }
0x31a: {  	[bflag:$0x0] =	sbarrier.arrive $0xFFFF  }
0x31b: {  	p0 =	sne.s32 s1, $0x0;
	_ =	strace $0x90000047  }
0x31c: {  	s0 =	sadd.s32 @!p0 $0x100000, s0;
	[bflag:$0x2] =	sbarrier.arrive $0xFFFF  }
0x31d: {  	[sflag:s0] =	ssyncadd.tile.s32 @!p0 $0x1;
	_ =	shalt  }
.Lfunc_end2:
_tile_overlayer_lowered:
.L_overlay_start_2:
0x31e: {  	(tag) =	ssettag $0x2  }
0x31f: {  	s0 =	rddreg [dreg:$0x0];
	s2 =	stileid.u32  }
0x320: {  	s1 =	rddreg [dreg:$0x1];
	p0 =	sne.s32 s2, $0x0  }
0x321: {  	s3 =	rddreg [dreg:$0x2];
	[bflag:$0x3] =	sbarrier.arrive $0xFFFF;
	s2 =	simm.s32 @!p0 $0x1C01  }
0x322: {  	[timem:s3], [sflag:s2] =	dma.local @!p0 [hbm:s0], s1  }
0x323: {  	s0 =	simm.s32 @!p0 $0x1  }
0x324: {  	_ =	swait.ge @!p0 [sflag:s0], s1  }
0x325: {  	s1 =	ssub.s32 @!p0 $0x0, s1;
	[sflag:s0] =	ssyncset.done @!p0 $0x0  }
0x326: {  	[sflag:s0] =	ssyncadd.s32 @!p0 s1  }
0x327: {  	[bflag:$0x3] =	sbarrier.arrive $0xFFFF  }
0x328: {  	_ =	shalt  }

// kernel: kernel.15.cloned.1.call-start
scs
__scs_entry_jumppad:
0x0: {  	(pc) =	sbr.rel $0x88, $3  }
0x1: {  	(tag) =	ssettag $0x0;
	lr =	simm.s32 $0x1  }
0x2: {  	[smem:$0x3F98] =	sst lr;
	_ =	strace $0xD0000000  }
0x3: {  	_ = 	snop  }
0x4: {  	_ = 	snop  }
0x5: {  	_ = 	snop  }
0x6: {  	_ = 	snop  }
0x7: {  	_ = 	snop  }
__scs_overlays_trampoline_lowered:
0x8: {  	[smem:$0x3FA7] =	sst s0  }
0x9: {  	[smem:$0x3FA8] =	sst s1  }
0xa: {  	[smem:$0x3FA9] =	sst s2  }
0xb: {  	[smem:$0x3FAA] =	sst s3  }
0xc: {  	[smem:$0x3FAB] =	sst s4  }
0xd: {  	[smem:$0x3FAC] =	sst s5  }
0xe: {  	[smem:$0x3FAD] =	sst s6  }
0xf: {  	[smem:$0x3FAE] =	sst s7  }
0x10: {  	[smem:$0x3FAF] =	sst s8  }
0x11: {  	[smem:$0x3FB0] =	sst s9;
	s0 =	simm.s32 @!p0 $0x0  }
0x12: {  	s1 =	sld [smem:$0x3F96];
	s0 =	simm.s32 @p0 $0x1  }
0x13: {  	[smem:$0x3FB1] =	sst s0;
	s0 =	simm.s32 @!p1 $0x0  }
0x14: {  	s2 =	sld [smem:$0x3F95];
	s0 =	simm.s32 @p1 $0x1  }
0x15: {  	[smem:$0x3FB2] =	sst s0;
	s0 =	simm.s32 @!p2 $0x0  }
0x16: {  	s3 =	sld [smem:$0x3FDB];
	s0 =	simm.s32 @p2 $0x1  }
0x17: {  	s4 =	simm.s32 $0x1BF5;
	[smem:$0x3FB4] =	sst s0  }
0x18: {  	s0 =	sld [smem:$0x3F97];
	_ =	swait.ge [sflag:s4], $0x0  }
0x19: {  	s7 =	sld [smem:$0x3F98]  }
0x1a: {  	s8 =	sadd.s32 $0xFFFFE003, lr  }
0x1b: {  	s9 =	sadd.s32 $0xFFFFFEF7, lr;
	s5 =	simm.s32 $0xFFFFFFFF;
	p2 =	slt.u32 s8, $0xFFFFF086  }
0x1c: {  	p1 =	slt.u32 s9, $0xF7A;
	s5 =	simm.s32 @!p2 $0x0  }
0x1d: {  	s5 =	simm.s32 @p1 $0x1;
	p0 =	seq.s32 s7, s2  }
0x1e: {  	s7 =	smul.u32 @!p0 $0xF7A, s2;
	p2 =	seq.s32 @!p0 s5, $0x0  }
0x1f: {  	s9 =	smul.u32 $0xF7A, s1;
	s8 =	simm.s32 @!p0 $0x1BF5;
	p2 =	por !p2, p0  }
0x20: {  	[sflag:s8] =	ssyncset.s32 @!p0 $0xFFFFF086;
	s6 =	sadd.s32 @!p0 s3, s7;
	s7 =	simm.s32 @!p0 $0x108  }
0x21: {  	s3 =	sadd.s32 s3, s9;
	s6 =	sadd.s32 @!p0 $0x88, s6;
	s7 =	simm.s32 @p2 $0x1082  }
0x22: {  	[simem:s7], [sflag:s8] =	dma.local @!p0 [hbm:s6], $0xF7A  }
0x23: {  	s9 =	sor.u32 $0xD0000000, s2;
	s6 =	simm.s32 $0x108;
	_ =	swait.ge @!p0 [sflag:s8], $0x0  }
0x24: {  	s3 =	sadd.s32 $0x88, s3;
	s6 =	simm.s32 @!p1 $0x1082;
	[sflag:s4] =	ssyncset.s32 $0xFFFFF086  }
0x25: {  	[simem:s6], [sflag:s4] =	dma.local [hbm:s3], $0xF7A  }
0x26: {  	[smem:$0x3F98] =	sst s1;
	(tag) =	ssettag s2;
	_ =	strace s9  }
0x27: {  	s1 =	sld [smem:$0x3FA8]  }
0x28: {  	s2 =	sld [smem:$0x3FA9]  }
0x29: {  	s4 =	sld [smem:$0x3FAB]  }
0x2a: {  	p0 =	seq.s32 s5, $0x0;
	s5 =	sld [smem:$0x3FAC]  }
0x2b: {  	s6 =	sld [smem:$0x3FAD]  }
0x2c: {  	s7 =	sld [smem:$0x3FAE]  }
0x2d: {  	s3 =	simm.s32 $0x108;
	s8 =	sld [smem:$0x3FAF]  }
0x2e: {  	s3 =	simm.s32 @!p0 $0x1082;
	s9 =	sld [smem:$0x3FB0]  }
0x2f: {  	lr =	sadd.s32 s0, s3;
	s0 =	sld [smem:$0x3FA7]  }
0x30: {  	s3 =	sld [smem:$0x3FAA]  }
0x31: {  	[smem:$0x3FB3] =	sst s10  }
0x32: {  	s10 =	sld [smem:$0x3FB1];
	_ =	sdelay $0x3  }
0x33: {  	p0 =	seq.s32 s10, $0x1;
	s10 =	sld [smem:$0x3FB3];
	_ =	sdelay $0x3  }
0x34: {  	[smem:$0x3FB3] =	sst s10  }
0x35: {  	s10 =	sld [smem:$0x3FB2];
	_ =	sdelay $0x3  }
0x36: {  	p1 =	seq.s32 s10, $0x1;
	s10 =	sld [smem:$0x3FB3];
	_ =	sdelay $0x3  }
0x37: {  	[smem:$0x3FB3] =	sst s10  }
0x38: {  	s10 =	sld [smem:$0x3FB4]  }
0x39: {  	_ = 	snop;
	(pc) =	sbr.ind lr, $3  }
0x3a: {  	_ = 	snop  }
0x3b: {  	_ = 	snop  }
0x3c: {  	p2 =	seq.s32 s10, $0x1;
	s10 =	sld [smem:$0x3FB3]  }
0x3d: {  	_ =	shalt  }
0x3e: {  	_ =	shalt  }
0x3f: {  	_ =	shalt  }
0x40: {  	_ =	shalt  }
0x41: {  	_ =	shalt  }
0x42: {  	_ =	shalt  }
0x43: {  	_ =	shalt  }
0x44: {  	_ =	shalt  }
0x45: {  	_ =	shalt  }
0x46: {  	_ =	shalt  }
0x47: {  	_ =	shalt  }
0x48: {  	_ =	shalt  }
0x49: {  	_ =	shalt  }
0x4a: {  	_ =	shalt  }
0x4b: {  	_ =	shalt  }
0x4c: {  	_ =	shalt  }
0x4d: {  	_ =	shalt  }
0x4e: {  	_ =	shalt  }
0x4f: {  	_ =	shalt  }
0x50: {  	_ =	shalt  }
0x51: {  	_ =	shalt  }
0x52: {  	_ =	shalt  }
0x53: {  	_ =	shalt  }
0x54: {  	_ =	shalt  }
0x55: {  	_ =	shalt  }
0x56: {  	_ =	shalt  }
0x57: {  	_ =	shalt  }
0x58: {  	_ =	shalt  }
0x59: {  	_ =	shalt  }
0x5a: {  	_ =	shalt  }
0x5b: {  	_ =	shalt  }
0x5c: {  	_ =	shalt  }
0x5d: {  	_ =	shalt  }
0x5e: {  	_ =	shalt  }
0x5f: {  	_ =	shalt  }
0x60: {  	_ =	shalt  }
0x61: {  	_ =	shalt  }
0x62: {  	_ =	shalt  }
0x63: {  	_ =	shalt  }
0x64: {  	_ =	shalt  }
0x65: {  	_ =	shalt  }
0x66: {  	_ =	shalt  }
0x67: {  	_ =	shalt  }
0x68: {  	_ =	shalt  }
0x69: {  	_ =	shalt  }
0x6a: {  	_ =	shalt  }
0x6b: {  	_ =	shalt  }
0x6c: {  	_ =	shalt  }
0x6d: {  	_ =	shalt  }
0x6e: {  	_ =	shalt  }
0x6f: {  	_ =	shalt  }
0x70: {  	_ =	shalt  }
0x71: {  	_ =	shalt  }
0x72: {  	_ =	shalt  }
0x73: {  	_ =	shalt  }
0x74: {  	_ =	shalt  }
0x75: {  	_ =	shalt  }
0x76: {  	_ =	shalt  }
0x77: {  	_ =	shalt  }
0x78: {  	_ =	shalt  }
0x79: {  	_ =	shalt  }
0x7a: {  	_ =	shalt  }
0x7b: {  	_ =	shalt  }
0x7c: {  	_ =	shalt  }
0x7d: {  	_ =	shalt  }
0x7e: {  	_ =	shalt  }
0x7f: {  	_ =	shalt  }
0x80: {  	_ =	shalt  }
0x81: {  	_ =	shalt  }
0x82: {  	_ =	shalt  }
0x83: {  	_ =	shalt  }
0x84: {  	_ =	shalt  }
0x85: {  	_ =	shalt  }
0x86: {  	_ =	shalt  }
0x87: {  	_ =	shalt  }
.Lfunc_end0:
.L_simem_size_0:
called_computation.2_lowered:
.L_overlay_start_0:
0x88: {  	s2 =	sld [smem:$0x3FD9]  }
0x89: {  	s3 =	sld [smem:$0x3FFE];
	_ =	sdelay $0x1  }
0x8a: {  	s1 =	srdreg.scid  }
0x8b: {  	s0 =	sand.u32 $0x1, s1  }
0x8c: {  	s16 =	sshll.u32 s0, $0xA;
	s2 =	sadd.s32 s3, s2  }
0x8d: {  	s2 =	sadd.s32 s2, s16  }
0x8e: {  	[smem:$0x3FBF] =	sst s2  }
0x8f: {  	_ = 	snop  }
0x90: {  	(tm) =	ssettm $0x1  }
0x91: {  	s17 =	sld [smem:$0x3FFB];
	_ =	sdelay $0x3  }
0x92: {  	_ =	strace s17  }
0x93: {  	s2 =	sld [smem:$0x3FFC];
	_ =	sdelay $0x3  }
0x94: {  	_ =	strace s2  }
0x95: {  	s2 =	sld [smem:$0x3FFD];
	_ =	sdelay $0x3  }
0x96: {  	_ =	strace s2  }
0x97: {  	_ =	strace $0x8FFFFFFF  }
0x98: {  	s18 =	sld [smem:$0x3FDB];
	_ =	sdelay $0x1  }
0x99: {  	s19 =	simm.s32 $_scs_section_size  }
0x9a: {  	s4 =	simm.s32 $_size__tile_overlayer_lowered;
	s5 =	simm.s32 $_tile_overlayer_lowered  }
0x9b: {  	s22 =	simm.s32 $0x1BFF;
	s21 =	sshll.u32 s5, $0x1;
	s2 =	sadd.s32 s19, s18  }
0x9c: {  	s6 =	simm.s32 $0x0;
	s20 =	sshll.u32 s4, $0x1;
	s4 =	sadd.s32 s21, s2  }
0x9d: {  	[timem:s6], [sflag:s22] =	dma.local [hbm:s4], s20  }
0x9e: {  	_ =	swait.ge [sflag:s22], s20  }
0x9f: {  	s3 =	ssub.s32 $0x0, s20;
	[sflag:s22] =	ssyncset.done $0x0  }
0xa0: {  	[sflag:s22] =	ssyncadd.s32 s3;
	_ =	sdelay $0x1  }
0xa1: {  	s23 =	simm.s32 $0x1B8B  }
0xa2: {  	_ =	swait.ge [sflag:s23], $0x1  }
0xa3: {  	[sflag:s23] =	ssyncset.done $0x0  }
0xa4: {  	s25 =	simm.s32 $0x1B8E;
	s24 =	sld [smem:$0x3FFE];
	[sflag:s23] =	ssyncadd.s32 $0xFFFFFFFF  }
0xa5: {  	s26 =	simm.s32 $execute0_lowered;
	[smem:$0x3FD2] =	sst s25  }
0xa6: {  	s4 =	sshll.u32 s26, $0x1;
	_ =	strace $0x8000004C;
	[dreg:$0x1] =	wrdreg $0xFFFFFFFF  }
0xa7: {  	s28 =	simm.s32 $_size_execute0_lowered;
	s2 =	sadd.s32 s2, s4;
	[dreg:$0x0] =	wrdreg $0x0  }
0xa8: {  	s4 =	sshll.u32 s28, $0x1;
	[dreg:$0x2] =	wrdreg s2  }
0xa9: {  	[dreg:$0x3] =	wrdreg s4  }
0xaa: {  	[dreg:$0x4] =	wrdreg $0xC0  }
0xab: {  	_ =	task [dreg:s6], $0x5FFFF  }
0xac: {  	[dreg:$0x1] =	wrdreg $0xFFFFFFFF  }
0xad: {  	[dreg:$0x0] =	wrdreg $0x60  }
0xae: {  	[dreg:$0x2] =	wrdreg s24  }
0xaf: {  	[dreg:$0x3] =	wrdreg $0x92000  }
0xb0: {  	[dreg:$0x4] =	wrdreg $0x9  }
0xb1: {  	_ =	task.clear_ibuf [dreg:s6], $0x5FFFF;
	_ =	strace $0x9000004C  }
0xb2: {  	s29 =	simm.s32 $0x9;
	_ =	strace $0x8000004E  }
0xb3: {  	_ =	swait.ge [sflag:s29], $0x1  }
0xb4: {  	[sflag:s29] =	ssyncadd.s32 $0xFFFFFFFF  }
0xb5: {  	_ =	strace $0x9000004E  }
0xb6: {  	_ =	sfence  }
0xb7: {  	s30 =	sld [smem:$0x0];
	_ =	sdelay $0x2  }
0xb8: {  	s31 =	sshll.u32 s1, $0xD;
	s1 =	sshrl.u32 s1, $0x2  }
0xb9: {  	s3 =	sand.u32 $0x4000, s31;
	s1 =	sadd.s32 s1, s30  }
0xba: {  	s0 =	sor.u32 s3, s0;
	s1 =	sshll.u32 s1, $0x11  }
0xbb: {  	s0 =	sor.u32 s1, s0  }
0xbc: {  	s0 =	sadd.s32 $0x8F2B, s0  }
0xbd: {  	[sflag:s0] =	ssyncadd.remote.s32 $0x1  }
0xbe: {  	_ =	sfence.sel $0xFFFF  }
0xbf: {  	[dreg:$0x0] =	wrdreg $0xFFFFFFFF;
	(pc) =	sbr.abs _section_cstart, $3  }
0xc0: {  	[dreg:$0x1] =	wrdreg $0xFFFFFFFF  }
0xc1: {  	_ =	task.clear_ibuf [dreg:s6], $0x2FFFF;
	_ =	strace $0x9FFFFFFF  }
0xc2: {  	(tm) =	ssettm $0x7FFFFFFF  }
0xc3: {  	_ =	shalt  }
tec
execute0_lowered:
.L_overlay_start_1:
0x0: {  	(tag) =	ssettag $0x1  }
0x1: {  	s0 =	rddreg [dreg:$0x0]  }
0x2: {  	s1 =	rddreg [dreg:$0x1];
	s2 =	simm.s32 $0x0  }
0x3: {  	s3 =	srdreg.scid;
	s12 =	stileid.u32;
	s29 =	simm.s32 $0x5200  }
0x4: {  	s30 =	simm.s32 $0x3;
	s31 =	simm.s32 $0x80;
	[smem:$0x7FF] =	sst s2  }
0x5: {  	s4 =	sadd.s32 $0x2D200, s0;
	s5 =	sadd.s32 $0xC400, s0;
	s3 =	sand.u32 $0x1, s3  }
0x6: {  	s6 =	sadd.s32 $0x2600, s0;
	s8 =	sadd.s32 $0x2CA00, s0;
	s9 =	smul.u32 $0x2710, s12  }
0x7: {  	s0 =	sadd.s32 $0x7D200, s0;
	s11 =	smul.u32 $0x50000, s12;
	_ =	strace $0x8000004D  }
0x8: {  	s7 =	smul.u32 $0x27100, s3;
	[dreg:$0x3] =	wrdreg s8;
	s23 =	ssub.s32 $0x2, s3  }
0x9: {  	s3 =	smul.u32 $0x2800, s3;
	s10 =	sshrl.u32 s23, $0x1;
	s24 =	sshrl.u32 s11, $0x2  }
0xa: {  	s10 =	ssub.s32 s23, s10;
	s7 =	sadd.s32 s9, s7;
	s9 =	smul.u32 $0x280, s12  }
0xb: {  	s8 =	sadd.s32 s24, s1;
	s25 =	sshrl.u32 s7, $0x3;
	s10 =	smax.u32 s10, $0x1  }
0xc: {  	s12 =	sadd.s32 $0x4000, s8;
	s14 =	sadd.s32 $0x8000, s8;
	[dreg:$0x6] =	wrdreg s10  }
0xd: {  	s28 =	sadd.s32 $0x10000, s8;
	s26 =	sadd.s32 s5, s25;
	[dreg:$0x7] =	wrdreg s12  }
0xe: {  	s11 =	sadd.s32 s6, s25;
	s13 =	sadd.s32 s3, s9;
	[dreg:$0x8] =	wrdreg s14  }
0xf: {  	s15 =	sadd.s32 $0x80, s9;
	s18 =	sadd.s32 $0x100, s9;
	s21 =	sadd.s32 $0x180, s9  }
0x10: {  	s9 =	sadd.s32 $0x200, s9;
	s25 =	sadd.s32 $0x50, s7;
	[dreg:$0x4] =	wrdreg s26  }
0x11: {  	s12 =	simm.s32 $0x2;
	[dreg:$0x5] =	wrdreg s11;
	s10 =	sshll.u32 s13, $0x4  }
0x12: {  	s16 =	sshll.u32 s15, $0x7;
	s11 =	sadd.s32 s3, s15;
	s19 =	sshll.u32 s18, $0x7  }
0x13: {  	s22 =	sshll.u32 s21, $0x7;
	s24 =	sshll.u32 s9, $0x7;
	s26 =	sshrl.u32 s25, $0x3  }
0x14: {  	s13 =	simm.s32 $0x0;
	s10 =	sadd.s32 s0, s10;
	s17 =	sshll.u32 s11, $0x4  }
0x15: {  	s11 =	sadd.s32 s3, s18;
	s25 =	sadd.s32 s26, s5;
	[dreg:$0x9] =	wrdreg s10  }
0x16: {  	s10 =	sadd.s32 s16, s1;
	s20 =	sshll.u32 s11, $0x4;
	s11 =	sadd.s32 s3, s21  }
0x17: {  	s3 =	sadd.s32 s3, s9;
	s21 =	sadd.s32 s24, s1;
	s24 =	sadd.s32 s26, s6  }
0x18: {  	s26 =	sadd.s32 $0xC000, s8;
	s9 =	simm.s32 $0x2980;
	[dreg:$0xa] =	wrdreg s10  }
0x19: {  	s10 =	sadd.s32 s0, s17;
	s23 =	sshll.u32 s11, $0x4;
	s3 =	sshll.u32 s3, $0x4  }
0x1a: {  	s11 =	simm.s32 $0x1;
	[dreg:$0xb] =	wrdreg s10;
	s10 =	sadd.s32 s19, s1  }
0x1b: {  	[dreg:$0xc] =	wrdreg s10;
	s10 =	sadd.s32 s0, s20;
	s20 =	sadd.s32 s0, s23  }
0x1c: {  	s23 =	sadd.s32 $0xA0, s7;
	s7 =	simm.s32 $0x2900;
	[dreg:$0xd] =	wrdreg s10  }
0x1d: {  	s10 =	sadd.s32 s22, s1;
	s22 =	sadd.s32 s0, s3;
	s0 =	simm.s32 $0x50  }
0x1e: {  	s3 =	simm.s32 $0x100;
	[dreg:$0xe] =	wrdreg s10;
	s10 =	simm.s32 $0x2A00  }
.LBB2_1:
0x1f: {  	s14 =	rddreg [dreg:$0x3]  }
0x20: {  	[tilespmem:s29], [sflag:$0x3] =	stream.linear.gather [hbm4b:s14+s2], $0x4000, $0x38;
	[tilespmem:$0x1D200] =	vst v63  }
0x21: {  	_ =	swait.ge [sflag:s30], $0x4000  }
0x22: {  	[sflag:s30] =	ssyncset.done $0x0  }
0x23: {  	[sflag:s30] =	ssyncadd.s32 $0xFFFFC000  }
0x24: {  	[spmem:s8] =	stream.linear.scatter [tilespmem:s29], [sflag:$0x3], $0x4000, $0x38;
	[tilespmem:$0x1D200] =	vst v63  }
0x25: {  	_ =	swait.ge [sflag:s30], $0x4000  }
0x26: {  	[sflag:s30] =	ssyncset.done $0x0  }
0x27: {  	s18 =	rddreg [dreg:$0x7];
	[sflag:s30] =	ssyncadd.s32 $0xFFFFC000  }
0x28: {  	[spmem:s18] =	stream.linear.scatter [tilespmem:s29], [sflag:$0x3], $0x4000, $0x38;
	[tilespmem:$0x1D200] =	vst v63  }
0x29: {  	_ =	swait.ge [sflag:s30], $0x4000  }
0x2a: {  	[sflag:s30] =	ssyncset.done $0x0  }
0x2b: {  	s19 =	rddreg [dreg:$0x8];
	[sflag:s30] =	ssyncadd.s32 $0xFFFFC000  }
0x2c: {  	[spmem:s19] =	stream.linear.scatter [tilespmem:s29], [sflag:$0x3], $0x4000, $0x38;
	[tilespmem:$0x1D200] =	vst v63  }
0x2d: {  	_ =	swait.ge [sflag:s30], $0x4000  }
0x2e: {  	[sflag:s30] =	ssyncset.done $0x0  }
0x2f: {  	[sflag:s30] =	ssyncadd.s32 $0xFFFFC000  }
0x30: {  	[spmem:s26] =	stream.linear.scatter [tilespmem:s29], [sflag:$0x3], $0x4000, $0x38;
	[tilespmem:$0x1D200] =	vst v63  }
0x31: {  	_ =	swait.ge [sflag:s30], $0x4000  }
0x32: {  	[sflag:s30] =	ssyncset.done $0x0  }
0x33: {  	[sflag:s30] =	ssyncadd.s32 $0xFFFFC000  }
0x34: {  	[spmem:s28] =	stream.linear.scatter [tilespmem:s29], [sflag:$0x3], $0x4000, $0x38;
	[tilespmem:$0x1D200] =	vst v63  }
0x35: {  	_ =	swait.ge [sflag:s30], $0x4000  }
0x36: {  	[sflag:s30] =	ssyncset.done $0x0  }
0x37: {  	[sflag:s30] =	ssyncadd.s32 $0xFFFFC000  }
0x38: {  	[bflag:$0x0] =	sbarrier.arrive $0xFFFF  }
0x39: {  	s15 =	rddreg [dreg:$0x4]  }
0x3a: {  	[tilespmem:s2], [sflag:$0x3] =	stream.linear.gather [hbm4b:s15+s2], $0x50, $0x38;
	[tilespmem:$0x1D200] =	vst v63  }
0x3b: {  	_ =	swait.ge [sflag:s30], $0x50  }
0x3c: {  	[sflag:s30] =	ssyncset.done $0x0  }
0x3d: {  	s16 =	rddreg [dreg:$0x5];
	[sflag:s30] =	ssyncadd.s32 $0xFFFFFFB0  }
0x3e: {  	[tilespmem:s31], [sflag:$0x3] =	stream.linear.gather [hbm4b:s16+s2], $0x50, $0x38;
	[tilespmem:$0x1D200] =	vst v63  }
0x3f: {  	_ =	swait.ge [sflag:s30], $0x50  }
0x40: {  	[sflag:s30] =	ssyncset.done $0x0  }
0x41: {  	[sflag:s30] =	ssyncadd.s32 $0xFFFFFFB0  }
0x42: {  	[tilespmem:s3], [sflag:$0x1] =	stream.indirect.gather [hbm4b:s4+s0], $0x80, s2, s0, $0xb8;
	[tilespmem:$0x1D200] =	vst v63  }
0x43: {  	s17 =	sadd.s32 $0x0, s25  }
0x44: {  	[tilespmem:s7], [sflag:$0x3] =	stream.linear.gather [hbm4b:s17+s2], $0x50, $0x38;
	[tilespmem:$0x1D200] =	vst v63  }
0x45: {  	_ =	swait.ge [sflag:s30], $0x50  }
0x46: {  	[sflag:s30] =	ssyncset.done $0x0  }
0x47: {  	s18 =	sadd.s32 $0x0, s24;
	[sflag:s30] =	ssyncadd.s32 $0xFFFFFFB0  }
0x48: {  	[tilespmem:s9], [sflag:$0x3] =	stream.linear.gather [hbm4b:s18+s2], $0x50, $0x38;
	[tilespmem:$0x1D200] =	vst v63  }
0x49: {  	_ =	swait.ge [sflag:s30], $0x50  }
0x4a: {  	[sflag:s30] =	ssyncset.done $0x0  }
0x4b: {  	[sflag:s30] =	ssyncadd.s32 $0xFFFFFFB0  }
0x4c: {  	[tilespmem:s10], [sflag:$0x2] =	stream.indirect.gather [hbm4b:s4+s0], $0x80, s7, s0, $0xb8;
	[tilespmem:$0x1D200] =	vst v63  }
0x4d: {  	_ =	swait.ge [sflag:s11], $0x2800  }
0x4e: {  	[sflag:s11] =	ssyncset.done $0x0  }
0x4f: {  	[sflag:s11] =	ssyncadd.s32 $0xFFFFD800  }
0x50: {  	[spmem:s1] =	stream.indirect.scatter.add.f32 [tilespmem:s3], [sflag:$0x3], $0x80, s31, s0, $0xb8;
	[tilespmem:$0x1D200] =	vst v63  }
0x51: {  	_ =	swait.ge [sflag:s30], $0x2800  }
0x52: {  	s19 =	sshrl.u32 s23, $0x3;
	[sflag:s30] =	ssyncset.done $0x0  }
0x53: {  	s15 =	sadd.s32 s5, s19;
	[sflag:s30] =	ssyncadd.s32 $0xFFFFD800  }
0x54: {  	[tilespmem:s2], [sflag:$0x3] =	stream.linear.gather [hbm4b:s15+s2], $0x50, $0x38;
	[tilespmem:$0x1D200] =	vst v63  }
0x55: {  	_ =	swait.ge [sflag:s30], $0x50  }
0x56: {  	[sflag:s30] =	ssyncset.done $0x0  }
0x57: {  	s14 =	sadd.s32 s6, s19;
	[sflag:s30] =	ssyncadd.s32 $0xFFFFFFB0  }
0x58: {  	[tilespmem:s31], [sflag:$0x3] =	stream.linear.gather [hbm4b:s14+s2], $0x50, $0x38;
	[tilespmem:$0x1D200] =	vst v63  }
0x59: {  	_ =	swait.ge [sflag:s30], $0x50  }
0x5a: {  	[sflag:s30] =	ssyncset.done $0x0  }
0x5b: {  	[sflag:s30] =	ssyncadd.s32 $0xFFFFFFB0  }
0x5c: {  	[tilespmem:s3], [sflag:$0x1] =	stream.indirect.gather [hbm4b:s4+s0], $0x80, s2, s0, $0xb8;
	[tilespmem:$0x1D200] =	vst v63  }
0x5d: {  	_ =	swait.ge [sflag:s12], $0x2800  }
0x5e: {  	[sflag:s12] =	ssyncset.done $0x0  }
0x5f: {  	[sflag:s12] =	ssyncadd.s32 $0xFFFFD800  }
0x60: {  	[spmem:s1] =	stream.indirect.scatter.add.f32 [tilespmem:s10], [sflag:$0x3], $0x80, s9, s0, $0xb8;
	[tilespmem:$0x1D200] =	vst v63  }
0x61: {  	s16 =	simm.s32 $0x28;
	_ =	swait.ge [sflag:s30], $0x2800  }
0x62: {  	s15 =	simm.s32 $0x14;
	s14 =	sadd.s32 $0xA0, s23;
	[sflag:s30] =	ssyncset.done $0x0  }
.LBB2_2:
0x63: {  	s18 =	sadd.s32 s15, s25  }
0x64: {  	[sflag:s30] =	ssyncadd.s32 $0xFFFFD800;
	s19 =	smov.u32 s16;
	s17 =	sadd.s32 $0x14, s16  }
0x65: {  	[tilespmem:s7], [sflag:$0x3] =	stream.linear.gather [hbm4b:s18+s2], $0x50, $0x38;
	[tilespmem:$0x1D200] =	vst v63  }
0x66: {  	p0 =	sne.s32 s16, $0x4C4;
	_ =	swait.ge [sflag:s30], $0x50  }
0x67: {  	[sflag:s30] =	ssyncset.done $0x0  }
0x68: {  	s16 =	sadd.s32 s15, s24;
	s15 =	smov.u32 s19;
	[sflag:s30] =	ssyncadd.s32 $0xFFFFFFB0  }
0x69: {  	[tilespmem:s9], [sflag:$0x3] =	stream.linear.gather [hbm4b:s16+s2], $0x50, $0x38;
	[tilespmem:$0x1D200] =	vst v63  }
0x6a: {  	_ =	swait.ge [sflag:s30], $0x50  }
0x6b: {  	[sflag:s30] =	ssyncset.done $0x0  }
0x6c: {  	[sflag:s30] =	ssyncadd.s32 $0xFFFFFFB0  }
0x6d: {  	[tilespmem:s10], [sflag:$0x2] =	stream.indirect.gather [hbm4b:s4+s0], $0x80, s7, s0, $0xb8;
	[tilespmem:$0x1D200] =	vst v63  }
0x6e: {  	_ =	swait.ge [sflag:s11], $0x2800  }
0x6f: {  	[sflag:s11] =	ssyncset.done $0x0  }
0x70: {  	[sflag:s11] =	ssyncadd.s32 $0xFFFFD800  }
0x71: {  	[spmem:s1] =	stream.indirect.scatter.add.f32 [tilespmem:s3], [sflag:$0x3], $0x80, s31, s0, $0xb8;
	[tilespmem:$0x1D200] =	vst v63  }
0x72: {  	_ =	swait.ge [sflag:s30], $0x2800  }
0x73: {  	s16 =	sshrl.u32 s14, $0x3;
	[sflag:s30] =	ssyncset.done $0x0  }
0x74: {  	s18 =	sadd.s32 s5, s16;
	[sflag:s30] =	ssyncadd.s32 $0xFFFFD800  }
0x75: {  	[tilespmem:s2], [sflag:$0x3] =	stream.linear.gather [hbm4b:s18+s2], $0x50, $0x38;
	[tilespmem:$0x1D200] =	vst v63  }
0x76: {  	_ =	swait.ge [sflag:s30], $0x50  }
0x77: {  	[sflag:s30] =	ssyncset.done $0x0  }
0x78: {  	s16 =	sadd.s32 s6, s16;
	[sflag:s30] =	ssyncadd.s32 $0xFFFFFFB0  }
0x79: {  	[tilespmem:s31], [sflag:$0x3] =	stream.linear.gather [hbm4b:s16+s2], $0x50, $0x38;
	[tilespmem:$0x1D200] =	vst v63  }
0x7a: {  	_ =	swait.ge [sflag:s30], $0x50  }
0x7b: {  	[sflag:s30] =	ssyncset.done $0x0  }
0x7c: {  	[sflag:s30] =	ssyncadd.s32 $0xFFFFFFB0  }
0x7d: {  	[tilespmem:s3], [sflag:$0x1] =	stream.indirect.gather [hbm4b:s4+s0], $0x80, s2, s0, $0xb8;
	[tilespmem:$0x1D200] =	vst v63  }
0x7e: {  	_ =	swait.ge [sflag:s12], $0x2800  }
.Ltmp0:
0x7f: {  	[sflag:s12] =	ssyncset.done $0x0;
	(pc) =	sbr.rel @p0 .LBB2_2-.Ltmp0, $4  }
0x80: {  	[sflag:s12] =	ssyncadd.s32 $0xFFFFD800  }
0x81: {  	[spmem:s1] =	stream.indirect.scatter.add.f32 [tilespmem:s10], [sflag:$0x3], $0x80, s9, s0, $0xb8;
	[tilespmem:$0x1D200] =	vst v63  }
0x82: {  	_ =	swait.ge [sflag:s30], $0x2800  }
0x83: {  	s14 =	sadd.s32 $0xA0, s14;
	s16 =	smov.u32 s17;
	[sflag:s30] =	ssyncset.done $0x0  }
0x84: {  	s16 =	sadd.s32 s15, s25;
	[sflag:s30] =	ssyncadd.s32 $0xFFFFD800  }
0x85: {  	[tilespmem:s7], [sflag:$0x3] =	stream.linear.gather [hbm4b:s16+s2], $0x50, $0x38;
	[tilespmem:$0x1D200] =	vst v63  }
0x86: {  	_ =	swait.ge [sflag:s30], $0x50  }
0x87: {  	[sflag:s30] =	ssyncset.done $0x0  }
0x88: {  	s16 =	sadd.s32 s15, s24;
	[sflag:s30] =	ssyncadd.s32 $0xFFFFFFB0  }
0x89: {  	[tilespmem:s9], [sflag:$0x3] =	stream.linear.gather [hbm4b:s16+s2], $0x50, $0x38;
	[tilespmem:$0x1D200] =	vst v63  }
0x8a: {  	_ =	swait.ge [sflag:s30], $0x50  }
0x8b: {  	[sflag:s30] =	ssyncset.done $0x0  }
0x8c: {  	[sflag:s30] =	ssyncadd.s32 $0xFFFFFFB0  }
0x8d: {  	[tilespmem:s10], [sflag:$0x2] =	stream.indirect.gather [hbm4b:s4+s0], $0x80, s7, s0, $0xb8;
	[tilespmem:$0x1D200] =	vst v63  }
0x8e: {  	_ =	swait.ge [sflag:s11], $0x2800  }
0x8f: {  	[sflag:s11] =	ssyncset.done $0x0  }
0x90: {  	[sflag:s11] =	ssyncadd.s32 $0xFFFFD800  }
0x91: {  	[spmem:s1] =	stream.indirect.scatter.add.f32 [tilespmem:s3], [sflag:$0x3], $0x80, s31, s0, $0xb8;
	[tilespmem:$0x1D200] =	vst v63  }
0x92: {  	_ =	swait.ge [sflag:s30], $0x2800  }
0x93: {  	s14 =	sshrl.u32 s14, $0x3;
	[sflag:s30] =	ssyncset.done $0x0  }
0x94: {  	s17 =	sadd.s32 s5, s14;
	[sflag:s30] =	ssyncadd.s32 $0xFFFFD800  }
0x95: {  	[tilespmem:s2], [sflag:$0x3] =	stream.linear.gather [hbm4b:s17+s2], $0x50, $0x38;
	[tilespmem:$0x1D200] =	vst v63  }
0x96: {  	_ =	swait.ge [sflag:s30], $0x50  }
0x97: {  	[sflag:s30] =	ssyncset.done $0x0  }
0x98: {  	s14 =	sadd.s32 s6, s14;
	[sflag:s30] =	ssyncadd.s32 $0xFFFFFFB0  }
0x99: {  	[tilespmem:s31], [sflag:$0x3] =	stream.linear.gather [hbm4b:s14+s2], $0x50, $0x38;
	[tilespmem:$0x1D200] =	vst v63  }
0x9a: {  	_ =	swait.ge [sflag:s30], $0x50  }
0x9b: {  	[sflag:s30] =	ssyncset.done $0x0  }
0x9c: {  	[sflag:s30] =	ssyncadd.s32 $0xFFFFFFB0  }
0x9d: {  	[tilespmem:s3], [sflag:$0x1] =	stream.indirect.gather [hbm4b:s4+s0], $0x80, s2, s0, $0xb8;
	[tilespmem:$0x1D200] =	vst v63  }
0x9e: {  	_ =	swait.ge [sflag:s12], $0x2800  }
0x9f: {  	[sflag:s12] =	ssyncset.done $0x0  }
0xa0: {  	[sflag:s12] =	ssyncadd.s32 $0xFFFFD800  }
0xa1: {  	[spmem:s1] =	stream.indirect.scatter.add.f32 [tilespmem:s10], [sflag:$0x3], $0x80, s9, s0, $0xb8;
	[tilespmem:$0x1D200] =	vst v63  }
0xa2: {  	_ =	swait.ge [sflag:s30], $0x2800  }
0xa3: {  	[sflag:s30] =	ssyncset.done $0x0  }
0xa4: {  	[sflag:s30] =	ssyncadd.s32 $0xFFFFD800  }
0xa5: {  	_ =	swait.ge [sflag:s11], $0x2800  }
0xa6: {  	[sflag:s11] =	ssyncset.done $0x0  }
0xa7: {  	[sflag:s11] =	ssyncadd.s32 $0xFFFFD800  }
0xa8: {  	[spmem:s1] =	stream.indirect.scatter.add.f32 [tilespmem:s3], [sflag:$0x3], $0x80, s31, s0, $0xb8;
	[tilespmem:$0x1D200] =	vst v63  }
0xa9: {  	_ =	swait.ge [sflag:s30], $0x2800  }
0xaa: {  	[sflag:s30] =	ssyncset.done $0x0  }
0xab: {  	[sflag:s30] =	ssyncadd.s32 $0xFFFFD800  }
0xac: {  	[bflag:$0x0] =	sbarrier.arrive $0xFFFF  }
0xad: {  	[tilespmem:s29], [sflag:$0x3] =	stream.linear.gather [spmem:s8], $0x4000, $0x38;
	[tilespmem:$0x1D200] =	vst v63  }
0xae: {  	_ =	swait.ge [sflag:s30], $0x4000  }
0xaf: {  	[sflag:s30] =	ssyncset.done $0x0  }
0xb0: {  	s18 =	rddreg [dreg:$0x9];
	[sflag:s30] =	ssyncadd.s32 $0xFFFFC000  }
0xb1: {  	[hbm4b:s18+s2] =	stream.linear.scatter [tilespmem:s29], [sflag:$0x3], $0x4000, $0x38;
	[tilespmem:$0x1D200] =	vst v63  }
0xb2: {  	_ =	swait.ge [sflag:s30], $0x4000  }
0xb3: {  	[sflag:s30] =	ssyncset.done $0x0  }
0xb4: {  	s19 =	rddreg [dreg:$0xa];
	[sflag:s30] =	ssyncadd.s32 $0xFFFFC000  }
0xb5: {  	[tilespmem:s29], [sflag:$0x3] =	stream.linear.gather [spmem:s19], $0x4000, $0x38;
	[tilespmem:$0x1D200] =	vst v63  }
0xb6: {  	_ =	swait.ge [sflag:s30], $0x4000  }
0xb7: {  	[sflag:s30] =	ssyncset.done $0x0  }
0xb8: {  	s15 =	rddreg [dreg:$0xb];
	[sflag:s30] =	ssyncadd.s32 $0xFFFFC000  }
0xb9: {  	[hbm4b:s15+s2] =	stream.linear.scatter [tilespmem:s29], [sflag:$0x3], $0x4000, $0x38;
	[tilespmem:$0x1D200] =	vst v63  }
0xba: {  	_ =	swait.ge [sflag:s30], $0x4000  }
0xbb: {  	[sflag:s30] =	ssyncset.done $0x0  }
0xbc: {  	s16 =	rddreg [dreg:$0xc];
	[sflag:s30] =	ssyncadd.s32 $0xFFFFC000  }
0xbd: {  	[tilespmem:s29], [sflag:$0x3] =	stream.linear.gather [spmem:s16], $0x4000, $0x38;
	[tilespmem:$0x1D200] =	vst v63  }
0xbe: {  	_ =	swait.ge [sflag:s30], $0x4000  }
0xbf: {  	[sflag:s30] =	ssyncset.done $0x0  }
0xc0: {  	s17 =	rddreg [dreg:$0xd];
	[sflag:s30] =	ssyncadd.s32 $0xFFFFC000  }
0xc1: {  	[hbm4b:s17+s2] =	stream.linear.scatter [tilespmem:s29], [sflag:$0x3], $0x4000, $0x38;
	[tilespmem:$0x1D200] =	vst v63  }
0xc2: {  	_ =	swait.ge [sflag:s30], $0x4000  }
0xc3: {  	[sflag:s30] =	ssyncset.done $0x0  }
0xc4: {  	s18 =	rddreg [dreg:$0xe];
	[sflag:s30] =	ssyncadd.s32 $0xFFFFC000  }
0xc5: {  	[tilespmem:s29], [sflag:$0x3] =	stream.linear.gather [spmem:s18], $0x4000, $0x38;
	[tilespmem:$0x1D200] =	vst v63  }
0xc6: {  	_ =	swait.ge [sflag:s30], $0x4000  }
0xc7: {  	[sflag:s30] =	ssyncset.done $0x0  }
0xc8: {  	[sflag:s30] =	ssyncadd.s32 $0xFFFFC000  }
0xc9: {  	[hbm4b:s20+s2] =	stream.linear.scatter [tilespmem:s29], [sflag:$0x3], $0x4000, $0x38;
	[tilespmem:$0x1D200] =	vst v63  }
0xca: {  	_ =	swait.ge [sflag:s30], $0x4000  }
0xcb: {  	[sflag:s30] =	ssyncset.done $0x0  }
0xcc: {  	[sflag:s30] =	ssyncadd.s32 $0xFFFFC000  }
0xcd: {  	[tilespmem:s29], [sflag:$0x3] =	stream.linear.gather [spmem:s21], $0x4000, $0x38;
	[tilespmem:$0x1D200] =	vst v63  }
0xce: {  	_ =	swait.ge [sflag:s30], $0x4000  }
0xcf: {  	[sflag:s30] =	ssyncset.done $0x0  }
0xd0: {  	[sflag:s30] =	ssyncadd.s32 $0xFFFFC000  }
0xd1: {  	[hbm4b:s22+s2] =	stream.linear.scatter [tilespmem:s29], [sflag:$0x3], $0x4000, $0x38;
	[tilespmem:$0x1D200] =	vst v63  }
0xd2: {  	_ =	swait.ge [sflag:s30], $0x4000  }
0xd3: {  	s13 =	sadd.s32 $0x1, s13;
	s19 =	rddreg [dreg:$0x6]  }
0xd4: {  	p0 =	sne.s32 s13, s19  }
.Ltmp1:
0xd5: {  	_ = 	snop;
	(pc) =	sbr.rel @p0 .LBB2_1-.Ltmp1, $3  }
0xd6: {  	_ =	sdelay $0x1  }
0xd7: {  	[sflag:s30] =	ssyncset.done $0x0  }
0xd8: {  	[sflag:s30] =	ssyncadd.s32 $0xFFFFC000  }
0xd9: {  	_ =	sfence.sel $0x180000  }
0xda: {  	[bflag:$0x0] =	sbarrier.arrive $0xFFFF  }
0xdb: {  	_ =	strace $0x9000004D  }
0xdc: {  	s0 =	stileid.u32;
	[bflag:$0x2] =	sbarrier.arrive $0xFFFF  }
0xdd: {  	p0 =	sne.s32 s0, $0x0;
	s0 =	rddreg [dreg:$0x2]  }
0xde: {  	s0 =	sadd.s32 @!p0 $0x100000, s0  }
0xdf: {  	[sflag:s0] =	ssyncadd.tile.s32 @!p0 $0x1;
	_ =	shalt  }
.Lfunc_end2:
_tile_overlayer_lowered:
.L_overlay_start_2:
0xe0: {  	(tag) =	ssettag $0x2  }
0xe1: {  	s0 =	rddreg [dreg:$0x0];
	s2 =	stileid.u32  }
0xe2: {  	s1 =	rddreg [dreg:$0x1];
	p0 =	sne.s32 s2, $0x0  }
0xe3: {  	s3 =	rddreg [dreg:$0x2];
	[bflag:$0x3] =	sbarrier.arrive $0xFFFF;
	s2 =	simm.s32 @!p0 $0x1C03  }
0xe4: {  	[timem:s3], [sflag:s2] =	dma.local @!p0 [hbm:s0], s1  }
0xe5: {  	s0 =	simm.s32 @!p0 $0x3  }
0xe6: {  	_ =	swait.ge @!p0 [sflag:s0], s1  }
0xe7: {  	s1 =	ssub.s32 @!p0 $0x0, s1;
	[sflag:s0] =	ssyncset.done @!p0 $0x0  }
0xe8: {  	[sflag:s0] =	ssyncadd.s32 @!p0 s1  }
0xe9: {  	[bflag:$0x3] =	sbarrier.arrive $0xFFFF  }
0xea: {  	_ =	shalt  }

// kernel: kernel.18.cloned.1.call-start
scs
__scs_entry_jumppad:
0x0: {  	(pc) =	sbr.rel $0x88, $3  }
0x1: {  	(tag) =	ssettag $0x0;
	lr =	simm.s32 $0x1  }
0x2: {  	[smem:$0x3F98] =	sst lr;
	_ =	strace $0xD0000000  }
0x3: {  	_ = 	snop  }
0x4: {  	_ = 	snop  }
0x5: {  	_ = 	snop  }
0x6: {  	_ = 	snop  }
0x7: {  	_ = 	snop  }
__scs_overlays_trampoline_lowered:
0x8: {  	[smem:$0x3FA7] =	sst s0  }
0x9: {  	[smem:$0x3FA8] =	sst s1  }
0xa: {  	[smem:$0x3FA9] =	sst s2  }
0xb: {  	[smem:$0x3FAA] =	sst s3  }
0xc: {  	[smem:$0x3FAB] =	sst s4  }
0xd: {  	[smem:$0x3FAC] =	sst s5  }
0xe: {  	[smem:$0x3FAD] =	sst s6  }
0xf: {  	[smem:$0x3FAE] =	sst s7  }
0x10: {  	[smem:$0x3FAF] =	sst s8  }
0x11: {  	[smem:$0x3FB0] =	sst s9;
	s0 =	simm.s32 @!p0 $0x0  }
0x12: {  	s1 =	sld [smem:$0x3F96];
	s0 =	simm.s32 @p0 $0x1  }
0x13: {  	[smem:$0x3FB1] =	sst s0;
	s0 =	simm.s32 @!p1 $0x0  }
0x14: {  	s2 =	sld [smem:$0x3F95];
	s0 =	simm.s32 @p1 $0x1  }
0x15: {  	[smem:$0x3FB2] =	sst s0;
	s0 =	simm.s32 @!p2 $0x0  }
0x16: {  	s3 =	sld [smem:$0x3FDB];
	s0 =	simm.s32 @p2 $0x1  }
0x17: {  	s4 =	simm.s32 $0x1BF5;
	[smem:$0x3FB4] =	sst s0  }
0x18: {  	s0 =	sld [smem:$0x3F97];
	_ =	swait.ge [sflag:s4], $0x0  }
0x19: {  	s7 =	sld [smem:$0x3F98]  }
0x1a: {  	s8 =	sadd.s32 $0xFFFFE003, lr  }
0x1b: {  	s9 =	sadd.s32 $0xFFFFFEF7, lr;
	s5 =	simm.s32 $0xFFFFFFFF;
	p2 =	slt.u32 s8, $0xFFFFF086  }
0x1c: {  	p1 =	slt.u32 s9, $0xF7A;
	s5 =	simm.s32 @!p2 $0x0  }
0x1d: {  	s5 =	simm.s32 @p1 $0x1;
	p0 =	seq.s32 s7, s2  }
0x1e: {  	s7 =	smul.u32 @!p0 $0xF7A, s2;
	p2 =	seq.s32 @!p0 s5, $0x0  }
0x1f: {  	s9 =	smul.u32 $0xF7A, s1;
	s8 =	simm.s32 @!p0 $0x1BF5;
	p2 =	por !p2, p0  }
0x20: {  	[sflag:s8] =	ssyncset.s32 @!p0 $0xFFFFF086;
	s6 =	sadd.s32 @!p0 s3, s7;
	s7 =	simm.s32 @!p0 $0x108  }
0x21: {  	s3 =	sadd.s32 s3, s9;
	s6 =	sadd.s32 @!p0 $0x88, s6;
	s7 =	simm.s32 @p2 $0x1082  }
0x22: {  	[simem:s7], [sflag:s8] =	dma.local @!p0 [hbm:s6], $0xF7A  }
0x23: {  	s9 =	sor.u32 $0xD0000000, s2;
	s6 =	simm.s32 $0x108;
	_ =	swait.ge @!p0 [sflag:s8], $0x0  }
0x24: {  	s3 =	sadd.s32 $0x88, s3;
	s6 =	simm.s32 @!p1 $0x1082;
	[sflag:s4] =	ssyncset.s32 $0xFFFFF086  }
0x25: {  	[simem:s6], [sflag:s4] =	dma.local [hbm:s3], $0xF7A  }
0x26: {  	[smem:$0x3F98] =	sst s1;
	(tag) =	ssettag s2;
	_ =	strace s9  }
0x27: {  	s1 =	sld [smem:$0x3FA8]  }
0x28: {  	s2 =	sld [smem:$0x3FA9]  }
0x29: {  	s4 =	sld [smem:$0x3FAB]  }
0x2a: {  	p0 =	seq.s32 s5, $0x0;
	s5 =	sld [smem:$0x3FAC]  }
0x2b: {  	s6 =	sld [smem:$0x3FAD]  }
0x2c: {  	s7 =	sld [smem:$0x3FAE]  }
0x2d: {  	s3 =	simm.s32 $0x108;
	s8 =	sld [smem:$0x3FAF]  }
0x2e: {  	s3 =	simm.s32 @!p0 $0x1082;
	s9 =	sld [smem:$0x3FB0]  }
0x2f: {  	lr =	sadd.s32 s0, s3;
	s0 =	sld [smem:$0x3FA7]  }
0x30: {  	s3 =	sld [smem:$0x3FAA]  }
0x31: {  	[smem:$0x3FB3] =	sst s10  }
0x32: {  	s10 =	sld [smem:$0x3FB1];
	_ =	sdelay $0x3  }
0x33: {  	p0 =	seq.s32 s10, $0x1;
	s10 =	sld [smem:$0x3FB3];
	_ =	sdelay $0x3  }
0x34: {  	[smem:$0x3FB3] =	sst s10  }
0x35: {  	s10 =	sld [smem:$0x3FB2];
	_ =	sdelay $0x3  }
0x36: {  	p1 =	seq.s32 s10, $0x1;
	s10 =	sld [smem:$0x3FB3];
	_ =	sdelay $0x3  }
0x37: {  	[smem:$0x3FB3] =	sst s10  }
0x38: {  	s10 =	sld [smem:$0x3FB4]  }
0x39: {  	_ = 	snop;
	(pc) =	sbr.ind lr, $3  }
0x3a: {  	_ = 	snop  }
0x3b: {  	_ = 	snop  }
0x3c: {  	p2 =	seq.s32 s10, $0x1;
	s10 =	sld [smem:$0x3FB3]  }
0x3d: {  	_ =	shalt  }
0x3e: {  	_ =	shalt  }
0x3f: {  	_ =	shalt  }
0x40: {  	_ =	shalt  }
0x41: {  	_ =	shalt  }
0x42: {  	_ =	shalt  }
0x43: {  	_ =	shalt  }
0x44: {  	_ =	shalt  }
0x45: {  	_ =	shalt  }
0x46: {  	_ =	shalt  }
0x47: {  	_ =	shalt  }
0x48: {  	_ =	shalt  }
0x49: {  	_ =	shalt  }
0x4a: {  	_ =	shalt  }
0x4b: {  	_ =	shalt  }
0x4c: {  	_ =	shalt  }
0x4d: {  	_ =	shalt  }
0x4e: {  	_ =	shalt  }
0x4f: {  	_ =	shalt  }
0x50: {  	_ =	shalt  }
0x51: {  	_ =	shalt  }
0x52: {  	_ =	shalt  }
0x53: {  	_ =	shalt  }
0x54: {  	_ =	shalt  }
0x55: {  	_ =	shalt  }
0x56: {  	_ =	shalt  }
0x57: {  	_ =	shalt  }
0x58: {  	_ =	shalt  }
0x59: {  	_ =	shalt  }
0x5a: {  	_ =	shalt  }
0x5b: {  	_ =	shalt  }
0x5c: {  	_ =	shalt  }
0x5d: {  	_ =	shalt  }
0x5e: {  	_ =	shalt  }
0x5f: {  	_ =	shalt  }
0x60: {  	_ =	shalt  }
0x61: {  	_ =	shalt  }
0x62: {  	_ =	shalt  }
0x63: {  	_ =	shalt  }
0x64: {  	_ =	shalt  }
0x65: {  	_ =	shalt  }
0x66: {  	_ =	shalt  }
0x67: {  	_ =	shalt  }
0x68: {  	_ =	shalt  }
0x69: {  	_ =	shalt  }
0x6a: {  	_ =	shalt  }
0x6b: {  	_ =	shalt  }
0x6c: {  	_ =	shalt  }
0x6d: {  	_ =	shalt  }
0x6e: {  	_ =	shalt  }
0x6f: {  	_ =	shalt  }
0x70: {  	_ =	shalt  }
0x71: {  	_ =	shalt  }
0x72: {  	_ =	shalt  }
0x73: {  	_ =	shalt  }
0x74: {  	_ =	shalt  }
0x75: {  	_ =	shalt  }
0x76: {  	_ =	shalt  }
0x77: {  	_ =	shalt  }
0x78: {  	_ =	shalt  }
0x79: {  	_ =	shalt  }
0x7a: {  	_ =	shalt  }
0x7b: {  	_ =	shalt  }
0x7c: {  	_ =	shalt  }
0x7d: {  	_ =	shalt  }
0x7e: {  	_ =	shalt  }
0x7f: {  	_ =	shalt  }
0x80: {  	_ =	shalt  }
0x81: {  	_ =	shalt  }
0x82: {  	_ =	shalt  }
0x83: {  	_ =	shalt  }
0x84: {  	_ =	shalt  }
0x85: {  	_ =	shalt  }
0x86: {  	_ =	shalt  }
0x87: {  	_ =	shalt  }
.Lfunc_end0:
.L_simem_size_0:
called_computation.3_lowered:
.L_overlay_start_0:
0x88: {  	s2 =	sld [smem:$0x3FD9]  }
0x89: {  	s3 =	sld [smem:$0x3FFE];
	_ =	sdelay $0x1  }
0x8a: {  	s1 =	srdreg.scid  }
0x8b: {  	s0 =	sand.u32 $0x1, s1  }
0x8c: {  	s16 =	sshll.u32 s0, $0xA;
	s2 =	sadd.s32 s3, s2  }
0x8d: {  	s2 =	sadd.s32 s2, s16  }
0x8e: {  	[smem:$0x3FBF] =	sst s2  }
0x8f: {  	_ = 	snop  }
0x90: {  	(tm) =	ssettm $0x1  }
0x91: {  	s17 =	sld [smem:$0x3FFB];
	_ =	sdelay $0x3  }
0x92: {  	_ =	strace s17  }
0x93: {  	s2 =	sld [smem:$0x3FFC];
	_ =	sdelay $0x3  }
0x94: {  	_ =	strace s2  }
0x95: {  	s2 =	sld [smem:$0x3FFD];
	_ =	sdelay $0x3  }
0x96: {  	_ =	strace s2  }
0x97: {  	_ =	strace $0x8FFFFFFF  }
0x98: {  	s18 =	sld [smem:$0x3FDB];
	_ =	sdelay $0x1  }
0x99: {  	s19 =	simm.s32 $_scs_section_size  }
0x9a: {  	s4 =	simm.s32 $_size__tile_overlayer_lowered;
	s5 =	simm.s32 $_tile_overlayer_lowered  }
0x9b: {  	s22 =	simm.s32 $0x1BFF;
	s21 =	sshll.u32 s5, $0x1;
	s2 =	sadd.s32 s19, s18  }
0x9c: {  	s6 =	simm.s32 $0x0;
	s20 =	sshll.u32 s4, $0x1;
	s4 =	sadd.s32 s21, s2  }
0x9d: {  	[timem:s6], [sflag:s22] =	dma.local [hbm:s4], s20  }
0x9e: {  	_ =	swait.ge [sflag:s22], s20  }
0x9f: {  	s3 =	ssub.s32 $0x0, s20;
	[sflag:s22] =	ssyncset.done $0x0  }
0xa0: {  	[sflag:s22] =	ssyncadd.s32 s3;
	_ =	sdelay $0x1  }
0xa1: {  	s23 =	simm.s32 $0x1B8B  }
0xa2: {  	_ =	swait.ge [sflag:s23], $0x1  }
0xa3: {  	[sflag:s23] =	ssyncset.done $0x0  }
0xa4: {  	s25 =	simm.s32 $0x1B8E;
	s24 =	sld [smem:$0x3FFE];
	[sflag:s23] =	ssyncadd.s32 $0xFFFFFFFF  }
0xa5: {  	s26 =	simm.s32 $execute0_lowered;
	[smem:$0x3FD2] =	sst s25  }
0xa6: {  	s4 =	sshll.u32 s26, $0x1;
	_ =	strace $0x8000004F;
	[dreg:$0x1] =	wrdreg $0xFFFFFFFF  }
0xa7: {  	s28 =	simm.s32 $_size_execute0_lowered;
	s2 =	sadd.s32 s2, s4;
	[dreg:$0x0] =	wrdreg $0x0  }
0xa8: {  	s4 =	sshll.u32 s28, $0x1;
	[dreg:$0x2] =	wrdreg s2  }
0xa9: {  	[dreg:$0x3] =	wrdreg s4  }
0xaa: {  	[dreg:$0x4] =	wrdreg $0xC0  }
0xab: {  	_ =	task [dreg:s6], $0x5FFFF  }
0xac: {  	[dreg:$0x1] =	wrdreg $0xFFFFFFFF  }
0xad: {  	[dreg:$0x0] =	wrdreg $0x60  }
0xae: {  	[dreg:$0x2] =	wrdreg s24  }
0xaf: {  	[dreg:$0x3] =	wrdreg $0x92000  }
0xb0: {  	[dreg:$0x4] =	wrdreg $0x9  }
0xb1: {  	_ =	task.clear_ibuf [dreg:s6], $0x5FFFF;
	_ =	strace $0x9000004F  }
0xb2: {  	s29 =	simm.s32 $0x9;
	_ =	strace $0x80000051  }
0xb3: {  	_ =	swait.ge [sflag:s29], $0x1  }
0xb4: {  	[sflag:s29] =	ssyncadd.s32 $0xFFFFFFFF  }
0xb5: {  	_ =	strace $0x90000051  }
0xb6: {  	_ =	sfence  }
0xb7: {  	s30 =	sld [smem:$0x0];
	_ =	sdelay $0x2  }
0xb8: {  	s31 =	sshll.u32 s1, $0xD;
	s1 =	sshrl.u32 s1, $0x2  }
0xb9: {  	s3 =	sand.u32 $0x4000, s31;
	s1 =	sadd.s32 s1, s30  }
0xba: {  	s0 =	sor.u32 s3, s0;
	s1 =	sshll.u32 s1, $0x11  }
0xbb: {  	s0 =	sor.u32 s1, s0  }
0xbc: {  	s0 =	sadd.s32 $0x8F2B, s0  }
0xbd: {  	[sflag:s0] =	ssyncadd.remote.s32 $0x1  }
0xbe: {  	_ =	sfence.sel $0xFFFF  }
0xbf: {  	[dreg:$0x0] =	wrdreg $0xFFFFFFFF;
	(pc) =	sbr.abs _section_cstart, $3  }
0xc0: {  	[dreg:$0x1] =	wrdreg $0xFFFFFFFF  }
0xc1: {  	_ =	task.clear_ibuf [dreg:s6], $0x2FFFF;
	_ =	strace $0x9FFFFFFF  }
0xc2: {  	(tm) =	ssettm $0x7FFFFFFF  }
0xc3: {  	_ =	shalt  }
tec
execute0_lowered:
.L_overlay_start_1:
0x0: {  	(tag) =	ssettag $0x1  }
0x1: {  	s0 =	rddreg [dreg:$0x0]  }
0x2: {  	s1 =	rddreg [dreg:$0x1];
	s2 =	simm.s32 $0x0  }
0x3: {  	s3 =	srdreg.scid;
	s12 =	stileid.u32;
	s29 =	simm.s32 $0x5200  }
0x4: {  	s30 =	simm.s32 $0x3;
	s31 =	simm.s32 $0x80;
	[smem:$0x7FF] =	sst s2  }
0x5: {  	s4 =	sadd.s32 $0x2D200, s0;
	s5 =	sadd.s32 $0xC400, s0;
	s3 =	sand.u32 $0x1, s3  }
0x6: {  	s6 =	sadd.s32 $0x2600, s0;
	s8 =	sadd.s32 $0x2CA00, s0;
	s9 =	smul.u32 $0x2710, s12  }
0x7: {  	s0 =	sadd.s32 $0x54400, s0;
	s11 =	smul.u32 $0x50000, s12;
	_ =	strace $0x80000050  }
0x8: {  	s7 =	smul.u32 $0x27100, s3;
	[dreg:$0x3] =	wrdreg s8;
	s23 =	ssub.s32 $0x2, s3  }
0x9: {  	s3 =	smul.u32 $0x2800, s3;
	s10 =	sshrl.u32 s23, $0x1;
	s24 =	sshrl.u32 s11, $0x2  }
0xa: {  	s10 =	ssub.s32 s23, s10;
	s7 =	sadd.s32 s9, s7;
	s9 =	smul.u32 $0x280, s12  }
0xb: {  	s8 =	sadd.s32 s24, s1;
	s25 =	sshrl.u32 s7, $0x3;
	s10 =	smax.u32 s10, $0x1  }
0xc: {  	s12 =	sadd.s32 $0x4000, s8;
	s14 =	sadd.s32 $0x8000, s8;
	[dreg:$0x6] =	wrdreg s10  }
0xd: {  	s28 =	sadd.s32 $0x10000, s8;
	s26 =	sadd.s32 s5, s25;
	[dreg:$0x7] =	wrdreg s12  }
0xe: {  	s11 =	sadd.s32 s6, s25;
	s13 =	sadd.s32 s3, s9;
	[dreg:$0x8] =	wrdreg s14  }
0xf: {  	s15 =	sadd.s32 $0x80, s9;
	s18 =	sadd.s32 $0x100, s9;
	s21 =	sadd.s32 $0x180, s9  }
0x10: {  	s9 =	sadd.s32 $0x200, s9;
	s25 =	sadd.s32 $0x50, s7;
	[dreg:$0x4] =	wrdreg s26  }
0x11: {  	s12 =	simm.s32 $0x2;
	[dreg:$0x5] =	wrdreg s11;
	s10 =	sshll.u32 s13, $0x4  }
0x12: {  	s16 =	sshll.u32 s15, $0x7;
	s11 =	sadd.s32 s3, s15;
	s19 =	sshll.u32 s18, $0x7  }
0x13: {  	s22 =	sshll.u32 s21, $0x7;
	s24 =	sshll.u32 s9, $0x7;
	s26 =	sshrl.u32 s25, $0x3  }
0x14: {  	s13 =	simm.s32 $0x0;
	s10 =	sadd.s32 s0, s10;
	s17 =	sshll.u32 s11, $0x4  }
0x15: {  	s11 =	sadd.s32 s3, s18;
	s25 =	sadd.s32 s26, s5;
	[dreg:$0x9] =	wrdreg s10  }
0x16: {  	s10 =	sadd.s32 s16, s1;
	s20 =	sshll.u32 s11, $0x4;
	s11 =	sadd.s32 s3, s21  }
0x17: {  	s3 =	sadd.s32 s3, s9;
	s21 =	sadd.s32 s24, s1;
	s24 =	sadd.s32 s26, s6  }
0x18: {  	s26 =	sadd.s32 $0xC000, s8;
	s9 =	simm.s32 $0x2980;
	[dreg:$0xa] =	wrdreg s10  }
0x19: {  	s10 =	sadd.s32 s0, s17;
	s23 =	sshll.u32 s11, $0x4;
	s3 =	sshll.u32 s3, $0x4  }
0x1a: {  	s11 =	simm.s32 $0x1;
	[dreg:$0xb] =	wrdreg s10;
	s10 =	sadd.s32 s19, s1  }
0x1b: {  	[dreg:$0xc] =	wrdreg s10;
	s10 =	sadd.s32 s0, s20;
	s20 =	sadd.s32 s0, s23  }
0x1c: {  	s23 =	sadd.s32 $0xA0, s7;
	s7 =	simm.s32 $0x2900;
	[dreg:$0xd] =	wrdreg s10  }
0x1d: {  	s10 =	sadd.s32 s22, s1;
	s22 =	sadd.s32 s0, s3;
	s0 =	simm.s32 $0x50  }
0x1e: {  	s3 =	simm.s32 $0x100;
	[dreg:$0xe] =	wrdreg s10;
	s10 =	simm.s32 $0x2A00  }
.LBB2_1:
0x1f: {  	s14 =	rddreg [dreg:$0x3]  }
0x20: {  	[tilespmem:s29], [sflag:$0x3] =	stream.linear.gather [hbm4b:s14+s2], $0x4000, $0x38;
	[tilespmem:$0x1D200] =	vst v63  }
0x21: {  	_ =	swait.ge [sflag:s30], $0x4000  }
0x22: {  	[sflag:s30] =	ssyncset.done $0x0  }
0x23: {  	[sflag:s30] =	ssyncadd.s32 $0xFFFFC000  }
0x24: {  	[spmem:s8] =	stream.linear.scatter [tilespmem:s29], [sflag:$0x3], $0x4000, $0x38;
	[tilespmem:$0x1D200] =	vst v63  }
0x25: {  	_ =	swait.ge [sflag:s30], $0x4000  }
0x26: {  	[sflag:s30] =	ssyncset.done $0x0  }
0x27: {  	s18 =	rddreg [dreg:$0x7];
	[sflag:s30] =	ssyncadd.s32 $0xFFFFC000  }
0x28: {  	[spmem:s18] =	stream.linear.scatter [tilespmem:s29], [sflag:$0x3], $0x4000, $0x38;
	[tilespmem:$0x1D200] =	vst v63  }
0x29: {  	_ =	swait.ge [sflag:s30], $0x4000  }
0x2a: {  	[sflag:s30] =	ssyncset.done $0x0  }
0x2b: {  	s19 =	rddreg [dreg:$0x8];
	[sflag:s30] =	ssyncadd.s32 $0xFFFFC000  }
0x2c: {  	[spmem:s19] =	stream.linear.scatter [tilespmem:s29], [sflag:$0x3], $0x4000, $0x38;
	[tilespmem:$0x1D200] =	vst v63  }
0x2d: {  	_ =	swait.ge [sflag:s30], $0x4000  }
0x2e: {  	[sflag:s30] =	ssyncset.done $0x0  }
0x2f: {  	[sflag:s30] =	ssyncadd.s32 $0xFFFFC000  }
0x30: {  	[spmem:s26] =	stream.linear.scatter [tilespmem:s29], [sflag:$0x3], $0x4000, $0x38;
	[tilespmem:$0x1D200] =	vst v63  }
0x31: {  	_ =	swait.ge [sflag:s30], $0x4000  }
0x32: {  	[sflag:s30] =	ssyncset.done $0x0  }
0x33: {  	[sflag:s30] =	ssyncadd.s32 $0xFFFFC000  }
0x34: {  	[spmem:s28] =	stream.linear.scatter [tilespmem:s29], [sflag:$0x3], $0x4000, $0x38;
	[tilespmem:$0x1D200] =	vst v63  }
0x35: {  	_ =	swait.ge [sflag:s30], $0x4000  }
0x36: {  	[sflag:s30] =	ssyncset.done $0x0  }
0x37: {  	[sflag:s30] =	ssyncadd.s32 $0xFFFFC000  }
0x38: {  	[bflag:$0x0] =	sbarrier.arrive $0xFFFF  }
0x39: {  	s15 =	rddreg [dreg:$0x4]  }
0x3a: {  	[tilespmem:s2], [sflag:$0x3] =	stream.linear.gather [hbm4b:s15+s2], $0x50, $0x38;
	[tilespmem:$0x1D200] =	vst v63  }
0x3b: {  	_ =	swait.ge [sflag:s30], $0x50  }
0x3c: {  	[sflag:s30] =	ssyncset.done $0x0  }
0x3d: {  	s16 =	rddreg [dreg:$0x5];
	[sflag:s30] =	ssyncadd.s32 $0xFFFFFFB0  }
0x3e: {  	[tilespmem:s31], [sflag:$0x3] =	stream.linear.gather [hbm4b:s16+s2], $0x50, $0x38;
	[tilespmem:$0x1D200] =	vst v63  }
0x3f: {  	_ =	swait.ge [sflag:s30], $0x50  }
0x40: {  	[sflag:s30] =	ssyncset.done $0x0  }
0x41: {  	[sflag:s30] =	ssyncadd.s32 $0xFFFFFFB0  }
0x42: {  	[tilespmem:s3], [sflag:$0x1] =	stream.indirect.gather [hbm4b:s4+s0], $0x80, s2, s0, $0xb8;
	[tilespmem:$0x1D200] =	vst v63  }
0x43: {  	s17 =	sadd.s32 $0x0, s25  }
0x44: {  	[tilespmem:s7], [sflag:$0x3] =	stream.linear.gather [hbm4b:s17+s2], $0x50, $0x38;
	[tilespmem:$0x1D200] =	vst v63  }
0x45: {  	_ =	swait.ge [sflag:s30], $0x50  }
0x46: {  	[sflag:s30] =	ssyncset.done $0x0  }
0x47: {  	s18 =	sadd.s32 $0x0, s24;
	[sflag:s30] =	ssyncadd.s32 $0xFFFFFFB0  }
0x48: {  	[tilespmem:s9], [sflag:$0x3] =	stream.linear.gather [hbm4b:s18+s2], $0x50, $0x38;
	[tilespmem:$0x1D200] =	vst v63  }
0x49: {  	_ =	swait.ge [sflag:s30], $0x50  }
0x4a: {  	[sflag:s30] =	ssyncset.done $0x0  }
0x4b: {  	[sflag:s30] =	ssyncadd.s32 $0xFFFFFFB0  }
0x4c: {  	[tilespmem:s10], [sflag:$0x2] =	stream.indirect.gather [hbm4b:s4+s0], $0x80, s7, s0, $0xb8;
	[tilespmem:$0x1D200] =	vst v63  }
0x4d: {  	_ =	swait.ge [sflag:s11], $0x2800  }
0x4e: {  	[sflag:s11] =	ssyncset.done $0x0  }
0x4f: {  	[sflag:s11] =	ssyncadd.s32 $0xFFFFD800  }
0x50: {  	[spmem:s1] =	stream.indirect.scatter.add.f32 [tilespmem:s3], [sflag:$0x3], $0x80, s31, s0, $0xb8;
	[tilespmem:$0x1D200] =	vst v63  }
0x51: {  	_ =	swait.ge [sflag:s30], $0x2800  }
0x52: {  	s19 =	sshrl.u32 s23, $0x3;
	[sflag:s30] =	ssyncset.done $0x0  }
0x53: {  	s15 =	sadd.s32 s5, s19;
	[sflag:s30] =	ssyncadd.s32 $0xFFFFD800  }
0x54: {  	[tilespmem:s2], [sflag:$0x3] =	stream.linear.gather [hbm4b:s15+s2], $0x50, $0x38;
	[tilespmem:$0x1D200] =	vst v63  }
0x55: {  	_ =	swait.ge [sflag:s30], $0x50  }
0x56: {  	[sflag:s30] =	ssyncset.done $0x0  }
0x57: {  	s14 =	sadd.s32 s6, s19;
	[sflag:s30] =	ssyncadd.s32 $0xFFFFFFB0  }
0x58: {  	[tilespmem:s31], [sflag:$0x3] =	stream.linear.gather [hbm4b:s14+s2], $0x50, $0x38;
	[tilespmem:$0x1D200] =	vst v63  }
0x59: {  	_ =	swait.ge [sflag:s30], $0x50  }
0x5a: {  	[sflag:s30] =	ssyncset.done $0x0  }
0x5b: {  	[sflag:s30] =	ssyncadd.s32 $0xFFFFFFB0  }
0x5c: {  	[tilespmem:s3], [sflag:$0x1] =	stream.indirect.gather [hbm4b:s4+s0], $0x80, s2, s0, $0xb8;
	[tilespmem:$0x1D200] =	vst v63  }
0x5d: {  	_ =	swait.ge [sflag:s12], $0x2800  }
0x5e: {  	[sflag:s12] =	ssyncset.done $0x0  }
0x5f: {  	[sflag:s12] =	ssyncadd.s32 $0xFFFFD800  }
0x60: {  	[spmem:s1] =	stream.indirect.scatter.add.f32 [tilespmem:s10], [sflag:$0x3], $0x80, s9, s0, $0xb8;
	[tilespmem:$0x1D200] =	vst v63  }
0x61: {  	s16 =	simm.s32 $0x28;
	_ =	swait.ge [sflag:s30], $0x2800  }
0x62: {  	s15 =	simm.s32 $0x14;
	s14 =	sadd.s32 $0xA0, s23;
	[sflag:s30] =	ssyncset.done $0x0  }
.LBB2_2:
0x63: {  	s18 =	sadd.s32 s15, s25  }
0x64: {  	[sflag:s30] =	ssyncadd.s32 $0xFFFFD800;
	s19 =	smov.u32 s16;
	s17 =	sadd.s32 $0x14, s16  }
0x65: {  	[tilespmem:s7], [sflag:$0x3] =	stream.linear.gather [hbm4b:s18+s2], $0x50, $0x38;
	[tilespmem:$0x1D200] =	vst v63  }
0x66: {  	p0 =	sne.s32 s16, $0x4C4;
	_ =	swait.ge [sflag:s30], $0x50  }
0x67: {  	[sflag:s30] =	ssyncset.done $0x0  }
0x68: {  	s16 =	sadd.s32 s15, s24;
	s15 =	smov.u32 s19;
	[sflag:s30] =	ssyncadd.s32 $0xFFFFFFB0  }
0x69: {  	[tilespmem:s9], [sflag:$0x3] =	stream.linear.gather [hbm4b:s16+s2], $0x50, $0x38;
	[tilespmem:$0x1D200] =	vst v63  }
0x6a: {  	_ =	swait.ge [sflag:s30], $0x50  }
0x6b: {  	[sflag:s30] =	ssyncset.done $0x0  }
0x6c: {  	[sflag:s30] =	ssyncadd.s32 $0xFFFFFFB0  }
0x6d: {  	[tilespmem:s10], [sflag:$0x2] =	stream.indirect.gather [hbm4b:s4+s0], $0x80, s7, s0, $0xb8;
	[tilespmem:$0x1D200] =	vst v63  }
0x6e: {  	_ =	swait.ge [sflag:s11], $0x2800  }
0x6f: {  	[sflag:s11] =	ssyncset.done $0x0  }
0x70: {  	[sflag:s11] =	ssyncadd.s32 $0xFFFFD800  }
0x71: {  	[spmem:s1] =	stream.indirect.scatter.add.f32 [tilespmem:s3], [sflag:$0x3], $0x80, s31, s0, $0xb8;
	[tilespmem:$0x1D200] =	vst v63  }
0x72: {  	_ =	swait.ge [sflag:s30], $0x2800  }
0x73: {  	s16 =	sshrl.u32 s14, $0x3;
	[sflag:s30] =	ssyncset.done $0x0  }
0x74: {  	s18 =	sadd.s32 s5, s16;
	[sflag:s30] =	ssyncadd.s32 $0xFFFFD800  }
0x75: {  	[tilespmem:s2], [sflag:$0x3] =	stream.linear.gather [hbm4b:s18+s2], $0x50, $0x38;
	[tilespmem:$0x1D200] =	vst v63  }
0x76: {  	_ =	swait.ge [sflag:s30], $0x50  }
0x77: {  	[sflag:s30] =	ssyncset.done $0x0  }
0x78: {  	s16 =	sadd.s32 s6, s16;
	[sflag:s30] =	ssyncadd.s32 $0xFFFFFFB0  }
0x79: {  	[tilespmem:s31], [sflag:$0x3] =	stream.linear.gather [hbm4b:s16+s2], $0x50, $0x38;
	[tilespmem:$0x1D200] =	vst v63  }
0x7a: {  	_ =	swait.ge [sflag:s30], $0x50  }
0x7b: {  	[sflag:s30] =	ssyncset.done $0x0  }
0x7c: {  	[sflag:s30] =	ssyncadd.s32 $0xFFFFFFB0  }
0x7d: {  	[tilespmem:s3], [sflag:$0x1] =	stream.indirect.gather [hbm4b:s4+s0], $0x80, s2, s0, $0xb8;
	[tilespmem:$0x1D200] =	vst v63  }
0x7e: {  	_ =	swait.ge [sflag:s12], $0x2800  }
.Ltmp0:
0x7f: {  	[sflag:s12] =	ssyncset.done $0x0;
	(pc) =	sbr.rel @p0 .LBB2_2-.Ltmp0, $4  }
0x80: {  	[sflag:s12] =	ssyncadd.s32 $0xFFFFD800  }
0x81: {  	[spmem:s1] =	stream.indirect.scatter.add.f32 [tilespmem:s10], [sflag:$0x3], $0x80, s9, s0, $0xb8;
	[tilespmem:$0x1D200] =	vst v63  }
0x82: {  	_ =	swait.ge [sflag:s30], $0x2800  }
0x83: {  	s14 =	sadd.s32 $0xA0, s14;
	s16 =	smov.u32 s17;
	[sflag:s30] =	ssyncset.done $0x0  }
0x84: {  	s16 =	sadd.s32 s15, s25;
	[sflag:s30] =	ssyncadd.s32 $0xFFFFD800  }
0x85: {  	[tilespmem:s7], [sflag:$0x3] =	stream.linear.gather [hbm4b:s16+s2], $0x50, $0x38;
	[tilespmem:$0x1D200] =	vst v63  }
0x86: {  	_ =	swait.ge [sflag:s30], $0x50  }
0x87: {  	[sflag:s30] =	ssyncset.done $0x0  }
0x88: {  	s16 =	sadd.s32 s15, s24;
	[sflag:s30] =	ssyncadd.s32 $0xFFFFFFB0  }
0x89: {  	[tilespmem:s9], [sflag:$0x3] =	stream.linear.gather [hbm4b:s16+s2], $0x50, $0x38;
	[tilespmem:$0x1D200] =	vst v63  }
0x8a: {  	_ =	swait.ge [sflag:s30], $0x50  }
0x8b: {  	[sflag:s30] =	ssyncset.done $0x0  }
0x8c: {  	[sflag:s30] =	ssyncadd.s32 $0xFFFFFFB0  }
0x8d: {  	[tilespmem:s10], [sflag:$0x2] =	stream.indirect.gather [hbm4b:s4+s0], $0x80, s7, s0, $0xb8;
	[tilespmem:$0x1D200] =	vst v63  }
0x8e: {  	_ =	swait.ge [sflag:s11], $0x2800  }
0x8f: {  	[sflag:s11] =	ssyncset.done $0x0  }
0x90: {  	[sflag:s11] =	ssyncadd.s32 $0xFFFFD800  }
0x91: {  	[spmem:s1] =	stream.indirect.scatter.add.f32 [tilespmem:s3], [sflag:$0x3], $0x80, s31, s0, $0xb8;
	[tilespmem:$0x1D200] =	vst v63  }
0x92: {  	_ =	swait.ge [sflag:s30], $0x2800  }
0x93: {  	s14 =	sshrl.u32 s14, $0x3;
	[sflag:s30] =	ssyncset.done $0x0  }
0x94: {  	s17 =	sadd.s32 s5, s14;
	[sflag:s30] =	ssyncadd.s32 $0xFFFFD800  }
0x95: {  	[tilespmem:s2], [sflag:$0x3] =	stream.linear.gather [hbm4b:s17+s2], $0x50, $0x38;
	[tilespmem:$0x1D200] =	vst v63  }
0x96: {  	_ =	swait.ge [sflag:s30], $0x50  }
0x97: {  	[sflag:s30] =	ssyncset.done $0x0  }
0x98: {  	s14 =	sadd.s32 s6, s14;
	[sflag:s30] =	ssyncadd.s32 $0xFFFFFFB0  }
0x99: {  	[tilespmem:s31], [sflag:$0x3] =	stream.linear.gather [hbm4b:s14+s2], $0x50, $0x38;
	[tilespmem:$0x1D200] =	vst v63  }
0x9a: {  	_ =	swait.ge [sflag:s30], $0x50  }
0x9b: {  	[sflag:s30] =	ssyncset.done $0x0  }
0x9c: {  	[sflag:s30] =	ssyncadd.s32 $0xFFFFFFB0  }
0x9d: {  	[tilespmem:s3], [sflag:$0x1] =	stream.indirect.gather [hbm4b:s4+s0], $0x80, s2, s0, $0xb8;
	[tilespmem:$0x1D200] =	vst v63  }
0x9e: {  	_ =	swait.ge [sflag:s12], $0x2800  }
0x9f: {  	[sflag:s12] =	ssyncset.done $0x0  }
0xa0: {  	[sflag:s12] =	ssyncadd.s32 $0xFFFFD800  }
0xa1: {  	[spmem:s1] =	stream.indirect.scatter.add.f32 [tilespmem:s10], [sflag:$0x3], $0x80, s9, s0, $0xb8;
	[tilespmem:$0x1D200] =	vst v63  }
0xa2: {  	_ =	swait.ge [sflag:s30], $0x2800  }
0xa3: {  	[sflag:s30] =	ssyncset.done $0x0  }
0xa4: {  	[sflag:s30] =	ssyncadd.s32 $0xFFFFD800  }
0xa5: {  	_ =	swait.ge [sflag:s11], $0x2800  }
0xa6: {  	[sflag:s11] =	ssyncset.done $0x0  }
0xa7: {  	[sflag:s11] =	ssyncadd.s32 $0xFFFFD800  }
0xa8: {  	[spmem:s1] =	stream.indirect.scatter.add.f32 [tilespmem:s3], [sflag:$0x3], $0x80, s31, s0, $0xb8;
	[tilespmem:$0x1D200] =	vst v63  }
0xa9: {  	_ =	swait.ge [sflag:s30], $0x2800  }
0xaa: {  	[sflag:s30] =	ssyncset.done $0x0  }
0xab: {  	[sflag:s30] =	ssyncadd.s32 $0xFFFFD800  }
0xac: {  	[bflag:$0x0] =	sbarrier.arrive $0xFFFF  }
0xad: {  	[tilespmem:s29], [sflag:$0x3] =	stream.linear.gather [spmem:s8], $0x4000, $0x38;
	[tilespmem:$0x1D200] =	vst v63  }
0xae: {  	_ =	swait.ge [sflag:s30], $0x4000  }
0xaf: {  	[sflag:s30] =	ssyncset.done $0x0  }
0xb0: {  	s18 =	rddreg [dreg:$0x9];
	[sflag:s30] =	ssyncadd.s32 $0xFFFFC000  }
0xb1: {  	[hbm4b:s18+s2] =	stream.linear.scatter [tilespmem:s29], [sflag:$0x3], $0x4000, $0x38;
	[tilespmem:$0x1D200] =	vst v63  }
0xb2: {  	_ =	swait.ge [sflag:s30], $0x4000  }
0xb3: {  	[sflag:s30] =	ssyncset.done $0x0  }
0xb4: {  	s19 =	rddreg [dreg:$0xa];
	[sflag:s30] =	ssyncadd.s32 $0xFFFFC000  }
0xb5: {  	[tilespmem:s29], [sflag:$0x3] =	stream.linear.gather [spmem:s19], $0x4000, $0x38;
	[tilespmem:$0x1D200] =	vst v63  }
0xb6: {  	_ =	swait.ge [sflag:s30], $0x4000  }
0xb7: {  	[sflag:s30] =	ssyncset.done $0x0  }
0xb8: {  	s15 =	rddreg [dreg:$0xb];
	[sflag:s30] =	ssyncadd.s32 $0xFFFFC000  }
0xb9: {  	[hbm4b:s15+s2] =	stream.linear.scatter [tilespmem:s29], [sflag:$0x3], $0x4000, $0x38;
	[tilespmem:$0x1D200] =	vst v63  }
0xba: {  	_ =	swait.ge [sflag:s30], $0x4000  }
0xbb: {  	[sflag:s30] =	ssyncset.done $0x0  }
0xbc: {  	s16 =	rddreg [dreg:$0xc];
	[sflag:s30] =	ssyncadd.s32 $0xFFFFC000  }
0xbd: {  	[tilespmem:s29], [sflag:$0x3] =	stream.linear.gather [spmem:s16], $0x4000, $0x38;
	[tilespmem:$0x1D200] =	vst v63  }
0xbe: {  	_ =	swait.ge [sflag:s30], $0x4000  }
0xbf: {  	[sflag:s30] =	ssyncset.done $0x0  }
0xc0: {  	s17 =	rddreg [dreg:$0xd];
	[sflag:s30] =	ssyncadd.s32 $0xFFFFC000  }
0xc1: {  	[hbm4b:s17+s2] =	stream.linear.scatter [tilespmem:s29], [sflag:$0x3], $0x4000, $0x38;
	[tilespmem:$0x1D200] =	vst v63  }
0xc2: {  	_ =	swait.ge [sflag:s30], $0x4000  }
0xc3: {  	[sflag:s30] =	ssyncset.done $0x0  }
0xc4: {  	s18 =	rddreg [dreg:$0xe];
	[sflag:s30] =	ssyncadd.s32 $0xFFFFC000  }
0xc5: {  	[tilespmem:s29], [sflag:$0x3] =	stream.linear.gather [spmem:s18], $0x4000, $0x38;
	[tilespmem:$0x1D200] =	vst v63  }
0xc6: {  	_ =	swait.ge [sflag:s30], $0x4000  }
0xc7: {  	[sflag:s30] =	ssyncset.done $0x0  }
0xc8: {  	[sflag:s30] =	ssyncadd.s32 $0xFFFFC000  }
0xc9: {  	[hbm4b:s20+s2] =	stream.linear.scatter [tilespmem:s29], [sflag:$0x3], $0x4000, $0x38;
	[tilespmem:$0x1D200] =	vst v63  }
0xca: {  	_ =	swait.ge [sflag:s30], $0x4000  }
0xcb: {  	[sflag:s30] =	ssyncset.done $0x0  }
0xcc: {  	[sflag:s30] =	ssyncadd.s32 $0xFFFFC000  }
0xcd: {  	[tilespmem:s29], [sflag:$0x3] =	stream.linear.gather [spmem:s21], $0x4000, $0x38;
	[tilespmem:$0x1D200] =	vst v63  }
0xce: {  	_ =	swait.ge [sflag:s30], $0x4000  }
0xcf: {  	[sflag:s30] =	ssyncset.done $0x0  }
0xd0: {  	[sflag:s30] =	ssyncadd.s32 $0xFFFFC000  }
0xd1: {  	[hbm4b:s22+s2] =	stream.linear.scatter [tilespmem:s29], [sflag:$0x3], $0x4000, $0x38;
	[tilespmem:$0x1D200] =	vst v63  }
0xd2: {  	_ =	swait.ge [sflag:s30], $0x4000  }
0xd3: {  	s13 =	sadd.s32 $0x1, s13;
	s19 =	rddreg [dreg:$0x6]  }
0xd4: {  	p0 =	sne.s32 s13, s19  }
.Ltmp1:
0xd5: {  	_ = 	snop;
	(pc) =	sbr.rel @p0 .LBB2_1-.Ltmp1, $3  }
0xd6: {  	_ =	sdelay $0x1  }
0xd7: {  	[sflag:s30] =	ssyncset.done $0x0  }
0xd8: {  	[sflag:s30] =	ssyncadd.s32 $0xFFFFC000  }
0xd9: {  	_ =	sfence.sel $0x180000  }
0xda: {  	[bflag:$0x0] =	sbarrier.arrive $0xFFFF  }
0xdb: {  	_ =	strace $0x90000050  }
0xdc: {  	s0 =	stileid.u32;
	[bflag:$0x2] =	sbarrier.arrive $0xFFFF  }
0xdd: {  	p0 =	sne.s32 s0, $0x0;
	s0 =	rddreg [dreg:$0x2]  }
0xde: {  	s0 =	sadd.s32 @!p0 $0x100000, s0  }
0xdf: {  	[sflag:s0] =	ssyncadd.tile.s32 @!p0 $0x1;
	_ =	shalt  }
.Lfunc_end2:
_tile_overlayer_lowered:
.L_overlay_start_2:
0xe0: {  	(tag) =	ssettag $0x2  }
0xe1: {  	s0 =	rddreg [dreg:$0x0];
	s2 =	stileid.u32  }
0xe2: {  	s1 =	rddreg [dreg:$0x1];
	p0 =	sne.s32 s2, $0x0  }
0xe3: {  	s3 =	rddreg [dreg:$0x2];
	[bflag:$0x3] =	sbarrier.arrive $0xFFFF;
	s2 =	simm.s32 @!p0 $0x1C03  }
0xe4: {  	[timem:s3], [sflag:s2] =	dma.local @!p0 [hbm:s0], s1  }
0xe5: {  	s0 =	simm.s32 @!p0 $0x3  }
0xe6: {  	_ =	swait.ge @!p0 [sflag:s0], s1  }
0xe7: {  	s1 =	ssub.s32 @!p0 $0x0, s1;
	[sflag:s0] =	ssyncset.done @!p0 $0x0  }
0xe8: {  	[sflag:s0] =	ssyncadd.s32 @!p0 s1  }
0xe9: {  	[bflag:$0x3] =	sbarrier.arrive $0xFFFF  }
0xea: {  	_ =	shalt  }

// kernel: kernel.9.cloned.1.call-start
scs
__scs_entry_jumppad:
0x0: {  	(pc) =	sbr.rel $0x88, $3  }
0x1: {  	(tag) =	ssettag $0x0;
	lr =	simm.s32 $0x1  }
0x2: {  	[smem:$0x3F98] =	sst lr;
	_ =	strace $0xD0000000  }
0x3: {  	_ = 	snop  }
0x4: {  	_ = 	snop  }
0x5: {  	_ = 	snop  }
0x6: {  	_ = 	snop  }
0x7: {  	_ = 	snop  }
__scs_overlays_trampoline_lowered:
0x8: {  	[smem:$0x3FA7] =	sst s0  }
0x9: {  	[smem:$0x3FA8] =	sst s1  }
0xa: {  	[smem:$0x3FA9] =	sst s2  }
0xb: {  	[smem:$0x3FAA] =	sst s3  }
0xc: {  	[smem:$0x3FAB] =	sst s4  }
0xd: {  	[smem:$0x3FAC] =	sst s5  }
0xe: {  	[smem:$0x3FAD] =	sst s6  }
0xf: {  	[smem:$0x3FAE] =	sst s7  }
0x10: {  	[smem:$0x3FAF] =	sst s8  }
0x11: {  	[smem:$0x3FB0] =	sst s9;
	s0 =	simm.s32 @!p0 $0x0  }
0x12: {  	s1 =	sld [smem:$0x3F96];
	s0 =	simm.s32 @p0 $0x1  }
0x13: {  	[smem:$0x3FB1] =	sst s0;
	s0 =	simm.s32 @!p1 $0x0  }
0x14: {  	s2 =	sld [smem:$0x3F95];
	s0 =	simm.s32 @p1 $0x1  }
0x15: {  	[smem:$0x3FB2] =	sst s0;
	s0 =	simm.s32 @!p2 $0x0  }
0x16: {  	s3 =	sld [smem:$0x3FDB];
	s0 =	simm.s32 @p2 $0x1  }
0x17: {  	s4 =	simm.s32 $0x1BF5;
	[smem:$0x3FB4] =	sst s0  }
0x18: {  	s0 =	sld [smem:$0x3F97];
	_ =	swait.ge [sflag:s4], $0x0  }
0x19: {  	s7 =	sld [smem:$0x3F98]  }
0x1a: {  	s8 =	sadd.s32 $0xFFFFE003, lr  }
0x1b: {  	s9 =	sadd.s32 $0xFFFFFEF7, lr;
	s5 =	simm.s32 $0xFFFFFFFF;
	p2 =	slt.u32 s8, $0xFFFFF086  }
0x1c: {  	p1 =	slt.u32 s9, $0xF7A;
	s5 =	simm.s32 @!p2 $0x0  }
0x1d: {  	s5 =	simm.s32 @p1 $0x1;
	p0 =	seq.s32 s7, s2  }
0x1e: {  	s7 =	smul.u32 @!p0 $0xF7A, s2;
	p2 =	seq.s32 @!p0 s5, $0x0  }
0x1f: {  	s9 =	smul.u32 $0xF7A, s1;
	s8 =	simm.s32 @!p0 $0x1BF5;
	p2 =	por !p2, p0  }
0x20: {  	[sflag:s8] =	ssyncset.s32 @!p0 $0xFFFFF086;
	s6 =	sadd.s32 @!p0 s3, s7;
	s7 =	simm.s32 @!p0 $0x108  }
0x21: {  	s3 =	sadd.s32 s3, s9;
	s6 =	sadd.s32 @!p0 $0x88, s6;
	s7 =	simm.s32 @p2 $0x1082  }
0x22: {  	[simem:s7], [sflag:s8] =	dma.local @!p0 [hbm:s6], $0xF7A  }
0x23: {  	s9 =	sor.u32 $0xD0000000, s2;
	s6 =	simm.s32 $0x108;
	_ =	swait.ge @!p0 [sflag:s8], $0x0  }
0x24: {  	s3 =	sadd.s32 $0x88, s3;
	s6 =	simm.s32 @!p1 $0x1082;
	[sflag:s4] =	ssyncset.s32 $0xFFFFF086  }
0x25: {  	[simem:s6], [sflag:s4] =	dma.local [hbm:s3], $0xF7A  }
0x26: {  	[smem:$0x3F98] =	sst s1;
	(tag) =	ssettag s2;
	_ =	strace s9  }
0x27: {  	s1 =	sld [smem:$0x3FA8]  }
0x28: {  	s2 =	sld [smem:$0x3FA9]  }
0x29: {  	s4 =	sld [smem:$0x3FAB]  }
0x2a: {  	p0 =	seq.s32 s5, $0x0;
	s5 =	sld [smem:$0x3FAC]  }
0x2b: {  	s6 =	sld [smem:$0x3FAD]  }
0x2c: {  	s7 =	sld [smem:$0x3FAE]  }
0x2d: {  	s3 =	simm.s32 $0x108;
	s8 =	sld [smem:$0x3FAF]  }
0x2e: {  	s3 =	simm.s32 @!p0 $0x1082;
	s9 =	sld [smem:$0x3FB0]  }
0x2f: {  	lr =	sadd.s32 s0, s3;
	s0 =	sld [smem:$0x3FA7]  }
0x30: {  	s3 =	sld [smem:$0x3FAA]  }
0x31: {  	[smem:$0x3FB3] =	sst s10  }
0x32: {  	s10 =	sld [smem:$0x3FB1];
	_ =	sdelay $0x3  }
0x33: {  	p0 =	seq.s32 s10, $0x1;
	s10 =	sld [smem:$0x3FB3];
	_ =	sdelay $0x3  }
0x34: {  	[smem:$0x3FB3] =	sst s10  }
0x35: {  	s10 =	sld [smem:$0x3FB2];
	_ =	sdelay $0x3  }
0x36: {  	p1 =	seq.s32 s10, $0x1;
	s10 =	sld [smem:$0x3FB3];
	_ =	sdelay $0x3  }
0x37: {  	[smem:$0x3FB3] =	sst s10  }
0x38: {  	s10 =	sld [smem:$0x3FB4]  }
0x39: {  	_ = 	snop;
	(pc) =	sbr.ind lr, $3  }
0x3a: {  	_ = 	snop  }
0x3b: {  	_ = 	snop  }
0x3c: {  	p2 =	seq.s32 s10, $0x1;
	s10 =	sld [smem:$0x3FB3]  }
0x3d: {  	_ =	shalt  }
0x3e: {  	_ =	shalt  }
0x3f: {  	_ =	shalt  }
0x40: {  	_ =	shalt  }
0x41: {  	_ =	shalt  }
0x42: {  	_ =	shalt  }
0x43: {  	_ =	shalt  }
0x44: {  	_ =	shalt  }
0x45: {  	_ =	shalt  }
0x46: {  	_ =	shalt  }
0x47: {  	_ =	shalt  }
0x48: {  	_ =	shalt  }
0x49: {  	_ =	shalt  }
0x4a: {  	_ =	shalt  }
0x4b: {  	_ =	shalt  }
0x4c: {  	_ =	shalt  }
0x4d: {  	_ =	shalt  }
0x4e: {  	_ =	shalt  }
0x4f: {  	_ =	shalt  }
0x50: {  	_ =	shalt  }
0x51: {  	_ =	shalt  }
0x52: {  	_ =	shalt  }
0x53: {  	_ =	shalt  }
0x54: {  	_ =	shalt  }
0x55: {  	_ =	shalt  }
0x56: {  	_ =	shalt  }
0x57: {  	_ =	shalt  }
0x58: {  	_ =	shalt  }
0x59: {  	_ =	shalt  }
0x5a: {  	_ =	shalt  }
0x5b: {  	_ =	shalt  }
0x5c: {  	_ =	shalt  }
0x5d: {  	_ =	shalt  }
0x5e: {  	_ =	shalt  }
0x5f: {  	_ =	shalt  }
0x60: {  	_ =	shalt  }
0x61: {  	_ =	shalt  }
0x62: {  	_ =	shalt  }
0x63: {  	_ =	shalt  }
0x64: {  	_ =	shalt  }
0x65: {  	_ =	shalt  }
0x66: {  	_ =	shalt  }
0x67: {  	_ =	shalt  }
0x68: {  	_ =	shalt  }
0x69: {  	_ =	shalt  }
0x6a: {  	_ =	shalt  }
0x6b: {  	_ =	shalt  }
0x6c: {  	_ =	shalt  }
0x6d: {  	_ =	shalt  }
0x6e: {  	_ =	shalt  }
0x6f: {  	_ =	shalt  }
0x70: {  	_ =	shalt  }
0x71: {  	_ =	shalt  }
0x72: {  	_ =	shalt  }
0x73: {  	_ =	shalt  }
0x74: {  	_ =	shalt  }
0x75: {  	_ =	shalt  }
0x76: {  	_ =	shalt  }
0x77: {  	_ =	shalt  }
0x78: {  	_ =	shalt  }
0x79: {  	_ =	shalt  }
0x7a: {  	_ =	shalt  }
0x7b: {  	_ =	shalt  }
0x7c: {  	_ =	shalt  }
0x7d: {  	_ =	shalt  }
0x7e: {  	_ =	shalt  }
0x7f: {  	_ =	shalt  }
0x80: {  	_ =	shalt  }
0x81: {  	_ =	shalt  }
0x82: {  	_ =	shalt  }
0x83: {  	_ =	shalt  }
0x84: {  	_ =	shalt  }
0x85: {  	_ =	shalt  }
0x86: {  	_ =	shalt  }
0x87: {  	_ =	shalt  }
.Lfunc_end0:
.L_simem_size_0:
called_computation_lowered:
.L_overlay_start_0:
0x88: {  	s2 =	sld [smem:$0x3FD9]  }
0x89: {  	s3 =	sld [smem:$0x3FFE];
	_ =	sdelay $0x1  }
0x8a: {  	s1 =	srdreg.scid  }
0x8b: {  	s0 =	sand.u32 $0x1, s1  }
0x8c: {  	s17 =	sshll.u32 s0, $0xA;
	s2 =	sadd.s32 s3, s2  }
0x8d: {  	s2 =	sadd.s32 s2, s17  }
0x8e: {  	[smem:$0x3FBF] =	sst s2  }
0x8f: {  	_ = 	snop  }
0x90: {  	s18 =	sld [smem:$0x3FC7];
	(tm) =	ssettm $0x1  }
0x91: {  	s19 =	sld [smem:$0x3FFB];
	_ =	sdelay $0x3  }
0x92: {  	_ =	strace s19  }
0x93: {  	s2 =	sld [smem:$0x3FFC];
	_ =	sdelay $0x3  }
0x94: {  	_ =	strace s2  }
0x95: {  	s2 =	sld [smem:$0x3FFD];
	_ =	sdelay $0x3  }
0x96: {  	_ =	strace s2  }
0x97: {  	_ =	strace $0x8FFFFFFF  }
0x98: {  	s20 =	sld [smem:$0x3FDB];
	_ =	sdelay $0x1  }
0x99: {  	s4 =	simm.s32 $_scs_section_size  }
0x9a: {  	s5 =	simm.s32 $_size__tile_overlayer_lowered;
	s6 =	simm.s32 $_tile_overlayer_lowered  }
0x9b: {  	s7 =	simm.s32 $0x1BFF;
	s21 =	sshll.u32 s6, $0x1;
	s4 =	sadd.s32 s4, s20  }
0x9c: {  	s22 =	simm.s32 $0x0;
	s5 =	sshll.u32 s5, $0x1;
	s6 =	sadd.s32 s21, s4  }
0x9d: {  	[timem:s22], [sflag:s7] =	dma.local [hbm:s6], s5  }
0x9e: {  	_ =	swait.ge [sflag:s7], s5  }
0x9f: {  	s5 =	ssub.s32 $0x0, s5;
	[sflag:s7] =	ssyncset.done $0x0  }
0xa0: {  	[sflag:s7] =	ssyncadd.s32 s5;
	_ =	sdelay $0x1  }
0xa1: {  	s23 =	simm.s32 $0x1B8B  }
0xa2: {  	_ =	swait.ge [sflag:s23], $0x1  }
0xa3: {  	[sflag:s23] =	ssyncset.done $0x0  }
0xa4: {  	[sflag:s23] =	ssyncadd.s32 $0xFFFFFFFF  }
0xa5: {  	s5 =	sld [smem:$0x0]  }
0xa6: {  	s6 =	sand.u32 $0xFFFFFFFE, s1  }
0xa7: {  	p0 =	sne.s32 s1, s6  }
0xa8: {  	s6 =	sshll.u32 @p0 s6, $0xE  }
0xa9: {  	s6 =	sadd.s32 @p0 $0x11B8D, s6;
	s7 =	sshll.u32 @p0 s5, $0x11  }
0xaa: {  	s6 =	sor.u32 @p0 s7, s6  }
0xab: {  	[sflag:s6] =	ssyncadd.remote.s32 @p0 $0x1;
	_ =	sdelay $0x1  }
0xac: {  	s6 =	simm.s32 @p0 $0x1B8D  }
0xad: {  	_ =	swait.eq @p0 [sflag:s6], $0x1  }
0xae: {  	[sflag:s6] =	ssyncadd.s32 @p0 $0xFFFFFFFF  }
0xaf: {  	s7 =	sshll.u32 @!p0 s1, $0xE  }
0xb0: {  	s7 =	sor.u32 @!p0 $0x4000, s7;
	s6 =	simm.s32 @!p0 $0x1B8D  }
0xb1: {  	s5 =	sshll.u32 @!p0 s5, $0x11;
	s7 =	sadd.s32 @!p0 $0x11B8D, s7;
	_ =	swait.eq @!p0 [sflag:s6], $0x1  }
0xb2: {  	s5 =	sor.u32 @!p0 s5, s7;
	[sflag:s6] =	ssyncadd.s32 @!p0 $0xFFFFFFFF  }
0xb3: {  	s25 =	simm.s32 $0x1B8E;
	s24 =	sld [smem:$0x3FFE];
	[sflag:s5] =	ssyncadd.remote.s32 @!p0 $0x1  }
0xb4: {  	s26 =	simm.s32 $execute0_lowered;
	[smem:$0x3FD2] =	sst s25  }
0xb5: {  	s6 =	sshll.u32 s26, $0x1;
	_ =	strace $0x80000049;
	[dreg:$0x1] =	wrdreg $0xFFFFFFFF  }
0xb6: {  	s28 =	simm.s32 $_size_execute0_lowered;
	s4 =	sadd.s32 s4, s6;
	[dreg:$0x0] =	wrdreg $0x0  }
0xb7: {  	s6 =	sshll.u32 s28, $0x1;
	[dreg:$0x2] =	wrdreg s4  }
0xb8: {  	[dreg:$0x3] =	wrdreg s6  }
0xb9: {  	[dreg:$0x4] =	wrdreg $0xC0  }
0xba: {  	_ =	task [dreg:s22], $0x5FFFF  }
0xbb: {  	[dreg:$0x1] =	wrdreg $0xFFFFFFFF  }
0xbc: {  	[dreg:$0x0] =	wrdreg $0x60  }
0xbd: {  	[dreg:$0x2] =	wrdreg s24  }
0xbe: {  	[dreg:$0x3] =	wrdreg s18  }
0xbf: {  	[dreg:$0x4] =	wrdreg $0x52000  }
0xc0: {  	[dreg:$0x5] =	wrdreg $0x9  }
0xc1: {  	_ =	task.clear_ibuf [dreg:s22], $0x6FFFF;
	_ =	strace $0x90000049  }
0xc2: {  	s29 =	simm.s32 $0x9;
	_ =	strace $0x8000004B  }
0xc3: {  	_ =	swait.ge [sflag:s29], $0x1  }
0xc4: {  	[sflag:s29] =	ssyncadd.s32 $0xFFFFFFFF  }
0xc5: {  	_ =	strace $0x9000004B  }
0xc6: {  	_ =	sfence  }
0xc7: {  	s30 =	sld [smem:$0x0];
	_ =	sdelay $0x2  }
0xc8: {  	s31 =	sshll.u32 s1, $0xD;
	s1 =	sshrl.u32 s1, $0x2  }
0xc9: {  	s4 =	sand.u32 $0x4000, s31;
	s1 =	sadd.s32 s1, s30  }
0xca: {  	s0 =	sor.u32 s4, s0;
	s1 =	sshll.u32 s1, $0x11  }
0xcb: {  	s0 =	sor.u32 s1, s0  }
0xcc: {  	s0 =	sadd.s32 $0x8F2B, s0  }
0xcd: {  	[sflag:s0] =	ssyncadd.remote.s32 $0x1  }
0xce: {  	_ =	sfence.sel $0xFFFF  }
0xcf: {  	[dreg:$0x0] =	wrdreg $0xFFFFFFFF;
	(pc) =	sbr.abs _section_cstart, $3  }
0xd0: {  	[dreg:$0x1] =	wrdreg $0xFFFFFFFF  }
0xd1: {  	_ =	task.clear_ibuf [dreg:s22], $0x2FFFF;
	_ =	strace $0x9FFFFFFF  }
0xd2: {  	(tm) =	ssettm $0x7FFFFFFF  }
0xd3: {  	_ =	shalt  }
tec
execute0_lowered:
.L_overlay_start_1:
0x0: {  	(tag) =	ssettag $0x1  }
0x1: {  	s0 =	rddreg [dreg:$0x0]  }
0x2: {  	s1 =	rddreg [dreg:$0x1]  }
0x3: {  	s2 =	rddreg [dreg:$0x2];
	s3 =	srdreg.scid  }
0x4: {  	s4 =	simm.s32 $0x0;
	s11 =	stileid.u32;
	s28 =	simm.s32 $0x2900  }
0x5: {  	s29 =	simm.s32 $0x2980;
	s30 =	simm.s32 $0x2A00;
	s6 =	smul.u32 $0x140, s11  }
0x6: {  	s31 =	simm.s32 $0x1;
	s3 =	sand.u32 $0x1, s3;
	s19 =	smul.u32 $0x28000, s11  }
0x7: {  	[smem:$0x7FF] =	sst s4;
	s7 =	sadd.s32 $0x20200, s0;
	s24 =	smul.u32 $0x1900, s11  }
0x8: {  	s21 =	sadd.s32 $0x26600, s0;
	s9 =	sadd.s32 $0x2CA00, s0;
	s5 =	smul.u32 $0x1400, s3  }
0x9: {  	_ =	strace $0x8000004A;
	s8 =	ssub.s32 $0x2, s3;
	s3 =	smul.u32 $0x19000, s3  }
0xa: {  	[dreg:$0x4] =	wrdreg s9;
	s18 =	sshrl.u32 s8, $0x1;
	s10 =	sshrl.u32 s19, $0x2  }
0xb: {  	s5 =	sadd.s32 s6, s5;
	s10 =	sadd.s32 s10, s2;
	s3 =	sadd.s32 s24, s3  }
0xc: {  	s24 =	simm.s32 $0x3;
	s6 =	sshll.u32 s5, $0x4;
	s5 =	smul.u32 $0x14, s5  }
0xd: {  	s12 =	sadd.s32 $0x2800, s10;
	s13 =	sadd.s32 $0x5000, s10;
	s14 =	sadd.s32 $0x7800, s10  }
0xe: {  	s0 =	sadd.s32 s6, s0;
	s6 =	ssub.s32 s8, s18;
	s5 =	sshrl.u32 s5, $0x3  }
0xf: {  	s11 =	smax.u32 s6, $0x1;
	s15 =	sadd.s32 $0x2D200, s0;
	s20 =	sadd.s32 s7, s5  }
0x10: {  	s22 =	sadd.s32 s21, s5;
	s5 =	sadd.s32 $0x316, s5;
	[dreg:$0x5] =	wrdreg s20  }
0x11: {  	s16 =	sadd.s32 $0x2D700, s0;
	[dreg:$0x6] =	wrdreg s22;
	s23 =	sadd.s32 s7, s5  }
0x12: {  	s17 =	sadd.s32 $0x2DC00, s0;
	s5 =	sadd.s32 s21, s5;
	[dreg:$0x7] =	wrdreg s23  }
0x13: {  	s18 =	sadd.s32 $0x2E100, s0;
	s0 =	simm.s32 $0x2;
	[dreg:$0x8] =	wrdreg s5  }
0x14: {  	s5 =	sor.u32 $0xA0, s3;
	s3 =	sor.u32 $0x50, s3;
	s23 =	simm.s32 $0x100  }
0x15: {  	s25 =	sshrl.u32 s5, $0x3;
	s26 =	sshrl.u32 s3, $0x3;
	s3 =	simm.s32 $0x0  }
0x16: {  	s19 =	sadd.s32 s25, s21;
	s20 =	sadd.s32 s25, s7;
	s21 =	sadd.s32 s26, s21  }
0x17: {  	s22 =	sadd.s32 s26, s7;
	s25 =	simm.s32 $0x80;
	s26 =	simm.s32 $0x50  }
.LBB2_1:
0x18: {  	s5 =	rddreg [dreg:$0x4]  }
0x19: {  	[tilespmem:s23], [sflag:$0x3] =	stream.linear.gather [hbm4b:s5+s4], $0x2800, $0x38;
	[tilespmem:$0xF200] =	vst v63  }
0x1a: {  	_ =	swait.ge [sflag:s24], $0x2800  }
0x1b: {  	[sflag:s24] =	ssyncset.done $0x0  }
0x1c: {  	[sflag:s24] =	ssyncadd.s32 $0xFFFFD800  }
0x1d: {  	[spmem:s10] =	stream.linear.scatter [tilespmem:s23], [sflag:$0x3], $0x2800, $0x38;
	[tilespmem:$0xF200] =	vst v63  }
0x1e: {  	_ =	swait.ge [sflag:s24], $0x2800  }
0x1f: {  	[sflag:s24] =	ssyncset.done $0x0  }
0x20: {  	[sflag:s24] =	ssyncadd.s32 $0xFFFFD800  }
0x21: {  	[spmem:s12] =	stream.linear.scatter [tilespmem:s23], [sflag:$0x3], $0x2800, $0x38;
	[tilespmem:$0xF200] =	vst v63  }
0x22: {  	_ =	swait.ge [sflag:s24], $0x2800  }
0x23: {  	[sflag:s24] =	ssyncset.done $0x0  }
0x24: {  	[sflag:s24] =	ssyncadd.s32 $0xFFFFD800  }
0x25: {  	[spmem:s13] =	stream.linear.scatter [tilespmem:s23], [sflag:$0x3], $0x2800, $0x38;
	[tilespmem:$0xF200] =	vst v63  }
0x26: {  	_ =	swait.ge [sflag:s24], $0x2800  }
0x27: {  	[sflag:s24] =	ssyncset.done $0x0  }
0x28: {  	[sflag:s24] =	ssyncadd.s32 $0xFFFFD800  }
0x29: {  	[spmem:s14] =	stream.linear.scatter [tilespmem:s23], [sflag:$0x3], $0x2800, $0x38;
	[tilespmem:$0xF200] =	vst v63  }
0x2a: {  	_ =	swait.ge [sflag:s24], $0x2800  }
0x2b: {  	[sflag:s24] =	ssyncset.done $0x0  }
0x2c: {  	[sflag:s24] =	ssyncadd.s32 $0xFFFFD800  }
0x2d: {  	[bflag:$0x0] =	sbarrier.arrive $0xFFFF  }
0x2e: {  	s8 =	rddreg [dreg:$0x5]  }
0x2f: {  	[tilespmem:s4], [sflag:$0x3] =	stream.linear.gather [hbm4b:s8+s4], $0x50, $0x38;
	[tilespmem:$0xF200] =	vst v63  }
0x30: {  	_ =	swait.ge [sflag:s24], $0x50  }
0x31: {  	[sflag:s24] =	ssyncset.done $0x0  }
0x32: {  	s9 =	rddreg [dreg:$0x6];
	[sflag:s24] =	ssyncadd.s32 $0xFFFFFFB0  }
0x33: {  	[tilespmem:s25], [sflag:$0x3] =	stream.linear.gather [hbm4b:s9+s4], $0x50, $0x38;
	[tilespmem:$0xF200] =	vst v63  }
0x34: {  	_ =	swait.ge [sflag:s24], $0x50  }
0x35: {  	[sflag:s24] =	ssyncset.done $0x0  }
0x36: {  	[sflag:s24] =	ssyncadd.s32 $0xFFFFFFB0  }
0x37: {  	[tilespmem:s23], [sflag:$0x1] =	stream.indirect.gather [hbm4b:s1+s26], $0x80, s4, s26, $0xb8;
	[tilespmem:$0xF200] =	vst v63  }
0x38: {  	s6 =	sadd.s32 $0x0, s22  }
0x39: {  	[tilespmem:s28], [sflag:$0x3] =	stream.linear.gather [hbm4b:s6+s4], $0x50, $0x38;
	[tilespmem:$0xF200] =	vst v63  }
0x3a: {  	_ =	swait.ge [sflag:s24], $0x50  }
0x3b: {  	[sflag:s24] =	ssyncset.done $0x0  }
0x3c: {  	s7 =	sadd.s32 $0x0, s21;
	[sflag:s24] =	ssyncadd.s32 $0xFFFFFFB0  }
0x3d: {  	[tilespmem:s29], [sflag:$0x3] =	stream.linear.gather [hbm4b:s7+s4], $0x50, $0x38;
	[tilespmem:$0xF200] =	vst v63  }
0x3e: {  	_ =	swait.ge [sflag:s24], $0x50  }
0x3f: {  	[sflag:s24] =	ssyncset.done $0x0  }
0x40: {  	[sflag:s24] =	ssyncadd.s32 $0xFFFFFFB0  }
0x41: {  	[tilespmem:s30], [sflag:$0x2] =	stream.indirect.gather [hbm4b:s1+s26], $0x80, s28, s26, $0xb8;
	[tilespmem:$0xF200] =	vst v63  }
0x42: {  	_ =	swait.ge [sflag:s31], $0x2800  }
0x43: {  	[sflag:s31] =	ssyncset.done $0x0  }
0x44: {  	[sflag:s31] =	ssyncadd.s32 $0xFFFFD800  }
0x45: {  	[spmem:s2] =	stream.indirect.scatter.add.f32 [tilespmem:s23], [sflag:$0x3], $0x80, s25, s26, $0xb8;
	[tilespmem:$0xF200] =	vst v63  }
0x46: {  	_ =	swait.ge [sflag:s24], $0x2800  }
0x47: {  	[sflag:s24] =	ssyncset.done $0x0  }
0x48: {  	s8 =	sadd.s32 $0x0, s20;
	[sflag:s24] =	ssyncadd.s32 $0xFFFFD800  }
0x49: {  	[tilespmem:s4], [sflag:$0x3] =	stream.linear.gather [hbm4b:s8+s4], $0x50, $0x38;
	[tilespmem:$0xF200] =	vst v63  }
0x4a: {  	_ =	swait.ge [sflag:s24], $0x50  }
0x4b: {  	[sflag:s24] =	ssyncset.done $0x0  }
0x4c: {  	s9 =	sadd.s32 $0x0, s19;
	[sflag:s24] =	ssyncadd.s32 $0xFFFFFFB0  }
0x4d: {  	[tilespmem:s25], [sflag:$0x3] =	stream.linear.gather [hbm4b:s9+s4], $0x50, $0x38;
	[tilespmem:$0xF200] =	vst v63  }
0x4e: {  	_ =	swait.ge [sflag:s24], $0x50  }
0x4f: {  	[sflag:s24] =	ssyncset.done $0x0  }
0x50: {  	[sflag:s24] =	ssyncadd.s32 $0xFFFFFFB0  }
0x51: {  	[tilespmem:s23], [sflag:$0x1] =	stream.indirect.gather [hbm4b:s1+s26], $0x80, s4, s26, $0xb8;
	[tilespmem:$0xF200] =	vst v63  }
0x52: {  	_ =	swait.ge [sflag:s0], $0x2800  }
0x53: {  	[sflag:s0] =	ssyncset.done $0x0  }
0x54: {  	[sflag:s0] =	ssyncadd.s32 $0xFFFFD800  }
0x55: {  	[spmem:s2] =	stream.indirect.scatter.add.f32 [tilespmem:s30], [sflag:$0x3], $0x80, s29, s26, $0xb8;
	[tilespmem:$0xF200] =	vst v63  }
0x56: {  	_ =	swait.ge [sflag:s24], $0x2800  }
0x57: {  	s5 =	simm.s32 $0x14;
	s6 =	simm.s32 $0x28;
	[sflag:s24] =	ssyncset.done $0x0  }
.LBB2_2:
0x58: {  	s8 =	sadd.s32 s5, s22  }
0x59: {  	[sflag:s24] =	ssyncadd.s32 $0xFFFFD800;
	s9 =	smov.u32 s6;
	s7 =	sadd.s32 $0x14, s6  }
0x5a: {  	[tilespmem:s28], [sflag:$0x3] =	stream.linear.gather [hbm4b:s8+s4], $0x50, $0x38;
	[tilespmem:$0xF200] =	vst v63  }
0x5b: {  	p0 =	sne.s32 s6, $0x2F8;
	_ =	swait.ge [sflag:s24], $0x50  }
0x5c: {  	[sflag:s24] =	ssyncset.done $0x0  }
0x5d: {  	s6 =	sadd.s32 s5, s21;
	[sflag:s24] =	ssyncadd.s32 $0xFFFFFFB0  }
0x5e: {  	[tilespmem:s29], [sflag:$0x3] =	stream.linear.gather [hbm4b:s6+s4], $0x50, $0x38;
	[tilespmem:$0xF200] =	vst v63  }
0x5f: {  	_ =	swait.ge [sflag:s24], $0x50  }
0x60: {  	[sflag:s24] =	ssyncset.done $0x0  }
0x61: {  	[sflag:s24] =	ssyncadd.s32 $0xFFFFFFB0  }
0x62: {  	[tilespmem:s30], [sflag:$0x2] =	stream.indirect.gather [hbm4b:s1+s26], $0x80, s28, s26, $0xb8;
	[tilespmem:$0xF200] =	vst v63  }
0x63: {  	_ =	swait.ge [sflag:s31], $0x2800  }
0x64: {  	[sflag:s31] =	ssyncset.done $0x0  }
0x65: {  	[sflag:s31] =	ssyncadd.s32 $0xFFFFD800  }
0x66: {  	[spmem:s2] =	stream.indirect.scatter.add.f32 [tilespmem:s23], [sflag:$0x3], $0x80, s25, s26, $0xb8;
	[tilespmem:$0xF200] =	vst v63  }
0x67: {  	_ =	swait.ge [sflag:s24], $0x2800  }
0x68: {  	[sflag:s24] =	ssyncset.done $0x0  }
0x69: {  	s6 =	sadd.s32 s5, s20;
	[sflag:s24] =	ssyncadd.s32 $0xFFFFD800  }
0x6a: {  	[tilespmem:s4], [sflag:$0x3] =	stream.linear.gather [hbm4b:s6+s4], $0x50, $0x38;
	[tilespmem:$0xF200] =	vst v63  }
0x6b: {  	_ =	swait.ge [sflag:s24], $0x50  }
0x6c: {  	[sflag:s24] =	ssyncset.done $0x0  }
0x6d: {  	s6 =	sadd.s32 s5, s19;
	s5 =	smov.u32 s9;
	[sflag:s24] =	ssyncadd.s32 $0xFFFFFFB0  }
0x6e: {  	[tilespmem:s25], [sflag:$0x3] =	stream.linear.gather [hbm4b:s6+s4], $0x50, $0x38;
	[tilespmem:$0xF200] =	vst v63  }
0x6f: {  	_ =	swait.ge [sflag:s24], $0x50  }
0x70: {  	[sflag:s24] =	ssyncset.done $0x0  }
0x71: {  	[sflag:s24] =	ssyncadd.s32 $0xFFFFFFB0  }
0x72: {  	[tilespmem:s23], [sflag:$0x1] =	stream.indirect.gather [hbm4b:s1+s26], $0x80, s4, s26, $0xb8;
	[tilespmem:$0xF200] =	vst v63  }
0x73: {  	_ =	swait.ge [sflag:s0], $0x2800  }
.Ltmp0:
0x74: {  	[sflag:s0] =	ssyncset.done $0x0;
	(pc) =	sbr.rel @p0 .LBB2_2-.Ltmp0, $4  }
0x75: {  	[sflag:s0] =	ssyncadd.s32 $0xFFFFD800  }
0x76: {  	[spmem:s2] =	stream.indirect.scatter.add.f32 [tilespmem:s30], [sflag:$0x3], $0x80, s29, s26, $0xb8;
	[tilespmem:$0xF200] =	vst v63  }
0x77: {  	_ =	swait.ge [sflag:s24], $0x2800  }
0x78: {  	s6 =	smov.u32 s7;
	[sflag:s24] =	ssyncset.done $0x0  }
0x79: {  	s6 =	sadd.s32 s5, s22;
	[sflag:s24] =	ssyncadd.s32 $0xFFFFD800  }
0x7a: {  	[tilespmem:s28], [sflag:$0x3] =	stream.linear.gather [hbm4b:s6+s4], $0x50, $0x38;
	[tilespmem:$0xF200] =	vst v63  }
0x7b: {  	_ =	swait.ge [sflag:s24], $0x50  }
0x7c: {  	[sflag:s24] =	ssyncset.done $0x0  }
0x7d: {  	s8 =	sadd.s32 s5, s21;
	[sflag:s24] =	ssyncadd.s32 $0xFFFFFFB0  }
0x7e: {  	[tilespmem:s29], [sflag:$0x3] =	stream.linear.gather [hbm4b:s8+s4], $0x50, $0x38;
	[tilespmem:$0xF200] =	vst v63  }
0x7f: {  	_ =	swait.ge [sflag:s24], $0x50  }
0x80: {  	[sflag:s24] =	ssyncset.done $0x0  }
0x81: {  	[sflag:s24] =	ssyncadd.s32 $0xFFFFFFB0  }
0x82: {  	[tilespmem:s30], [sflag:$0x2] =	stream.indirect.gather [hbm4b:s1+s26], $0x80, s28, s26, $0xb8;
	[tilespmem:$0xF200] =	vst v63  }
0x83: {  	_ =	swait.ge [sflag:s31], $0x2800  }
0x84: {  	[sflag:s31] =	ssyncset.done $0x0  }
0x85: {  	[sflag:s31] =	ssyncadd.s32 $0xFFFFD800  }
0x86: {  	[spmem:s2] =	stream.indirect.scatter.add.f32 [tilespmem:s23], [sflag:$0x3], $0x80, s25, s26, $0xb8;
	[tilespmem:$0xF200] =	vst v63  }
0x87: {  	_ =	swait.ge [sflag:s24], $0x2800  }
0x88: {  	[sflag:s24] =	ssyncset.done $0x0  }
0x89: {  	s9 =	sadd.s32 s5, s20;
	[sflag:s24] =	ssyncadd.s32 $0xFFFFD800  }
0x8a: {  	[tilespmem:s4], [sflag:$0x3] =	stream.linear.gather [hbm4b:s9+s4], $0x50, $0x38;
	[tilespmem:$0xF200] =	vst v63  }
0x8b: {  	_ =	swait.ge [sflag:s24], $0x50  }
0x8c: {  	[sflag:s24] =	ssyncset.done $0x0  }
0x8d: {  	s7 =	sadd.s32 s5, s19;
	[sflag:s24] =	ssyncadd.s32 $0xFFFFFFB0  }
0x8e: {  	[tilespmem:s25], [sflag:$0x3] =	stream.linear.gather [hbm4b:s7+s4], $0x50, $0x38;
	[tilespmem:$0xF200] =	vst v63  }
0x8f: {  	_ =	swait.ge [sflag:s24], $0x50  }
0x90: {  	[sflag:s24] =	ssyncset.done $0x0  }
0x91: {  	[sflag:s24] =	ssyncadd.s32 $0xFFFFFFB0  }
0x92: {  	[tilespmem:s23], [sflag:$0x1] =	stream.indirect.gather [hbm4b:s1+s26], $0x80, s4, s26, $0xb8;
	[tilespmem:$0xF200] =	vst v63  }
0x93: {  	_ =	swait.ge [sflag:s0], $0x2800  }
0x94: {  	[sflag:s0] =	ssyncset.done $0x0  }
0x95: {  	[sflag:s0] =	ssyncadd.s32 $0xFFFFD800  }
0x96: {  	[spmem:s2] =	stream.indirect.scatter.add.f32 [tilespmem:s30], [sflag:$0x3], $0x80, s29, s26, $0xb8;
	[tilespmem:$0xF200] =	vst v63  }
0x97: {  	_ =	swait.ge [sflag:s24], $0x2800  }
0x98: {  	[sflag:s24] =	ssyncset.done $0x0  }
0x99: {  	s8 =	rddreg [dreg:$0x7];
	[sflag:s24] =	ssyncadd.s32 $0xFFFFD800  }
0x9a: {  	[tilespmem:s28], [sflag:$0x3] =	stream.linear.gather [hbm4b:s8+s4], $0x50, $0x38;
	[tilespmem:$0xF200] =	vst v63  }
0x9b: {  	_ =	swait.ge [sflag:s24], $0x50  }
0x9c: {  	[sflag:s24] =	ssyncset.done $0x0  }
0x9d: {  	s9 =	rddreg [dreg:$0x8];
	[sflag:s24] =	ssyncadd.s32 $0xFFFFFFB0  }
0x9e: {  	[tilespmem:s29], [sflag:$0x3] =	stream.linear.gather [hbm4b:s9+s4], $0x50, $0x38;
	[tilespmem:$0xF200] =	vst v63  }
0x9f: {  	_ =	swait.ge [sflag:s24], $0x50  }
0xa0: {  	[sflag:s24] =	ssyncset.done $0x0  }
0xa1: {  	[sflag:s24] =	ssyncadd.s32 $0xFFFFFFB0  }
0xa2: {  	[tilespmem:s30], [sflag:$0x2] =	stream.indirect.gather [hbm4b:s1+s26], $0x80, s28, s26, $0xb8;
	[tilespmem:$0xF200] =	vst v63  }
0xa3: {  	_ =	swait.ge [sflag:s31], $0x2800  }
0xa4: {  	[sflag:s31] =	ssyncset.done $0x0  }
0xa5: {  	[sflag:s31] =	ssyncadd.s32 $0xFFFFD800  }
0xa6: {  	[spmem:s2] =	stream.indirect.scatter.add.f32 [tilespmem:s23], [sflag:$0x3], $0x80, s25, s26, $0xb8;
	[tilespmem:$0xF200] =	vst v63  }
0xa7: {  	_ =	swait.ge [sflag:s24], $0x2800  }
0xa8: {  	[sflag:s24] =	ssyncset.done $0x0  }
0xa9: {  	[sflag:s24] =	ssyncadd.s32 $0xFFFFD800  }
0xaa: {  	_ =	swait.ge [sflag:s0], $0x2800  }
0xab: {  	[sflag:s0] =	ssyncset.done $0x0  }
0xac: {  	[sflag:s0] =	ssyncadd.s32 $0xFFFFD800  }
0xad: {  	[spmem:s2] =	stream.indirect.scatter.add.f32 [tilespmem:s30], [sflag:$0x3], $0x80, s29, s26, $0xb8;
	[tilespmem:$0xF200] =	vst v63  }
0xae: {  	_ =	swait.ge [sflag:s24], $0x2800  }
0xaf: {  	[sflag:s24] =	ssyncset.done $0x0  }
0xb0: {  	[sflag:s24] =	ssyncadd.s32 $0xFFFFD800  }
0xb1: {  	[bflag:$0x0] =	sbarrier.arrive $0xFFFF  }
0xb2: {  	[tilespmem:s23], [sflag:$0x3] =	stream.linear.gather [spmem:s10], $0x2800, $0x38;
	[tilespmem:$0xF200] =	vst v63  }
0xb3: {  	_ =	swait.ge [sflag:s24], $0x2800  }
0xb4: {  	[sflag:s24] =	ssyncset.done $0x0  }
0xb5: {  	[sflag:s24] =	ssyncadd.s32 $0xFFFFD800  }
0xb6: {  	[hbm4b:s15+s4] =	stream.linear.scatter [tilespmem:s23], [sflag:$0x3], $0x2800, $0x38;
	[tilespmem:$0xF200] =	vst v63  }
0xb7: {  	_ =	swait.ge [sflag:s24], $0x2800  }
0xb8: {  	[sflag:s24] =	ssyncset.done $0x0  }
0xb9: {  	[sflag:s24] =	ssyncadd.s32 $0xFFFFD800  }
0xba: {  	[tilespmem:s23], [sflag:$0x3] =	stream.linear.gather [spmem:s12], $0x2800, $0x38;
	[tilespmem:$0xF200] =	vst v63  }
0xbb: {  	_ =	swait.ge [sflag:s24], $0x2800  }
0xbc: {  	[sflag:s24] =	ssyncset.done $0x0  }
0xbd: {  	[sflag:s24] =	ssyncadd.s32 $0xFFFFD800  }
0xbe: {  	[hbm4b:s16+s4] =	stream.linear.scatter [tilespmem:s23], [sflag:$0x3], $0x2800, $0x38;
	[tilespmem:$0xF200] =	vst v63  }
0xbf: {  	_ =	swait.ge [sflag:s24], $0x2800  }
0xc0: {  	[sflag:s24] =	ssyncset.done $0x0  }
0xc1: {  	[sflag:s24] =	ssyncadd.s32 $0xFFFFD800  }
0xc2: {  	[tilespmem:s23], [sflag:$0x3] =	stream.linear.gather [spmem:s13], $0x2800, $0x38;
	[tilespmem:$0xF200] =	vst v63  }
0xc3: {  	_ =	swait.ge [sflag:s24], $0x2800  }
0xc4: {  	[sflag:s24] =	ssyncset.done $0x0  }
0xc5: {  	[sflag:s24] =	ssyncadd.s32 $0xFFFFD800  }
0xc6: {  	[hbm4b:s17+s4] =	stream.linear.scatter [tilespmem:s23], [sflag:$0x3], $0x2800, $0x38;
	[tilespmem:$0xF200] =	vst v63  }
0xc7: {  	_ =	swait.ge [sflag:s24], $0x2800  }
0xc8: {  	[sflag:s24] =	ssyncset.done $0x0  }
0xc9: {  	[sflag:s24] =	ssyncadd.s32 $0xFFFFD800  }
0xca: {  	[tilespmem:s23], [sflag:$0x3] =	stream.linear.gather [spmem:s14], $0x2800, $0x38;
	[tilespmem:$0xF200] =	vst v63  }
0xcb: {  	s3 =	sadd.s32 $0x1, s3;
	_ =	swait.ge [sflag:s24], $0x2800  }
0xcc: {  	p0 =	sne.s32 s3, s11;
	[sflag:s24] =	ssyncset.done $0x0  }
.Ltmp1:
0xcd: {  	[sflag:s24] =	ssyncadd.s32 $0xFFFFD800;
	(pc) =	sbr.rel @p0 .LBB2_1-.Ltmp1, $4  }
0xce: {  	[hbm4b:s18+s4] =	stream.linear.scatter [tilespmem:s23], [sflag:$0x3], $0x2800, $0x38;
	[tilespmem:$0xF200] =	vst v63  }
0xcf: {  	_ =	swait.ge [sflag:s24], $0x2800  }
0xd0: {  	[sflag:s24] =	ssyncset.done $0x0  }
0xd1: {  	[sflag:s24] =	ssyncadd.s32 $0xFFFFD800  }
0xd2: {  	_ =	sfence.sel $0x180000  }
0xd3: {  	[bflag:$0x0] =	sbarrier.arrive $0xFFFF  }
0xd4: {  	_ =	strace $0x9000004A  }
0xd5: {  	s0 =	stileid.u32;
	[bflag:$0x2] =	sbarrier.arrive $0xFFFF  }
0xd6: {  	p0 =	sne.s32 s0, $0x0;
	s0 =	rddreg [dreg:$0x3]  }
0xd7: {  	s0 =	sadd.s32 @!p0 $0x100000, s0  }
0xd8: {  	[sflag:s0] =	ssyncadd.tile.s32 @!p0 $0x1;
	_ =	shalt  }
.Lfunc_end2:
_tile_overlayer_lowered:
.L_overlay_start_2:
0xd9: {  	(tag) =	ssettag $0x2  }
0xda: {  	s0 =	rddreg [dreg:$0x0];
	s2 =	stileid.u32  }
0xdb: {  	s1 =	rddreg [dreg:$0x1];
	p0 =	sne.s32 s2, $0x0  }
0xdc: {  	s3 =	rddreg [dreg:$0x2];
	[bflag:$0x3] =	sbarrier.arrive $0xFFFF;
	s2 =	simm.s32 @!p0 $0x1C03  }
0xdd: {  	[timem:s3], [sflag:s2] =	dma.local @!p0 [hbm:s0], s1  }
0xde: {  	s0 =	simm.s32 @!p0 $0x3  }
0xdf: {  	_ =	swait.ge @!p0 [sflag:s0], s1  }
0xe0: {  	s1 =	ssub.s32 @!p0 $0x0, s1;
	[sflag:s0] =	ssyncset.done @!p0 $0x0  }
0xe1: {  	[sflag:s0] =	ssyncadd.s32 @!p0 s1  }
0xe2: {  	[bflag:$0x3] =	sbarrier.arrive $0xFFFF  }
0xe3: {  	_ =	shalt  }

</sc_bundles>
